<compile_context>
chip_gen: v7x
topology: tpu7x:2x2x1
jax: 0.10.2.dev20260603
libtpu: 0.0.44.dev20260713+nightly
codegen_flags: <defaults>
</compile_context>

<pallas_src>
import jax
import jax.numpy as jnp
from jax import lax
from jax.experimental import pallas as pl
from jax.experimental.pallas import tpu as pltpu
from jax.experimental.pallas import tpu_sc as plsc

_N = 50000
_E = 800000
_H = 64
_G = 128
_NP = 50176
_RS = _NP // 16
_RZ = _RS // 8
_EP = 802816
_CS = _EP // 16 // 128
_CD = _EP // 32 // 128
_W = 8
_NS = _H // _W
_BLK = 1024
_GRID = _NP // _BLK
_SC_PARAMS = pltpu.CompilerParams(use_tc_tiling_on_sc=False)
_MESH = dict(core_axis_name="c", subcore_axis_name="s",
             num_cores=2, num_subcores=16)


_HN = _NP // 2
_DT = _HN + 128
_DR = _DT // 16
_CDD = _EP // 16 // 128


def _deg_body(dst_hbm, ones_hbm, z_hbm, out_hbm, dst_v, ones_v, dsh):
    c = lax.axis_index("c")
    s = lax.axis_index("s")
    pltpu.sync_copy(z_hbm, dsh.at[pl.ds(s * _DR, _DR)])
    pltpu.sync_copy(ones_hbm, ones_v)
    pltpu.sync_copy(dst_hbm.at[c, s], dst_v)
    plsc.subcore_barrier()

    def body(j, carry):
        pltpu.sync_copy(ones_v, dsh.at[dst_v.at[j]], add=True)
        return carry

    lax.fori_loop(0, _CDD, body, 0)
    plsc.subcore_barrier()
    pltpu.sync_copy(dsh.at[pl.ds(s * _DR, _DR)],
                    out_hbm.at[pl.ds(c * _DT + s * _DR, _DR)])


def _make_deg():
    return pl.kernel(
        _deg_body,
        compiler_params=_SC_PARAMS,
        out_type=jax.ShapeDtypeStruct((2 * _DT,), jnp.float32),
        mesh=plsc.VectorSubcoreMesh(**_MESH),
        scratch_types=[
            pltpu.VMEM((_CDD, 128), jnp.int32),
            pltpu.VMEM((128,), jnp.float32),
            pltpu.VMEM_SHARED((_DT,), jnp.float32),
        ],
    )


def _spmm_body(kc, yv_hbm, src_hbm, dst_hbm, z_hbm, out_hbm,
               src_v, dst_v, rows_v, zb_v, sem, ssh):
    c = lax.axis_index("c")
    s = lax.axis_index("s")
    nc = _CS // kc
    pltpu.sync_copy(z_hbm, zb_v)
    pltpu.sync_copy(dst_hbm.at[s], dst_v)

    for p in range(_NS // 2):
        for k in range(8):
            pltpu.sync_copy(zb_v, ssh.at[pl.ds(s * _RS + k * _RZ, _RZ)])
        pltpu.sync_copy(src_hbm.at[c, p, s], src_v)
        plsc.subcore_barrier()

        def chunk(j, carry):
            pltpu.async_copy(yv_hbm.at[src_v.at[j]], rows_v, sem).wait()
            pltpu.sync_copy(rows_v, ssh.at[dst_v.at[j]], add=True)
            return carry

        lax.fori_loop(0, nc, chunk, 0)
        plsc.subcore_barrier()
        pltpu.sync_copy(
            ssh.at[pl.ds(s * _RS, _RS)],
            out_hbm.at[pl.ds(((_NS // 2) * c + p) * _NP + s * _RS, _RS)])


def _make_spmm(kc):
    def body(*refs):
        _spmm_body(kc, *refs)

    return pl.kernel(
        body,
        compiler_params=_SC_PARAMS,
        out_type=jax.ShapeDtypeStruct((_NS * _NP, _W), jnp.float32),
        mesh=plsc.VectorSubcoreMesh(**_MESH),
        scratch_types=[
            pltpu.VMEM((_CS // kc, kc * 128), jnp.int32),
            pltpu.VMEM((_CS // kc, kc * 128), jnp.int32),
            pltpu.VMEM((kc * 128, _W), jnp.float32),
            pltpu.VMEM((_RZ, _W), jnp.float32),
            pltpu.SemaphoreType.DMA,
            pltpu.VMEM_SHARED((_NP, _W), jnp.float32),
        ],
    )


def _k_in_body(x_ref, fw_ref, fb_ref, o_ref):
    o_ref[...] = jnp.maximum(x_ref[...] * fw_ref[...] + fb_ref[...], 0.0)


def _k_y_body(h_ref, da_ref, w_ref, o_ref):
    i = pl.program_id(0)
    dinv = lax.rsqrt(da_ref[...] + 1.0)
    y = dinv * jnp.dot(h_ref[...], w_ref[...],
                       preferred_element_type=jnp.float32)
    rows = i * _BLK + lax.broadcasted_iota(jnp.int32, (_BLK, 1), 0)
    o_ref[...] = jnp.where(rows < _N, y, 0.0)


def _k_mid_body(s0, s1, s2, s3, s4, s5, s6, s7, y_ref, da_ref,
                w_ref, b_ref, o_ref):
    i = pl.program_id(0)
    dinv = lax.rsqrt(da_ref[...] + 1.0)
    agg = jnp.concatenate(
        [s0[...], s1[...], s2[...], s3[...],
         s4[...], s5[...], s6[...], s7[...]], axis=1)
    h = jnp.maximum(dinv * (agg + y_ref[...]) + b_ref[...], 0.0)
    y2 = dinv * jnp.dot(h, w_ref[...], preferred_element_type=jnp.float32)
    rows = i * _BLK + lax.broadcasted_iota(jnp.int32, (_BLK, 1), 0)
    o_ref[...] = jnp.where(rows < _N, y2, 0.0)


def _k_out_body(s0, s1, s2, s3, s4, s5, s6, s7, y_ref, da_ref,
                b_ref, bat_ref, o_ref, acc, cnt):
    i = pl.program_id(0)
    dinv = lax.rsqrt(da_ref[...] + 1.0)
    agg = jnp.concatenate(
        [s0[...], s1[...], s2[...], s3[...],
         s4[...], s5[...], s6[...], s7[...]], axis=1)
    h = jnp.maximum(dinv * (agg + y_ref[...]) + b_ref[...], 0.0)
    onehot = (bat_ref[...] == lax.broadcasted_iota(jnp.int32, (1, _G), 1)
              ).astype(jnp.float32)

    @pl.when(i == 0)
    def _():
        acc[...] = jnp.zeros_like(acc)
        cnt[...] = jnp.zeros_like(cnt)

    dn = (((0,), (0,)), ((), ()))
    acc[...] += lax.dot_general(onehot, h, dn,
                                preferred_element_type=jnp.float32)
    cnt[...] += lax.dot_general(onehot, jnp.ones((_BLK, 1), jnp.float32), dn,
                                preferred_element_type=jnp.float32)

    @pl.when(i == _GRID - 1)
    def _():
        o_ref[...] = acc[...] / jnp.maximum(cnt[...], 1.0)


def _node_spec(w):
    return pl.BlockSpec((_BLK, w), lambda i: (i, 0))


def _q_spec(w, q):
    return pl.BlockSpec((_BLK, w), lambda i, q=q: (i + q * _GRID, 0))


def _full_spec(shape):
    return pl.BlockSpec(shape, lambda i: tuple(0 for _ in shape))


def _make_k_in():
    return pl.pallas_call(
        _k_in_body,
        grid=(_GRID,),
        in_specs=[_node_spec(1), _full_spec((1, _H)), _full_spec((1, _H))],
        out_specs=_node_spec(_H),
        out_shape=jax.ShapeDtypeStruct((_NP, _H), jnp.float32),
    )


def _make_k_y():
    return pl.pallas_call(
        _k_y_body,
        grid=(_GRID,),
        in_specs=[_node_spec(_H), _node_spec(1),
                  _full_spec((_H, _H))],
        out_specs=_node_spec(_H),
        out_shape=jax.ShapeDtypeStruct((_NP, _H), jnp.float32),
    )


def _make_k_mid():
    return pl.pallas_call(
        _k_mid_body,
        grid=(_GRID,),
        in_specs=[_q_spec(_W, q) for q in range(_NS)]
        + [_node_spec(_H), _node_spec(1),
           _full_spec((_H, _H)), _full_spec((1, _H))],
        out_specs=_node_spec(_H),
        out_shape=jax.ShapeDtypeStruct((_NP, _H), jnp.float32),
    )


def _make_k_out():
    return pl.pallas_call(
        _k_out_body,
        grid=(_GRID,),
        in_specs=[_q_spec(_W, q) for q in range(_NS)]
        + [_node_spec(_H), _node_spec(1),
           _full_spec((1, _H)), _node_spec(1)],
        out_specs=_full_spec((_G, _H)),
        out_shape=jax.ShapeDtypeStruct((_G, _H), jnp.float32),
        scratch_shapes=[pltpu.VMEM((_G, _H), jnp.float32),
                        pltpu.VMEM((_G, 1), jnp.float32)],
    )


def kernel(x, edge_index, batch, fc_W, fc_b, W1, b1, W2, b2):
    src = edge_index[0]
    dst = edge_index[1]
    pad_e = _EP - _E
    srcp = jnp.pad(src, (0, pad_e), constant_values=_N)
    dstp = jnp.pad(dst, (0, pad_e), constant_values=_N)
    src8 = jnp.stack([_NS * srcp + q for q in range(_NS)])
    src8a = src8.reshape(2, _NS // 2, 16, _CS // 2, 256)
    src8b = src8.reshape(2, _NS // 2, 16, _CS // 2, 256)
    dst16a = dstp.reshape(16, _CS // 2, 256)
    dst16b = dstp.reshape(16, _CS // 2, 256)
    dd0 = jnp.where(dstp < _HN, dstp, _HN)
    dd1 = jnp.where(dstp >= _HN, dstp - _HN, _HN)
    dd1 = jnp.where(dd1 > _HN, _HN, dd1)
    ddc = jnp.stack([dd0, dd1]).reshape(2, 16, _CDD, 128)
    ones1 = jnp.ones((128,), jnp.float32)
    z1 = jnp.zeros((_DR,), jnp.float32)
    zw = jnp.zeros((_RZ, _W), jnp.float32)
    xp = jnp.pad(x, ((0, _NP - _N), (0, 0)))
    batp = jnp.pad(batch, (0, _NP - _N), constant_values=_G).reshape(_NP, 1)
    fw = fc_W.reshape(1, _H)
    fb = fc_b.reshape(1, _H)
    b1r = b1.reshape(1, _H)
    b2r = b2.reshape(1, _H)

    spmm1 = _make_spmm(2)
    spmm2 = _make_spmm(2)
    degf = _make_deg()(ddc, ones1, z1)
    da = jnp.concatenate(
        [degf[:_HN], degf[_DT:_DT + _HN]]).reshape(_NP, 1)
    h0 = _make_k_in()(xp, fw, fb)
    y1 = _make_k_y()(h0, da, W1)
    s1 = spmm1(y1.reshape(_NS * _NP, _W), src8a, dst16a, zw)
    y2 = _make_k_mid()(*([s1] * _NS), y1, da, W2, b1r)
    s2 = spmm2(y2.reshape(_NS * _NP, _W), src8b, dst16b, zw)
    return _make_k_out()(*([s2] * _NS), y2, da, b2r, batp)

# --- scband reference (transcript-rebuilt; emitter-appended) ---
"""Pipeline reference for scband-window-gnn-16415365005924 (READ-ONLY COPY).

The authoritative reference and input builder live on the scoring server;
editing this copy changes nothing except your own understanding.
"""

import jax, jax.numpy as jnp
import numpy as np

N = 50000
E = 800000
IN_DIM = 1
HID = 64
NUM_GRAPHS = 128


def setup_inputs(seed: int = 0) -> dict:
    key = jax.random.key(seed)
    ks = jax.random.split(key, 10)
    x = jax.random.normal(ks[0], (N, IN_DIM), dtype=jnp.float32)
    edge_index = jax.random.randint(ks[1], (2, E), 0, N, dtype=jnp.int32)
    batch = jnp.sort(jax.random.randint(ks[2], (N,), 0, NUM_GRAPHS, dtype=jnp.int32))
    fc_W = jax.random.normal(ks[3], (IN_DIM, HID), dtype=jnp.float32) * (1.0 / np.sqrt(IN_DIM))
    fc_b = jax.random.normal(ks[4], (HID,), dtype=jnp.float32) * 0.01
    W1 = jax.random.normal(ks[5], (HID, HID), dtype=jnp.float32) * (1.0 / np.sqrt(HID))
    b1 = jax.random.normal(ks[6], (HID,), dtype=jnp.float32) * 0.01
    W2 = jax.random.normal(ks[7], (HID, HID), dtype=jnp.float32) * (1.0 / np.sqrt(HID))
    b2 = jax.random.normal(ks[8], (HID,), dtype=jnp.float32) * 0.01
    return {"x": x, "edge_index": edge_index, "batch": batch,
            "fc_W": fc_W, "fc_b": fc_b, "W1": W1, "b1": b1, "W2": W2, "b2": b2}


def _gcn_conv(x, edge_index, W, b):
    # Faithful PyG GCNConv: add self loops, symmetric normalization, scatter-add aggregation.
    n = x.shape[0]
    xw = x @ W
    loop = jnp.arange(n, dtype=edge_index.dtype)
    src = jnp.concatenate([edge_index[0], loop])
    dst = jnp.concatenate([edge_index[1], loop])
    deg = jnp.zeros((n,), dtype=x.dtype).at[dst].add(1.0)
    dinv = jnp.where(deg > 0, jax.lax.rsqrt(deg), 0.0)
    norm = dinv[src] * dinv[dst]
    msg = xw[src] * norm[:, None]
    out = jnp.zeros_like(xw).at[dst].add(msg)
    return out + b


def reference(x, edge_index, batch, fc_W, fc_b, W1, b1, W2, b2):
    h = jax.nn.relu(x @ fc_W + fc_b)
    h = jax.nn.relu(_gcn_conv(h, edge_index, W1, b1))
    h = jax.nn.relu(_gcn_conv(h, edge_index, W2, b2))
    sums = jax.ops.segment_sum(h, batch, num_segments=NUM_GRAPHS)
    counts = jax.ops.segment_sum(jnp.ones((h.shape[0],), dtype=h.dtype), batch, num_segments=NUM_GRAPHS)
    return sums / jnp.clip(counts, 1.0, None)[:, None]

if __name__ == "__main__":
    import jax
    _d = setup_inputs()
    print(jax.jit(kernel)(*tuple(_d.values())))

</pallas_src>

<mosaic_0001>
#map = affine_map<(d0, d1) -> (0, 0)>
#map1 = affine_map<(d0, d1) -> (0, 0, 0, 0, 0)>
#map2 = affine_map<(d0, d1) -> (0, 0, 0)>
module attributes {stable_mosaic.version = 14 : i64} {
  func.func @body(%arg0: i32, %arg1: i32, %arg2: memref<401408x8xf32, #tpu.memory_space<hbm>>, %arg3: memref<2x4x16x196x256xi32, #tpu.memory_space<hbm>>, %arg4: memref<16x196x256xi32, #tpu.memory_space<hbm>>, %arg5: memref<392x8xf32, #tpu.memory_space<hbm>>, %arg6: memref<401408x8xf32, #tpu.memory_space<hbm>>, %arg7: memref<196x256xi32, #tpu.memory_space<vmem>>, %arg8: memref<196x256xi32, #tpu.memory_space<vmem>>, %arg9: memref<256x8xf32, #tpu.memory_space<vmem>>, %arg10: memref<392x8xf32, #tpu.memory_space<vmem>>, %arg11: memref<!tpu.dma_semaphore, #tpu.memory_space<semaphore_mem>>, %arg12: memref<50176x8xf32, #tpu.memory_space<vmem_shared>>) attributes {dimension_semantics = [#tpu.dimension_semantics<core_parallel>, #tpu.dimension_semantics<subcore_parallel>], iteration_bounds = array<i64: 2, 16>, scalar_prefetch = 0 : i64, scratch_operands = 6 : i64, tpu.core_type = #tpu.core_type<sc_vector_subcore>, window_params = [{transform_indices = #map}, {transform_indices = #map1}, {transform_indices = #map2}, {transform_indices = #map}, {transform_indices = #map}]} {
    "tpu.region"() ({
      %run_scoped3A_203 = tpu.sem_alloc : memref<!tpu.dma_semaphore, #tpu.memory_space<semaphore_mem>>
      tpu.enqueue_dma source(%arg5 : memref<392x8xf32, #tpu.memory_space<hbm>>) target(%arg10 : memref<392x8xf32, #tpu.memory_space<vmem>>) target_semaphore(%run_scoped3A_203 : memref<!tpu.dma_semaphore, #tpu.memory_space<semaphore_mem>>)
      tpu.wait_dma2 semaphore(%run_scoped3A_203 : memref<!tpu.dma_semaphore, #tpu.memory_space<semaphore_mem>>) src(%arg5 : memref<392x8xf32, #tpu.memory_space<hbm>>) dst(%arg10 : memref<392x8xf32, #tpu.memory_space<vmem>>)
      tpu.yield
    }) : () -> ()
    "tpu.region"() ({
      %run_scoped3A_203 = tpu.sem_alloc : memref<!tpu.dma_semaphore, #tpu.memory_space<semaphore_mem>>
      %dma_start3A = arith.constant 0 : i32
      %dma_start3A_204 = arith.constant 0 : i32
      %dma_start3A_205 = tpu.memref_slice %arg4[%arg1, %dma_start3A, %dma_start3A_204] : memref<16x196x256xi32, #tpu.memory_space<hbm>> -> memref<1x196x256xi32, #tpu.memory_space<hbm>>
      %dma_start3A_206 = tpu.memref_squeeze %dma_start3A_205 : memref<1x196x256xi32, #tpu.memory_space<hbm>> -> memref<196x256xi32, #tpu.memory_space<hbm>>
      %dma_start3A_207 = arith.constant 0 : i32
      %dma_start3A_208 = arith.constant 0 : i32
      %dma_start3A_209 = tpu.memref_slice %arg4[%arg1, %dma_start3A_207, %dma_start3A_208] : memref<16x196x256xi32, #tpu.memory_space<hbm>> -> memref<1x196x256xi32, #tpu.memory_space<hbm>>
      %dma_start3A_210 = tpu.memref_squeeze %dma_start3A_209 : memref<1x196x256xi32, #tpu.memory_space<hbm>> -> memref<196x256xi32, #tpu.memory_space<hbm>>
      tpu.enqueue_dma source(%dma_start3A_210 : memref<196x256xi32, #tpu.memory_space<hbm>>) target(%arg8 : memref<196x256xi32, #tpu.memory_space<vmem>>) target_semaphore(%run_scoped3A_203 : memref<!tpu.dma_semaphore, #tpu.memory_space<semaphore_mem>>)
      %dma_wait3A = arith.constant 0 : i32
      %dma_wait3A_211 = arith.constant 0 : i32
      %dma_wait3A_212 = tpu.memref_slice %arg4[%arg1, %dma_wait3A, %dma_wait3A_211] : memref<16x196x256xi32, #tpu.memory_space<hbm>> -> memref<1x196x256xi32, #tpu.memory_space<hbm>>
      %dma_wait3A_213 = tpu.memref_squeeze %dma_wait3A_212 : memref<1x196x256xi32, #tpu.memory_space<hbm>> -> memref<196x256xi32, #tpu.memory_space<hbm>>
      %dma_wait3A_214 = arith.constant 0 : i32
      %dma_wait3A_215 = arith.constant 0 : i32
      %dma_wait3A_216 = tpu.memref_slice %arg4[%arg1, %dma_wait3A_214, %dma_wait3A_215] : memref<16x196x256xi32, #tpu.memory_space<hbm>> -> memref<1x196x256xi32, #tpu.memory_space<hbm>>
      %dma_wait3A_217 = tpu.memref_squeeze %dma_wait3A_216 : memref<1x196x256xi32, #tpu.memory_space<hbm>> -> memref<196x256xi32, #tpu.memory_space<hbm>>
      tpu.wait_dma2 semaphore(%run_scoped3A_203 : memref<!tpu.dma_semaphore, #tpu.memory_space<semaphore_mem>>) src(%dma_wait3A_217 : memref<196x256xi32, #tpu.memory_space<hbm>>) dst(%arg8 : memref<196x256xi32, #tpu.memory_space<vmem>>)
      tpu.yield
    }) : () -> ()
    %mul3A = arith.constant 3136 : i32
    %mul3A_0 = arith.muli %arg1, %mul3A : i32
    %add3A = arith.constant 0 : i32
    %add3A_1 = arith.addi %mul3A_0, %add3A : i32
    "tpu.region"() ({
      %run_scoped3A_203 = tpu.sem_alloc : memref<!tpu.dma_semaphore, #tpu.memory_space<semaphore_mem>>
      %dma_start3A = arith.constant 0 : i32
      %dma_start3A_204 = tpu.memref_slice %arg12[%add3A_1, %dma_start3A] : memref<50176x8xf32, #tpu.memory_space<vmem_shared>> -> memref<392x8xf32, #tpu.memory_space<vmem_shared>>
      %dma_start3A_205 = arith.constant 0 : i32
      %dma_start3A_206 = tpu.memref_slice %arg12[%add3A_1, %dma_start3A_205] : memref<50176x8xf32, #tpu.memory_space<vmem_shared>> -> memref<392x8xf32, #tpu.memory_space<vmem_shared>>
      tpu.enqueue_dma source(%arg10 : memref<392x8xf32, #tpu.memory_space<vmem>>) target(%dma_start3A_206 : memref<392x8xf32, #tpu.memory_space<vmem_shared>>) target_semaphore(%run_scoped3A_203 : memref<!tpu.dma_semaphore, #tpu.memory_space<semaphore_mem>>)
      %dma_wait3A = arith.constant 0 : i32
      %dma_wait3A_207 = tpu.memref_slice %arg12[%add3A_1, %dma_wait3A] : memref<50176x8xf32, #tpu.memory_space<vmem_shared>> -> memref<392x8xf32, #tpu.memory_space<vmem_shared>>
      %dma_wait3A_208 = arith.constant 0 : i32
      %dma_wait3A_209 = tpu.memref_slice %arg12[%add3A_1, %dma_wait3A_208] : memref<50176x8xf32, #tpu.memory_space<vmem_shared>> -> memref<392x8xf32, #tpu.memory_space<vmem_shared>>
      tpu.wait_dma2 semaphore(%run_scoped3A_203 : memref<!tpu.dma_semaphore, #tpu.memory_space<semaphore_mem>>) src(%arg10 : memref<392x8xf32, #tpu.memory_space<vmem>>) dst(%dma_wait3A_209 : memref<392x8xf32, #tpu.memory_space<vmem_shared>>)
      tpu.yield
    }) : () -> ()
    %mul3A_2 = arith.constant 3136 : i32
    %mul3A_3 = arith.muli %arg1, %mul3A_2 : i32
    %add3A_4 = arith.constant 392 : i32
    %add3A_5 = arith.addi %mul3A_3, %add3A_4 : i32
    "tpu.region"() ({
      %run_scoped3A_203 = tpu.sem_alloc : memref<!tpu.dma_semaphore, #tpu.memory_space<semaphore_mem>>
      %dma_start3A = arith.constant 0 : i32
      %dma_start3A_204 = tpu.memref_slice %arg12[%add3A_5, %dma_start3A] : memref<50176x8xf32, #tpu.memory_space<vmem_shared>> -> memref<392x8xf32, #tpu.memory_space<vmem_shared>>
      %dma_start3A_205 = arith.constant 0 : i32
      %dma_start3A_206 = tpu.memref_slice %arg12[%add3A_5, %dma_start3A_205] : memref<50176x8xf32, #tpu.memory_space<vmem_shared>> -> memref<392x8xf32, #tpu.memory_space<vmem_shared>>
      tpu.enqueue_dma source(%arg10 : memref<392x8xf32, #tpu.memory_space<vmem>>) target(%dma_start3A_206 : memref<392x8xf32, #tpu.memory_space<vmem_shared>>) target_semaphore(%run_scoped3A_203 : memref<!tpu.dma_semaphore, #tpu.memory_space<semaphore_mem>>)
      %dma_wait3A = arith.constant 0 : i32
      %dma_wait3A_207 = tpu.memref_slice %arg12[%add3A_5, %dma_wait3A] : memref<50176x8xf32, #tpu.memory_space<vmem_shared>> -> memref<392x8xf32, #tpu.memory_space<vmem_shared>>
      %dma_wait3A_208 = arith.constant 0 : i32
      %dma_wait3A_209 = tpu.memref_slice %arg12[%add3A_5, %dma_wait3A_208] : memref<50176x8xf32, #tpu.memory_space<vmem_shared>> -> memref<392x8xf32, #tpu.memory_space<vmem_shared>>
      tpu.wait_dma2 semaphore(%run_scoped3A_203 : memref<!tpu.dma_semaphore, #tpu.memory_space<semaphore_mem>>) src(%arg10 : memref<392x8xf32, #tpu.memory_space<vmem>>) dst(%dma_wait3A_209 : memref<392x8xf32, #tpu.memory_space<vmem_shared>>)
      tpu.yield
    }) : () -> ()
    %mul3A_6 = arith.constant 3136 : i32
    %mul3A_7 = arith.muli %arg1, %mul3A_6 : i32
    %add3A_8 = arith.constant 784 : i32
    %add3A_9 = arith.addi %mul3A_7, %add3A_8 : i32
    "tpu.region"() ({
      %run_scoped3A_203 = tpu.sem_alloc : memref<!tpu.dma_semaphore, #tpu.memory_space<semaphore_mem>>
      %dma_start3A = arith.constant 0 : i32
      %dma_start3A_204 = tpu.memref_slice %arg12[%add3A_9, %dma_start3A] : memref<50176x8xf32, #tpu.memory_space<vmem_shared>> -> memref<392x8xf32, #tpu.memory_space<vmem_shared>>
      %dma_start3A_205 = arith.constant 0 : i32
      %dma_start3A_206 = tpu.memref_slice %arg12[%add3A_9, %dma_start3A_205] : memref<50176x8xf32, #tpu.memory_space<vmem_shared>> -> memref<392x8xf32, #tpu.memory_space<vmem_shared>>
      tpu.enqueue_dma source(%arg10 : memref<392x8xf32, #tpu.memory_space<vmem>>) target(%dma_start3A_206 : memref<392x8xf32, #tpu.memory_space<vmem_shared>>) target_semaphore(%run_scoped3A_203 : memref<!tpu.dma_semaphore, #tpu.memory_space<semaphore_mem>>)
      %dma_wait3A = arith.constant 0 : i32
      %dma_wait3A_207 = tpu.memref_slice %arg12[%add3A_9, %dma_wait3A] : memref<50176x8xf32, #tpu.memory_space<vmem_shared>> -> memref<392x8xf32, #tpu.memory_space<vmem_shared>>
      %dma_wait3A_208 = arith.constant 0 : i32
      %dma_wait3A_209 = tpu.memref_slice %arg12[%add3A_9, %dma_wait3A_208] : memref<50176x8xf32, #tpu.memory_space<vmem_shared>> -> memref<392x8xf32, #tpu.memory_space<vmem_shared>>
      tpu.wait_dma2 semaphore(%run_scoped3A_203 : memref<!tpu.dma_semaphore, #tpu.memory_space<semaphore_mem>>) src(%arg10 : memref<392x8xf32, #tpu.memory_space<vmem>>) dst(%dma_wait3A_209 : memref<392x8xf32, #tpu.memory_space<vmem_shared>>)
      tpu.yield
    }) : () -> ()
    %mul3A_10 = arith.constant 3136 : i32
    %mul3A_11 = arith.muli %arg1, %mul3A_10 : i32
    %add3A_12 = arith.constant 1176 : i32
    %add3A_13 = arith.addi %mul3A_11, %add3A_12 : i32
    "tpu.region"() ({
      %run_scoped3A_203 = tpu.sem_alloc : memref<!tpu.dma_semaphore, #tpu.memory_space<semaphore_mem>>
      %dma_start3A = arith.constant 0 : i32
      %dma_start3A_204 = tpu.memref_slice %arg12[%add3A_13, %dma_start3A] : memref<50176x8xf32, #tpu.memory_space<vmem_shared>> -> memref<392x8xf32, #tpu.memory_space<vmem_shared>>
      %dma_start3A_205 = arith.constant 0 : i32
      %dma_start3A_206 = tpu.memref_slice %arg12[%add3A_13, %dma_start3A_205] : memref<50176x8xf32, #tpu.memory_space<vmem_shared>> -> memref<392x8xf32, #tpu.memory_space<vmem_shared>>
      tpu.enqueue_dma source(%arg10 : memref<392x8xf32, #tpu.memory_space<vmem>>) target(%dma_start3A_206 : memref<392x8xf32, #tpu.memory_space<vmem_shared>>) target_semaphore(%run_scoped3A_203 : memref<!tpu.dma_semaphore, #tpu.memory_space<semaphore_mem>>)
      %dma_wait3A = arith.constant 0 : i32
      %dma_wait3A_207 = tpu.memref_slice %arg12[%add3A_13, %dma_wait3A] : memref<50176x8xf32, #tpu.memory_space<vmem_shared>> -> memref<392x8xf32, #tpu.memory_space<vmem_shared>>
      %dma_wait3A_208 = arith.constant 0 : i32
      %dma_wait3A_209 = tpu.memref_slice %arg12[%add3A_13, %dma_wait3A_208] : memref<50176x8xf32, #tpu.memory_space<vmem_shared>> -> memref<392x8xf32, #tpu.memory_space<vmem_shared>>
      tpu.wait_dma2 semaphore(%run_scoped3A_203 : memref<!tpu.dma_semaphore, #tpu.memory_space<semaphore_mem>>) src(%arg10 : memref<392x8xf32, #tpu.memory_space<vmem>>) dst(%dma_wait3A_209 : memref<392x8xf32, #tpu.memory_space<vmem_shared>>)
      tpu.yield
    }) : () -> ()
    %mul3A_14 = arith.constant 3136 : i32
    %mul3A_15 = arith.muli %arg1, %mul3A_14 : i32
    %add3A_16 = arith.constant 1568 : i32
    %add3A_17 = arith.addi %mul3A_15, %add3A_16 : i32
    "tpu.region"() ({
      %run_scoped3A_203 = tpu.sem_alloc : memref<!tpu.dma_semaphore, #tpu.memory_space<semaphore_mem>>
      %dma_start3A = arith.constant 0 : i32
      %dma_start3A_204 = tpu.memref_slice %arg12[%add3A_17, %dma_start3A] : memref<50176x8xf32, #tpu.memory_space<vmem_shared>> -> memref<392x8xf32, #tpu.memory_space<vmem_shared>>
      %dma_start3A_205 = arith.constant 0 : i32
      %dma_start3A_206 = tpu.memref_slice %arg12[%add3A_17, %dma_start3A_205] : memref<50176x8xf32, #tpu.memory_space<vmem_shared>> -> memref<392x8xf32, #tpu.memory_space<vmem_shared>>
      tpu.enqueue_dma source(%arg10 : memref<392x8xf32, #tpu.memory_space<vmem>>) target(%dma_start3A_206 : memref<392x8xf32, #tpu.memory_space<vmem_shared>>) target_semaphore(%run_scoped3A_203 : memref<!tpu.dma_semaphore, #tpu.memory_space<semaphore_mem>>)
      %dma_wait3A = arith.constant 0 : i32
      %dma_wait3A_207 = tpu.memref_slice %arg12[%add3A_17, %dma_wait3A] : memref<50176x8xf32, #tpu.memory_space<vmem_shared>> -> memref<392x8xf32, #tpu.memory_space<vmem_shared>>
      %dma_wait3A_208 = arith.constant 0 : i32
      %dma_wait3A_209 = tpu.memref_slice %arg12[%add3A_17, %dma_wait3A_208] : memref<50176x8xf32, #tpu.memory_space<vmem_shared>> -> memref<392x8xf32, #tpu.memory_space<vmem_shared>>
      tpu.wait_dma2 semaphore(%run_scoped3A_203 : memref<!tpu.dma_semaphore, #tpu.memory_space<semaphore_mem>>) src(%arg10 : memref<392x8xf32, #tpu.memory_space<vmem>>) dst(%dma_wait3A_209 : memref<392x8xf32, #tpu.memory_space<vmem_shared>>)
      tpu.yield
    }) : () -> ()
    %mul3A_18 = arith.constant 3136 : i32
    %mul3A_19 = arith.muli %arg1, %mul3A_18 : i32
    %add3A_20 = arith.constant 1960 : i32
    %add3A_21 = arith.addi %mul3A_19, %add3A_20 : i32
    "tpu.region"() ({
      %run_scoped3A_203 = tpu.sem_alloc : memref<!tpu.dma_semaphore, #tpu.memory_space<semaphore_mem>>
      %dma_start3A = arith.constant 0 : i32
      %dma_start3A_204 = tpu.memref_slice %arg12[%add3A_21, %dma_start3A] : memref<50176x8xf32, #tpu.memory_space<vmem_shared>> -> memref<392x8xf32, #tpu.memory_space<vmem_shared>>
      %dma_start3A_205 = arith.constant 0 : i32
      %dma_start3A_206 = tpu.memref_slice %arg12[%add3A_21, %dma_start3A_205] : memref<50176x8xf32, #tpu.memory_space<vmem_shared>> -> memref<392x8xf32, #tpu.memory_space<vmem_shared>>
      tpu.enqueue_dma source(%arg10 : memref<392x8xf32, #tpu.memory_space<vmem>>) target(%dma_start3A_206 : memref<392x8xf32, #tpu.memory_space<vmem_shared>>) target_semaphore(%run_scoped3A_203 : memref<!tpu.dma_semaphore, #tpu.memory_space<semaphore_mem>>)
      %dma_wait3A = arith.constant 0 : i32
      %dma_wait3A_207 = tpu.memref_slice %arg12[%add3A_21, %dma_wait3A] : memref<50176x8xf32, #tpu.memory_space<vmem_shared>> -> memref<392x8xf32, #tpu.memory_space<vmem_shared>>
      %dma_wait3A_208 = arith.constant 0 : i32
      %dma_wait3A_209 = tpu.memref_slice %arg12[%add3A_21, %dma_wait3A_208] : memref<50176x8xf32, #tpu.memory_space<vmem_shared>> -> memref<392x8xf32, #tpu.memory_space<vmem_shared>>
      tpu.wait_dma2 semaphore(%run_scoped3A_203 : memref<!tpu.dma_semaphore, #tpu.memory_space<semaphore_mem>>) src(%arg10 : memref<392x8xf32, #tpu.memory_space<vmem>>) dst(%dma_wait3A_209 : memref<392x8xf32, #tpu.memory_space<vmem_shared>>)
      tpu.yield
    }) : () -> ()
    %mul3A_22 = arith.constant 3136 : i32
    %mul3A_23 = arith.muli %arg1, %mul3A_22 : i32
    %add3A_24 = arith.constant 2352 : i32
    %add3A_25 = arith.addi %mul3A_23, %add3A_24 : i32
    "tpu.region"() ({
      %run_scoped3A_203 = tpu.sem_alloc : memref<!tpu.dma_semaphore, #tpu.memory_space<semaphore_mem>>
      %dma_start3A = arith.constant 0 : i32
      %dma_start3A_204 = tpu.memref_slice %arg12[%add3A_25, %dma_start3A] : memref<50176x8xf32, #tpu.memory_space<vmem_shared>> -> memref<392x8xf32, #tpu.memory_space<vmem_shared>>
      %dma_start3A_205 = arith.constant 0 : i32
      %dma_start3A_206 = tpu.memref_slice %arg12[%add3A_25, %dma_start3A_205] : memref<50176x8xf32, #tpu.memory_space<vmem_shared>> -> memref<392x8xf32, #tpu.memory_space<vmem_shared>>
      tpu.enqueue_dma source(%arg10 : memref<392x8xf32, #tpu.memory_space<vmem>>) target(%dma_start3A_206 : memref<392x8xf32, #tpu.memory_space<vmem_shared>>) target_semaphore(%run_scoped3A_203 : memref<!tpu.dma_semaphore, #tpu.memory_space<semaphore_mem>>)
      %dma_wait3A = arith.constant 0 : i32
      %dma_wait3A_207 = tpu.memref_slice %arg12[%add3A_25, %dma_wait3A] : memref<50176x8xf32, #tpu.memory_space<vmem_shared>> -> memref<392x8xf32, #tpu.memory_space<vmem_shared>>
      %dma_wait3A_208 = arith.constant 0 : i32
      %dma_wait3A_209 = tpu.memref_slice %arg12[%add3A_25, %dma_wait3A_208] : memref<50176x8xf32, #tpu.memory_space<vmem_shared>> -> memref<392x8xf32, #tpu.memory_space<vmem_shared>>
      tpu.wait_dma2 semaphore(%run_scoped3A_203 : memref<!tpu.dma_semaphore, #tpu.memory_space<semaphore_mem>>) src(%arg10 : memref<392x8xf32, #tpu.memory_space<vmem>>) dst(%dma_wait3A_209 : memref<392x8xf32, #tpu.memory_space<vmem_shared>>)
      tpu.yield
    }) : () -> ()
    %mul3A_26 = arith.constant 3136 : i32
    %mul3A_27 = arith.muli %arg1, %mul3A_26 : i32
    %add3A_28 = arith.constant 2744 : i32
    %add3A_29 = arith.addi %mul3A_27, %add3A_28 : i32
    "tpu.region"() ({
      %run_scoped3A_203 = tpu.sem_alloc : memref<!tpu.dma_semaphore, #tpu.memory_space<semaphore_mem>>
      %dma_start3A = arith.constant 0 : i32
      %dma_start3A_204 = tpu.memref_slice %arg12[%add3A_29, %dma_start3A] : memref<50176x8xf32, #tpu.memory_space<vmem_shared>> -> memref<392x8xf32, #tpu.memory_space<vmem_shared>>
      %dma_start3A_205 = arith.constant 0 : i32
      %dma_start3A_206 = tpu.memref_slice %arg12[%add3A_29, %dma_start3A_205] : memref<50176x8xf32, #tpu.memory_space<vmem_shared>> -> memref<392x8xf32, #tpu.memory_space<vmem_shared>>
      tpu.enqueue_dma source(%arg10 : memref<392x8xf32, #tpu.memory_space<vmem>>) target(%dma_start3A_206 : memref<392x8xf32, #tpu.memory_space<vmem_shared>>) target_semaphore(%run_scoped3A_203 : memref<!tpu.dma_semaphore, #tpu.memory_space<semaphore_mem>>)
      %dma_wait3A = arith.constant 0 : i32
      %dma_wait3A_207 = tpu.memref_slice %arg12[%add3A_29, %dma_wait3A] : memref<50176x8xf32, #tpu.memory_space<vmem_shared>> -> memref<392x8xf32, #tpu.memory_space<vmem_shared>>
      %dma_wait3A_208 = arith.constant 0 : i32
      %dma_wait3A_209 = tpu.memref_slice %arg12[%add3A_29, %dma_wait3A_208] : memref<50176x8xf32, #tpu.memory_space<vmem_shared>> -> memref<392x8xf32, #tpu.memory_space<vmem_shared>>
      tpu.wait_dma2 semaphore(%run_scoped3A_203 : memref<!tpu.dma_semaphore, #tpu.memory_space<semaphore_mem>>) src(%arg10 : memref<392x8xf32, #tpu.memory_space<vmem>>) dst(%dma_wait3A_209 : memref<392x8xf32, #tpu.memory_space<vmem_shared>>)
      tpu.yield
    }) : () -> ()
    %run_scoped3A = arith.constant 0 : i32
    "tpu.region"() ({
      %run_scoped3A_203 = tpu.sem_alloc : memref<!tpu.dma_semaphore, #tpu.memory_space<semaphore_mem>>
      %dma_start3A = arith.constant 0 : i32
      %dma_start3A_204 = arith.constant 0 : i32
      %dma_start3A_205 = tpu.memref_slice %arg3[%arg0, %run_scoped3A, %arg1, %dma_start3A, %dma_start3A_204] : memref<2x4x16x196x256xi32, #tpu.memory_space<hbm>> -> memref<1x1x1x196x256xi32, #tpu.memory_space<hbm>>
      %dma_start3A_206 = tpu.memref_squeeze %dma_start3A_205 : memref<1x1x1x196x256xi32, #tpu.memory_space<hbm>> -> memref<196x256xi32, #tpu.memory_space<hbm>>
      %dma_start3A_207 = arith.constant 0 : i32
      %dma_start3A_208 = arith.constant 0 : i32
      %dma_start3A_209 = tpu.memref_slice %arg3[%arg0, %run_scoped3A, %arg1, %dma_start3A_207, %dma_start3A_208] : memref<2x4x16x196x256xi32, #tpu.memory_space<hbm>> -> memref<1x1x1x196x256xi32, #tpu.memory_space<hbm>>
      %dma_start3A_210 = tpu.memref_squeeze %dma_start3A_209 : memref<1x1x1x196x256xi32, #tpu.memory_space<hbm>> -> memref<196x256xi32, #tpu.memory_space<hbm>>
      tpu.enqueue_dma source(%dma_start3A_210 : memref<196x256xi32, #tpu.memory_space<hbm>>) target(%arg7 : memref<196x256xi32, #tpu.memory_space<vmem>>) target_semaphore(%run_scoped3A_203 : memref<!tpu.dma_semaphore, #tpu.memory_space<semaphore_mem>>)
      %dma_wait3A = arith.constant 0 : i32
      %dma_wait3A_211 = arith.constant 0 : i32
      %dma_wait3A_212 = tpu.memref_slice %arg3[%arg0, %run_scoped3A, %arg1, %dma_wait3A, %dma_wait3A_211] : memref<2x4x16x196x256xi32, #tpu.memory_space<hbm>> -> memref<1x1x1x196x256xi32, #tpu.memory_space<hbm>>
      %dma_wait3A_213 = tpu.memref_squeeze %dma_wait3A_212 : memref<1x1x1x196x256xi32, #tpu.memory_space<hbm>> -> memref<196x256xi32, #tpu.memory_space<hbm>>
      %dma_wait3A_214 = arith.constant 0 : i32
      %dma_wait3A_215 = arith.constant 0 : i32
      %dma_wait3A_216 = tpu.memref_slice %arg3[%arg0, %run_scoped3A, %arg1, %dma_wait3A_214, %dma_wait3A_215] : memref<2x4x16x196x256xi32, #tpu.memory_space<hbm>> -> memref<1x1x1x196x256xi32, #tpu.memory_space<hbm>>
      %dma_wait3A_217 = tpu.memref_squeeze %dma_wait3A_216 : memref<1x1x1x196x256xi32, #tpu.memory_space<hbm>> -> memref<196x256xi32, #tpu.memory_space<hbm>>
      tpu.wait_dma2 semaphore(%run_scoped3A_203 : memref<!tpu.dma_semaphore, #tpu.memory_space<semaphore_mem>>) src(%dma_wait3A_217 : memref<196x256xi32, #tpu.memory_space<hbm>>) dst(%arg7 : memref<196x256xi32, #tpu.memory_space<vmem>>)
      tpu.yield
    }) : () -> ()
    %barrier3A = arith.constant 0 : index
    tpu.barrier barrier_id(%barrier3A)
    %scan3A = arith.constant 0 : i32
    %scan3A_30 = arith.constant 0 : i32
    %scan3A_31 = arith.constant 196 : i32
    %scan3A_32 = arith.addi %scan3A_30, %scan3A_31 : i32
    %scan3A_33 = arith.constant 1 : i32
    scf.for %scan3A_203 = %scan3A_30 to %scan3A_32 step %scan3A_33  : i32 {
      %dma_start3A = arith.constant 0 : i32
      %dma_start3A_204 = tpu.memref_slice %arg7[%scan3A_203, %dma_start3A] : memref<196x256xi32, #tpu.memory_space<vmem>> -> memref<1x256xi32, #tpu.memory_space<vmem>>
      %dma_start3A_205 = tpu.memref_squeeze %dma_start3A_204 : memref<1x256xi32, #tpu.memory_space<vmem>> -> memref<256xi32, #tpu.memory_space<vmem>>
      %dma_start3A_206 = arith.constant 0 : i32
      %dma_start3A_207 = arith.constant 0 : i32
      %dma_start3A_208 = tpu.memref_slice %arg2[%dma_start3A_206, %dma_start3A_207] : memref<401408x8xf32, #tpu.memory_space<hbm>> -> memref<401408x8xf32, #tpu.memory_space<hbm>>
      tpu.enqueue_indirect_dma source(%dma_start3A_208 : memref<401408x8xf32, #tpu.memory_space<hbm>>) target(%arg9 : memref<256x8xf32, #tpu.memory_space<vmem>>) offsets(%dma_start3A_205 : memref<256xi32, #tpu.memory_space<vmem>>) semaphore(%arg11 : memref<!tpu.dma_semaphore, #tpu.memory_space<semaphore_mem>>)
      %dma_wait3A = arith.constant 0 : i32
      %dma_wait3A_209 = tpu.memref_slice %arg7[%scan3A_203, %dma_wait3A] : memref<196x256xi32, #tpu.memory_space<vmem>> -> memref<1x256xi32, #tpu.memory_space<vmem>>
      %dma_wait3A_210 = tpu.memref_squeeze %dma_wait3A_209 : memref<1x256xi32, #tpu.memory_space<vmem>> -> memref<256xi32, #tpu.memory_space<vmem>>
      %dma_wait3A_211 = arith.constant 0 : i32
      %dma_wait3A_212 = arith.constant 0 : i32
      %dma_wait3A_213 = tpu.memref_slice %arg2[%dma_wait3A_211, %dma_wait3A_212] : memref<401408x8xf32, #tpu.memory_space<hbm>> -> memref<401408x8xf32, #tpu.memory_space<hbm>>
      tpu.wait_indirect_dma semaphore(%arg11 : memref<!tpu.dma_semaphore, #tpu.memory_space<semaphore_mem>>) src(%dma_wait3A_213 : memref<401408x8xf32, #tpu.memory_space<hbm>>) dst(%arg9 : memref<256x8xf32, #tpu.memory_space<vmem>>)
      "tpu.region"() ({
        %run_scoped3A_214 = tpu.sem_alloc : memref<!tpu.dma_semaphore, #tpu.memory_space<semaphore_mem>>
        %dma_start3A_215 = arith.constant 0 : i32
        %dma_start3A_216 = tpu.memref_slice %arg8[%scan3A_203, %dma_start3A_215] : memref<196x256xi32, #tpu.memory_space<vmem>> -> memref<1x256xi32, #tpu.memory_space<vmem>>
        %dma_start3A_217 = tpu.memref_squeeze %dma_start3A_216 : memref<1x256xi32, #tpu.memory_space<vmem>> -> memref<256xi32, #tpu.memory_space<vmem>>
        %dma_start3A_218 = arith.constant 0 : i32
        %dma_start3A_219 = arith.constant 0 : i32
        %dma_start3A_220 = tpu.memref_slice %arg12[%dma_start3A_218, %dma_start3A_219] : memref<50176x8xf32, #tpu.memory_space<vmem_shared>> -> memref<50176x8xf32, #tpu.memory_space<vmem_shared>>
        tpu.enqueue_indirect_dma source(%arg9 : memref<256x8xf32, #tpu.memory_space<vmem>>) target(%dma_start3A_220 : memref<50176x8xf32, #tpu.memory_space<vmem_shared>>) offsets(%dma_start3A_217 : memref<256xi32, #tpu.memory_space<vmem>>) semaphore(%run_scoped3A_214 : memref<!tpu.dma_semaphore, #tpu.memory_space<semaphore_mem>>) {add = true}
        %dma_wait3A_221 = arith.constant 0 : i32
        %dma_wait3A_222 = tpu.memref_slice %arg8[%scan3A_203, %dma_wait3A_221] : memref<196x256xi32, #tpu.memory_space<vmem>> -> memref<1x256xi32, #tpu.memory_space<vmem>>
        %dma_wait3A_223 = tpu.memref_squeeze %dma_wait3A_222 : memref<1x256xi32, #tpu.memory_space<vmem>> -> memref<256xi32, #tpu.memory_space<vmem>>
        %dma_wait3A_224 = arith.constant 0 : i32
        %dma_wait3A_225 = arith.constant 0 : i32
        %dma_wait3A_226 = tpu.memref_slice %arg12[%dma_wait3A_224, %dma_wait3A_225] : memref<50176x8xf32, #tpu.memory_space<vmem_shared>> -> memref<50176x8xf32, #tpu.memory_space<vmem_shared>>
        tpu.wait_indirect_dma semaphore(%run_scoped3A_214 : memref<!tpu.dma_semaphore, #tpu.memory_space<semaphore_mem>>) src(%arg9 : memref<256x8xf32, #tpu.memory_space<vmem>>) dst(%dma_wait3A_226 : memref<50176x8xf32, #tpu.memory_space<vmem_shared>>)
        tpu.yield
      }) : () -> ()
    }
    %scan3A_34 = arith.constant 196 : i32
    %barrier3A_35 = arith.constant 0 : index
    tpu.barrier barrier_id(%barrier3A_35)
    %mul3A_36 = arith.constant 3136 : i32
    %mul3A_37 = arith.muli %arg1, %mul3A_36 : i32
    %mul3A_38 = arith.constant 4 : i32
    %mul3A_39 = arith.muli %mul3A_38, %arg0 : i32
    %add3A_40 = arith.constant 0 : i32
    %add3A_41 = arith.addi %mul3A_39, %add3A_40 : i32
    %mul3A_42 = arith.constant 50176 : i32
    %mul3A_43 = arith.muli %add3A_41, %mul3A_42 : i32
    %mul3A_44 = arith.constant 3136 : i32
    %mul3A_45 = arith.muli %arg1, %mul3A_44 : i32
    %add3A_46 = arith.addi %mul3A_43, %mul3A_45 : i32
    "tpu.region"() ({
      %run_scoped3A_203 = tpu.sem_alloc : memref<!tpu.dma_semaphore, #tpu.memory_space<semaphore_mem>>
      %dma_start3A = arith.constant 0 : i32
      %dma_start3A_204 = tpu.memref_slice %arg6[%add3A_46, %dma_start3A] : memref<401408x8xf32, #tpu.memory_space<hbm>> -> memref<3136x8xf32, #tpu.memory_space<hbm>>
      %dma_start3A_205 = arith.constant 0 : i32
      %dma_start3A_206 = tpu.memref_slice %arg12[%mul3A_37, %dma_start3A_205] : memref<50176x8xf32, #tpu.memory_space<vmem_shared>> -> memref<3136x8xf32, #tpu.memory_space<vmem_shared>>
      tpu.enqueue_dma source(%dma_start3A_206 : memref<3136x8xf32, #tpu.memory_space<vmem_shared>>) target(%dma_start3A_204 : memref<3136x8xf32, #tpu.memory_space<hbm>>) target_semaphore(%run_scoped3A_203 : memref<!tpu.dma_semaphore, #tpu.memory_space<semaphore_mem>>)
      %dma_wait3A = arith.constant 0 : i32
      %dma_wait3A_207 = tpu.memref_slice %arg6[%add3A_46, %dma_wait3A] : memref<401408x8xf32, #tpu.memory_space<hbm>> -> memref<3136x8xf32, #tpu.memory_space<hbm>>
      %dma_wait3A_208 = arith.constant 0 : i32
      %dma_wait3A_209 = tpu.memref_slice %arg12[%mul3A_37, %dma_wait3A_208] : memref<50176x8xf32, #tpu.memory_space<vmem_shared>> -> memref<3136x8xf32, #tpu.memory_space<vmem_shared>>
      tpu.wait_dma2 semaphore(%run_scoped3A_203 : memref<!tpu.dma_semaphore, #tpu.memory_space<semaphore_mem>>) src(%dma_wait3A_209 : memref<3136x8xf32, #tpu.memory_space<vmem_shared>>) dst(%dma_wait3A_207 : memref<3136x8xf32, #tpu.memory_space<hbm>>)
      tpu.yield
    }) : () -> ()
    %mul3A_47 = arith.constant 3136 : i32
    %mul3A_48 = arith.muli %arg1, %mul3A_47 : i32
    %add3A_49 = arith.constant 0 : i32
    %add3A_50 = arith.addi %mul3A_48, %add3A_49 : i32
    "tpu.region"() ({
      %run_scoped3A_203 = tpu.sem_alloc : memref<!tpu.dma_semaphore, #tpu.memory_space<semaphore_mem>>
      %dma_start3A = arith.constant 0 : i32
      %dma_start3A_204 = tpu.memref_slice %arg12[%add3A_50, %dma_start3A] : memref<50176x8xf32, #tpu.memory_space<vmem_shared>> -> memref<392x8xf32, #tpu.memory_space<vmem_shared>>
      %dma_start3A_205 = arith.constant 0 : i32
      %dma_start3A_206 = tpu.memref_slice %arg12[%add3A_50, %dma_start3A_205] : memref<50176x8xf32, #tpu.memory_space<vmem_shared>> -> memref<392x8xf32, #tpu.memory_space<vmem_shared>>
      tpu.enqueue_dma source(%arg10 : memref<392x8xf32, #tpu.memory_space<vmem>>) target(%dma_start3A_206 : memref<392x8xf32, #tpu.memory_space<vmem_shared>>) target_semaphore(%run_scoped3A_203 : memref<!tpu.dma_semaphore, #tpu.memory_space<semaphore_mem>>)
      %dma_wait3A = arith.constant 0 : i32
      %dma_wait3A_207 = tpu.memref_slice %arg12[%add3A_50, %dma_wait3A] : memref<50176x8xf32, #tpu.memory_space<vmem_shared>> -> memref<392x8xf32, #tpu.memory_space<vmem_shared>>
      %dma_wait3A_208 = arith.constant 0 : i32
      %dma_wait3A_209 = tpu.memref_slice %arg12[%add3A_50, %dma_wait3A_208] : memref<50176x8xf32, #tpu.memory_space<vmem_shared>> -> memref<392x8xf32, #tpu.memory_space<vmem_shared>>
      tpu.wait_dma2 semaphore(%run_scoped3A_203 : memref<!tpu.dma_semaphore, #tpu.memory_space<semaphore_mem>>) src(%arg10 : memref<392x8xf32, #tpu.memory_space<vmem>>) dst(%dma_wait3A_209 : memref<392x8xf32, #tpu.memory_space<vmem_shared>>)
      tpu.yield
    }) : () -> ()
    %mul3A_51 = arith.constant 3136 : i32
    %mul3A_52 = arith.muli %arg1, %mul3A_51 : i32
    %add3A_53 = arith.constant 392 : i32
    %add3A_54 = arith.addi %mul3A_52, %add3A_53 : i32
    "tpu.region"() ({
      %run_scoped3A_203 = tpu.sem_alloc : memref<!tpu.dma_semaphore, #tpu.memory_space<semaphore_mem>>
      %dma_start3A = arith.constant 0 : i32
      %dma_start3A_204 = tpu.memref_slice %arg12[%add3A_54, %dma_start3A] : memref<50176x8xf32, #tpu.memory_space<vmem_shared>> -> memref<392x8xf32, #tpu.memory_space<vmem_shared>>
      %dma_start3A_205 = arith.constant 0 : i32
      %dma_start3A_206 = tpu.memref_slice %arg12[%add3A_54, %dma_start3A_205] : memref<50176x8xf32, #tpu.memory_space<vmem_shared>> -> memref<392x8xf32, #tpu.memory_space<vmem_shared>>
      tpu.enqueue_dma source(%arg10 : memref<392x8xf32, #tpu.memory_space<vmem>>) target(%dma_start3A_206 : memref<392x8xf32, #tpu.memory_space<vmem_shared>>) target_semaphore(%run_scoped3A_203 : memref<!tpu.dma_semaphore, #tpu.memory_space<semaphore_mem>>)
      %dma_wait3A = arith.constant 0 : i32
      %dma_wait3A_207 = tpu.memref_slice %arg12[%add3A_54, %dma_wait3A] : memref<50176x8xf32, #tpu.memory_space<vmem_shared>> -> memref<392x8xf32, #tpu.memory_space<vmem_shared>>
      %dma_wait3A_208 = arith.constant 0 : i32
      %dma_wait3A_209 = tpu.memref_slice %arg12[%add3A_54, %dma_wait3A_208] : memref<50176x8xf32, #tpu.memory_space<vmem_shared>> -> memref<392x8xf32, #tpu.memory_space<vmem_shared>>
      tpu.wait_dma2 semaphore(%run_scoped3A_203 : memref<!tpu.dma_semaphore, #tpu.memory_space<semaphore_mem>>) src(%arg10 : memref<392x8xf32, #tpu.memory_space<vmem>>) dst(%dma_wait3A_209 : memref<392x8xf32, #tpu.memory_space<vmem_shared>>)
      tpu.yield
    }) : () -> ()
    %mul3A_55 = arith.constant 3136 : i32
    %mul3A_56 = arith.muli %arg1, %mul3A_55 : i32
    %add3A_57 = arith.constant 784 : i32
    %add3A_58 = arith.addi %mul3A_56, %add3A_57 : i32
    "tpu.region"() ({
      %run_scoped3A_203 = tpu.sem_alloc : memref<!tpu.dma_semaphore, #tpu.memory_space<semaphore_mem>>
      %dma_start3A = arith.constant 0 : i32
      %dma_start3A_204 = tpu.memref_slice %arg12[%add3A_58, %dma_start3A] : memref<50176x8xf32, #tpu.memory_space<vmem_shared>> -> memref<392x8xf32, #tpu.memory_space<vmem_shared>>
      %dma_start3A_205 = arith.constant 0 : i32
      %dma_start3A_206 = tpu.memref_slice %arg12[%add3A_58, %dma_start3A_205] : memref<50176x8xf32, #tpu.memory_space<vmem_shared>> -> memref<392x8xf32, #tpu.memory_space<vmem_shared>>
      tpu.enqueue_dma source(%arg10 : memref<392x8xf32, #tpu.memory_space<vmem>>) target(%dma_start3A_206 : memref<392x8xf32, #tpu.memory_space<vmem_shared>>) target_semaphore(%run_scoped3A_203 : memref<!tpu.dma_semaphore, #tpu.memory_space<semaphore_mem>>)
      %dma_wait3A = arith.constant 0 : i32
      %dma_wait3A_207 = tpu.memref_slice %arg12[%add3A_58, %dma_wait3A] : memref<50176x8xf32, #tpu.memory_space<vmem_shared>> -> memref<392x8xf32, #tpu.memory_space<vmem_shared>>
      %dma_wait3A_208 = arith.constant 0 : i32
      %dma_wait3A_209 = tpu.memref_slice %arg12[%add3A_58, %dma_wait3A_208] : memref<50176x8xf32, #tpu.memory_space<vmem_shared>> -> memref<392x8xf32, #tpu.memory_space<vmem_shared>>
      tpu.wait_dma2 semaphore(%run_scoped3A_203 : memref<!tpu.dma_semaphore, #tpu.memory_space<semaphore_mem>>) src(%arg10 : memref<392x8xf32, #tpu.memory_space<vmem>>) dst(%dma_wait3A_209 : memref<392x8xf32, #tpu.memory_space<vmem_shared>>)
      tpu.yield
    }) : () -> ()
    %mul3A_59 = arith.constant 3136 : i32
    %mul3A_60 = arith.muli %arg1, %mul3A_59 : i32
    %add3A_61 = arith.constant 1176 : i32
    %add3A_62 = arith.addi %mul3A_60, %add3A_61 : i32
    "tpu.region"() ({
      %run_scoped3A_203 = tpu.sem_alloc : memref<!tpu.dma_semaphore, #tpu.memory_space<semaphore_mem>>
      %dma_start3A = arith.constant 0 : i32
      %dma_start3A_204 = tpu.memref_slice %arg12[%add3A_62, %dma_start3A] : memref<50176x8xf32, #tpu.memory_space<vmem_shared>> -> memref<392x8xf32, #tpu.memory_space<vmem_shared>>
      %dma_start3A_205 = arith.constant 0 : i32
      %dma_start3A_206 = tpu.memref_slice %arg12[%add3A_62, %dma_start3A_205] : memref<50176x8xf32, #tpu.memory_space<vmem_shared>> -> memref<392x8xf32, #tpu.memory_space<vmem_shared>>
      tpu.enqueue_dma source(%arg10 : memref<392x8xf32, #tpu.memory_space<vmem>>) target(%dma_start3A_206 : memref<392x8xf32, #tpu.memory_space<vmem_shared>>) target_semaphore(%run_scoped3A_203 : memref<!tpu.dma_semaphore, #tpu.memory_space<semaphore_mem>>)
      %dma_wait3A = arith.constant 0 : i32
      %dma_wait3A_207 = tpu.memref_slice %arg12[%add3A_62, %dma_wait3A] : memref<50176x8xf32, #tpu.memory_space<vmem_shared>> -> memref<392x8xf32, #tpu.memory_space<vmem_shared>>
      %dma_wait3A_208 = arith.constant 0 : i32
      %dma_wait3A_209 = tpu.memref_slice %arg12[%add3A_62, %dma_wait3A_208] : memref<50176x8xf32, #tpu.memory_space<vmem_shared>> -> memref<392x8xf32, #tpu.memory_space<vmem_shared>>
      tpu.wait_dma2 semaphore(%run_scoped3A_203 : memref<!tpu.dma_semaphore, #tpu.memory_space<semaphore_mem>>) src(%arg10 : memref<392x8xf32, #tpu.memory_space<vmem>>) dst(%dma_wait3A_209 : memref<392x8xf32, #tpu.memory_space<vmem_shared>>)
      tpu.yield
    }) : () -> ()
    %mul3A_63 = arith.constant 3136 : i32
    %mul3A_64 = arith.muli %arg1, %mul3A_63 : i32
    %add3A_65 = arith.constant 1568 : i32
    %add3A_66 = arith.addi %mul3A_64, %add3A_65 : i32
    "tpu.region"() ({
      %run_scoped3A_203 = tpu.sem_alloc : memref<!tpu.dma_semaphore, #tpu.memory_space<semaphore_mem>>
      %dma_start3A = arith.constant 0 : i32
      %dma_start3A_204 = tpu.memref_slice %arg12[%add3A_66, %dma_start3A] : memref<50176x8xf32, #tpu.memory_space<vmem_shared>> -> memref<392x8xf32, #tpu.memory_space<vmem_shared>>
      %dma_start3A_205 = arith.constant 0 : i32
      %dma_start3A_206 = tpu.memref_slice %arg12[%add3A_66, %dma_start3A_205] : memref<50176x8xf32, #tpu.memory_space<vmem_shared>> -> memref<392x8xf32, #tpu.memory_space<vmem_shared>>
      tpu.enqueue_dma source(%arg10 : memref<392x8xf32, #tpu.memory_space<vmem>>) target(%dma_start3A_206 : memref<392x8xf32, #tpu.memory_space<vmem_shared>>) target_semaphore(%run_scoped3A_203 : memref<!tpu.dma_semaphore, #tpu.memory_space<semaphore_mem>>)
      %dma_wait3A = arith.constant 0 : i32
      %dma_wait3A_207 = tpu.memref_slice %arg12[%add3A_66, %dma_wait3A] : memref<50176x8xf32, #tpu.memory_space<vmem_shared>> -> memref<392x8xf32, #tpu.memory_space<vmem_shared>>
      %dma_wait3A_208 = arith.constant 0 : i32
      %dma_wait3A_209 = tpu.memref_slice %arg12[%add3A_66, %dma_wait3A_208] : memref<50176x8xf32, #tpu.memory_space<vmem_shared>> -> memref<392x8xf32, #tpu.memory_space<vmem_shared>>
      tpu.wait_dma2 semaphore(%run_scoped3A_203 : memref<!tpu.dma_semaphore, #tpu.memory_space<semaphore_mem>>) src(%arg10 : memref<392x8xf32, #tpu.memory_space<vmem>>) dst(%dma_wait3A_209 : memref<392x8xf32, #tpu.memory_space<vmem_shared>>)
      tpu.yield
    }) : () -> ()
    %mul3A_67 = arith.constant 3136 : i32
    %mul3A_68 = arith.muli %arg1, %mul3A_67 : i32
    %add3A_69 = arith.constant 1960 : i32
    %add3A_70 = arith.addi %mul3A_68, %add3A_69 : i32
    "tpu.region"() ({
      %run_scoped3A_203 = tpu.sem_alloc : memref<!tpu.dma_semaphore, #tpu.memory_space<semaphore_mem>>
      %dma_start3A = arith.constant 0 : i32
      %dma_start3A_204 = tpu.memref_slice %arg12[%add3A_70, %dma_start3A] : memref<50176x8xf32, #tpu.memory_space<vmem_shared>> -> memref<392x8xf32, #tpu.memory_space<vmem_shared>>
      %dma_start3A_205 = arith.constant 0 : i32
      %dma_start3A_206 = tpu.memref_slice %arg12[%add3A_70, %dma_start3A_205] : memref<50176x8xf32, #tpu.memory_space<vmem_shared>> -> memref<392x8xf32, #tpu.memory_space<vmem_shared>>
      tpu.enqueue_dma source(%arg10 : memref<392x8xf32, #tpu.memory_space<vmem>>) target(%dma_start3A_206 : memref<392x8xf32, #tpu.memory_space<vmem_shared>>) target_semaphore(%run_scoped3A_203 : memref<!tpu.dma_semaphore, #tpu.memory_space<semaphore_mem>>)
      %dma_wait3A = arith.constant 0 : i32
      %dma_wait3A_207 = tpu.memref_slice %arg12[%add3A_70, %dma_wait3A] : memref<50176x8xf32, #tpu.memory_space<vmem_shared>> -> memref<392x8xf32, #tpu.memory_space<vmem_shared>>
      %dma_wait3A_208 = arith.constant 0 : i32
      %dma_wait3A_209 = tpu.memref_slice %arg12[%add3A_70, %dma_wait3A_208] : memref<50176x8xf32, #tpu.memory_space<vmem_shared>> -> memref<392x8xf32, #tpu.memory_space<vmem_shared>>
      tpu.wait_dma2 semaphore(%run_scoped3A_203 : memref<!tpu.dma_semaphore, #tpu.memory_space<semaphore_mem>>) src(%arg10 : memref<392x8xf32, #tpu.memory_space<vmem>>) dst(%dma_wait3A_209 : memref<392x8xf32, #tpu.memory_space<vmem_shared>>)
      tpu.yield
    }) : () -> ()
    %mul3A_71 = arith.constant 3136 : i32
    %mul3A_72 = arith.muli %arg1, %mul3A_71 : i32
    %add3A_73 = arith.constant 2352 : i32
    %add3A_74 = arith.addi %mul3A_72, %add3A_73 : i32
    "tpu.region"() ({
      %run_scoped3A_203 = tpu.sem_alloc : memref<!tpu.dma_semaphore, #tpu.memory_space<semaphore_mem>>
      %dma_start3A = arith.constant 0 : i32
      %dma_start3A_204 = tpu.memref_slice %arg12[%add3A_74, %dma_start3A] : memref<50176x8xf32, #tpu.memory_space<vmem_shared>> -> memref<392x8xf32, #tpu.memory_space<vmem_shared>>
      %dma_start3A_205 = arith.constant 0 : i32
      %dma_start3A_206 = tpu.memref_slice %arg12[%add3A_74, %dma_start3A_205] : memref<50176x8xf32, #tpu.memory_space<vmem_shared>> -> memref<392x8xf32, #tpu.memory_space<vmem_shared>>
      tpu.enqueue_dma source(%arg10 : memref<392x8xf32, #tpu.memory_space<vmem>>) target(%dma_start3A_206 : memref<392x8xf32, #tpu.memory_space<vmem_shared>>) target_semaphore(%run_scoped3A_203 : memref<!tpu.dma_semaphore, #tpu.memory_space<semaphore_mem>>)
      %dma_wait3A = arith.constant 0 : i32
      %dma_wait3A_207 = tpu.memref_slice %arg12[%add3A_74, %dma_wait3A] : memref<50176x8xf32, #tpu.memory_space<vmem_shared>> -> memref<392x8xf32, #tpu.memory_space<vmem_shared>>
      %dma_wait3A_208 = arith.constant 0 : i32
      %dma_wait3A_209 = tpu.memref_slice %arg12[%add3A_74, %dma_wait3A_208] : memref<50176x8xf32, #tpu.memory_space<vmem_shared>> -> memref<392x8xf32, #tpu.memory_space<vmem_shared>>
      tpu.wait_dma2 semaphore(%run_scoped3A_203 : memref<!tpu.dma_semaphore, #tpu.memory_space<semaphore_mem>>) src(%arg10 : memref<392x8xf32, #tpu.memory_space<vmem>>) dst(%dma_wait3A_209 : memref<392x8xf32, #tpu.memory_space<vmem_shared>>)
      tpu.yield
    }) : () -> ()
    %mul3A_75 = arith.constant 3136 : i32
    %mul3A_76 = arith.muli %arg1, %mul3A_75 : i32
    %add3A_77 = arith.constant 2744 : i32
    %add3A_78 = arith.addi %mul3A_76, %add3A_77 : i32
    "tpu.region"() ({
      %run_scoped3A_203 = tpu.sem_alloc : memref<!tpu.dma_semaphore, #tpu.memory_space<semaphore_mem>>
      %dma_start3A = arith.constant 0 : i32
      %dma_start3A_204 = tpu.memref_slice %arg12[%add3A_78, %dma_start3A] : memref<50176x8xf32, #tpu.memory_space<vmem_shared>> -> memref<392x8xf32, #tpu.memory_space<vmem_shared>>
      %dma_start3A_205 = arith.constant 0 : i32
      %dma_start3A_206 = tpu.memref_slice %arg12[%add3A_78, %dma_start3A_205] : memref<50176x8xf32, #tpu.memory_space<vmem_shared>> -> memref<392x8xf32, #tpu.memory_space<vmem_shared>>
      tpu.enqueue_dma source(%arg10 : memref<392x8xf32, #tpu.memory_space<vmem>>) target(%dma_start3A_206 : memref<392x8xf32, #tpu.memory_space<vmem_shared>>) target_semaphore(%run_scoped3A_203 : memref<!tpu.dma_semaphore, #tpu.memory_space<semaphore_mem>>)
      %dma_wait3A = arith.constant 0 : i32
      %dma_wait3A_207 = tpu.memref_slice %arg12[%add3A_78, %dma_wait3A] : memref<50176x8xf32, #tpu.memory_space<vmem_shared>> -> memref<392x8xf32, #tpu.memory_space<vmem_shared>>
      %dma_wait3A_208 = arith.constant 0 : i32
      %dma_wait3A_209 = tpu.memref_slice %arg12[%add3A_78, %dma_wait3A_208] : memref<50176x8xf32, #tpu.memory_space<vmem_shared>> -> memref<392x8xf32, #tpu.memory_space<vmem_shared>>
      tpu.wait_dma2 semaphore(%run_scoped3A_203 : memref<!tpu.dma_semaphore, #tpu.memory_space<semaphore_mem>>) src(%arg10 : memref<392x8xf32, #tpu.memory_space<vmem>>) dst(%dma_wait3A_209 : memref<392x8xf32, #tpu.memory_space<vmem_shared>>)
      tpu.yield
    }) : () -> ()
    %run_scoped3A_79 = arith.constant 1 : i32
    "tpu.region"() ({
      %run_scoped3A_203 = tpu.sem_alloc : memref<!tpu.dma_semaphore, #tpu.memory_space<semaphore_mem>>
      %dma_start3A = arith.constant 0 : i32
      %dma_start3A_204 = arith.constant 0 : i32
      %dma_start3A_205 = tpu.memref_slice %arg3[%arg0, %run_scoped3A_79, %arg1, %dma_start3A, %dma_start3A_204] : memref<2x4x16x196x256xi32, #tpu.memory_space<hbm>> -> memref<1x1x1x196x256xi32, #tpu.memory_space<hbm>>
      %dma_start3A_206 = tpu.memref_squeeze %dma_start3A_205 : memref<1x1x1x196x256xi32, #tpu.memory_space<hbm>> -> memref<196x256xi32, #tpu.memory_space<hbm>>
      %dma_start3A_207 = arith.constant 0 : i32
      %dma_start3A_208 = arith.constant 0 : i32
      %dma_start3A_209 = tpu.memref_slice %arg3[%arg0, %run_scoped3A_79, %arg1, %dma_start3A_207, %dma_start3A_208] : memref<2x4x16x196x256xi32, #tpu.memory_space<hbm>> -> memref<1x1x1x196x256xi32, #tpu.memory_space<hbm>>
      %dma_start3A_210 = tpu.memref_squeeze %dma_start3A_209 : memref<1x1x1x196x256xi32, #tpu.memory_space<hbm>> -> memref<196x256xi32, #tpu.memory_space<hbm>>
      tpu.enqueue_dma source(%dma_start3A_210 : memref<196x256xi32, #tpu.memory_space<hbm>>) target(%arg7 : memref<196x256xi32, #tpu.memory_space<vmem>>) target_semaphore(%run_scoped3A_203 : memref<!tpu.dma_semaphore, #tpu.memory_space<semaphore_mem>>)
      %dma_wait3A = arith.constant 0 : i32
      %dma_wait3A_211 = arith.constant 0 : i32
      %dma_wait3A_212 = tpu.memref_slice %arg3[%arg0, %run_scoped3A_79, %arg1, %dma_wait3A, %dma_wait3A_211] : memref<2x4x16x196x256xi32, #tpu.memory_space<hbm>> -> memref<1x1x1x196x256xi32, #tpu.memory_space<hbm>>
      %dma_wait3A_213 = tpu.memref_squeeze %dma_wait3A_212 : memref<1x1x1x196x256xi32, #tpu.memory_space<hbm>> -> memref<196x256xi32, #tpu.memory_space<hbm>>
      %dma_wait3A_214 = arith.constant 0 : i32
      %dma_wait3A_215 = arith.constant 0 : i32
      %dma_wait3A_216 = tpu.memref_slice %arg3[%arg0, %run_scoped3A_79, %arg1, %dma_wait3A_214, %dma_wait3A_215] : memref<2x4x16x196x256xi32, #tpu.memory_space<hbm>> -> memref<1x1x1x196x256xi32, #tpu.memory_space<hbm>>
      %dma_wait3A_217 = tpu.memref_squeeze %dma_wait3A_216 : memref<1x1x1x196x256xi32, #tpu.memory_space<hbm>> -> memref<196x256xi32, #tpu.memory_space<hbm>>
      tpu.wait_dma2 semaphore(%run_scoped3A_203 : memref<!tpu.dma_semaphore, #tpu.memory_space<semaphore_mem>>) src(%dma_wait3A_217 : memref<196x256xi32, #tpu.memory_space<hbm>>) dst(%arg7 : memref<196x256xi32, #tpu.memory_space<vmem>>)
      tpu.yield
    }) : () -> ()
    %barrier3A_80 = arith.constant 0 : index
    tpu.barrier barrier_id(%barrier3A_80)
    %scan3A_81 = arith.constant 0 : i32
    %scan3A_82 = arith.constant 0 : i32
    %scan3A_83 = arith.constant 196 : i32
    %scan3A_84 = arith.addi %scan3A_82, %scan3A_83 : i32
    %scan3A_85 = arith.constant 1 : i32
    scf.for %scan3A_203 = %scan3A_82 to %scan3A_84 step %scan3A_85  : i32 {
      %dma_start3A = arith.constant 0 : i32
      %dma_start3A_204 = tpu.memref_slice %arg7[%scan3A_203, %dma_start3A] : memref<196x256xi32, #tpu.memory_space<vmem>> -> memref<1x256xi32, #tpu.memory_space<vmem>>
      %dma_start3A_205 = tpu.memref_squeeze %dma_start3A_204 : memref<1x256xi32, #tpu.memory_space<vmem>> -> memref<256xi32, #tpu.memory_space<vmem>>
      %dma_start3A_206 = arith.constant 0 : i32
      %dma_start3A_207 = arith.constant 0 : i32
      %dma_start3A_208 = tpu.memref_slice %arg2[%dma_start3A_206, %dma_start3A_207] : memref<401408x8xf32, #tpu.memory_space<hbm>> -> memref<401408x8xf32, #tpu.memory_space<hbm>>
      tpu.enqueue_indirect_dma source(%dma_start3A_208 : memref<401408x8xf32, #tpu.memory_space<hbm>>) target(%arg9 : memref<256x8xf32, #tpu.memory_space<vmem>>) offsets(%dma_start3A_205 : memref<256xi32, #tpu.memory_space<vmem>>) semaphore(%arg11 : memref<!tpu.dma_semaphore, #tpu.memory_space<semaphore_mem>>)
      %dma_wait3A = arith.constant 0 : i32
      %dma_wait3A_209 = tpu.memref_slice %arg7[%scan3A_203, %dma_wait3A] : memref<196x256xi32, #tpu.memory_space<vmem>> -> memref<1x256xi32, #tpu.memory_space<vmem>>
      %dma_wait3A_210 = tpu.memref_squeeze %dma_wait3A_209 : memref<1x256xi32, #tpu.memory_space<vmem>> -> memref<256xi32, #tpu.memory_space<vmem>>
      %dma_wait3A_211 = arith.constant 0 : i32
      %dma_wait3A_212 = arith.constant 0 : i32
      %dma_wait3A_213 = tpu.memref_slice %arg2[%dma_wait3A_211, %dma_wait3A_212] : memref<401408x8xf32, #tpu.memory_space<hbm>> -> memref<401408x8xf32, #tpu.memory_space<hbm>>
      tpu.wait_indirect_dma semaphore(%arg11 : memref<!tpu.dma_semaphore, #tpu.memory_space<semaphore_mem>>) src(%dma_wait3A_213 : memref<401408x8xf32, #tpu.memory_space<hbm>>) dst(%arg9 : memref<256x8xf32, #tpu.memory_space<vmem>>)
      "tpu.region"() ({
        %run_scoped3A_214 = tpu.sem_alloc : memref<!tpu.dma_semaphore, #tpu.memory_space<semaphore_mem>>
        %dma_start3A_215 = arith.constant 0 : i32
        %dma_start3A_216 = tpu.memref_slice %arg8[%scan3A_203, %dma_start3A_215] : memref<196x256xi32, #tpu.memory_space<vmem>> -> memref<1x256xi32, #tpu.memory_space<vmem>>
        %dma_start3A_217 = tpu.memref_squeeze %dma_start3A_216 : memref<1x256xi32, #tpu.memory_space<vmem>> -> memref<256xi32, #tpu.memory_space<vmem>>
        %dma_start3A_218 = arith.constant 0 : i32
        %dma_start3A_219 = arith.constant 0 : i32
        %dma_start3A_220 = tpu.memref_slice %arg12[%dma_start3A_218, %dma_start3A_219] : memref<50176x8xf32, #tpu.memory_space<vmem_shared>> -> memref<50176x8xf32, #tpu.memory_space<vmem_shared>>
        tpu.enqueue_indirect_dma source(%arg9 : memref<256x8xf32, #tpu.memory_space<vmem>>) target(%dma_start3A_220 : memref<50176x8xf32, #tpu.memory_space<vmem_shared>>) offsets(%dma_start3A_217 : memref<256xi32, #tpu.memory_space<vmem>>) semaphore(%run_scoped3A_214 : memref<!tpu.dma_semaphore, #tpu.memory_space<semaphore_mem>>) {add = true}
        %dma_wait3A_221 = arith.constant 0 : i32
        %dma_wait3A_222 = tpu.memref_slice %arg8[%scan3A_203, %dma_wait3A_221] : memref<196x256xi32, #tpu.memory_space<vmem>> -> memref<1x256xi32, #tpu.memory_space<vmem>>
        %dma_wait3A_223 = tpu.memref_squeeze %dma_wait3A_222 : memref<1x256xi32, #tpu.memory_space<vmem>> -> memref<256xi32, #tpu.memory_space<vmem>>
        %dma_wait3A_224 = arith.constant 0 : i32
        %dma_wait3A_225 = arith.constant 0 : i32
        %dma_wait3A_226 = tpu.memref_slice %arg12[%dma_wait3A_224, %dma_wait3A_225] : memref<50176x8xf32, #tpu.memory_space<vmem_shared>> -> memref<50176x8xf32, #tpu.memory_space<vmem_shared>>
        tpu.wait_indirect_dma semaphore(%run_scoped3A_214 : memref<!tpu.dma_semaphore, #tpu.memory_space<semaphore_mem>>) src(%arg9 : memref<256x8xf32, #tpu.memory_space<vmem>>) dst(%dma_wait3A_226 : memref<50176x8xf32, #tpu.memory_space<vmem_shared>>)
        tpu.yield
      }) : () -> ()
    }
    %scan3A_86 = arith.constant 196 : i32
    %barrier3A_87 = arith.constant 0 : index
    tpu.barrier barrier_id(%barrier3A_87)
    %mul3A_88 = arith.constant 3136 : i32
    %mul3A_89 = arith.muli %arg1, %mul3A_88 : i32
    %mul3A_90 = arith.constant 4 : i32
    %mul3A_91 = arith.muli %mul3A_90, %arg0 : i32
    %add3A_92 = arith.constant 1 : i32
    %add3A_93 = arith.addi %mul3A_91, %add3A_92 : i32
    %mul3A_94 = arith.constant 50176 : i32
    %mul3A_95 = arith.muli %add3A_93, %mul3A_94 : i32
    %mul3A_96 = arith.constant 3136 : i32
    %mul3A_97 = arith.muli %arg1, %mul3A_96 : i32
    %add3A_98 = arith.addi %mul3A_95, %mul3A_97 : i32
    "tpu.region"() ({
      %run_scoped3A_203 = tpu.sem_alloc : memref<!tpu.dma_semaphore, #tpu.memory_space<semaphore_mem>>
      %dma_start3A = arith.constant 0 : i32
      %dma_start3A_204 = tpu.memref_slice %arg6[%add3A_98, %dma_start3A] : memref<401408x8xf32, #tpu.memory_space<hbm>> -> memref<3136x8xf32, #tpu.memory_space<hbm>>
      %dma_start3A_205 = arith.constant 0 : i32
      %dma_start3A_206 = tpu.memref_slice %arg12[%mul3A_89, %dma_start3A_205] : memref<50176x8xf32, #tpu.memory_space<vmem_shared>> -> memref<3136x8xf32, #tpu.memory_space<vmem_shared>>
      tpu.enqueue_dma source(%dma_start3A_206 : memref<3136x8xf32, #tpu.memory_space<vmem_shared>>) target(%dma_start3A_204 : memref<3136x8xf32, #tpu.memory_space<hbm>>) target_semaphore(%run_scoped3A_203 : memref<!tpu.dma_semaphore, #tpu.memory_space<semaphore_mem>>)
      %dma_wait3A = arith.constant 0 : i32
      %dma_wait3A_207 = tpu.memref_slice %arg6[%add3A_98, %dma_wait3A] : memref<401408x8xf32, #tpu.memory_space<hbm>> -> memref<3136x8xf32, #tpu.memory_space<hbm>>
      %dma_wait3A_208 = arith.constant 0 : i32
      %dma_wait3A_209 = tpu.memref_slice %arg12[%mul3A_89, %dma_wait3A_208] : memref<50176x8xf32, #tpu.memory_space<vmem_shared>> -> memref<3136x8xf32, #tpu.memory_space<vmem_shared>>
      tpu.wait_dma2 semaphore(%run_scoped3A_203 : memref<!tpu.dma_semaphore, #tpu.memory_space<semaphore_mem>>) src(%dma_wait3A_209 : memref<3136x8xf32, #tpu.memory_space<vmem_shared>>) dst(%dma_wait3A_207 : memref<3136x8xf32, #tpu.memory_space<hbm>>)
      tpu.yield
    }) : () -> ()
    %mul3A_99 = arith.constant 3136 : i32
    %mul3A_100 = arith.muli %arg1, %mul3A_99 : i32
    %add3A_101 = arith.constant 0 : i32
    %add3A_102 = arith.addi %mul3A_100, %add3A_101 : i32
    "tpu.region"() ({
      %run_scoped3A_203 = tpu.sem_alloc : memref<!tpu.dma_semaphore, #tpu.memory_space<semaphore_mem>>
      %dma_start3A = arith.constant 0 : i32
      %dma_start3A_204 = tpu.memref_slice %arg12[%add3A_102, %dma_start3A] : memref<50176x8xf32, #tpu.memory_space<vmem_shared>> -> memref<392x8xf32, #tpu.memory_space<vmem_shared>>
      %dma_start3A_205 = arith.constant 0 : i32
      %dma_start3A_206 = tpu.memref_slice %arg12[%add3A_102, %dma_start3A_205] : memref<50176x8xf32, #tpu.memory_space<vmem_shared>> -> memref<392x8xf32, #tpu.memory_space<vmem_shared>>
      tpu.enqueue_dma source(%arg10 : memref<392x8xf32, #tpu.memory_space<vmem>>) target(%dma_start3A_206 : memref<392x8xf32, #tpu.memory_space<vmem_shared>>) target_semaphore(%run_scoped3A_203 : memref<!tpu.dma_semaphore, #tpu.memory_space<semaphore_mem>>)
      %dma_wait3A = arith.constant 0 : i32
      %dma_wait3A_207 = tpu.memref_slice %arg12[%add3A_102, %dma_wait3A] : memref<50176x8xf32, #tpu.memory_space<vmem_shared>> -> memref<392x8xf32, #tpu.memory_space<vmem_shared>>
      %dma_wait3A_208 = arith.constant 0 : i32
      %dma_wait3A_209 = tpu.memref_slice %arg12[%add3A_102, %dma_wait3A_208] : memref<50176x8xf32, #tpu.memory_space<vmem_shared>> -> memref<392x8xf32, #tpu.memory_space<vmem_shared>>
      tpu.wait_dma2 semaphore(%run_scoped3A_203 : memref<!tpu.dma_semaphore, #tpu.memory_space<semaphore_mem>>) src(%arg10 : memref<392x8xf32, #tpu.memory_space<vmem>>) dst(%dma_wait3A_209 : memref<392x8xf32, #tpu.memory_space<vmem_shared>>)
      tpu.yield
    }) : () -> ()
    %mul3A_103 = arith.constant 3136 : i32
    %mul3A_104 = arith.muli %arg1, %mul3A_103 : i32
    %add3A_105 = arith.constant 392 : i32
    %add3A_106 = arith.addi %mul3A_104, %add3A_105 : i32
    "tpu.region"() ({
      %run_scoped3A_203 = tpu.sem_alloc : memref<!tpu.dma_semaphore, #tpu.memory_space<semaphore_mem>>
      %dma_start3A = arith.constant 0 : i32
      %dma_start3A_204 = tpu.memref_slice %arg12[%add3A_106, %dma_start3A] : memref<50176x8xf32, #tpu.memory_space<vmem_shared>> -> memref<392x8xf32, #tpu.memory_space<vmem_shared>>
      %dma_start3A_205 = arith.constant 0 : i32
      %dma_start3A_206 = tpu.memref_slice %arg12[%add3A_106, %dma_start3A_205] : memref<50176x8xf32, #tpu.memory_space<vmem_shared>> -> memref<392x8xf32, #tpu.memory_space<vmem_shared>>
      tpu.enqueue_dma source(%arg10 : memref<392x8xf32, #tpu.memory_space<vmem>>) target(%dma_start3A_206 : memref<392x8xf32, #tpu.memory_space<vmem_shared>>) target_semaphore(%run_scoped3A_203 : memref<!tpu.dma_semaphore, #tpu.memory_space<semaphore_mem>>)
      %dma_wait3A = arith.constant 0 : i32
      %dma_wait3A_207 = tpu.memref_slice %arg12[%add3A_106, %dma_wait3A] : memref<50176x8xf32, #tpu.memory_space<vmem_shared>> -> memref<392x8xf32, #tpu.memory_space<vmem_shared>>
      %dma_wait3A_208 = arith.constant 0 : i32
      %dma_wait3A_209 = tpu.memref_slice %arg12[%add3A_106, %dma_wait3A_208] : memref<50176x8xf32, #tpu.memory_space<vmem_shared>> -> memref<392x8xf32, #tpu.memory_space<vmem_shared>>
      tpu.wait_dma2 semaphore(%run_scoped3A_203 : memref<!tpu.dma_semaphore, #tpu.memory_space<semaphore_mem>>) src(%arg10 : memref<392x8xf32, #tpu.memory_space<vmem>>) dst(%dma_wait3A_209 : memref<392x8xf32, #tpu.memory_space<vmem_shared>>)
      tpu.yield
    }) : () -> ()
    %mul3A_107 = arith.constant 3136 : i32
    %mul3A_108 = arith.muli %arg1, %mul3A_107 : i32
    %add3A_109 = arith.constant 784 : i32
    %add3A_110 = arith.addi %mul3A_108, %add3A_109 : i32
    "tpu.region"() ({
      %run_scoped3A_203 = tpu.sem_alloc : memref<!tpu.dma_semaphore, #tpu.memory_space<semaphore_mem>>
      %dma_start3A = arith.constant 0 : i32
      %dma_start3A_204 = tpu.memref_slice %arg12[%add3A_110, %dma_start3A] : memref<50176x8xf32, #tpu.memory_space<vmem_shared>> -> memref<392x8xf32, #tpu.memory_space<vmem_shared>>
      %dma_start3A_205 = arith.constant 0 : i32
      %dma_start3A_206 = tpu.memref_slice %arg12[%add3A_110, %dma_start3A_205] : memref<50176x8xf32, #tpu.memory_space<vmem_shared>> -> memref<392x8xf32, #tpu.memory_space<vmem_shared>>
      tpu.enqueue_dma source(%arg10 : memref<392x8xf32, #tpu.memory_space<vmem>>) target(%dma_start3A_206 : memref<392x8xf32, #tpu.memory_space<vmem_shared>>) target_semaphore(%run_scoped3A_203 : memref<!tpu.dma_semaphore, #tpu.memory_space<semaphore_mem>>)
      %dma_wait3A = arith.constant 0 : i32
      %dma_wait3A_207 = tpu.memref_slice %arg12[%add3A_110, %dma_wait3A] : memref<50176x8xf32, #tpu.memory_space<vmem_shared>> -> memref<392x8xf32, #tpu.memory_space<vmem_shared>>
      %dma_wait3A_208 = arith.constant 0 : i32
      %dma_wait3A_209 = tpu.memref_slice %arg12[%add3A_110, %dma_wait3A_208] : memref<50176x8xf32, #tpu.memory_space<vmem_shared>> -> memref<392x8xf32, #tpu.memory_space<vmem_shared>>
      tpu.wait_dma2 semaphore(%run_scoped3A_203 : memref<!tpu.dma_semaphore, #tpu.memory_space<semaphore_mem>>) src(%arg10 : memref<392x8xf32, #tpu.memory_space<vmem>>) dst(%dma_wait3A_209 : memref<392x8xf32, #tpu.memory_space<vmem_shared>>)
      tpu.yield
    }) : () -> ()
    %mul3A_111 = arith.constant 3136 : i32
    %mul3A_112 = arith.muli %arg1, %mul3A_111 : i32
    %add3A_113 = arith.constant 1176 : i32
    %add3A_114 = arith.addi %mul3A_112, %add3A_113 : i32
    "tpu.region"() ({
      %run_scoped3A_203 = tpu.sem_alloc : memref<!tpu.dma_semaphore, #tpu.memory_space<semaphore_mem>>
      %dma_start3A = arith.constant 0 : i32
      %dma_start3A_204 = tpu.memref_slice %arg12[%add3A_114, %dma_start3A] : memref<50176x8xf32, #tpu.memory_space<vmem_shared>> -> memref<392x8xf32, #tpu.memory_space<vmem_shared>>
      %dma_start3A_205 = arith.constant 0 : i32
      %dma_start3A_206 = tpu.memref_slice %arg12[%add3A_114, %dma_start3A_205] : memref<50176x8xf32, #tpu.memory_space<vmem_shared>> -> memref<392x8xf32, #tpu.memory_space<vmem_shared>>
      tpu.enqueue_dma source(%arg10 : memref<392x8xf32, #tpu.memory_space<vmem>>) target(%dma_start3A_206 : memref<392x8xf32, #tpu.memory_space<vmem_shared>>) target_semaphore(%run_scoped3A_203 : memref<!tpu.dma_semaphore, #tpu.memory_space<semaphore_mem>>)
      %dma_wait3A = arith.constant 0 : i32
      %dma_wait3A_207 = tpu.memref_slice %arg12[%add3A_114, %dma_wait3A] : memref<50176x8xf32, #tpu.memory_space<vmem_shared>> -> memref<392x8xf32, #tpu.memory_space<vmem_shared>>
      %dma_wait3A_208 = arith.constant 0 : i32
      %dma_wait3A_209 = tpu.memref_slice %arg12[%add3A_114, %dma_wait3A_208] : memref<50176x8xf32, #tpu.memory_space<vmem_shared>> -> memref<392x8xf32, #tpu.memory_space<vmem_shared>>
      tpu.wait_dma2 semaphore(%run_scoped3A_203 : memref<!tpu.dma_semaphore, #tpu.memory_space<semaphore_mem>>) src(%arg10 : memref<392x8xf32, #tpu.memory_space<vmem>>) dst(%dma_wait3A_209 : memref<392x8xf32, #tpu.memory_space<vmem_shared>>)
      tpu.yield
    }) : () -> ()
    %mul3A_115 = arith.constant 3136 : i32
    %mul3A_116 = arith.muli %arg1, %mul3A_115 : i32
    %add3A_117 = arith.constant 1568 : i32
    %add3A_118 = arith.addi %mul3A_116, %add3A_117 : i32
    "tpu.region"() ({
      %run_scoped3A_203 = tpu.sem_alloc : memref<!tpu.dma_semaphore, #tpu.memory_space<semaphore_mem>>
      %dma_start3A = arith.constant 0 : i32
      %dma_start3A_204 = tpu.memref_slice %arg12[%add3A_118, %dma_start3A] : memref<50176x8xf32, #tpu.memory_space<vmem_shared>> -> memref<392x8xf32, #tpu.memory_space<vmem_shared>>
      %dma_start3A_205 = arith.constant 0 : i32
      %dma_start3A_206 = tpu.memref_slice %arg12[%add3A_118, %dma_start3A_205] : memref<50176x8xf32, #tpu.memory_space<vmem_shared>> -> memref<392x8xf32, #tpu.memory_space<vmem_shared>>
      tpu.enqueue_dma source(%arg10 : memref<392x8xf32, #tpu.memory_space<vmem>>) target(%dma_start3A_206 : memref<392x8xf32, #tpu.memory_space<vmem_shared>>) target_semaphore(%run_scoped3A_203 : memref<!tpu.dma_semaphore, #tpu.memory_space<semaphore_mem>>)
      %dma_wait3A = arith.constant 0 : i32
      %dma_wait3A_207 = tpu.memref_slice %arg12[%add3A_118, %dma_wait3A] : memref<50176x8xf32, #tpu.memory_space<vmem_shared>> -> memref<392x8xf32, #tpu.memory_space<vmem_shared>>
      %dma_wait3A_208 = arith.constant 0 : i32
      %dma_wait3A_209 = tpu.memref_slice %arg12[%add3A_118, %dma_wait3A_208] : memref<50176x8xf32, #tpu.memory_space<vmem_shared>> -> memref<392x8xf32, #tpu.memory_space<vmem_shared>>
      tpu.wait_dma2 semaphore(%run_scoped3A_203 : memref<!tpu.dma_semaphore, #tpu.memory_space<semaphore_mem>>) src(%arg10 : memref<392x8xf32, #tpu.memory_space<vmem>>) dst(%dma_wait3A_209 : memref<392x8xf32, #tpu.memory_space<vmem_shared>>)
      tpu.yield
    }) : () -> ()
    %mul3A_119 = arith.constant 3136 : i32
    %mul3A_120 = arith.muli %arg1, %mul3A_119 : i32
    %add3A_121 = arith.constant 1960 : i32
    %add3A_122 = arith.addi %mul3A_120, %add3A_121 : i32
    "tpu.region"() ({
      %run_scoped3A_203 = tpu.sem_alloc : memref<!tpu.dma_semaphore, #tpu.memory_space<semaphore_mem>>
      %dma_start3A = arith.constant 0 : i32
      %dma_start3A_204 = tpu.memref_slice %arg12[%add3A_122, %dma_start3A] : memref<50176x8xf32, #tpu.memory_space<vmem_shared>> -> memref<392x8xf32, #tpu.memory_space<vmem_shared>>
      %dma_start3A_205 = arith.constant 0 : i32
      %dma_start3A_206 = tpu.memref_slice %arg12[%add3A_122, %dma_start3A_205] : memref<50176x8xf32, #tpu.memory_space<vmem_shared>> -> memref<392x8xf32, #tpu.memory_space<vmem_shared>>
      tpu.enqueue_dma source(%arg10 : memref<392x8xf32, #tpu.memory_space<vmem>>) target(%dma_start3A_206 : memref<392x8xf32, #tpu.memory_space<vmem_shared>>) target_semaphore(%run_scoped3A_203 : memref<!tpu.dma_semaphore, #tpu.memory_space<semaphore_mem>>)
      %dma_wait3A = arith.constant 0 : i32
      %dma_wait3A_207 = tpu.memref_slice %arg12[%add3A_122, %dma_wait3A] : memref<50176x8xf32, #tpu.memory_space<vmem_shared>> -> memref<392x8xf32, #tpu.memory_space<vmem_shared>>
      %dma_wait3A_208 = arith.constant 0 : i32
      %dma_wait3A_209 = tpu.memref_slice %arg12[%add3A_122, %dma_wait3A_208] : memref<50176x8xf32, #tpu.memory_space<vmem_shared>> -> memref<392x8xf32, #tpu.memory_space<vmem_shared>>
      tpu.wait_dma2 semaphore(%run_scoped3A_203 : memref<!tpu.dma_semaphore, #tpu.memory_space<semaphore_mem>>) src(%arg10 : memref<392x8xf32, #tpu.memory_space<vmem>>) dst(%dma_wait3A_209 : memref<392x8xf32, #tpu.memory_space<vmem_shared>>)
      tpu.yield
    }) : () -> ()
    %mul3A_123 = arith.constant 3136 : i32
    %mul3A_124 = arith.muli %arg1, %mul3A_123 : i32
    %add3A_125 = arith.constant 2352 : i32
    %add3A_126 = arith.addi %mul3A_124, %add3A_125 : i32
    "tpu.region"() ({
      %run_scoped3A_203 = tpu.sem_alloc : memref<!tpu.dma_semaphore, #tpu.memory_space<semaphore_mem>>
      %dma_start3A = arith.constant 0 : i32
      %dma_start3A_204 = tpu.memref_slice %arg12[%add3A_126, %dma_start3A] : memref<50176x8xf32, #tpu.memory_space<vmem_shared>> -> memref<392x8xf32, #tpu.memory_space<vmem_shared>>
      %dma_start3A_205 = arith.constant 0 : i32
      %dma_start3A_206 = tpu.memref_slice %arg12[%add3A_126, %dma_start3A_205] : memref<50176x8xf32, #tpu.memory_space<vmem_shared>> -> memref<392x8xf32, #tpu.memory_space<vmem_shared>>
      tpu.enqueue_dma source(%arg10 : memref<392x8xf32, #tpu.memory_space<vmem>>) target(%dma_start3A_206 : memref<392x8xf32, #tpu.memory_space<vmem_shared>>) target_semaphore(%run_scoped3A_203 : memref<!tpu.dma_semaphore, #tpu.memory_space<semaphore_mem>>)
      %dma_wait3A = arith.constant 0 : i32
      %dma_wait3A_207 = tpu.memref_slice %arg12[%add3A_126, %dma_wait3A] : memref<50176x8xf32, #tpu.memory_space<vmem_shared>> -> memref<392x8xf32, #tpu.memory_space<vmem_shared>>
      %dma_wait3A_208 = arith.constant 0 : i32
      %dma_wait3A_209 = tpu.memref_slice %arg12[%add3A_126, %dma_wait3A_208] : memref<50176x8xf32, #tpu.memory_space<vmem_shared>> -> memref<392x8xf32, #tpu.memory_space<vmem_shared>>
      tpu.wait_dma2 semaphore(%run_scoped3A_203 : memref<!tpu.dma_semaphore, #tpu.memory_space<semaphore_mem>>) src(%arg10 : memref<392x8xf32, #tpu.memory_space<vmem>>) dst(%dma_wait3A_209 : memref<392x8xf32, #tpu.memory_space<vmem_shared>>)
      tpu.yield
    }) : () -> ()
    %mul3A_127 = arith.constant 3136 : i32
    %mul3A_128 = arith.muli %arg1, %mul3A_127 : i32
    %add3A_129 = arith.constant 2744 : i32
    %add3A_130 = arith.addi %mul3A_128, %add3A_129 : i32
    "tpu.region"() ({
      %run_scoped3A_203 = tpu.sem_alloc : memref<!tpu.dma_semaphore, #tpu.memory_space<semaphore_mem>>
      %dma_start3A = arith.constant 0 : i32
      %dma_start3A_204 = tpu.memref_slice %arg12[%add3A_130, %dma_start3A] : memref<50176x8xf32, #tpu.memory_space<vmem_shared>> -> memref<392x8xf32, #tpu.memory_space<vmem_shared>>
      %dma_start3A_205 = arith.constant 0 : i32
      %dma_start3A_206 = tpu.memref_slice %arg12[%add3A_130, %dma_start3A_205] : memref<50176x8xf32, #tpu.memory_space<vmem_shared>> -> memref<392x8xf32, #tpu.memory_space<vmem_shared>>
      tpu.enqueue_dma source(%arg10 : memref<392x8xf32, #tpu.memory_space<vmem>>) target(%dma_start3A_206 : memref<392x8xf32, #tpu.memory_space<vmem_shared>>) target_semaphore(%run_scoped3A_203 : memref<!tpu.dma_semaphore, #tpu.memory_space<semaphore_mem>>)
      %dma_wait3A = arith.constant 0 : i32
      %dma_wait3A_207 = tpu.memref_slice %arg12[%add3A_130, %dma_wait3A] : memref<50176x8xf32, #tpu.memory_space<vmem_shared>> -> memref<392x8xf32, #tpu.memory_space<vmem_shared>>
      %dma_wait3A_208 = arith.constant 0 : i32
      %dma_wait3A_209 = tpu.memref_slice %arg12[%add3A_130, %dma_wait3A_208] : memref<50176x8xf32, #tpu.memory_space<vmem_shared>> -> memref<392x8xf32, #tpu.memory_space<vmem_shared>>
      tpu.wait_dma2 semaphore(%run_scoped3A_203 : memref<!tpu.dma_semaphore, #tpu.memory_space<semaphore_mem>>) src(%arg10 : memref<392x8xf32, #tpu.memory_space<vmem>>) dst(%dma_wait3A_209 : memref<392x8xf32, #tpu.memory_space<vmem_shared>>)
      tpu.yield
    }) : () -> ()
    %run_scoped3A_131 = arith.constant 2 : i32
    "tpu.region"() ({
      %run_scoped3A_203 = tpu.sem_alloc : memref<!tpu.dma_semaphore, #tpu.memory_space<semaphore_mem>>
      %dma_start3A = arith.constant 0 : i32
      %dma_start3A_204 = arith.constant 0 : i32
      %dma_start3A_205 = tpu.memref_slice %arg3[%arg0, %run_scoped3A_131, %arg1, %dma_start3A, %dma_start3A_204] : memref<2x4x16x196x256xi32, #tpu.memory_space<hbm>> -> memref<1x1x1x196x256xi32, #tpu.memory_space<hbm>>
      %dma_start3A_206 = tpu.memref_squeeze %dma_start3A_205 : memref<1x1x1x196x256xi32, #tpu.memory_space<hbm>> -> memref<196x256xi32, #tpu.memory_space<hbm>>
      %dma_start3A_207 = arith.constant 0 : i32
      %dma_start3A_208 = arith.constant 0 : i32
      %dma_start3A_209 = tpu.memref_slice %arg3[%arg0, %run_scoped3A_131, %arg1, %dma_start3A_207, %dma_start3A_208] : memref<2x4x16x196x256xi32, #tpu.memory_space<hbm>> -> memref<1x1x1x196x256xi32, #tpu.memory_space<hbm>>
      %dma_start3A_210 = tpu.memref_squeeze %dma_start3A_209 : memref<1x1x1x196x256xi32, #tpu.memory_space<hbm>> -> memref<196x256xi32, #tpu.memory_space<hbm>>
      tpu.enqueue_dma source(%dma_start3A_210 : memref<196x256xi32, #tpu.memory_space<hbm>>) target(%arg7 : memref<196x256xi32, #tpu.memory_space<vmem>>) target_semaphore(%run_scoped3A_203 : memref<!tpu.dma_semaphore, #tpu.memory_space<semaphore_mem>>)
      %dma_wait3A = arith.constant 0 : i32
      %dma_wait3A_211 = arith.constant 0 : i32
      %dma_wait3A_212 = tpu.memref_slice %arg3[%arg0, %run_scoped3A_131, %arg1, %dma_wait3A, %dma_wait3A_211] : memref<2x4x16x196x256xi32, #tpu.memory_space<hbm>> -> memref<1x1x1x196x256xi32, #tpu.memory_space<hbm>>
      %dma_wait3A_213 = tpu.memref_squeeze %dma_wait3A_212 : memref<1x1x1x196x256xi32, #tpu.memory_space<hbm>> -> memref<196x256xi32, #tpu.memory_space<hbm>>
      %dma_wait3A_214 = arith.constant 0 : i32
      %dma_wait3A_215 = arith.constant 0 : i32
      %dma_wait3A_216 = tpu.memref_slice %arg3[%arg0, %run_scoped3A_131, %arg1, %dma_wait3A_214, %dma_wait3A_215] : memref<2x4x16x196x256xi32, #tpu.memory_space<hbm>> -> memref<1x1x1x196x256xi32, #tpu.memory_space<hbm>>
      %dma_wait3A_217 = tpu.memref_squeeze %dma_wait3A_216 : memref<1x1x1x196x256xi32, #tpu.memory_space<hbm>> -> memref<196x256xi32, #tpu.memory_space<hbm>>
      tpu.wait_dma2 semaphore(%run_scoped3A_203 : memref<!tpu.dma_semaphore, #tpu.memory_space<semaphore_mem>>) src(%dma_wait3A_217 : memref<196x256xi32, #tpu.memory_space<hbm>>) dst(%arg7 : memref<196x256xi32, #tpu.memory_space<vmem>>)
      tpu.yield
    }) : () -> ()
    %barrier3A_132 = arith.constant 0 : index
    tpu.barrier barrier_id(%barrier3A_132)
    %scan3A_133 = arith.constant 0 : i32
    %scan3A_134 = arith.constant 0 : i32
    %scan3A_135 = arith.constant 196 : i32
    %scan3A_136 = arith.addi %scan3A_134, %scan3A_135 : i32
    %scan3A_137 = arith.constant 1 : i32
    scf.for %scan3A_203 = %scan3A_134 to %scan3A_136 step %scan3A_137  : i32 {
      %dma_start3A = arith.constant 0 : i32
      %dma_start3A_204 = tpu.memref_slice %arg7[%scan3A_203, %dma_start3A] : memref<196x256xi32, #tpu.memory_space<vmem>> -> memref<1x256xi32, #tpu.memory_space<vmem>>
      %dma_start3A_205 = tpu.memref_squeeze %dma_start3A_204 : memref<1x256xi32, #tpu.memory_space<vmem>> -> memref<256xi32, #tpu.memory_space<vmem>>
      %dma_start3A_206 = arith.constant 0 : i32
      %dma_start3A_207 = arith.constant 0 : i32
      %dma_start3A_208 = tpu.memref_slice %arg2[%dma_start3A_206, %dma_start3A_207] : memref<401408x8xf32, #tpu.memory_space<hbm>> -> memref<401408x8xf32, #tpu.memory_space<hbm>>
      tpu.enqueue_indirect_dma source(%dma_start3A_208 : memref<401408x8xf32, #tpu.memory_space<hbm>>) target(%arg9 : memref<256x8xf32, #tpu.memory_space<vmem>>) offsets(%dma_start3A_205 : memref<256xi32, #tpu.memory_space<vmem>>) semaphore(%arg11 : memref<!tpu.dma_semaphore, #tpu.memory_space<semaphore_mem>>)
      %dma_wait3A = arith.constant 0 : i32
      %dma_wait3A_209 = tpu.memref_slice %arg7[%scan3A_203, %dma_wait3A] : memref<196x256xi32, #tpu.memory_space<vmem>> -> memref<1x256xi32, #tpu.memory_space<vmem>>
      %dma_wait3A_210 = tpu.memref_squeeze %dma_wait3A_209 : memref<1x256xi32, #tpu.memory_space<vmem>> -> memref<256xi32, #tpu.memory_space<vmem>>
      %dma_wait3A_211 = arith.constant 0 : i32
      %dma_wait3A_212 = arith.constant 0 : i32
      %dma_wait3A_213 = tpu.memref_slice %arg2[%dma_wait3A_211, %dma_wait3A_212] : memref<401408x8xf32, #tpu.memory_space<hbm>> -> memref<401408x8xf32, #tpu.memory_space<hbm>>
      tpu.wait_indirect_dma semaphore(%arg11 : memref<!tpu.dma_semaphore, #tpu.memory_space<semaphore_mem>>) src(%dma_wait3A_213 : memref<401408x8xf32, #tpu.memory_space<hbm>>) dst(%arg9 : memref<256x8xf32, #tpu.memory_space<vmem>>)
      "tpu.region"() ({
        %run_scoped3A_214 = tpu.sem_alloc : memref<!tpu.dma_semaphore, #tpu.memory_space<semaphore_mem>>
        %dma_start3A_215 = arith.constant 0 : i32
        %dma_start3A_216 = tpu.memref_slice %arg8[%scan3A_203, %dma_start3A_215] : memref<196x256xi32, #tpu.memory_space<vmem>> -> memref<1x256xi32, #tpu.memory_space<vmem>>
        %dma_start3A_217 = tpu.memref_squeeze %dma_start3A_216 : memref<1x256xi32, #tpu.memory_space<vmem>> -> memref<256xi32, #tpu.memory_space<vmem>>
        %dma_start3A_218 = arith.constant 0 : i32
        %dma_start3A_219 = arith.constant 0 : i32
        %dma_start3A_220 = tpu.memref_slice %arg12[%dma_start3A_218, %dma_start3A_219] : memref<50176x8xf32, #tpu.memory_space<vmem_shared>> -> memref<50176x8xf32, #tpu.memory_space<vmem_shared>>
        tpu.enqueue_indirect_dma source(%arg9 : memref<256x8xf32, #tpu.memory_space<vmem>>) target(%dma_start3A_220 : memref<50176x8xf32, #tpu.memory_space<vmem_shared>>) offsets(%dma_start3A_217 : memref<256xi32, #tpu.memory_space<vmem>>) semaphore(%run_scoped3A_214 : memref<!tpu.dma_semaphore, #tpu.memory_space<semaphore_mem>>) {add = true}
        %dma_wait3A_221 = arith.constant 0 : i32
        %dma_wait3A_222 = tpu.memref_slice %arg8[%scan3A_203, %dma_wait3A_221] : memref<196x256xi32, #tpu.memory_space<vmem>> -> memref<1x256xi32, #tpu.memory_space<vmem>>
        %dma_wait3A_223 = tpu.memref_squeeze %dma_wait3A_222 : memref<1x256xi32, #tpu.memory_space<vmem>> -> memref<256xi32, #tpu.memory_space<vmem>>
        %dma_wait3A_224 = arith.constant 0 : i32
        %dma_wait3A_225 = arith.constant 0 : i32
        %dma_wait3A_226 = tpu.memref_slice %arg12[%dma_wait3A_224, %dma_wait3A_225] : memref<50176x8xf32, #tpu.memory_space<vmem_shared>> -> memref<50176x8xf32, #tpu.memory_space<vmem_shared>>
        tpu.wait_indirect_dma semaphore(%run_scoped3A_214 : memref<!tpu.dma_semaphore, #tpu.memory_space<semaphore_mem>>) src(%arg9 : memref<256x8xf32, #tpu.memory_space<vmem>>) dst(%dma_wait3A_226 : memref<50176x8xf32, #tpu.memory_space<vmem_shared>>)
        tpu.yield
      }) : () -> ()
    }
    %scan3A_138 = arith.constant 196 : i32
    %barrier3A_139 = arith.constant 0 : index
    tpu.barrier barrier_id(%barrier3A_139)
    %mul3A_140 = arith.constant 3136 : i32
    %mul3A_141 = arith.muli %arg1, %mul3A_140 : i32
    %mul3A_142 = arith.constant 4 : i32
    %mul3A_143 = arith.muli %mul3A_142, %arg0 : i32
    %add3A_144 = arith.constant 2 : i32
    %add3A_145 = arith.addi %mul3A_143, %add3A_144 : i32
    %mul3A_146 = arith.constant 50176 : i32
    %mul3A_147 = arith.muli %add3A_145, %mul3A_146 : i32
    %mul3A_148 = arith.constant 3136 : i32
    %mul3A_149 = arith.muli %arg1, %mul3A_148 : i32
    %add3A_150 = arith.addi %mul3A_147, %mul3A_149 : i32
    "tpu.region"() ({
      %run_scoped3A_203 = tpu.sem_alloc : memref<!tpu.dma_semaphore, #tpu.memory_space<semaphore_mem>>
      %dma_start3A = arith.constant 0 : i32
      %dma_start3A_204 = tpu.memref_slice %arg6[%add3A_150, %dma_start3A] : memref<401408x8xf32, #tpu.memory_space<hbm>> -> memref<3136x8xf32, #tpu.memory_space<hbm>>
      %dma_start3A_205 = arith.constant 0 : i32
      %dma_start3A_206 = tpu.memref_slice %arg12[%mul3A_141, %dma_start3A_205] : memref<50176x8xf32, #tpu.memory_space<vmem_shared>> -> memref<3136x8xf32, #tpu.memory_space<vmem_shared>>
      tpu.enqueue_dma source(%dma_start3A_206 : memref<3136x8xf32, #tpu.memory_space<vmem_shared>>) target(%dma_start3A_204 : memref<3136x8xf32, #tpu.memory_space<hbm>>) target_semaphore(%run_scoped3A_203 : memref<!tpu.dma_semaphore, #tpu.memory_space<semaphore_mem>>)
      %dma_wait3A = arith.constant 0 : i32
      %dma_wait3A_207 = tpu.memref_slice %arg6[%add3A_150, %dma_wait3A] : memref<401408x8xf32, #tpu.memory_space<hbm>> -> memref<3136x8xf32, #tpu.memory_space<hbm>>
      %dma_wait3A_208 = arith.constant 0 : i32
      %dma_wait3A_209 = tpu.memref_slice %arg12[%mul3A_141, %dma_wait3A_208] : memref<50176x8xf32, #tpu.memory_space<vmem_shared>> -> memref<3136x8xf32, #tpu.memory_space<vmem_shared>>
      tpu.wait_dma2 semaphore(%run_scoped3A_203 : memref<!tpu.dma_semaphore, #tpu.memory_space<semaphore_mem>>) src(%dma_wait3A_209 : memref<3136x8xf32, #tpu.memory_space<vmem_shared>>) dst(%dma_wait3A_207 : memref<3136x8xf32, #tpu.memory_space<hbm>>)
      tpu.yield
    }) : () -> ()
    %mul3A_151 = arith.constant 3136 : i32
    %mul3A_152 = arith.muli %arg1, %mul3A_151 : i32
    %add3A_153 = arith.constant 0 : i32
    %add3A_154 = arith.addi %mul3A_152, %add3A_153 : i32
    "tpu.region"() ({
      %run_scoped3A_203 = tpu.sem_alloc : memref<!tpu.dma_semaphore, #tpu.memory_space<semaphore_mem>>
      %dma_start3A = arith.constant 0 : i32
      %dma_start3A_204 = tpu.memref_slice %arg12[%add3A_154, %dma_start3A] : memref<50176x8xf32, #tpu.memory_space<vmem_shared>> -> memref<392x8xf32, #tpu.memory_space<vmem_shared>>
      %dma_start3A_205 = arith.constant 0 : i32
      %dma_start3A_206 = tpu.memref_slice %arg12[%add3A_154, %dma_start3A_205] : memref<50176x8xf32, #tpu.memory_space<vmem_shared>> -> memref<392x8xf32, #tpu.memory_space<vmem_shared>>
      tpu.enqueue_dma source(%arg10 : memref<392x8xf32, #tpu.memory_space<vmem>>) target(%dma_start3A_206 : memref<392x8xf32, #tpu.memory_space<vmem_shared>>) target_semaphore(%run_scoped3A_203 : memref<!tpu.dma_semaphore, #tpu.memory_space<semaphore_mem>>)
      %dma_wait3A = arith.constant 0 : i32
      %dma_wait3A_207 = tpu.memref_slice %arg12[%add3A_154, %dma_wait3A] : memref<50176x8xf32, #tpu.memory_space<vmem_shared>> -> memref<392x8xf32, #tpu.memory_space<vmem_shared>>
      %dma_wait3A_208 = arith.constant 0 : i32
      %dma_wait3A_209 = tpu.memref_slice %arg12[%add3A_154, %dma_wait3A_208] : memref<50176x8xf32, #tpu.memory_space<vmem_shared>> -> memref<392x8xf32, #tpu.memory_space<vmem_shared>>
      tpu.wait_dma2 semaphore(%run_scoped3A_203 : memref<!tpu.dma_semaphore, #tpu.memory_space<semaphore_mem>>) src(%arg10 : memref<392x8xf32, #tpu.memory_space<vmem>>) dst(%dma_wait3A_209 : memref<392x8xf32, #tpu.memory_space<vmem_shared>>)
      tpu.yield
    }) : () -> ()
    %mul3A_155 = arith.constant 3136 : i32
    %mul3A_156 = arith.muli %arg1, %mul3A_155 : i32
    %add3A_157 = arith.constant 392 : i32
    %add3A_158 = arith.addi %mul3A_156, %add3A_157 : i32
    "tpu.region"() ({
      %run_scoped3A_203 = tpu.sem_alloc : memref<!tpu.dma_semaphore, #tpu.memory_space<semaphore_mem>>
      %dma_start3A = arith.constant 0 : i32
      %dma_start3A_204 = tpu.memref_slice %arg12[%add3A_158, %dma_start3A] : memref<50176x8xf32, #tpu.memory_space<vmem_shared>> -> memref<392x8xf32, #tpu.memory_space<vmem_shared>>
      %dma_start3A_205 = arith.constant 0 : i32
      %dma_start3A_206 = tpu.memref_slice %arg12[%add3A_158, %dma_start3A_205] : memref<50176x8xf32, #tpu.memory_space<vmem_shared>> -> memref<392x8xf32, #tpu.memory_space<vmem_shared>>
      tpu.enqueue_dma source(%arg10 : memref<392x8xf32, #tpu.memory_space<vmem>>) target(%dma_start3A_206 : memref<392x8xf32, #tpu.memory_space<vmem_shared>>) target_semaphore(%run_scoped3A_203 : memref<!tpu.dma_semaphore, #tpu.memory_space<semaphore_mem>>)
      %dma_wait3A = arith.constant 0 : i32
      %dma_wait3A_207 = tpu.memref_slice %arg12[%add3A_158, %dma_wait3A] : memref<50176x8xf32, #tpu.memory_space<vmem_shared>> -> memref<392x8xf32, #tpu.memory_space<vmem_shared>>
      %dma_wait3A_208 = arith.constant 0 : i32
      %dma_wait3A_209 = tpu.memref_slice %arg12[%add3A_158, %dma_wait3A_208] : memref<50176x8xf32, #tpu.memory_space<vmem_shared>> -> memref<392x8xf32, #tpu.memory_space<vmem_shared>>
      tpu.wait_dma2 semaphore(%run_scoped3A_203 : memref<!tpu.dma_semaphore, #tpu.memory_space<semaphore_mem>>) src(%arg10 : memref<392x8xf32, #tpu.memory_space<vmem>>) dst(%dma_wait3A_209 : memref<392x8xf32, #tpu.memory_space<vmem_shared>>)
      tpu.yield
    }) : () -> ()
    %mul3A_159 = arith.constant 3136 : i32
    %mul3A_160 = arith.muli %arg1, %mul3A_159 : i32
    %add3A_161 = arith.constant 784 : i32
    %add3A_162 = arith.addi %mul3A_160, %add3A_161 : i32
    "tpu.region"() ({
      %run_scoped3A_203 = tpu.sem_alloc : memref<!tpu.dma_semaphore, #tpu.memory_space<semaphore_mem>>
      %dma_start3A = arith.constant 0 : i32
      %dma_start3A_204 = tpu.memref_slice %arg12[%add3A_162, %dma_start3A] : memref<50176x8xf32, #tpu.memory_space<vmem_shared>> -> memref<392x8xf32, #tpu.memory_space<vmem_shared>>
      %dma_start3A_205 = arith.constant 0 : i32
      %dma_start3A_206 = tpu.memref_slice %arg12[%add3A_162, %dma_start3A_205] : memref<50176x8xf32, #tpu.memory_space<vmem_shared>> -> memref<392x8xf32, #tpu.memory_space<vmem_shared>>
      tpu.enqueue_dma source(%arg10 : memref<392x8xf32, #tpu.memory_space<vmem>>) target(%dma_start3A_206 : memref<392x8xf32, #tpu.memory_space<vmem_shared>>) target_semaphore(%run_scoped3A_203 : memref<!tpu.dma_semaphore, #tpu.memory_space<semaphore_mem>>)
      %dma_wait3A = arith.constant 0 : i32
      %dma_wait3A_207 = tpu.memref_slice %arg12[%add3A_162, %dma_wait3A] : memref<50176x8xf32, #tpu.memory_space<vmem_shared>> -> memref<392x8xf32, #tpu.memory_space<vmem_shared>>
      %dma_wait3A_208 = arith.constant 0 : i32
      %dma_wait3A_209 = tpu.memref_slice %arg12[%add3A_162, %dma_wait3A_208] : memref<50176x8xf32, #tpu.memory_space<vmem_shared>> -> memref<392x8xf32, #tpu.memory_space<vmem_shared>>
      tpu.wait_dma2 semaphore(%run_scoped3A_203 : memref<!tpu.dma_semaphore, #tpu.memory_space<semaphore_mem>>) src(%arg10 : memref<392x8xf32, #tpu.memory_space<vmem>>) dst(%dma_wait3A_209 : memref<392x8xf32, #tpu.memory_space<vmem_shared>>)
      tpu.yield
    }) : () -> ()
    %mul3A_163 = arith.constant 3136 : i32
    %mul3A_164 = arith.muli %arg1, %mul3A_163 : i32
    %add3A_165 = arith.constant 1176 : i32
    %add3A_166 = arith.addi %mul3A_164, %add3A_165 : i32
    "tpu.region"() ({
      %run_scoped3A_203 = tpu.sem_alloc : memref<!tpu.dma_semaphore, #tpu.memory_space<semaphore_mem>>
      %dma_start3A = arith.constant 0 : i32
      %dma_start3A_204 = tpu.memref_slice %arg12[%add3A_166, %dma_start3A] : memref<50176x8xf32, #tpu.memory_space<vmem_shared>> -> memref<392x8xf32, #tpu.memory_space<vmem_shared>>
      %dma_start3A_205 = arith.constant 0 : i32
      %dma_start3A_206 = tpu.memref_slice %arg12[%add3A_166, %dma_start3A_205] : memref<50176x8xf32, #tpu.memory_space<vmem_shared>> -> memref<392x8xf32, #tpu.memory_space<vmem_shared>>
      tpu.enqueue_dma source(%arg10 : memref<392x8xf32, #tpu.memory_space<vmem>>) target(%dma_start3A_206 : memref<392x8xf32, #tpu.memory_space<vmem_shared>>) target_semaphore(%run_scoped3A_203 : memref<!tpu.dma_semaphore, #tpu.memory_space<semaphore_mem>>)
      %dma_wait3A = arith.constant 0 : i32
      %dma_wait3A_207 = tpu.memref_slice %arg12[%add3A_166, %dma_wait3A] : memref<50176x8xf32, #tpu.memory_space<vmem_shared>> -> memref<392x8xf32, #tpu.memory_space<vmem_shared>>
      %dma_wait3A_208 = arith.constant 0 : i32
      %dma_wait3A_209 = tpu.memref_slice %arg12[%add3A_166, %dma_wait3A_208] : memref<50176x8xf32, #tpu.memory_space<vmem_shared>> -> memref<392x8xf32, #tpu.memory_space<vmem_shared>>
      tpu.wait_dma2 semaphore(%run_scoped3A_203 : memref<!tpu.dma_semaphore, #tpu.memory_space<semaphore_mem>>) src(%arg10 : memref<392x8xf32, #tpu.memory_space<vmem>>) dst(%dma_wait3A_209 : memref<392x8xf32, #tpu.memory_space<vmem_shared>>)
      tpu.yield
    }) : () -> ()
    %mul3A_167 = arith.constant 3136 : i32
    %mul3A_168 = arith.muli %arg1, %mul3A_167 : i32
    %add3A_169 = arith.constant 1568 : i32
    %add3A_170 = arith.addi %mul3A_168, %add3A_169 : i32
    "tpu.region"() ({
      %run_scoped3A_203 = tpu.sem_alloc : memref<!tpu.dma_semaphore, #tpu.memory_space<semaphore_mem>>
      %dma_start3A = arith.constant 0 : i32
      %dma_start3A_204 = tpu.memref_slice %arg12[%add3A_170, %dma_start3A] : memref<50176x8xf32, #tpu.memory_space<vmem_shared>> -> memref<392x8xf32, #tpu.memory_space<vmem_shared>>
      %dma_start3A_205 = arith.constant 0 : i32
      %dma_start3A_206 = tpu.memref_slice %arg12[%add3A_170, %dma_start3A_205] : memref<50176x8xf32, #tpu.memory_space<vmem_shared>> -> memref<392x8xf32, #tpu.memory_space<vmem_shared>>
      tpu.enqueue_dma source(%arg10 : memref<392x8xf32, #tpu.memory_space<vmem>>) target(%dma_start3A_206 : memref<392x8xf32, #tpu.memory_space<vmem_shared>>) target_semaphore(%run_scoped3A_203 : memref<!tpu.dma_semaphore, #tpu.memory_space<semaphore_mem>>)
      %dma_wait3A = arith.constant 0 : i32
      %dma_wait3A_207 = tpu.memref_slice %arg12[%add3A_170, %dma_wait3A] : memref<50176x8xf32, #tpu.memory_space<vmem_shared>> -> memref<392x8xf32, #tpu.memory_space<vmem_shared>>
      %dma_wait3A_208 = arith.constant 0 : i32
      %dma_wait3A_209 = tpu.memref_slice %arg12[%add3A_170, %dma_wait3A_208] : memref<50176x8xf32, #tpu.memory_space<vmem_shared>> -> memref<392x8xf32, #tpu.memory_space<vmem_shared>>
      tpu.wait_dma2 semaphore(%run_scoped3A_203 : memref<!tpu.dma_semaphore, #tpu.memory_space<semaphore_mem>>) src(%arg10 : memref<392x8xf32, #tpu.memory_space<vmem>>) dst(%dma_wait3A_209 : memref<392x8xf32, #tpu.memory_space<vmem_shared>>)
      tpu.yield
    }) : () -> ()
    %mul3A_171 = arith.constant 3136 : i32
    %mul3A_172 = arith.muli %arg1, %mul3A_171 : i32
    %add3A_173 = arith.constant 1960 : i32
    %add3A_174 = arith.addi %mul3A_172, %add3A_173 : i32
    "tpu.region"() ({
      %run_scoped3A_203 = tpu.sem_alloc : memref<!tpu.dma_semaphore, #tpu.memory_space<semaphore_mem>>
      %dma_start3A = arith.constant 0 : i32
      %dma_start3A_204 = tpu.memref_slice %arg12[%add3A_174, %dma_start3A] : memref<50176x8xf32, #tpu.memory_space<vmem_shared>> -> memref<392x8xf32, #tpu.memory_space<vmem_shared>>
      %dma_start3A_205 = arith.constant 0 : i32
      %dma_start3A_206 = tpu.memref_slice %arg12[%add3A_174, %dma_start3A_205] : memref<50176x8xf32, #tpu.memory_space<vmem_shared>> -> memref<392x8xf32, #tpu.memory_space<vmem_shared>>
      tpu.enqueue_dma source(%arg10 : memref<392x8xf32, #tpu.memory_space<vmem>>) target(%dma_start3A_206 : memref<392x8xf32, #tpu.memory_space<vmem_shared>>) target_semaphore(%run_scoped3A_203 : memref<!tpu.dma_semaphore, #tpu.memory_space<semaphore_mem>>)
      %dma_wait3A = arith.constant 0 : i32
      %dma_wait3A_207 = tpu.memref_slice %arg12[%add3A_174, %dma_wait3A] : memref<50176x8xf32, #tpu.memory_space<vmem_shared>> -> memref<392x8xf32, #tpu.memory_space<vmem_shared>>
      %dma_wait3A_208 = arith.constant 0 : i32
      %dma_wait3A_209 = tpu.memref_slice %arg12[%add3A_174, %dma_wait3A_208] : memref<50176x8xf32, #tpu.memory_space<vmem_shared>> -> memref<392x8xf32, #tpu.memory_space<vmem_shared>>
      tpu.wait_dma2 semaphore(%run_scoped3A_203 : memref<!tpu.dma_semaphore, #tpu.memory_space<semaphore_mem>>) src(%arg10 : memref<392x8xf32, #tpu.memory_space<vmem>>) dst(%dma_wait3A_209 : memref<392x8xf32, #tpu.memory_space<vmem_shared>>)
      tpu.yield
    }) : () -> ()
    %mul3A_175 = arith.constant 3136 : i32
    %mul3A_176 = arith.muli %arg1, %mul3A_175 : i32
    %add3A_177 = arith.constant 2352 : i32
    %add3A_178 = arith.addi %mul3A_176, %add3A_177 : i32
    "tpu.region"() ({
      %run_scoped3A_203 = tpu.sem_alloc : memref<!tpu.dma_semaphore, #tpu.memory_space<semaphore_mem>>
      %dma_start3A = arith.constant 0 : i32
      %dma_start3A_204 = tpu.memref_slice %arg12[%add3A_178, %dma_start3A] : memref<50176x8xf32, #tpu.memory_space<vmem_shared>> -> memref<392x8xf32, #tpu.memory_space<vmem_shared>>
      %dma_start3A_205 = arith.constant 0 : i32
      %dma_start3A_206 = tpu.memref_slice %arg12[%add3A_178, %dma_start3A_205] : memref<50176x8xf32, #tpu.memory_space<vmem_shared>> -> memref<392x8xf32, #tpu.memory_space<vmem_shared>>
      tpu.enqueue_dma source(%arg10 : memref<392x8xf32, #tpu.memory_space<vmem>>) target(%dma_start3A_206 : memref<392x8xf32, #tpu.memory_space<vmem_shared>>) target_semaphore(%run_scoped3A_203 : memref<!tpu.dma_semaphore, #tpu.memory_space<semaphore_mem>>)
      %dma_wait3A = arith.constant 0 : i32
      %dma_wait3A_207 = tpu.memref_slice %arg12[%add3A_178, %dma_wait3A] : memref<50176x8xf32, #tpu.memory_space<vmem_shared>> -> memref<392x8xf32, #tpu.memory_space<vmem_shared>>
      %dma_wait3A_208 = arith.constant 0 : i32
      %dma_wait3A_209 = tpu.memref_slice %arg12[%add3A_178, %dma_wait3A_208] : memref<50176x8xf32, #tpu.memory_space<vmem_shared>> -> memref<392x8xf32, #tpu.memory_space<vmem_shared>>
      tpu.wait_dma2 semaphore(%run_scoped3A_203 : memref<!tpu.dma_semaphore, #tpu.memory_space<semaphore_mem>>) src(%arg10 : memref<392x8xf32, #tpu.memory_space<vmem>>) dst(%dma_wait3A_209 : memref<392x8xf32, #tpu.memory_space<vmem_shared>>)
      tpu.yield
    }) : () -> ()
    %mul3A_179 = arith.constant 3136 : i32
    %mul3A_180 = arith.muli %arg1, %mul3A_179 : i32
    %add3A_181 = arith.constant 2744 : i32
    %add3A_182 = arith.addi %mul3A_180, %add3A_181 : i32
    "tpu.region"() ({
      %run_scoped3A_203 = tpu.sem_alloc : memref<!tpu.dma_semaphore, #tpu.memory_space<semaphore_mem>>
      %dma_start3A = arith.constant 0 : i32
      %dma_start3A_204 = tpu.memref_slice %arg12[%add3A_182, %dma_start3A] : memref<50176x8xf32, #tpu.memory_space<vmem_shared>> -> memref<392x8xf32, #tpu.memory_space<vmem_shared>>
      %dma_start3A_205 = arith.constant 0 : i32
      %dma_start3A_206 = tpu.memref_slice %arg12[%add3A_182, %dma_start3A_205] : memref<50176x8xf32, #tpu.memory_space<vmem_shared>> -> memref<392x8xf32, #tpu.memory_space<vmem_shared>>
      tpu.enqueue_dma source(%arg10 : memref<392x8xf32, #tpu.memory_space<vmem>>) target(%dma_start3A_206 : memref<392x8xf32, #tpu.memory_space<vmem_shared>>) target_semaphore(%run_scoped3A_203 : memref<!tpu.dma_semaphore, #tpu.memory_space<semaphore_mem>>)
      %dma_wait3A = arith.constant 0 : i32
      %dma_wait3A_207 = tpu.memref_slice %arg12[%add3A_182, %dma_wait3A] : memref<50176x8xf32, #tpu.memory_space<vmem_shared>> -> memref<392x8xf32, #tpu.memory_space<vmem_shared>>
      %dma_wait3A_208 = arith.constant 0 : i32
      %dma_wait3A_209 = tpu.memref_slice %arg12[%add3A_182, %dma_wait3A_208] : memref<50176x8xf32, #tpu.memory_space<vmem_shared>> -> memref<392x8xf32, #tpu.memory_space<vmem_shared>>
      tpu.wait_dma2 semaphore(%run_scoped3A_203 : memref<!tpu.dma_semaphore, #tpu.memory_space<semaphore_mem>>) src(%arg10 : memref<392x8xf32, #tpu.memory_space<vmem>>) dst(%dma_wait3A_209 : memref<392x8xf32, #tpu.memory_space<vmem_shared>>)
      tpu.yield
    }) : () -> ()
    %run_scoped3A_183 = arith.constant 3 : i32
    "tpu.region"() ({
      %run_scoped3A_203 = tpu.sem_alloc : memref<!tpu.dma_semaphore, #tpu.memory_space<semaphore_mem>>
      %dma_start3A = arith.constant 0 : i32
      %dma_start3A_204 = arith.constant 0 : i32
      %dma_start3A_205 = tpu.memref_slice %arg3[%arg0, %run_scoped3A_183, %arg1, %dma_start3A, %dma_start3A_204] : memref<2x4x16x196x256xi32, #tpu.memory_space<hbm>> -> memref<1x1x1x196x256xi32, #tpu.memory_space<hbm>>
      %dma_start3A_206 = tpu.memref_squeeze %dma_start3A_205 : memref<1x1x1x196x256xi32, #tpu.memory_space<hbm>> -> memref<196x256xi32, #tpu.memory_space<hbm>>
      %dma_start3A_207 = arith.constant 0 : i32
      %dma_start3A_208 = arith.constant 0 : i32
      %dma_start3A_209 = tpu.memref_slice %arg3[%arg0, %run_scoped3A_183, %arg1, %dma_start3A_207, %dma_start3A_208] : memref<2x4x16x196x256xi32, #tpu.memory_space<hbm>> -> memref<1x1x1x196x256xi32, #tpu.memory_space<hbm>>
      %dma_start3A_210 = tpu.memref_squeeze %dma_start3A_209 : memref<1x1x1x196x256xi32, #tpu.memory_space<hbm>> -> memref<196x256xi32, #tpu.memory_space<hbm>>
      tpu.enqueue_dma source(%dma_start3A_210 : memref<196x256xi32, #tpu.memory_space<hbm>>) target(%arg7 : memref<196x256xi32, #tpu.memory_space<vmem>>) target_semaphore(%run_scoped3A_203 : memref<!tpu.dma_semaphore, #tpu.memory_space<semaphore_mem>>)
      %dma_wait3A = arith.constant 0 : i32
      %dma_wait3A_211 = arith.constant 0 : i32
      %dma_wait3A_212 = tpu.memref_slice %arg3[%arg0, %run_scoped3A_183, %arg1, %dma_wait3A, %dma_wait3A_211] : memref<2x4x16x196x256xi32, #tpu.memory_space<hbm>> -> memref<1x1x1x196x256xi32, #tpu.memory_space<hbm>>
      %dma_wait3A_213 = tpu.memref_squeeze %dma_wait3A_212 : memref<1x1x1x196x256xi32, #tpu.memory_space<hbm>> -> memref<196x256xi32, #tpu.memory_space<hbm>>
      %dma_wait3A_214 = arith.constant 0 : i32
      %dma_wait3A_215 = arith.constant 0 : i32
      %dma_wait3A_216 = tpu.memref_slice %arg3[%arg0, %run_scoped3A_183, %arg1, %dma_wait3A_214, %dma_wait3A_215] : memref<2x4x16x196x256xi32, #tpu.memory_space<hbm>> -> memref<1x1x1x196x256xi32, #tpu.memory_space<hbm>>
      %dma_wait3A_217 = tpu.memref_squeeze %dma_wait3A_216 : memref<1x1x1x196x256xi32, #tpu.memory_space<hbm>> -> memref<196x256xi32, #tpu.memory_space<hbm>>
      tpu.wait_dma2 semaphore(%run_scoped3A_203 : memref<!tpu.dma_semaphore, #tpu.memory_space<semaphore_mem>>) src(%dma_wait3A_217 : memref<196x256xi32, #tpu.memory_space<hbm>>) dst(%arg7 : memref<196x256xi32, #tpu.memory_space<vmem>>)
      tpu.yield
    }) : () -> ()
    %barrier3A_184 = arith.constant 0 : index
    tpu.barrier barrier_id(%barrier3A_184)
    %scan3A_185 = arith.constant 0 : i32
    %scan3A_186 = arith.constant 0 : i32
    %scan3A_187 = arith.constant 196 : i32
    %scan3A_188 = arith.addi %scan3A_186, %scan3A_187 : i32
    %scan3A_189 = arith.constant 1 : i32
    scf.for %scan3A_203 = %scan3A_186 to %scan3A_188 step %scan3A_189  : i32 {
      %dma_start3A = arith.constant 0 : i32
      %dma_start3A_204 = tpu.memref_slice %arg7[%scan3A_203, %dma_start3A] : memref<196x256xi32, #tpu.memory_space<vmem>> -> memref<1x256xi32, #tpu.memory_space<vmem>>
      %dma_start3A_205 = tpu.memref_squeeze %dma_start3A_204 : memref<1x256xi32, #tpu.memory_space<vmem>> -> memref<256xi32, #tpu.memory_space<vmem>>
      %dma_start3A_206 = arith.constant 0 : i32
      %dma_start3A_207 = arith.constant 0 : i32
      %dma_start3A_208 = tpu.memref_slice %arg2[%dma_start3A_206, %dma_start3A_207] : memref<401408x8xf32, #tpu.memory_space<hbm>> -> memref<401408x8xf32, #tpu.memory_space<hbm>>
      tpu.enqueue_indirect_dma source(%dma_start3A_208 : memref<401408x8xf32, #tpu.memory_space<hbm>>) target(%arg9 : memref<256x8xf32, #tpu.memory_space<vmem>>) offsets(%dma_start3A_205 : memref<256xi32, #tpu.memory_space<vmem>>) semaphore(%arg11 : memref<!tpu.dma_semaphore, #tpu.memory_space<semaphore_mem>>)
      %dma_wait3A = arith.constant 0 : i32
      %dma_wait3A_209 = tpu.memref_slice %arg7[%scan3A_203, %dma_wait3A] : memref<196x256xi32, #tpu.memory_space<vmem>> -> memref<1x256xi32, #tpu.memory_space<vmem>>
      %dma_wait3A_210 = tpu.memref_squeeze %dma_wait3A_209 : memref<1x256xi32, #tpu.memory_space<vmem>> -> memref<256xi32, #tpu.memory_space<vmem>>
      %dma_wait3A_211 = arith.constant 0 : i32
      %dma_wait3A_212 = arith.constant 0 : i32
      %dma_wait3A_213 = tpu.memref_slice %arg2[%dma_wait3A_211, %dma_wait3A_212] : memref<401408x8xf32, #tpu.memory_space<hbm>> -> memref<401408x8xf32, #tpu.memory_space<hbm>>
      tpu.wait_indirect_dma semaphore(%arg11 : memref<!tpu.dma_semaphore, #tpu.memory_space<semaphore_mem>>) src(%dma_wait3A_213 : memref<401408x8xf32, #tpu.memory_space<hbm>>) dst(%arg9 : memref<256x8xf32, #tpu.memory_space<vmem>>)
      "tpu.region"() ({
        %run_scoped3A_214 = tpu.sem_alloc : memref<!tpu.dma_semaphore, #tpu.memory_space<semaphore_mem>>
        %dma_start3A_215 = arith.constant 0 : i32
        %dma_start3A_216 = tpu.memref_slice %arg8[%scan3A_203, %dma_start3A_215] : memref<196x256xi32, #tpu.memory_space<vmem>> -> memref<1x256xi32, #tpu.memory_space<vmem>>
        %dma_start3A_217 = tpu.memref_squeeze %dma_start3A_216 : memref<1x256xi32, #tpu.memory_space<vmem>> -> memref<256xi32, #tpu.memory_space<vmem>>
        %dma_start3A_218 = arith.constant 0 : i32
        %dma_start3A_219 = arith.constant 0 : i32
        %dma_start3A_220 = tpu.memref_slice %arg12[%dma_start3A_218, %dma_start3A_219] : memref<50176x8xf32, #tpu.memory_space<vmem_shared>> -> memref<50176x8xf32, #tpu.memory_space<vmem_shared>>
        tpu.enqueue_indirect_dma source(%arg9 : memref<256x8xf32, #tpu.memory_space<vmem>>) target(%dma_start3A_220 : memref<50176x8xf32, #tpu.memory_space<vmem_shared>>) offsets(%dma_start3A_217 : memref<256xi32, #tpu.memory_space<vmem>>) semaphore(%run_scoped3A_214 : memref<!tpu.dma_semaphore, #tpu.memory_space<semaphore_mem>>) {add = true}
        %dma_wait3A_221 = arith.constant 0 : i32
        %dma_wait3A_222 = tpu.memref_slice %arg8[%scan3A_203, %dma_wait3A_221] : memref<196x256xi32, #tpu.memory_space<vmem>> -> memref<1x256xi32, #tpu.memory_space<vmem>>
        %dma_wait3A_223 = tpu.memref_squeeze %dma_wait3A_222 : memref<1x256xi32, #tpu.memory_space<vmem>> -> memref<256xi32, #tpu.memory_space<vmem>>
        %dma_wait3A_224 = arith.constant 0 : i32
        %dma_wait3A_225 = arith.constant 0 : i32
        %dma_wait3A_226 = tpu.memref_slice %arg12[%dma_wait3A_224, %dma_wait3A_225] : memref<50176x8xf32, #tpu.memory_space<vmem_shared>> -> memref<50176x8xf32, #tpu.memory_space<vmem_shared>>
        tpu.wait_indirect_dma semaphore(%run_scoped3A_214 : memref<!tpu.dma_semaphore, #tpu.memory_space<semaphore_mem>>) src(%arg9 : memref<256x8xf32, #tpu.memory_space<vmem>>) dst(%dma_wait3A_226 : memref<50176x8xf32, #tpu.memory_space<vmem_shared>>)
        tpu.yield
      }) : () -> ()
    }
    %scan3A_190 = arith.constant 196 : i32
    %barrier3A_191 = arith.constant 0 : index
    tpu.barrier barrier_id(%barrier3A_191)
    %mul3A_192 = arith.constant 3136 : i32
    %mul3A_193 = arith.muli %arg1, %mul3A_192 : i32
    %mul3A_194 = arith.constant 4 : i32
    %mul3A_195 = arith.muli %mul3A_194, %arg0 : i32
    %add3A_196 = arith.constant 3 : i32
    %add3A_197 = arith.addi %mul3A_195, %add3A_196 : i32
    %mul3A_198 = arith.constant 50176 : i32
    %mul3A_199 = arith.muli %add3A_197, %mul3A_198 : i32
    %mul3A_200 = arith.constant 3136 : i32
    %mul3A_201 = arith.muli %arg1, %mul3A_200 : i32
    %add3A_202 = arith.addi %mul3A_199, %mul3A_201 : i32
    "tpu.region"() ({
      %run_scoped3A_203 = tpu.sem_alloc : memref<!tpu.dma_semaphore, #tpu.memory_space<semaphore_mem>>
      %dma_start3A = arith.constant 0 : i32
      %dma_start3A_204 = tpu.memref_slice %arg6[%add3A_202, %dma_start3A] : memref<401408x8xf32, #tpu.memory_space<hbm>> -> memref<3136x8xf32, #tpu.memory_space<hbm>>
      %dma_start3A_205 = arith.constant 0 : i32
      %dma_start3A_206 = tpu.memref_slice %arg12[%mul3A_193, %dma_start3A_205] : memref<50176x8xf32, #tpu.memory_space<vmem_shared>> -> memref<3136x8xf32, #tpu.memory_space<vmem_shared>>
      tpu.enqueue_dma source(%dma_start3A_206 : memref<3136x8xf32, #tpu.memory_space<vmem_shared>>) target(%dma_start3A_204 : memref<3136x8xf32, #tpu.memory_space<hbm>>) target_semaphore(%run_scoped3A_203 : memref<!tpu.dma_semaphore, #tpu.memory_space<semaphore_mem>>)
      %dma_wait3A = arith.constant 0 : i32
      %dma_wait3A_207 = tpu.memref_slice %arg6[%add3A_202, %dma_wait3A] : memref<401408x8xf32, #tpu.memory_space<hbm>> -> memref<3136x8xf32, #tpu.memory_space<hbm>>
      %dma_wait3A_208 = arith.constant 0 : i32
      %dma_wait3A_209 = tpu.memref_slice %arg12[%mul3A_193, %dma_wait3A_208] : memref<50176x8xf32, #tpu.memory_space<vmem_shared>> -> memref<3136x8xf32, #tpu.memory_space<vmem_shared>>
      tpu.wait_dma2 semaphore(%run_scoped3A_203 : memref<!tpu.dma_semaphore, #tpu.memory_space<semaphore_mem>>) src(%dma_wait3A_209 : memref<3136x8xf32, #tpu.memory_space<vmem_shared>>) dst(%dma_wait3A_207 : memref<3136x8xf32, #tpu.memory_space<hbm>>)
      tpu.yield
    }) : () -> ()
    return
  }
}

#map = affine_map<(d0, d1) -> (0, 0, 0, 0)>
#map1 = affine_map<(d0, d1) -> (0)>
module attributes {stable_mosaic.version = 14 : i64} {
  func.func @_deg_body(%arg0: i32, %arg1: i32, %arg2: memref<2x16x392x128xi32, #tpu.memory_space<hbm>>, %arg3: memref<128xf32, #tpu.memory_space<hbm>>, %arg4: memref<1576xf32, #tpu.memory_space<hbm>>, %arg5: memref<50432xf32, #tpu.memory_space<hbm>>, %arg6: memref<392x128xi32, #tpu.memory_space<vmem>>, %arg7: memref<128xf32, #tpu.memory_space<vmem>>, %arg8: memref<25216xf32, #tpu.memory_space<vmem_shared>>) attributes {dimension_semantics = [#tpu.dimension_semantics<core_parallel>, #tpu.dimension_semantics<subcore_parallel>], iteration_bounds = array<i64: 2, 16>, scalar_prefetch = 0 : i64, scratch_operands = 3 : i64, tpu.core_type = #tpu.core_type<sc_vector_subcore>, window_params = [{transform_indices = #map}, {transform_indices = #map1}, {transform_indices = #map1}, {transform_indices = #map1}]} {
    %mul3A = arith.constant 1576 : i32
    %mul3A_0 = arith.muli %arg1, %mul3A : i32
    "tpu.region"() ({
      %run_scoped3A = tpu.sem_alloc : memref<!tpu.dma_semaphore, #tpu.memory_space<semaphore_mem>>
      %dma_start3A = tpu.memref_slice %arg8[%mul3A_0] : memref<25216xf32, #tpu.memory_space<vmem_shared>> -> memref<1576xf32, #tpu.memory_space<vmem_shared>>
      tpu.enqueue_dma source(%arg4 : memref<1576xf32, #tpu.memory_space<hbm>>) target(%dma_start3A : memref<1576xf32, #tpu.memory_space<vmem_shared>>) target_semaphore(%run_scoped3A : memref<!tpu.dma_semaphore, #tpu.memory_space<semaphore_mem>>)
      %dma_wait3A = tpu.memref_slice %arg8[%mul3A_0] : memref<25216xf32, #tpu.memory_space<vmem_shared>> -> memref<1576xf32, #tpu.memory_space<vmem_shared>>
      tpu.wait_dma2 semaphore(%run_scoped3A : memref<!tpu.dma_semaphore, #tpu.memory_space<semaphore_mem>>) src(%arg4 : memref<1576xf32, #tpu.memory_space<hbm>>) dst(%dma_wait3A : memref<1576xf32, #tpu.memory_space<vmem_shared>>)
      tpu.yield
    }) : () -> ()
    "tpu.region"() ({
      %run_scoped3A = tpu.sem_alloc : memref<!tpu.dma_semaphore, #tpu.memory_space<semaphore_mem>>
      tpu.enqueue_dma source(%arg3 : memref<128xf32, #tpu.memory_space<hbm>>) target(%arg7 : memref<128xf32, #tpu.memory_space<vmem>>) target_semaphore(%run_scoped3A : memref<!tpu.dma_semaphore, #tpu.memory_space<semaphore_mem>>)
      tpu.wait_dma2 semaphore(%run_scoped3A : memref<!tpu.dma_semaphore, #tpu.memory_space<semaphore_mem>>) src(%arg3 : memref<128xf32, #tpu.memory_space<hbm>>) dst(%arg7 : memref<128xf32, #tpu.memory_space<vmem>>)
      tpu.yield
    }) : () -> ()
    "tpu.region"() ({
      %run_scoped3A = tpu.sem_alloc : memref<!tpu.dma_semaphore, #tpu.memory_space<semaphore_mem>>
      %dma_start3A = arith.constant 0 : i32
      %dma_start3A_13 = arith.constant 0 : i32
      %dma_start3A_14 = tpu.memref_slice %arg2[%arg0, %arg1, %dma_start3A, %dma_start3A_13] : memref<2x16x392x128xi32, #tpu.memory_space<hbm>> -> memref<1x1x392x128xi32, #tpu.memory_space<hbm>>
      %dma_start3A_15 = tpu.memref_squeeze %dma_start3A_14 : memref<1x1x392x128xi32, #tpu.memory_space<hbm>> -> memref<392x128xi32, #tpu.memory_space<hbm>>
      %dma_start3A_16 = arith.constant 0 : i32
      %dma_start3A_17 = arith.constant 0 : i32
      %dma_start3A_18 = tpu.memref_slice %arg2[%arg0, %arg1, %dma_start3A_16, %dma_start3A_17] : memref<2x16x392x128xi32, #tpu.memory_space<hbm>> -> memref<1x1x392x128xi32, #tpu.memory_space<hbm>>
      %dma_start3A_19 = tpu.memref_squeeze %dma_start3A_18 : memref<1x1x392x128xi32, #tpu.memory_space<hbm>> -> memref<392x128xi32, #tpu.memory_space<hbm>>
      tpu.enqueue_dma source(%dma_start3A_19 : memref<392x128xi32, #tpu.memory_space<hbm>>) target(%arg6 : memref<392x128xi32, #tpu.memory_space<vmem>>) target_semaphore(%run_scoped3A : memref<!tpu.dma_semaphore, #tpu.memory_space<semaphore_mem>>)
      %dma_wait3A = arith.constant 0 : i32
      %dma_wait3A_20 = arith.constant 0 : i32
      %dma_wait3A_21 = tpu.memref_slice %arg2[%arg0, %arg1, %dma_wait3A, %dma_wait3A_20] : memref<2x16x392x128xi32, #tpu.memory_space<hbm>> -> memref<1x1x392x128xi32, #tpu.memory_space<hbm>>
      %dma_wait3A_22 = tpu.memref_squeeze %dma_wait3A_21 : memref<1x1x392x128xi32, #tpu.memory_space<hbm>> -> memref<392x128xi32, #tpu.memory_space<hbm>>
      %dma_wait3A_23 = arith.constant 0 : i32
      %dma_wait3A_24 = arith.constant 0 : i32
      %dma_wait3A_25 = tpu.memref_slice %arg2[%arg0, %arg1, %dma_wait3A_23, %dma_wait3A_24] : memref<2x16x392x128xi32, #tpu.memory_space<hbm>> -> memref<1x1x392x128xi32, #tpu.memory_space<hbm>>
      %dma_wait3A_26 = tpu.memref_squeeze %dma_wait3A_25 : memref<1x1x392x128xi32, #tpu.memory_space<hbm>> -> memref<392x128xi32, #tpu.memory_space<hbm>>
      tpu.wait_dma2 semaphore(%run_scoped3A : memref<!tpu.dma_semaphore, #tpu.memory_space<semaphore_mem>>) src(%dma_wait3A_26 : memref<392x128xi32, #tpu.memory_space<hbm>>) dst(%arg6 : memref<392x128xi32, #tpu.memory_space<vmem>>)
      tpu.yield
    }) : () -> ()
    %barrier3A = arith.constant 0 : index
    tpu.barrier barrier_id(%barrier3A)
    %scan3A = arith.constant 0 : i32
    %scan3A_1 = arith.constant 0 : i32
    %scan3A_2 = arith.constant 392 : i32
    %scan3A_3 = arith.addi %scan3A_1, %scan3A_2 : i32
    %scan3A_4 = arith.constant 1 : i32
    scf.for %scan3A_13 = %scan3A_1 to %scan3A_3 step %scan3A_4  : i32 {
      "tpu.region"() ({
        %run_scoped3A = tpu.sem_alloc : memref<!tpu.dma_semaphore, #tpu.memory_space<semaphore_mem>>
        %dma_start3A = arith.constant 0 : i32
        %dma_start3A_14 = tpu.memref_slice %arg6[%scan3A_13, %dma_start3A] : memref<392x128xi32, #tpu.memory_space<vmem>> -> memref<1x128xi32, #tpu.memory_space<vmem>>
        %dma_start3A_15 = tpu.memref_squeeze %dma_start3A_14 : memref<1x128xi32, #tpu.memory_space<vmem>> -> memref<128xi32, #tpu.memory_space<vmem>>
        %dma_start3A_16 = arith.constant 0 : i32
        %dma_start3A_17 = tpu.memref_slice %arg8[%dma_start3A_16] : memref<25216xf32, #tpu.memory_space<vmem_shared>> -> memref<25216xf32, #tpu.memory_space<vmem_shared>>
        tpu.enqueue_indirect_dma source(%arg7 : memref<128xf32, #tpu.memory_space<vmem>>) target(%dma_start3A_17 : memref<25216xf32, #tpu.memory_space<vmem_shared>>) offsets(%dma_start3A_15 : memref<128xi32, #tpu.memory_space<vmem>>) semaphore(%run_scoped3A : memref<!tpu.dma_semaphore, #tpu.memory_space<semaphore_mem>>) {add = true}
        %dma_wait3A = arith.constant 0 : i32
        %dma_wait3A_18 = tpu.memref_slice %arg6[%scan3A_13, %dma_wait3A] : memref<392x128xi32, #tpu.memory_space<vmem>> -> memref<1x128xi32, #tpu.memory_space<vmem>>
        %dma_wait3A_19 = tpu.memref_squeeze %dma_wait3A_18 : memref<1x128xi32, #tpu.memory_space<vmem>> -> memref<128xi32, #tpu.memory_space<vmem>>
        %dma_wait3A_20 = arith.constant 0 : i32
        %dma_wait3A_21 = tpu.memref_slice %arg8[%dma_wait3A_20] : memref<25216xf32, #tpu.memory_space<vmem_shared>> -> memref<25216xf32, #tpu.memory_space<vmem_shared>>
        tpu.wait_indirect_dma semaphore(%run_scoped3A : memref<!tpu.dma_semaphore, #tpu.memory_space<semaphore_mem>>) src(%arg7 : memref<128xf32, #tpu.memory_space<vmem>>) dst(%dma_wait3A_21 : memref<25216xf32, #tpu.memory_space<vmem_shared>>)
        tpu.yield
      }) : () -> ()
    }
    %scan3A_5 = arith.constant 392 : i32
    %barrier3A_6 = arith.constant 0 : index
    tpu.barrier barrier_id(%barrier3A_6)
    %mul3A_7 = arith.constant 1576 : i32
    %mul3A_8 = arith.muli %arg1, %mul3A_7 : i32
    %mul3A_9 = arith.constant 25216 : i32
    %mul3A_10 = arith.muli %arg0, %mul3A_9 : i32
    %mul3A_11 = arith.constant 1576 : i32
    %mul3A_12 = arith.muli %arg1, %mul3A_11 : i32
    %add3A = arith.addi %mul3A_10, %mul3A_12 : i32
    "tpu.region"() ({
      %run_scoped3A = tpu.sem_alloc : memref<!tpu.dma_semaphore, #tpu.memory_space<semaphore_mem>>
      %dma_start3A = tpu.memref_slice %arg5[%add3A] : memref<50432xf32, #tpu.memory_space<hbm>> -> memref<1576xf32, #tpu.memory_space<hbm>>
      %dma_start3A_13 = tpu.memref_slice %arg8[%mul3A_8] : memref<25216xf32, #tpu.memory_space<vmem_shared>> -> memref<1576xf32, #tpu.memory_space<vmem_shared>>
      tpu.enqueue_dma source(%dma_start3A_13 : memref<1576xf32, #tpu.memory_space<vmem_shared>>) target(%dma_start3A : memref<1576xf32, #tpu.memory_space<hbm>>) target_semaphore(%run_scoped3A : memref<!tpu.dma_semaphore, #tpu.memory_space<semaphore_mem>>)
      %dma_wait3A = tpu.memref_slice %arg5[%add3A] : memref<50432xf32, #tpu.memory_space<hbm>> -> memref<1576xf32, #tpu.memory_space<hbm>>
      %dma_wait3A_14 = tpu.memref_slice %arg8[%mul3A_8] : memref<25216xf32, #tpu.memory_space<vmem_shared>> -> memref<1576xf32, #tpu.memory_space<vmem_shared>>
      tpu.wait_dma2 semaphore(%run_scoped3A : memref<!tpu.dma_semaphore, #tpu.memory_space<semaphore_mem>>) src(%dma_wait3A_14 : memref<1576xf32, #tpu.memory_space<vmem_shared>>) dst(%dma_wait3A : memref<1576xf32, #tpu.memory_space<hbm>>)
      tpu.yield
    }) : () -> ()
    return
  }
}

#map = affine_map<(d0, d1) -> (0, 0)>
#map1 = affine_map<(d0, d1) -> (0, 0, 0, 0, 0)>
#map2 = affine_map<(d0, d1) -> (0, 0, 0)>
module attributes {stable_mosaic.version = 14 : i64} {
  func.func @body(%arg0: i32, %arg1: i32, %arg2: memref<401408x8xf32, #tpu.memory_space<hbm>>, %arg3: memref<2x4x16x196x256xi32, #tpu.memory_space<hbm>>, %arg4: memref<16x196x256xi32, #tpu.memory_space<hbm>>, %arg5: memref<392x8xf32, #tpu.memory_space<hbm>>, %arg6: memref<401408x8xf32, #tpu.memory_space<hbm>>, %arg7: memref<196x256xi32, #tpu.memory_space<vmem>>, %arg8: memref<196x256xi32, #tpu.memory_space<vmem>>, %arg9: memref<256x8xf32, #tpu.memory_space<vmem>>, %arg10: memref<392x8xf32, #tpu.memory_space<vmem>>, %arg11: memref<!tpu.dma_semaphore, #tpu.memory_space<semaphore_mem>>, %arg12: memref<50176x8xf32, #tpu.memory_space<vmem_shared>>) attributes {dimension_semantics = [#tpu.dimension_semantics<core_parallel>, #tpu.dimension_semantics<subcore_parallel>], iteration_bounds = array<i64: 2, 16>, scalar_prefetch = 0 : i64, scratch_operands = 6 : i64, tpu.core_type = #tpu.core_type<sc_vector_subcore>, window_params = [{transform_indices = #map}, {transform_indices = #map1}, {transform_indices = #map2}, {transform_indices = #map}, {transform_indices = #map}]} {
    "tpu.region"() ({
      %run_scoped3A_203 = tpu.sem_alloc : memref<!tpu.dma_semaphore, #tpu.memory_space<semaphore_mem>>
      tpu.enqueue_dma source(%arg5 : memref<392x8xf32, #tpu.memory_space<hbm>>) target(%arg10 : memref<392x8xf32, #tpu.memory_space<vmem>>) target_semaphore(%run_scoped3A_203 : memref<!tpu.dma_semaphore, #tpu.memory_space<semaphore_mem>>)
      tpu.wait_dma2 semaphore(%run_scoped3A_203 : memref<!tpu.dma_semaphore, #tpu.memory_space<semaphore_mem>>) src(%arg5 : memref<392x8xf32, #tpu.memory_space<hbm>>) dst(%arg10 : memref<392x8xf32, #tpu.memory_space<vmem>>)
      tpu.yield
    }) : () -> ()
    "tpu.region"() ({
      %run_scoped3A_203 = tpu.sem_alloc : memref<!tpu.dma_semaphore, #tpu.memory_space<semaphore_mem>>
      %dma_start3A = arith.constant 0 : i32
      %dma_start3A_204 = arith.constant 0 : i32
      %dma_start3A_205 = tpu.memref_slice %arg4[%arg1, %dma_start3A, %dma_start3A_204] : memref<16x196x256xi32, #tpu.memory_space<hbm>> -> memref<1x196x256xi32, #tpu.memory_space<hbm>>
      %dma_start3A_206 = tpu.memref_squeeze %dma_start3A_205 : memref<1x196x256xi32, #tpu.memory_space<hbm>> -> memref<196x256xi32, #tpu.memory_space<hbm>>
      %dma_start3A_207 = arith.constant 0 : i32
      %dma_start3A_208 = arith.constant 0 : i32
      %dma_start3A_209 = tpu.memref_slice %arg4[%arg1, %dma_start3A_207, %dma_start3A_208] : memref<16x196x256xi32, #tpu.memory_space<hbm>> -> memref<1x196x256xi32, #tpu.memory_space<hbm>>
      %dma_start3A_210 = tpu.memref_squeeze %dma_start3A_209 : memref<1x196x256xi32, #tpu.memory_space<hbm>> -> memref<196x256xi32, #tpu.memory_space<hbm>>
      tpu.enqueue_dma source(%dma_start3A_210 : memref<196x256xi32, #tpu.memory_space<hbm>>) target(%arg8 : memref<196x256xi32, #tpu.memory_space<vmem>>) target_semaphore(%run_scoped3A_203 : memref<!tpu.dma_semaphore, #tpu.memory_space<semaphore_mem>>)
      %dma_wait3A = arith.constant 0 : i32
      %dma_wait3A_211 = arith.constant 0 : i32
      %dma_wait3A_212 = tpu.memref_slice %arg4[%arg1, %dma_wait3A, %dma_wait3A_211] : memref<16x196x256xi32, #tpu.memory_space<hbm>> -> memref<1x196x256xi32, #tpu.memory_space<hbm>>
      %dma_wait3A_213 = tpu.memref_squeeze %dma_wait3A_212 : memref<1x196x256xi32, #tpu.memory_space<hbm>> -> memref<196x256xi32, #tpu.memory_space<hbm>>
      %dma_wait3A_214 = arith.constant 0 : i32
      %dma_wait3A_215 = arith.constant 0 : i32
      %dma_wait3A_216 = tpu.memref_slice %arg4[%arg1, %dma_wait3A_214, %dma_wait3A_215] : memref<16x196x256xi32, #tpu.memory_space<hbm>> -> memref<1x196x256xi32, #tpu.memory_space<hbm>>
      %dma_wait3A_217 = tpu.memref_squeeze %dma_wait3A_216 : memref<1x196x256xi32, #tpu.memory_space<hbm>> -> memref<196x256xi32, #tpu.memory_space<hbm>>
      tpu.wait_dma2 semaphore(%run_scoped3A_203 : memref<!tpu.dma_semaphore, #tpu.memory_space<semaphore_mem>>) src(%dma_wait3A_217 : memref<196x256xi32, #tpu.memory_space<hbm>>) dst(%arg8 : memref<196x256xi32, #tpu.memory_space<vmem>>)
      tpu.yield
    }) : () -> ()
    %mul3A = arith.constant 3136 : i32
    %mul3A_0 = arith.muli %arg1, %mul3A : i32
    %add3A = arith.constant 0 : i32
    %add3A_1 = arith.addi %mul3A_0, %add3A : i32
    "tpu.region"() ({
      %run_scoped3A_203 = tpu.sem_alloc : memref<!tpu.dma_semaphore, #tpu.memory_space<semaphore_mem>>
      %dma_start3A = arith.constant 0 : i32
      %dma_start3A_204 = tpu.memref_slice %arg12[%add3A_1, %dma_start3A] : memref<50176x8xf32, #tpu.memory_space<vmem_shared>> -> memref<392x8xf32, #tpu.memory_space<vmem_shared>>
      %dma_start3A_205 = arith.constant 0 : i32
      %dma_start3A_206 = tpu.memref_slice %arg12[%add3A_1, %dma_start3A_205] : memref<50176x8xf32, #tpu.memory_space<vmem_shared>> -> memref<392x8xf32, #tpu.memory_space<vmem_shared>>
      tpu.enqueue_dma source(%arg10 : memref<392x8xf32, #tpu.memory_space<vmem>>) target(%dma_start3A_206 : memref<392x8xf32, #tpu.memory_space<vmem_shared>>) target_semaphore(%run_scoped3A_203 : memref<!tpu.dma_semaphore, #tpu.memory_space<semaphore_mem>>)
      %dma_wait3A = arith.constant 0 : i32
      %dma_wait3A_207 = tpu.memref_slice %arg12[%add3A_1, %dma_wait3A] : memref<50176x8xf32, #tpu.memory_space<vmem_shared>> -> memref<392x8xf32, #tpu.memory_space<vmem_shared>>
      %dma_wait3A_208 = arith.constant 0 : i32
      %dma_wait3A_209 = tpu.memref_slice %arg12[%add3A_1, %dma_wait3A_208] : memref<50176x8xf32, #tpu.memory_space<vmem_shared>> -> memref<392x8xf32, #tpu.memory_space<vmem_shared>>
      tpu.wait_dma2 semaphore(%run_scoped3A_203 : memref<!tpu.dma_semaphore, #tpu.memory_space<semaphore_mem>>) src(%arg10 : memref<392x8xf32, #tpu.memory_space<vmem>>) dst(%dma_wait3A_209 : memref<392x8xf32, #tpu.memory_space<vmem_shared>>)
      tpu.yield
    }) : () -> ()
    %mul3A_2 = arith.constant 3136 : i32
    %mul3A_3 = arith.muli %arg1, %mul3A_2 : i32
    %add3A_4 = arith.constant 392 : i32
    %add3A_5 = arith.addi %mul3A_3, %add3A_4 : i32
    "tpu.region"() ({
      %run_scoped3A_203 = tpu.sem_alloc : memref<!tpu.dma_semaphore, #tpu.memory_space<semaphore_mem>>
      %dma_start3A = arith.constant 0 : i32
      %dma_start3A_204 = tpu.memref_slice %arg12[%add3A_5, %dma_start3A] : memref<50176x8xf32, #tpu.memory_space<vmem_shared>> -> memref<392x8xf32, #tpu.memory_space<vmem_shared>>
      %dma_start3A_205 = arith.constant 0 : i32
      %dma_start3A_206 = tpu.memref_slice %arg12[%add3A_5, %dma_start3A_205] : memref<50176x8xf32, #tpu.memory_space<vmem_shared>> -> memref<392x8xf32, #tpu.memory_space<vmem_shared>>
      tpu.enqueue_dma source(%arg10 : memref<392x8xf32, #tpu.memory_space<vmem>>) target(%dma_start3A_206 : memref<392x8xf32, #tpu.memory_space<vmem_shared>>) target_semaphore(%run_scoped3A_203 : memref<!tpu.dma_semaphore, #tpu.memory_space<semaphore_mem>>)
      %dma_wait3A = arith.constant 0 : i32
      %dma_wait3A_207 = tpu.memref_slice %arg12[%add3A_5, %dma_wait3A] : memref<50176x8xf32, #tpu.memory_space<vmem_shared>> -> memref<392x8xf32, #tpu.memory_space<vmem_shared>>
      %dma_wait3A_208 = arith.constant 0 : i32
      %dma_wait3A_209 = tpu.memref_slice %arg12[%add3A_5, %dma_wait3A_208] : memref<50176x8xf32, #tpu.memory_space<vmem_shared>> -> memref<392x8xf32, #tpu.memory_space<vmem_shared>>
      tpu.wait_dma2 semaphore(%run_scoped3A_203 : memref<!tpu.dma_semaphore, #tpu.memory_space<semaphore_mem>>) src(%arg10 : memref<392x8xf32, #tpu.memory_space<vmem>>) dst(%dma_wait3A_209 : memref<392x8xf32, #tpu.memory_space<vmem_shared>>)
      tpu.yield
    }) : () -> ()
    %mul3A_6 = arith.constant 3136 : i32
    %mul3A_7 = arith.muli %arg1, %mul3A_6 : i32
    %add3A_8 = arith.constant 784 : i32
    %add3A_9 = arith.addi %mul3A_7, %add3A_8 : i32
    "tpu.region"() ({
      %run_scoped3A_203 = tpu.sem_alloc : memref<!tpu.dma_semaphore, #tpu.memory_space<semaphore_mem>>
      %dma_start3A = arith.constant 0 : i32
      %dma_start3A_204 = tpu.memref_slice %arg12[%add3A_9, %dma_start3A] : memref<50176x8xf32, #tpu.memory_space<vmem_shared>> -> memref<392x8xf32, #tpu.memory_space<vmem_shared>>
      %dma_start3A_205 = arith.constant 0 : i32
      %dma_start3A_206 = tpu.memref_slice %arg12[%add3A_9, %dma_start3A_205] : memref<50176x8xf32, #tpu.memory_space<vmem_shared>> -> memref<392x8xf32, #tpu.memory_space<vmem_shared>>
      tpu.enqueue_dma source(%arg10 : memref<392x8xf32, #tpu.memory_space<vmem>>) target(%dma_start3A_206 : memref<392x8xf32, #tpu.memory_space<vmem_shared>>) target_semaphore(%run_scoped3A_203 : memref<!tpu.dma_semaphore, #tpu.memory_space<semaphore_mem>>)
      %dma_wait3A = arith.constant 0 : i32
      %dma_wait3A_207 = tpu.memref_slice %arg12[%add3A_9, %dma_wait3A] : memref<50176x8xf32, #tpu.memory_space<vmem_shared>> -> memref<392x8xf32, #tpu.memory_space<vmem_shared>>
      %dma_wait3A_208 = arith.constant 0 : i32
      %dma_wait3A_209 = tpu.memref_slice %arg12[%add3A_9, %dma_wait3A_208] : memref<50176x8xf32, #tpu.memory_space<vmem_shared>> -> memref<392x8xf32, #tpu.memory_space<vmem_shared>>
      tpu.wait_dma2 semaphore(%run_scoped3A_203 : memref<!tpu.dma_semaphore, #tpu.memory_space<semaphore_mem>>) src(%arg10 : memref<392x8xf32, #tpu.memory_space<vmem>>) dst(%dma_wait3A_209 : memref<392x8xf32, #tpu.memory_space<vmem_shared>>)
      tpu.yield
    }) : () -> ()
    %mul3A_10 = arith.constant 3136 : i32
    %mul3A_11 = arith.muli %arg1, %mul3A_10 : i32
    %add3A_12 = arith.constant 1176 : i32
    %add3A_13 = arith.addi %mul3A_11, %add3A_12 : i32
    "tpu.region"() ({
      %run_scoped3A_203 = tpu.sem_alloc : memref<!tpu.dma_semaphore, #tpu.memory_space<semaphore_mem>>
      %dma_start3A = arith.constant 0 : i32
      %dma_start3A_204 = tpu.memref_slice %arg12[%add3A_13, %dma_start3A] : memref<50176x8xf32, #tpu.memory_space<vmem_shared>> -> memref<392x8xf32, #tpu.memory_space<vmem_shared>>
      %dma_start3A_205 = arith.constant 0 : i32
      %dma_start3A_206 = tpu.memref_slice %arg12[%add3A_13, %dma_start3A_205] : memref<50176x8xf32, #tpu.memory_space<vmem_shared>> -> memref<392x8xf32, #tpu.memory_space<vmem_shared>>
      tpu.enqueue_dma source(%arg10 : memref<392x8xf32, #tpu.memory_space<vmem>>) target(%dma_start3A_206 : memref<392x8xf32, #tpu.memory_space<vmem_shared>>) target_semaphore(%run_scoped3A_203 : memref<!tpu.dma_semaphore, #tpu.memory_space<semaphore_mem>>)
      %dma_wait3A = arith.constant 0 : i32
      %dma_wait3A_207 = tpu.memref_slice %arg12[%add3A_13, %dma_wait3A] : memref<50176x8xf32, #tpu.memory_space<vmem_shared>> -> memref<392x8xf32, #tpu.memory_space<vmem_shared>>
      %dma_wait3A_208 = arith.constant 0 : i32
      %dma_wait3A_209 = tpu.memref_slice %arg12[%add3A_13, %dma_wait3A_208] : memref<50176x8xf32, #tpu.memory_space<vmem_shared>> -> memref<392x8xf32, #tpu.memory_space<vmem_shared>>
      tpu.wait_dma2 semaphore(%run_scoped3A_203 : memref<!tpu.dma_semaphore, #tpu.memory_space<semaphore_mem>>) src(%arg10 : memref<392x8xf32, #tpu.memory_space<vmem>>) dst(%dma_wait3A_209 : memref<392x8xf32, #tpu.memory_space<vmem_shared>>)
      tpu.yield
    }) : () -> ()
    %mul3A_14 = arith.constant 3136 : i32
    %mul3A_15 = arith.muli %arg1, %mul3A_14 : i32
    %add3A_16 = arith.constant 1568 : i32
    %add3A_17 = arith.addi %mul3A_15, %add3A_16 : i32
    "tpu.region"() ({
      %run_scoped3A_203 = tpu.sem_alloc : memref<!tpu.dma_semaphore, #tpu.memory_space<semaphore_mem>>
      %dma_start3A = arith.constant 0 : i32
      %dma_start3A_204 = tpu.memref_slice %arg12[%add3A_17, %dma_start3A] : memref<50176x8xf32, #tpu.memory_space<vmem_shared>> -> memref<392x8xf32, #tpu.memory_space<vmem_shared>>
      %dma_start3A_205 = arith.constant 0 : i32
      %dma_start3A_206 = tpu.memref_slice %arg12[%add3A_17, %dma_start3A_205] : memref<50176x8xf32, #tpu.memory_space<vmem_shared>> -> memref<392x8xf32, #tpu.memory_space<vmem_shared>>
      tpu.enqueue_dma source(%arg10 : memref<392x8xf32, #tpu.memory_space<vmem>>) target(%dma_start3A_206 : memref<392x8xf32, #tpu.memory_space<vmem_shared>>) target_semaphore(%run_scoped3A_203 : memref<!tpu.dma_semaphore, #tpu.memory_space<semaphore_mem>>)
      %dma_wait3A = arith.constant 0 : i32
      %dma_wait3A_207 = tpu.memref_slice %arg12[%add3A_17, %dma_wait3A] : memref<50176x8xf32, #tpu.memory_space<vmem_shared>> -> memref<392x8xf32, #tpu.memory_space<vmem_shared>>
      %dma_wait3A_208 = arith.constant 0 : i32
      %dma_wait3A_209 = tpu.memref_slice %arg12[%add3A_17, %dma_wait3A_208] : memref<50176x8xf32, #tpu.memory_space<vmem_shared>> -> memref<392x8xf32, #tpu.memory_space<vmem_shared>>
      tpu.wait_dma2 semaphore(%run_scoped3A_203 : memref<!tpu.dma_semaphore, #tpu.memory_space<semaphore_mem>>) src(%arg10 : memref<392x8xf32, #tpu.memory_space<vmem>>) dst(%dma_wait3A_209 : memref<392x8xf32, #tpu.memory_space<vmem_shared>>)
      tpu.yield
    }) : () -> ()
    %mul3A_18 = arith.constant 3136 : i32
    %mul3A_19 = arith.muli %arg1, %mul3A_18 : i32
    %add3A_20 = arith.constant 1960 : i32
    %add3A_21 = arith.addi %mul3A_19, %add3A_20 : i32
    "tpu.region"() ({
      %run_scoped3A_203 = tpu.sem_alloc : memref<!tpu.dma_semaphore, #tpu.memory_space<semaphore_mem>>
      %dma_start3A = arith.constant 0 : i32
      %dma_start3A_204 = tpu.memref_slice %arg12[%add3A_21, %dma_start3A] : memref<50176x8xf32, #tpu.memory_space<vmem_shared>> -> memref<392x8xf32, #tpu.memory_space<vmem_shared>>
      %dma_start3A_205 = arith.constant 0 : i32
      %dma_start3A_206 = tpu.memref_slice %arg12[%add3A_21, %dma_start3A_205] : memref<50176x8xf32, #tpu.memory_space<vmem_shared>> -> memref<392x8xf32, #tpu.memory_space<vmem_shared>>
      tpu.enqueue_dma source(%arg10 : memref<392x8xf32, #tpu.memory_space<vmem>>) target(%dma_start3A_206 : memref<392x8xf32, #tpu.memory_space<vmem_shared>>) target_semaphore(%run_scoped3A_203 : memref<!tpu.dma_semaphore, #tpu.memory_space<semaphore_mem>>)
      %dma_wait3A = arith.constant 0 : i32
      %dma_wait3A_207 = tpu.memref_slice %arg12[%add3A_21, %dma_wait3A] : memref<50176x8xf32, #tpu.memory_space<vmem_shared>> -> memref<392x8xf32, #tpu.memory_space<vmem_shared>>
      %dma_wait3A_208 = arith.constant 0 : i32
      %dma_wait3A_209 = tpu.memref_slice %arg12[%add3A_21, %dma_wait3A_208] : memref<50176x8xf32, #tpu.memory_space<vmem_shared>> -> memref<392x8xf32, #tpu.memory_space<vmem_shared>>
      tpu.wait_dma2 semaphore(%run_scoped3A_203 : memref<!tpu.dma_semaphore, #tpu.memory_space<semaphore_mem>>) src(%arg10 : memref<392x8xf32, #tpu.memory_space<vmem>>) dst(%dma_wait3A_209 : memref<392x8xf32, #tpu.memory_space<vmem_shared>>)
      tpu.yield
    }) : () -> ()
    %mul3A_22 = arith.constant 3136 : i32
    %mul3A_23 = arith.muli %arg1, %mul3A_22 : i32
    %add3A_24 = arith.constant 2352 : i32
    %add3A_25 = arith.addi %mul3A_23, %add3A_24 : i32
    "tpu.region"() ({
      %run_scoped3A_203 = tpu.sem_alloc : memref<!tpu.dma_semaphore, #tpu.memory_space<semaphore_mem>>
      %dma_start3A = arith.constant 0 : i32
      %dma_start3A_204 = tpu.memref_slice %arg12[%add3A_25, %dma_start3A] : memref<50176x8xf32, #tpu.memory_space<vmem_shared>> -> memref<392x8xf32, #tpu.memory_space<vmem_shared>>
      %dma_start3A_205 = arith.constant 0 : i32
      %dma_start3A_206 = tpu.memref_slice %arg12[%add3A_25, %dma_start3A_205] : memref<50176x8xf32, #tpu.memory_space<vmem_shared>> -> memref<392x8xf32, #tpu.memory_space<vmem_shared>>
      tpu.enqueue_dma source(%arg10 : memref<392x8xf32, #tpu.memory_space<vmem>>) target(%dma_start3A_206 : memref<392x8xf32, #tpu.memory_space<vmem_shared>>) target_semaphore(%run_scoped3A_203 : memref<!tpu.dma_semaphore, #tpu.memory_space<semaphore_mem>>)
      %dma_wait3A = arith.constant 0 : i32
      %dma_wait3A_207 = tpu.memref_slice %arg12[%add3A_25, %dma_wait3A] : memref<50176x8xf32, #tpu.memory_space<vmem_shared>> -> memref<392x8xf32, #tpu.memory_space<vmem_shared>>
      %dma_wait3A_208 = arith.constant 0 : i32
      %dma_wait3A_209 = tpu.memref_slice %arg12[%add3A_25, %dma_wait3A_208] : memref<50176x8xf32, #tpu.memory_space<vmem_shared>> -> memref<392x8xf32, #tpu.memory_space<vmem_shared>>
      tpu.wait_dma2 semaphore(%run_scoped3A_203 : memref<!tpu.dma_semaphore, #tpu.memory_space<semaphore_mem>>) src(%arg10 : memref<392x8xf32, #tpu.memory_space<vmem>>) dst(%dma_wait3A_209 : memref<392x8xf32, #tpu.memory_space<vmem_shared>>)
      tpu.yield
    }) : () -> ()
    %mul3A_26 = arith.constant 3136 : i32
    %mul3A_27 = arith.muli %arg1, %mul3A_26 : i32
    %add3A_28 = arith.constant 2744 : i32
    %add3A_29 = arith.addi %mul3A_27, %add3A_28 : i32
    "tpu.region"() ({
      %run_scoped3A_203 = tpu.sem_alloc : memref<!tpu.dma_semaphore, #tpu.memory_space<semaphore_mem>>
      %dma_start3A = arith.constant 0 : i32
      %dma_start3A_204 = tpu.memref_slice %arg12[%add3A_29, %dma_start3A] : memref<50176x8xf32, #tpu.memory_space<vmem_shared>> -> memref<392x8xf32, #tpu.memory_space<vmem_shared>>
      %dma_start3A_205 = arith.constant 0 : i32
      %dma_start3A_206 = tpu.memref_slice %arg12[%add3A_29, %dma_start3A_205] : memref<50176x8xf32, #tpu.memory_space<vmem_shared>> -> memref<392x8xf32, #tpu.memory_space<vmem_shared>>
      tpu.enqueue_dma source(%arg10 : memref<392x8xf32, #tpu.memory_space<vmem>>) target(%dma_start3A_206 : memref<392x8xf32, #tpu.memory_space<vmem_shared>>) target_semaphore(%run_scoped3A_203 : memref<!tpu.dma_semaphore, #tpu.memory_space<semaphore_mem>>)
      %dma_wait3A = arith.constant 0 : i32
      %dma_wait3A_207 = tpu.memref_slice %arg12[%add3A_29, %dma_wait3A] : memref<50176x8xf32, #tpu.memory_space<vmem_shared>> -> memref<392x8xf32, #tpu.memory_space<vmem_shared>>
      %dma_wait3A_208 = arith.constant 0 : i32
      %dma_wait3A_209 = tpu.memref_slice %arg12[%add3A_29, %dma_wait3A_208] : memref<50176x8xf32, #tpu.memory_space<vmem_shared>> -> memref<392x8xf32, #tpu.memory_space<vmem_shared>>
      tpu.wait_dma2 semaphore(%run_scoped3A_203 : memref<!tpu.dma_semaphore, #tpu.memory_space<semaphore_mem>>) src(%arg10 : memref<392x8xf32, #tpu.memory_space<vmem>>) dst(%dma_wait3A_209 : memref<392x8xf32, #tpu.memory_space<vmem_shared>>)
      tpu.yield
    }) : () -> ()
    %run_scoped3A = arith.constant 0 : i32
    "tpu.region"() ({
      %run_scoped3A_203 = tpu.sem_alloc : memref<!tpu.dma_semaphore, #tpu.memory_space<semaphore_mem>>
      %dma_start3A = arith.constant 0 : i32
      %dma_start3A_204 = arith.constant 0 : i32
      %dma_start3A_205 = tpu.memref_slice %arg3[%arg0, %run_scoped3A, %arg1, %dma_start3A, %dma_start3A_204] : memref<2x4x16x196x256xi32, #tpu.memory_space<hbm>> -> memref<1x1x1x196x256xi32, #tpu.memory_space<hbm>>
      %dma_start3A_206 = tpu.memref_squeeze %dma_start3A_205 : memref<1x1x1x196x256xi32, #tpu.memory_space<hbm>> -> memref<196x256xi32, #tpu.memory_space<hbm>>
      %dma_start3A_207 = arith.constant 0 : i32
      %dma_start3A_208 = arith.constant 0 : i32
      %dma_start3A_209 = tpu.memref_slice %arg3[%arg0, %run_scoped3A, %arg1, %dma_start3A_207, %dma_start3A_208] : memref<2x4x16x196x256xi32, #tpu.memory_space<hbm>> -> memref<1x1x1x196x256xi32, #tpu.memory_space<hbm>>
      %dma_start3A_210 = tpu.memref_squeeze %dma_start3A_209 : memref<1x1x1x196x256xi32, #tpu.memory_space<hbm>> -> memref<196x256xi32, #tpu.memory_space<hbm>>
      tpu.enqueue_dma source(%dma_start3A_210 : memref<196x256xi32, #tpu.memory_space<hbm>>) target(%arg7 : memref<196x256xi32, #tpu.memory_space<vmem>>) target_semaphore(%run_scoped3A_203 : memref<!tpu.dma_semaphore, #tpu.memory_space<semaphore_mem>>)
      %dma_wait3A = arith.constant 0 : i32
      %dma_wait3A_211 = arith.constant 0 : i32
      %dma_wait3A_212 = tpu.memref_slice %arg3[%arg0, %run_scoped3A, %arg1, %dma_wait3A, %dma_wait3A_211] : memref<2x4x16x196x256xi32, #tpu.memory_space<hbm>> -> memref<1x1x1x196x256xi32, #tpu.memory_space<hbm>>
      %dma_wait3A_213 = tpu.memref_squeeze %dma_wait3A_212 : memref<1x1x1x196x256xi32, #tpu.memory_space<hbm>> -> memref<196x256xi32, #tpu.memory_space<hbm>>
      %dma_wait3A_214 = arith.constant 0 : i32
      %dma_wait3A_215 = arith.constant 0 : i32
      %dma_wait3A_216 = tpu.memref_slice %arg3[%arg0, %run_scoped3A, %arg1, %dma_wait3A_214, %dma_wait3A_215] : memref<2x4x16x196x256xi32, #tpu.memory_space<hbm>> -> memref<1x1x1x196x256xi32, #tpu.memory_space<hbm>>
      %dma_wait3A_217 = tpu.memref_squeeze %dma_wait3A_216 : memref<1x1x1x196x256xi32, #tpu.memory_space<hbm>> -> memref<196x256xi32, #tpu.memory_space<hbm>>
      tpu.wait_dma2 semaphore(%run_scoped3A_203 : memref<!tpu.dma_semaphore, #tpu.memory_space<semaphore_mem>>) src(%dma_wait3A_217 : memref<196x256xi32, #tpu.memory_space<hbm>>) dst(%arg7 : memref<196x256xi32, #tpu.memory_space<vmem>>)
      tpu.yield
    }) : () -> ()
    %barrier3A = arith.constant 0 : index
    tpu.barrier barrier_id(%barrier3A)
    %scan3A = arith.constant 0 : i32
    %scan3A_30 = arith.constant 0 : i32
    %scan3A_31 = arith.constant 196 : i32
    %scan3A_32 = arith.addi %scan3A_30, %scan3A_31 : i32
    %scan3A_33 = arith.constant 1 : i32
    scf.for %scan3A_203 = %scan3A_30 to %scan3A_32 step %scan3A_33  : i32 {
      %dma_start3A = arith.constant 0 : i32
      %dma_start3A_204 = tpu.memref_slice %arg7[%scan3A_203, %dma_start3A] : memref<196x256xi32, #tpu.memory_space<vmem>> -> memref<1x256xi32, #tpu.memory_space<vmem>>
      %dma_start3A_205 = tpu.memref_squeeze %dma_start3A_204 : memref<1x256xi32, #tpu.memory_space<vmem>> -> memref<256xi32, #tpu.memory_space<vmem>>
      %dma_start3A_206 = arith.constant 0 : i32
      %dma_start3A_207 = arith.constant 0 : i32
      %dma_start3A_208 = tpu.memref_slice %arg2[%dma_start3A_206, %dma_start3A_207] : memref<401408x8xf32, #tpu.memory_space<hbm>> -> memref<401408x8xf32, #tpu.memory_space<hbm>>
      tpu.enqueue_indirect_dma source(%dma_start3A_208 : memref<401408x8xf32, #tpu.memory_space<hbm>>) target(%arg9 : memref<256x8xf32, #tpu.memory_space<vmem>>) offsets(%dma_start3A_205 : memref<256xi32, #tpu.memory_space<vmem>>) semaphore(%arg11 : memref<!tpu.dma_semaphore, #tpu.memory_space<semaphore_mem>>)
      %dma_wait3A = arith.constant 0 : i32
      %dma_wait3A_209 = tpu.memref_slice %arg7[%scan3A_203, %dma_wait3A] : memref<196x256xi32, #tpu.memory_space<vmem>> -> memref<1x256xi32, #tpu.memory_space<vmem>>
      %dma_wait3A_210 = tpu.memref_squeeze %dma_wait3A_209 : memref<1x256xi32, #tpu.memory_space<vmem>> -> memref<256xi32, #tpu.memory_space<vmem>>
      %dma_wait3A_211 = arith.constant 0 : i32
      %dma_wait3A_212 = arith.constant 0 : i32
      %dma_wait3A_213 = tpu.memref_slice %arg2[%dma_wait3A_211, %dma_wait3A_212] : memref<401408x8xf32, #tpu.memory_space<hbm>> -> memref<401408x8xf32, #tpu.memory_space<hbm>>
      tpu.wait_indirect_dma semaphore(%arg11 : memref<!tpu.dma_semaphore, #tpu.memory_space<semaphore_mem>>) src(%dma_wait3A_213 : memref<401408x8xf32, #tpu.memory_space<hbm>>) dst(%arg9 : memref<256x8xf32, #tpu.memory_space<vmem>>)
      "tpu.region"() ({
        %run_scoped3A_214 = tpu.sem_alloc : memref<!tpu.dma_semaphore, #tpu.memory_space<semaphore_mem>>
        %dma_start3A_215 = arith.constant 0 : i32
        %dma_start3A_216 = tpu.memref_slice %arg8[%scan3A_203, %dma_start3A_215] : memref<196x256xi32, #tpu.memory_space<vmem>> -> memref<1x256xi32, #tpu.memory_space<vmem>>
        %dma_start3A_217 = tpu.memref_squeeze %dma_start3A_216 : memref<1x256xi32, #tpu.memory_space<vmem>> -> memref<256xi32, #tpu.memory_space<vmem>>
        %dma_start3A_218 = arith.constant 0 : i32
        %dma_start3A_219 = arith.constant 0 : i32
        %dma_start3A_220 = tpu.memref_slice %arg12[%dma_start3A_218, %dma_start3A_219] : memref<50176x8xf32, #tpu.memory_space<vmem_shared>> -> memref<50176x8xf32, #tpu.memory_space<vmem_shared>>
        tpu.enqueue_indirect_dma source(%arg9 : memref<256x8xf32, #tpu.memory_space<vmem>>) target(%dma_start3A_220 : memref<50176x8xf32, #tpu.memory_space<vmem_shared>>) offsets(%dma_start3A_217 : memref<256xi32, #tpu.memory_space<vmem>>) semaphore(%run_scoped3A_214 : memref<!tpu.dma_semaphore, #tpu.memory_space<semaphore_mem>>) {add = true}
        %dma_wait3A_221 = arith.constant 0 : i32
        %dma_wait3A_222 = tpu.memref_slice %arg8[%scan3A_203, %dma_wait3A_221] : memref<196x256xi32, #tpu.memory_space<vmem>> -> memref<1x256xi32, #tpu.memory_space<vmem>>
        %dma_wait3A_223 = tpu.memref_squeeze %dma_wait3A_222 : memref<1x256xi32, #tpu.memory_space<vmem>> -> memref<256xi32, #tpu.memory_space<vmem>>
        %dma_wait3A_224 = arith.constant 0 : i32
        %dma_wait3A_225 = arith.constant 0 : i32
        %dma_wait3A_226 = tpu.memref_slice %arg12[%dma_wait3A_224, %dma_wait3A_225] : memref<50176x8xf32, #tpu.memory_space<vmem_shared>> -> memref<50176x8xf32, #tpu.memory_space<vmem_shared>>
        tpu.wait_indirect_dma semaphore(%run_scoped3A_214 : memref<!tpu.dma_semaphore, #tpu.memory_space<semaphore_mem>>) src(%arg9 : memref<256x8xf32, #tpu.memory_space<vmem>>) dst(%dma_wait3A_226 : memref<50176x8xf32, #tpu.memory_space<vmem_shared>>)
        tpu.yield
      }) : () -> ()
    }
    %scan3A_34 = arith.constant 196 : i32
    %barrier3A_35 = arith.constant 0 : index
    tpu.barrier barrier_id(%barrier3A_35)
    %mul3A_36 = arith.constant 3136 : i32
    %mul3A_37 = arith.muli %arg1, %mul3A_36 : i32
    %mul3A_38 = arith.constant 4 : i32
    %mul3A_39 = arith.muli %mul3A_38, %arg0 : i32
    %add3A_40 = arith.constant 0 : i32
    %add3A_41 = arith.addi %mul3A_39, %add3A_40 : i32
    %mul3A_42 = arith.constant 50176 : i32
    %mul3A_43 = arith.muli %add3A_41, %mul3A_42 : i32
    %mul3A_44 = arith.constant 3136 : i32
    %mul3A_45 = arith.muli %arg1, %mul3A_44 : i32
    %add3A_46 = arith.addi %mul3A_43, %mul3A_45 : i32
    "tpu.region"() ({
      %run_scoped3A_203 = tpu.sem_alloc : memref<!tpu.dma_semaphore, #tpu.memory_space<semaphore_mem>>
      %dma_start3A = arith.constant 0 : i32
      %dma_start3A_204 = tpu.memref_slice %arg6[%add3A_46, %dma_start3A] : memref<401408x8xf32, #tpu.memory_space<hbm>> -> memref<3136x8xf32, #tpu.memory_space<hbm>>
      %dma_start3A_205 = arith.constant 0 : i32
      %dma_start3A_206 = tpu.memref_slice %arg12[%mul3A_37, %dma_start3A_205] : memref<50176x8xf32, #tpu.memory_space<vmem_shared>> -> memref<3136x8xf32, #tpu.memory_space<vmem_shared>>
      tpu.enqueue_dma source(%dma_start3A_206 : memref<3136x8xf32, #tpu.memory_space<vmem_shared>>) target(%dma_start3A_204 : memref<3136x8xf32, #tpu.memory_space<hbm>>) target_semaphore(%run_scoped3A_203 : memref<!tpu.dma_semaphore, #tpu.memory_space<semaphore_mem>>)
      %dma_wait3A = arith.constant 0 : i32
      %dma_wait3A_207 = tpu.memref_slice %arg6[%add3A_46, %dma_wait3A] : memref<401408x8xf32, #tpu.memory_space<hbm>> -> memref<3136x8xf32, #tpu.memory_space<hbm>>
      %dma_wait3A_208 = arith.constant 0 : i32
      %dma_wait3A_209 = tpu.memref_slice %arg12[%mul3A_37, %dma_wait3A_208] : memref<50176x8xf32, #tpu.memory_space<vmem_shared>> -> memref<3136x8xf32, #tpu.memory_space<vmem_shared>>
      tpu.wait_dma2 semaphore(%run_scoped3A_203 : memref<!tpu.dma_semaphore, #tpu.memory_space<semaphore_mem>>) src(%dma_wait3A_209 : memref<3136x8xf32, #tpu.memory_space<vmem_shared>>) dst(%dma_wait3A_207 : memref<3136x8xf32, #tpu.memory_space<hbm>>)
      tpu.yield
    }) : () -> ()
    %mul3A_47 = arith.constant 3136 : i32
    %mul3A_48 = arith.muli %arg1, %mul3A_47 : i32
    %add3A_49 = arith.constant 0 : i32
    %add3A_50 = arith.addi %mul3A_48, %add3A_49 : i32
    "tpu.region"() ({
      %run_scoped3A_203 = tpu.sem_alloc : memref<!tpu.dma_semaphore, #tpu.memory_space<semaphore_mem>>
      %dma_start3A = arith.constant 0 : i32
      %dma_start3A_204 = tpu.memref_slice %arg12[%add3A_50, %dma_start3A] : memref<50176x8xf32, #tpu.memory_space<vmem_shared>> -> memref<392x8xf32, #tpu.memory_space<vmem_shared>>
      %dma_start3A_205 = arith.constant 0 : i32
      %dma_start3A_206 = tpu.memref_slice %arg12[%add3A_50, %dma_start3A_205] : memref<50176x8xf32, #tpu.memory_space<vmem_shared>> -> memref<392x8xf32, #tpu.memory_space<vmem_shared>>
      tpu.enqueue_dma source(%arg10 : memref<392x8xf32, #tpu.memory_space<vmem>>) target(%dma_start3A_206 : memref<392x8xf32, #tpu.memory_space<vmem_shared>>) target_semaphore(%run_scoped3A_203 : memref<!tpu.dma_semaphore, #tpu.memory_space<semaphore_mem>>)
      %dma_wait3A = arith.constant 0 : i32
      %dma_wait3A_207 = tpu.memref_slice %arg12[%add3A_50, %dma_wait3A] : memref<50176x8xf32, #tpu.memory_space<vmem_shared>> -> memref<392x8xf32, #tpu.memory_space<vmem_shared>>
      %dma_wait3A_208 = arith.constant 0 : i32
      %dma_wait3A_209 = tpu.memref_slice %arg12[%add3A_50, %dma_wait3A_208] : memref<50176x8xf32, #tpu.memory_space<vmem_shared>> -> memref<392x8xf32, #tpu.memory_space<vmem_shared>>
      tpu.wait_dma2 semaphore(%run_scoped3A_203 : memref<!tpu.dma_semaphore, #tpu.memory_space<semaphore_mem>>) src(%arg10 : memref<392x8xf32, #tpu.memory_space<vmem>>) dst(%dma_wait3A_209 : memref<392x8xf32, #tpu.memory_space<vmem_shared>>)
      tpu.yield
    }) : () -> ()
    %mul3A_51 = arith.constant 3136 : i32
    %mul3A_52 = arith.muli %arg1, %mul3A_51 : i32
    %add3A_53 = arith.constant 392 : i32
    %add3A_54 = arith.addi %mul3A_52, %add3A_53 : i32
    "tpu.region"() ({
      %run_scoped3A_203 = tpu.sem_alloc : memref<!tpu.dma_semaphore, #tpu.memory_space<semaphore_mem>>
      %dma_start3A = arith.constant 0 : i32
      %dma_start3A_204 = tpu.memref_slice %arg12[%add3A_54, %dma_start3A] : memref<50176x8xf32, #tpu.memory_space<vmem_shared>> -> memref<392x8xf32, #tpu.memory_space<vmem_shared>>
      %dma_start3A_205 = arith.constant 0 : i32
      %dma_start3A_206 = tpu.memref_slice %arg12[%add3A_54, %dma_start3A_205] : memref<50176x8xf32, #tpu.memory_space<vmem_shared>> -> memref<392x8xf32, #tpu.memory_space<vmem_shared>>
      tpu.enqueue_dma source(%arg10 : memref<392x8xf32, #tpu.memory_space<vmem>>) target(%dma_start3A_206 : memref<392x8xf32, #tpu.memory_space<vmem_shared>>) target_semaphore(%run_scoped3A_203 : memref<!tpu.dma_semaphore, #tpu.memory_space<semaphore_mem>>)
      %dma_wait3A = arith.constant 0 : i32
      %dma_wait3A_207 = tpu.memref_slice %arg12[%add3A_54, %dma_wait3A] : memref<50176x8xf32, #tpu.memory_space<vmem_shared>> -> memref<392x8xf32, #tpu.memory_space<vmem_shared>>
      %dma_wait3A_208 = arith.constant 0 : i32
      %dma_wait3A_209 = tpu.memref_slice %arg12[%add3A_54, %dma_wait3A_208] : memref<50176x8xf32, #tpu.memory_space<vmem_shared>> -> memref<392x8xf32, #tpu.memory_space<vmem_shared>>
      tpu.wait_dma2 semaphore(%run_scoped3A_203 : memref<!tpu.dma_semaphore, #tpu.memory_space<semaphore_mem>>) src(%arg10 : memref<392x8xf32, #tpu.memory_space<vmem>>) dst(%dma_wait3A_209 : memref<392x8xf32, #tpu.memory_space<vmem_shared>>)
      tpu.yield
    }) : () -> ()
    %mul3A_55 = arith.constant 3136 : i32
    %mul3A_56 = arith.muli %arg1, %mul3A_55 : i32
    %add3A_57 = arith.constant 784 : i32
    %add3A_58 = arith.addi %mul3A_56, %add3A_57 : i32
    "tpu.region"() ({
      %run_scoped3A_203 = tpu.sem_alloc : memref<!tpu.dma_semaphore, #tpu.memory_space<semaphore_mem>>
      %dma_start3A = arith.constant 0 : i32
      %dma_start3A_204 = tpu.memref_slice %arg12[%add3A_58, %dma_start3A] : memref<50176x8xf32, #tpu.memory_space<vmem_shared>> -> memref<392x8xf32, #tpu.memory_space<vmem_shared>>
      %dma_start3A_205 = arith.constant 0 : i32
      %dma_start3A_206 = tpu.memref_slice %arg12[%add3A_58, %dma_start3A_205] : memref<50176x8xf32, #tpu.memory_space<vmem_shared>> -> memref<392x8xf32, #tpu.memory_space<vmem_shared>>
      tpu.enqueue_dma source(%arg10 : memref<392x8xf32, #tpu.memory_space<vmem>>) target(%dma_start3A_206 : memref<392x8xf32, #tpu.memory_space<vmem_shared>>) target_semaphore(%run_scoped3A_203 : memref<!tpu.dma_semaphore, #tpu.memory_space<semaphore_mem>>)
      %dma_wait3A = arith.constant 0 : i32
      %dma_wait3A_207 = tpu.memref_slice %arg12[%add3A_58, %dma_wait3A] : memref<50176x8xf32, #tpu.memory_space<vmem_shared>> -> memref<392x8xf32, #tpu.memory_space<vmem_shared>>
      %dma_wait3A_208 = arith.constant 0 : i32
      %dma_wait3A_209 = tpu.memref_slice %arg12[%add3A_58, %dma_wait3A_208] : memref<50176x8xf32, #tpu.memory_space<vmem_shared>> -> memref<392x8xf32, #tpu.memory_space<vmem_shared>>
      tpu.wait_dma2 semaphore(%run_scoped3A_203 : memref<!tpu.dma_semaphore, #tpu.memory_space<semaphore_mem>>) src(%arg10 : memref<392x8xf32, #tpu.memory_space<vmem>>) dst(%dma_wait3A_209 : memref<392x8xf32, #tpu.memory_space<vmem_shared>>)
      tpu.yield
    }) : () -> ()
    %mul3A_59 = arith.constant 3136 : i32
    %mul3A_60 = arith.muli %arg1, %mul3A_59 : i32
    %add3A_61 = arith.constant 1176 : i32
    %add3A_62 = arith.addi %mul3A_60, %add3A_61 : i32
    "tpu.region"() ({
      %run_scoped3A_203 = tpu.sem_alloc : memref<!tpu.dma_semaphore, #tpu.memory_space<semaphore_mem>>
      %dma_start3A = arith.constant 0 : i32
      %dma_start3A_204 = tpu.memref_slice %arg12[%add3A_62, %dma_start3A] : memref<50176x8xf32, #tpu.memory_space<vmem_shared>> -> memref<392x8xf32, #tpu.memory_space<vmem_shared>>
      %dma_start3A_205 = arith.constant 0 : i32
      %dma_start3A_206 = tpu.memref_slice %arg12[%add3A_62, %dma_start3A_205] : memref<50176x8xf32, #tpu.memory_space<vmem_shared>> -> memref<392x8xf32, #tpu.memory_space<vmem_shared>>
      tpu.enqueue_dma source(%arg10 : memref<392x8xf32, #tpu.memory_space<vmem>>) target(%dma_start3A_206 : memref<392x8xf32, #tpu.memory_space<vmem_shared>>) target_semaphore(%run_scoped3A_203 : memref<!tpu.dma_semaphore, #tpu.memory_space<semaphore_mem>>)
      %dma_wait3A = arith.constant 0 : i32
      %dma_wait3A_207 = tpu.memref_slice %arg12[%add3A_62, %dma_wait3A] : memref<50176x8xf32, #tpu.memory_space<vmem_shared>> -> memref<392x8xf32, #tpu.memory_space<vmem_shared>>
      %dma_wait3A_208 = arith.constant 0 : i32
      %dma_wait3A_209 = tpu.memref_slice %arg12[%add3A_62, %dma_wait3A_208] : memref<50176x8xf32, #tpu.memory_space<vmem_shared>> -> memref<392x8xf32, #tpu.memory_space<vmem_shared>>
      tpu.wait_dma2 semaphore(%run_scoped3A_203 : memref<!tpu.dma_semaphore, #tpu.memory_space<semaphore_mem>>) src(%arg10 : memref<392x8xf32, #tpu.memory_space<vmem>>) dst(%dma_wait3A_209 : memref<392x8xf32, #tpu.memory_space<vmem_shared>>)
      tpu.yield
    }) : () -> ()
    %mul3A_63 = arith.constant 3136 : i32
    %mul3A_64 = arith.muli %arg1, %mul3A_63 : i32
    %add3A_65 = arith.constant 1568 : i32
    %add3A_66 = arith.addi %mul3A_64, %add3A_65 : i32
    "tpu.region"() ({
      %run_scoped3A_203 = tpu.sem_alloc : memref<!tpu.dma_semaphore, #tpu.memory_space<semaphore_mem>>
      %dma_start3A = arith.constant 0 : i32
      %dma_start3A_204 = tpu.memref_slice %arg12[%add3A_66, %dma_start3A] : memref<50176x8xf32, #tpu.memory_space<vmem_shared>> -> memref<392x8xf32, #tpu.memory_space<vmem_shared>>
      %dma_start3A_205 = arith.constant 0 : i32
      %dma_start3A_206 = tpu.memref_slice %arg12[%add3A_66, %dma_start3A_205] : memref<50176x8xf32, #tpu.memory_space<vmem_shared>> -> memref<392x8xf32, #tpu.memory_space<vmem_shared>>
      tpu.enqueue_dma source(%arg10 : memref<392x8xf32, #tpu.memory_space<vmem>>) target(%dma_start3A_206 : memref<392x8xf32, #tpu.memory_space<vmem_shared>>) target_semaphore(%run_scoped3A_203 : memref<!tpu.dma_semaphore, #tpu.memory_space<semaphore_mem>>)
      %dma_wait3A = arith.constant 0 : i32
      %dma_wait3A_207 = tpu.memref_slice %arg12[%add3A_66, %dma_wait3A] : memref<50176x8xf32, #tpu.memory_space<vmem_shared>> -> memref<392x8xf32, #tpu.memory_space<vmem_shared>>
      %dma_wait3A_208 = arith.constant 0 : i32
      %dma_wait3A_209 = tpu.memref_slice %arg12[%add3A_66, %dma_wait3A_208] : memref<50176x8xf32, #tpu.memory_space<vmem_shared>> -> memref<392x8xf32, #tpu.memory_space<vmem_shared>>
      tpu.wait_dma2 semaphore(%run_scoped3A_203 : memref<!tpu.dma_semaphore, #tpu.memory_space<semaphore_mem>>) src(%arg10 : memref<392x8xf32, #tpu.memory_space<vmem>>) dst(%dma_wait3A_209 : memref<392x8xf32, #tpu.memory_space<vmem_shared>>)
      tpu.yield
    }) : () -> ()
    %mul3A_67 = arith.constant 3136 : i32
    %mul3A_68 = arith.muli %arg1, %mul3A_67 : i32
    %add3A_69 = arith.constant 1960 : i32
    %add3A_70 = arith.addi %mul3A_68, %add3A_69 : i32
    "tpu.region"() ({
      %run_scoped3A_203 = tpu.sem_alloc : memref<!tpu.dma_semaphore, #tpu.memory_space<semaphore_mem>>
      %dma_start3A = arith.constant 0 : i32
      %dma_start3A_204 = tpu.memref_slice %arg12[%add3A_70, %dma_start3A] : memref<50176x8xf32, #tpu.memory_space<vmem_shared>> -> memref<392x8xf32, #tpu.memory_space<vmem_shared>>
      %dma_start3A_205 = arith.constant 0 : i32
      %dma_start3A_206 = tpu.memref_slice %arg12[%add3A_70, %dma_start3A_205] : memref<50176x8xf32, #tpu.memory_space<vmem_shared>> -> memref<392x8xf32, #tpu.memory_space<vmem_shared>>
      tpu.enqueue_dma source(%arg10 : memref<392x8xf32, #tpu.memory_space<vmem>>) target(%dma_start3A_206 : memref<392x8xf32, #tpu.memory_space<vmem_shared>>) target_semaphore(%run_scoped3A_203 : memref<!tpu.dma_semaphore, #tpu.memory_space<semaphore_mem>>)
      %dma_wait3A = arith.constant 0 : i32
      %dma_wait3A_207 = tpu.memref_slice %arg12[%add3A_70, %dma_wait3A] : memref<50176x8xf32, #tpu.memory_space<vmem_shared>> -> memref<392x8xf32, #tpu.memory_space<vmem_shared>>
      %dma_wait3A_208 = arith.constant 0 : i32
      %dma_wait3A_209 = tpu.memref_slice %arg12[%add3A_70, %dma_wait3A_208] : memref<50176x8xf32, #tpu.memory_space<vmem_shared>> -> memref<392x8xf32, #tpu.memory_space<vmem_shared>>
      tpu.wait_dma2 semaphore(%run_scoped3A_203 : memref<!tpu.dma_semaphore, #tpu.memory_space<semaphore_mem>>) src(%arg10 : memref<392x8xf32, #tpu.memory_space<vmem>>) dst(%dma_wait3A_209 : memref<392x8xf32, #tpu.memory_space<vmem_shared>>)
      tpu.yield
    }) : () -> ()
    %mul3A_71 = arith.constant 3136 : i32
    %mul3A_72 = arith.muli %arg1, %mul3A_71 : i32
    %add3A_73 = arith.constant 2352 : i32
    %add3A_74 = arith.addi %mul3A_72, %add3A_73 : i32
    "tpu.region"() ({
      %run_scoped3A_203 = tpu.sem_alloc : memref<!tpu.dma_semaphore, #tpu.memory_space<semaphore_mem>>
      %dma_start3A = arith.constant 0 : i32
      %dma_start3A_204 = tpu.memref_slice %arg12[%add3A_74, %dma_start3A] : memref<50176x8xf32, #tpu.memory_space<vmem_shared>> -> memref<392x8xf32, #tpu.memory_space<vmem_shared>>
      %dma_start3A_205 = arith.constant 0 : i32
      %dma_start3A_206 = tpu.memref_slice %arg12[%add3A_74, %dma_start3A_205] : memref<50176x8xf32, #tpu.memory_space<vmem_shared>> -> memref<392x8xf32, #tpu.memory_space<vmem_shared>>
      tpu.enqueue_dma source(%arg10 : memref<392x8xf32, #tpu.memory_space<vmem>>) target(%dma_start3A_206 : memref<392x8xf32, #tpu.memory_space<vmem_shared>>) target_semaphore(%run_scoped3A_203 : memref<!tpu.dma_semaphore, #tpu.memory_space<semaphore_mem>>)
      %dma_wait3A = arith.constant 0 : i32
      %dma_wait3A_207 = tpu.memref_slice %arg12[%add3A_74, %dma_wait3A] : memref<50176x8xf32, #tpu.memory_space<vmem_shared>> -> memref<392x8xf32, #tpu.memory_space<vmem_shared>>
      %dma_wait3A_208 = arith.constant 0 : i32
      %dma_wait3A_209 = tpu.memref_slice %arg12[%add3A_74, %dma_wait3A_208] : memref<50176x8xf32, #tpu.memory_space<vmem_shared>> -> memref<392x8xf32, #tpu.memory_space<vmem_shared>>
      tpu.wait_dma2 semaphore(%run_scoped3A_203 : memref<!tpu.dma_semaphore, #tpu.memory_space<semaphore_mem>>) src(%arg10 : memref<392x8xf32, #tpu.memory_space<vmem>>) dst(%dma_wait3A_209 : memref<392x8xf32, #tpu.memory_space<vmem_shared>>)
      tpu.yield
    }) : () -> ()
    %mul3A_75 = arith.constant 3136 : i32
    %mul3A_76 = arith.muli %arg1, %mul3A_75 : i32
    %add3A_77 = arith.constant 2744 : i32
    %add3A_78 = arith.addi %mul3A_76, %add3A_77 : i32
    "tpu.region"() ({
      %run_scoped3A_203 = tpu.sem_alloc : memref<!tpu.dma_semaphore, #tpu.memory_space<semaphore_mem>>
      %dma_start3A = arith.constant 0 : i32
      %dma_start3A_204 = tpu.memref_slice %arg12[%add3A_78, %dma_start3A] : memref<50176x8xf32, #tpu.memory_space<vmem_shared>> -> memref<392x8xf32, #tpu.memory_space<vmem_shared>>
      %dma_start3A_205 = arith.constant 0 : i32
      %dma_start3A_206 = tpu.memref_slice %arg12[%add3A_78, %dma_start3A_205] : memref<50176x8xf32, #tpu.memory_space<vmem_shared>> -> memref<392x8xf32, #tpu.memory_space<vmem_shared>>
      tpu.enqueue_dma source(%arg10 : memref<392x8xf32, #tpu.memory_space<vmem>>) target(%dma_start3A_206 : memref<392x8xf32, #tpu.memory_space<vmem_shared>>) target_semaphore(%run_scoped3A_203 : memref<!tpu.dma_semaphore, #tpu.memory_space<semaphore_mem>>)
      %dma_wait3A = arith.constant 0 : i32
      %dma_wait3A_207 = tpu.memref_slice %arg12[%add3A_78, %dma_wait3A] : memref<50176x8xf32, #tpu.memory_space<vmem_shared>> -> memref<392x8xf32, #tpu.memory_space<vmem_shared>>
      %dma_wait3A_208 = arith.constant 0 : i32
      %dma_wait3A_209 = tpu.memref_slice %arg12[%add3A_78, %dma_wait3A_208] : memref<50176x8xf32, #tpu.memory_space<vmem_shared>> -> memref<392x8xf32, #tpu.memory_space<vmem_shared>>
      tpu.wait_dma2 semaphore(%run_scoped3A_203 : memref<!tpu.dma_semaphore, #tpu.memory_space<semaphore_mem>>) src(%arg10 : memref<392x8xf32, #tpu.memory_space<vmem>>) dst(%dma_wait3A_209 : memref<392x8xf32, #tpu.memory_space<vmem_shared>>)
      tpu.yield
    }) : () -> ()
    %run_scoped3A_79 = arith.constant 1 : i32
    "tpu.region"() ({
      %run_scoped3A_203 = tpu.sem_alloc : memref<!tpu.dma_semaphore, #tpu.memory_space<semaphore_mem>>
      %dma_start3A = arith.constant 0 : i32
      %dma_start3A_204 = arith.constant 0 : i32
      %dma_start3A_205 = tpu.memref_slice %arg3[%arg0, %run_scoped3A_79, %arg1, %dma_start3A, %dma_start3A_204] : memref<2x4x16x196x256xi32, #tpu.memory_space<hbm>> -> memref<1x1x1x196x256xi32, #tpu.memory_space<hbm>>
      %dma_start3A_206 = tpu.memref_squeeze %dma_start3A_205 : memref<1x1x1x196x256xi32, #tpu.memory_space<hbm>> -> memref<196x256xi32, #tpu.memory_space<hbm>>
      %dma_start3A_207 = arith.constant 0 : i32
      %dma_start3A_208 = arith.constant 0 : i32
      %dma_start3A_209 = tpu.memref_slice %arg3[%arg0, %run_scoped3A_79, %arg1, %dma_start3A_207, %dma_start3A_208] : memref<2x4x16x196x256xi32, #tpu.memory_space<hbm>> -> memref<1x1x1x196x256xi32, #tpu.memory_space<hbm>>
      %dma_start3A_210 = tpu.memref_squeeze %dma_start3A_209 : memref<1x1x1x196x256xi32, #tpu.memory_space<hbm>> -> memref<196x256xi32, #tpu.memory_space<hbm>>
      tpu.enqueue_dma source(%dma_start3A_210 : memref<196x256xi32, #tpu.memory_space<hbm>>) target(%arg7 : memref<196x256xi32, #tpu.memory_space<vmem>>) target_semaphore(%run_scoped3A_203 : memref<!tpu.dma_semaphore, #tpu.memory_space<semaphore_mem>>)
      %dma_wait3A = arith.constant 0 : i32
      %dma_wait3A_211 = arith.constant 0 : i32
      %dma_wait3A_212 = tpu.memref_slice %arg3[%arg0, %run_scoped3A_79, %arg1, %dma_wait3A, %dma_wait3A_211] : memref<2x4x16x196x256xi32, #tpu.memory_space<hbm>> -> memref<1x1x1x196x256xi32, #tpu.memory_space<hbm>>
      %dma_wait3A_213 = tpu.memref_squeeze %dma_wait3A_212 : memref<1x1x1x196x256xi32, #tpu.memory_space<hbm>> -> memref<196x256xi32, #tpu.memory_space<hbm>>
      %dma_wait3A_214 = arith.constant 0 : i32
      %dma_wait3A_215 = arith.constant 0 : i32
      %dma_wait3A_216 = tpu.memref_slice %arg3[%arg0, %run_scoped3A_79, %arg1, %dma_wait3A_214, %dma_wait3A_215] : memref<2x4x16x196x256xi32, #tpu.memory_space<hbm>> -> memref<1x1x1x196x256xi32, #tpu.memory_space<hbm>>
      %dma_wait3A_217 = tpu.memref_squeeze %dma_wait3A_216 : memref<1x1x1x196x256xi32, #tpu.memory_space<hbm>> -> memref<196x256xi32, #tpu.memory_space<hbm>>
      tpu.wait_dma2 semaphore(%run_scoped3A_203 : memref<!tpu.dma_semaphore, #tpu.memory_space<semaphore_mem>>) src(%dma_wait3A_217 : memref<196x256xi32, #tpu.memory_space<hbm>>) dst(%arg7 : memref<196x256xi32, #tpu.memory_space<vmem>>)
      tpu.yield
    }) : () -> ()
    %barrier3A_80 = arith.constant 0 : index
    tpu.barrier barrier_id(%barrier3A_80)
    %scan3A_81 = arith.constant 0 : i32
    %scan3A_82 = arith.constant 0 : i32
    %scan3A_83 = arith.constant 196 : i32
    %scan3A_84 = arith.addi %scan3A_82, %scan3A_83 : i32
    %scan3A_85 = arith.constant 1 : i32
    scf.for %scan3A_203 = %scan3A_82 to %scan3A_84 step %scan3A_85  : i32 {
      %dma_start3A = arith.constant 0 : i32
      %dma_start3A_204 = tpu.memref_slice %arg7[%scan3A_203, %dma_start3A] : memref<196x256xi32, #tpu.memory_space<vmem>> -> memref<1x256xi32, #tpu.memory_space<vmem>>
      %dma_start3A_205 = tpu.memref_squeeze %dma_start3A_204 : memref<1x256xi32, #tpu.memory_space<vmem>> -> memref<256xi32, #tpu.memory_space<vmem>>
      %dma_start3A_206 = arith.constant 0 : i32
      %dma_start3A_207 = arith.constant 0 : i32
      %dma_start3A_208 = tpu.memref_slice %arg2[%dma_start3A_206, %dma_start3A_207] : memref<401408x8xf32, #tpu.memory_space<hbm>> -> memref<401408x8xf32, #tpu.memory_space<hbm>>
      tpu.enqueue_indirect_dma source(%dma_start3A_208 : memref<401408x8xf32, #tpu.memory_space<hbm>>) target(%arg9 : memref<256x8xf32, #tpu.memory_space<vmem>>) offsets(%dma_start3A_205 : memref<256xi32, #tpu.memory_space<vmem>>) semaphore(%arg11 : memref<!tpu.dma_semaphore, #tpu.memory_space<semaphore_mem>>)
      %dma_wait3A = arith.constant 0 : i32
      %dma_wait3A_209 = tpu.memref_slice %arg7[%scan3A_203, %dma_wait3A] : memref<196x256xi32, #tpu.memory_space<vmem>> -> memref<1x256xi32, #tpu.memory_space<vmem>>
      %dma_wait3A_210 = tpu.memref_squeeze %dma_wait3A_209 : memref<1x256xi32, #tpu.memory_space<vmem>> -> memref<256xi32, #tpu.memory_space<vmem>>
      %dma_wait3A_211 = arith.constant 0 : i32
      %dma_wait3A_212 = arith.constant 0 : i32
      %dma_wait3A_213 = tpu.memref_slice %arg2[%dma_wait3A_211, %dma_wait3A_212] : memref<401408x8xf32, #tpu.memory_space<hbm>> -> memref<401408x8xf32, #tpu.memory_space<hbm>>
      tpu.wait_indirect_dma semaphore(%arg11 : memref<!tpu.dma_semaphore, #tpu.memory_space<semaphore_mem>>) src(%dma_wait3A_213 : memref<401408x8xf32, #tpu.memory_space<hbm>>) dst(%arg9 : memref<256x8xf32, #tpu.memory_space<vmem>>)
      "tpu.region"() ({
        %run_scoped3A_214 = tpu.sem_alloc : memref<!tpu.dma_semaphore, #tpu.memory_space<semaphore_mem>>
        %dma_start3A_215 = arith.constant 0 : i32
        %dma_start3A_216 = tpu.memref_slice %arg8[%scan3A_203, %dma_start3A_215] : memref<196x256xi32, #tpu.memory_space<vmem>> -> memref<1x256xi32, #tpu.memory_space<vmem>>
        %dma_start3A_217 = tpu.memref_squeeze %dma_start3A_216 : memref<1x256xi32, #tpu.memory_space<vmem>> -> memref<256xi32, #tpu.memory_space<vmem>>
        %dma_start3A_218 = arith.constant 0 : i32
        %dma_start3A_219 = arith.constant 0 : i32
        %dma_start3A_220 = tpu.memref_slice %arg12[%dma_start3A_218, %dma_start3A_219] : memref<50176x8xf32, #tpu.memory_space<vmem_shared>> -> memref<50176x8xf32, #tpu.memory_space<vmem_shared>>
        tpu.enqueue_indirect_dma source(%arg9 : memref<256x8xf32, #tpu.memory_space<vmem>>) target(%dma_start3A_220 : memref<50176x8xf32, #tpu.memory_space<vmem_shared>>) offsets(%dma_start3A_217 : memref<256xi32, #tpu.memory_space<vmem>>) semaphore(%run_scoped3A_214 : memref<!tpu.dma_semaphore, #tpu.memory_space<semaphore_mem>>) {add = true}
        %dma_wait3A_221 = arith.constant 0 : i32
        %dma_wait3A_222 = tpu.memref_slice %arg8[%scan3A_203, %dma_wait3A_221] : memref<196x256xi32, #tpu.memory_space<vmem>> -> memref<1x256xi32, #tpu.memory_space<vmem>>
        %dma_wait3A_223 = tpu.memref_squeeze %dma_wait3A_222 : memref<1x256xi32, #tpu.memory_space<vmem>> -> memref<256xi32, #tpu.memory_space<vmem>>
        %dma_wait3A_224 = arith.constant 0 : i32
        %dma_wait3A_225 = arith.constant 0 : i32
        %dma_wait3A_226 = tpu.memref_slice %arg12[%dma_wait3A_224, %dma_wait3A_225] : memref<50176x8xf32, #tpu.memory_space<vmem_shared>> -> memref<50176x8xf32, #tpu.memory_space<vmem_shared>>
        tpu.wait_indirect_dma semaphore(%run_scoped3A_214 : memref<!tpu.dma_semaphore, #tpu.memory_space<semaphore_mem>>) src(%arg9 : memref<256x8xf32, #tpu.memory_space<vmem>>) dst(%dma_wait3A_226 : memref<50176x8xf32, #tpu.memory_space<vmem_shared>>)
        tpu.yield
      }) : () -> ()
    }
    %scan3A_86 = arith.constant 196 : i32
    %barrier3A_87 = arith.constant 0 : index
    tpu.barrier barrier_id(%barrier3A_87)
    %mul3A_88 = arith.constant 3136 : i32
    %mul3A_89 = arith.muli %arg1, %mul3A_88 : i32
    %mul3A_90 = arith.constant 4 : i32
    %mul3A_91 = arith.muli %mul3A_90, %arg0 : i32
    %add3A_92 = arith.constant 1 : i32
    %add3A_93 = arith.addi %mul3A_91, %add3A_92 : i32
    %mul3A_94 = arith.constant 50176 : i32
    %mul3A_95 = arith.muli %add3A_93, %mul3A_94 : i32
    %mul3A_96 = arith.constant 3136 : i32
    %mul3A_97 = arith.muli %arg1, %mul3A_96 : i32
    %add3A_98 = arith.addi %mul3A_95, %mul3A_97 : i32
    "tpu.region"() ({
      %run_scoped3A_203 = tpu.sem_alloc : memref<!tpu.dma_semaphore, #tpu.memory_space<semaphore_mem>>
      %dma_start3A = arith.constant 0 : i32
      %dma_start3A_204 = tpu.memref_slice %arg6[%add3A_98, %dma_start3A] : memref<401408x8xf32, #tpu.memory_space<hbm>> -> memref<3136x8xf32, #tpu.memory_space<hbm>>
      %dma_start3A_205 = arith.constant 0 : i32
      %dma_start3A_206 = tpu.memref_slice %arg12[%mul3A_89, %dma_start3A_205] : memref<50176x8xf32, #tpu.memory_space<vmem_shared>> -> memref<3136x8xf32, #tpu.memory_space<vmem_shared>>
      tpu.enqueue_dma source(%dma_start3A_206 : memref<3136x8xf32, #tpu.memory_space<vmem_shared>>) target(%dma_start3A_204 : memref<3136x8xf32, #tpu.memory_space<hbm>>) target_semaphore(%run_scoped3A_203 : memref<!tpu.dma_semaphore, #tpu.memory_space<semaphore_mem>>)
      %dma_wait3A = arith.constant 0 : i32
      %dma_wait3A_207 = tpu.memref_slice %arg6[%add3A_98, %dma_wait3A] : memref<401408x8xf32, #tpu.memory_space<hbm>> -> memref<3136x8xf32, #tpu.memory_space<hbm>>
      %dma_wait3A_208 = arith.constant 0 : i32
      %dma_wait3A_209 = tpu.memref_slice %arg12[%mul3A_89, %dma_wait3A_208] : memref<50176x8xf32, #tpu.memory_space<vmem_shared>> -> memref<3136x8xf32, #tpu.memory_space<vmem_shared>>
      tpu.wait_dma2 semaphore(%run_scoped3A_203 : memref<!tpu.dma_semaphore, #tpu.memory_space<semaphore_mem>>) src(%dma_wait3A_209 : memref<3136x8xf32, #tpu.memory_space<vmem_shared>>) dst(%dma_wait3A_207 : memref<3136x8xf32, #tpu.memory_space<hbm>>)
      tpu.yield
    }) : () -> ()
    %mul3A_99 = arith.constant 3136 : i32
    %mul3A_100 = arith.muli %arg1, %mul3A_99 : i32
    %add3A_101 = arith.constant 0 : i32
    %add3A_102 = arith.addi %mul3A_100, %add3A_101 : i32
    "tpu.region"() ({
      %run_scoped3A_203 = tpu.sem_alloc : memref<!tpu.dma_semaphore, #tpu.memory_space<semaphore_mem>>
      %dma_start3A = arith.constant 0 : i32
      %dma_start3A_204 = tpu.memref_slice %arg12[%add3A_102, %dma_start3A] : memref<50176x8xf32, #tpu.memory_space<vmem_shared>> -> memref<392x8xf32, #tpu.memory_space<vmem_shared>>
      %dma_start3A_205 = arith.constant 0 : i32
      %dma_start3A_206 = tpu.memref_slice %arg12[%add3A_102, %dma_start3A_205] : memref<50176x8xf32, #tpu.memory_space<vmem_shared>> -> memref<392x8xf32, #tpu.memory_space<vmem_shared>>
      tpu.enqueue_dma source(%arg10 : memref<392x8xf32, #tpu.memory_space<vmem>>) target(%dma_start3A_206 : memref<392x8xf32, #tpu.memory_space<vmem_shared>>) target_semaphore(%run_scoped3A_203 : memref<!tpu.dma_semaphore, #tpu.memory_space<semaphore_mem>>)
      %dma_wait3A = arith.constant 0 : i32
      %dma_wait3A_207 = tpu.memref_slice %arg12[%add3A_102, %dma_wait3A] : memref<50176x8xf32, #tpu.memory_space<vmem_shared>> -> memref<392x8xf32, #tpu.memory_space<vmem_shared>>
      %dma_wait3A_208 = arith.constant 0 : i32
      %dma_wait3A_209 = tpu.memref_slice %arg12[%add3A_102, %dma_wait3A_208] : memref<50176x8xf32, #tpu.memory_space<vmem_shared>> -> memref<392x8xf32, #tpu.memory_space<vmem_shared>>
      tpu.wait_dma2 semaphore(%run_scoped3A_203 : memref<!tpu.dma_semaphore, #tpu.memory_space<semaphore_mem>>) src(%arg10 : memref<392x8xf32, #tpu.memory_space<vmem>>) dst(%dma_wait3A_209 : memref<392x8xf32, #tpu.memory_space<vmem_shared>>)
      tpu.yield
    }) : () -> ()
    %mul3A_103 = arith.constant 3136 : i32
    %mul3A_104 = arith.muli %arg1, %mul3A_103 : i32
    %add3A_105 = arith.constant 392 : i32
    %add3A_106 = arith.addi %mul3A_104, %add3A_105 : i32
    "tpu.region"() ({
      %run_scoped3A_203 = tpu.sem_alloc : memref<!tpu.dma_semaphore, #tpu.memory_space<semaphore_mem>>
      %dma_start3A = arith.constant 0 : i32
      %dma_start3A_204 = tpu.memref_slice %arg12[%add3A_106, %dma_start3A] : memref<50176x8xf32, #tpu.memory_space<vmem_shared>> -> memref<392x8xf32, #tpu.memory_space<vmem_shared>>
      %dma_start3A_205 = arith.constant 0 : i32
      %dma_start3A_206 = tpu.memref_slice %arg12[%add3A_106, %dma_start3A_205] : memref<50176x8xf32, #tpu.memory_space<vmem_shared>> -> memref<392x8xf32, #tpu.memory_space<vmem_shared>>
      tpu.enqueue_dma source(%arg10 : memref<392x8xf32, #tpu.memory_space<vmem>>) target(%dma_start3A_206 : memref<392x8xf32, #tpu.memory_space<vmem_shared>>) target_semaphore(%run_scoped3A_203 : memref<!tpu.dma_semaphore, #tpu.memory_space<semaphore_mem>>)
      %dma_wait3A = arith.constant 0 : i32
      %dma_wait3A_207 = tpu.memref_slice %arg12[%add3A_106, %dma_wait3A] : memref<50176x8xf32, #tpu.memory_space<vmem_shared>> -> memref<392x8xf32, #tpu.memory_space<vmem_shared>>
      %dma_wait3A_208 = arith.constant 0 : i32
      %dma_wait3A_209 = tpu.memref_slice %arg12[%add3A_106, %dma_wait3A_208] : memref<50176x8xf32, #tpu.memory_space<vmem_shared>> -> memref<392x8xf32, #tpu.memory_space<vmem_shared>>
      tpu.wait_dma2 semaphore(%run_scoped3A_203 : memref<!tpu.dma_semaphore, #tpu.memory_space<semaphore_mem>>) src(%arg10 : memref<392x8xf32, #tpu.memory_space<vmem>>) dst(%dma_wait3A_209 : memref<392x8xf32, #tpu.memory_space<vmem_shared>>)
      tpu.yield
    }) : () -> ()
    %mul3A_107 = arith.constant 3136 : i32
    %mul3A_108 = arith.muli %arg1, %mul3A_107 : i32
    %add3A_109 = arith.constant 784 : i32
    %add3A_110 = arith.addi %mul3A_108, %add3A_109 : i32
    "tpu.region"() ({
      %run_scoped3A_203 = tpu.sem_alloc : memref<!tpu.dma_semaphore, #tpu.memory_space<semaphore_mem>>
      %dma_start3A = arith.constant 0 : i32
      %dma_start3A_204 = tpu.memref_slice %arg12[%add3A_110, %dma_start3A] : memref<50176x8xf32, #tpu.memory_space<vmem_shared>> -> memref<392x8xf32, #tpu.memory_space<vmem_shared>>
      %dma_start3A_205 = arith.constant 0 : i32
      %dma_start3A_206 = tpu.memref_slice %arg12[%add3A_110, %dma_start3A_205] : memref<50176x8xf32, #tpu.memory_space<vmem_shared>> -> memref<392x8xf32, #tpu.memory_space<vmem_shared>>
      tpu.enqueue_dma source(%arg10 : memref<392x8xf32, #tpu.memory_space<vmem>>) target(%dma_start3A_206 : memref<392x8xf32, #tpu.memory_space<vmem_shared>>) target_semaphore(%run_scoped3A_203 : memref<!tpu.dma_semaphore, #tpu.memory_space<semaphore_mem>>)
      %dma_wait3A = arith.constant 0 : i32
      %dma_wait3A_207 = tpu.memref_slice %arg12[%add3A_110, %dma_wait3A] : memref<50176x8xf32, #tpu.memory_space<vmem_shared>> -> memref<392x8xf32, #tpu.memory_space<vmem_shared>>
      %dma_wait3A_208 = arith.constant 0 : i32
      %dma_wait3A_209 = tpu.memref_slice %arg12[%add3A_110, %dma_wait3A_208] : memref<50176x8xf32, #tpu.memory_space<vmem_shared>> -> memref<392x8xf32, #tpu.memory_space<vmem_shared>>
      tpu.wait_dma2 semaphore(%run_scoped3A_203 : memref<!tpu.dma_semaphore, #tpu.memory_space<semaphore_mem>>) src(%arg10 : memref<392x8xf32, #tpu.memory_space<vmem>>) dst(%dma_wait3A_209 : memref<392x8xf32, #tpu.memory_space<vmem_shared>>)
      tpu.yield
    }) : () -> ()
    %mul3A_111 = arith.constant 3136 : i32
    %mul3A_112 = arith.muli %arg1, %mul3A_111 : i32
    %add3A_113 = arith.constant 1176 : i32
    %add3A_114 = arith.addi %mul3A_112, %add3A_113 : i32
    "tpu.region"() ({
      %run_scoped3A_203 = tpu.sem_alloc : memref<!tpu.dma_semaphore, #tpu.memory_space<semaphore_mem>>
      %dma_start3A = arith.constant 0 : i32
      %dma_start3A_204 = tpu.memref_slice %arg12[%add3A_114, %dma_start3A] : memref<50176x8xf32, #tpu.memory_space<vmem_shared>> -> memref<392x8xf32, #tpu.memory_space<vmem_shared>>
      %dma_start3A_205 = arith.constant 0 : i32
      %dma_start3A_206 = tpu.memref_slice %arg12[%add3A_114, %dma_start3A_205] : memref<50176x8xf32, #tpu.memory_space<vmem_shared>> -> memref<392x8xf32, #tpu.memory_space<vmem_shared>>
      tpu.enqueue_dma source(%arg10 : memref<392x8xf32, #tpu.memory_space<vmem>>) target(%dma_start3A_206 : memref<392x8xf32, #tpu.memory_space<vmem_shared>>) target_semaphore(%run_scoped3A_203 : memref<!tpu.dma_semaphore, #tpu.memory_space<semaphore_mem>>)
      %dma_wait3A = arith.constant 0 : i32
      %dma_wait3A_207 = tpu.memref_slice %arg12[%add3A_114, %dma_wait3A] : memref<50176x8xf32, #tpu.memory_space<vmem_shared>> -> memref<392x8xf32, #tpu.memory_space<vmem_shared>>
      %dma_wait3A_208 = arith.constant 0 : i32
      %dma_wait3A_209 = tpu.memref_slice %arg12[%add3A_114, %dma_wait3A_208] : memref<50176x8xf32, #tpu.memory_space<vmem_shared>> -> memref<392x8xf32, #tpu.memory_space<vmem_shared>>
      tpu.wait_dma2 semaphore(%run_scoped3A_203 : memref<!tpu.dma_semaphore, #tpu.memory_space<semaphore_mem>>) src(%arg10 : memref<392x8xf32, #tpu.memory_space<vmem>>) dst(%dma_wait3A_209 : memref<392x8xf32, #tpu.memory_space<vmem_shared>>)
      tpu.yield
    }) : () -> ()
    %mul3A_115 = arith.constant 3136 : i32
    %mul3A_116 = arith.muli %arg1, %mul3A_115 : i32
    %add3A_117 = arith.constant 1568 : i32
    %add3A_118 = arith.addi %mul3A_116, %add3A_117 : i32
    "tpu.region"() ({
      %run_scoped3A_203 = tpu.sem_alloc : memref<!tpu.dma_semaphore, #tpu.memory_space<semaphore_mem>>
      %dma_start3A = arith.constant 0 : i32
      %dma_start3A_204 = tpu.memref_slice %arg12[%add3A_118, %dma_start3A] : memref<50176x8xf32, #tpu.memory_space<vmem_shared>> -> memref<392x8xf32, #tpu.memory_space<vmem_shared>>
      %dma_start3A_205 = arith.constant 0 : i32
      %dma_start3A_206 = tpu.memref_slice %arg12[%add3A_118, %dma_start3A_205] : memref<50176x8xf32, #tpu.memory_space<vmem_shared>> -> memref<392x8xf32, #tpu.memory_space<vmem_shared>>
      tpu.enqueue_dma source(%arg10 : memref<392x8xf32, #tpu.memory_space<vmem>>) target(%dma_start3A_206 : memref<392x8xf32, #tpu.memory_space<vmem_shared>>) target_semaphore(%run_scoped3A_203 : memref<!tpu.dma_semaphore, #tpu.memory_space<semaphore_mem>>)
      %dma_wait3A = arith.constant 0 : i32
      %dma_wait3A_207 = tpu.memref_slice %arg12[%add3A_118, %dma_wait3A] : memref<50176x8xf32, #tpu.memory_space<vmem_shared>> -> memref<392x8xf32, #tpu.memory_space<vmem_shared>>
      %dma_wait3A_208 = arith.constant 0 : i32
      %dma_wait3A_209 = tpu.memref_slice %arg12[%add3A_118, %dma_wait3A_208] : memref<50176x8xf32, #tpu.memory_space<vmem_shared>> -> memref<392x8xf32, #tpu.memory_space<vmem_shared>>
      tpu.wait_dma2 semaphore(%run_scoped3A_203 : memref<!tpu.dma_semaphore, #tpu.memory_space<semaphore_mem>>) src(%arg10 : memref<392x8xf32, #tpu.memory_space<vmem>>) dst(%dma_wait3A_209 : memref<392x8xf32, #tpu.memory_space<vmem_shared>>)
      tpu.yield
    }) : () -> ()
    %mul3A_119 = arith.constant 3136 : i32
    %mul3A_120 = arith.muli %arg1, %mul3A_119 : i32
    %add3A_121 = arith.constant 1960 : i32
    %add3A_122 = arith.addi %mul3A_120, %add3A_121 : i32
    "tpu.region"() ({
      %run_scoped3A_203 = tpu.sem_alloc : memref<!tpu.dma_semaphore, #tpu.memory_space<semaphore_mem>>
      %dma_start3A = arith.constant 0 : i32
      %dma_start3A_204 = tpu.memref_slice %arg12[%add3A_122, %dma_start3A] : memref<50176x8xf32, #tpu.memory_space<vmem_shared>> -> memref<392x8xf32, #tpu.memory_space<vmem_shared>>
      %dma_start3A_205 = arith.constant 0 : i32
      %dma_start3A_206 = tpu.memref_slice %arg12[%add3A_122, %dma_start3A_205] : memref<50176x8xf32, #tpu.memory_space<vmem_shared>> -> memref<392x8xf32, #tpu.memory_space<vmem_shared>>
      tpu.enqueue_dma source(%arg10 : memref<392x8xf32, #tpu.memory_space<vmem>>) target(%dma_start3A_206 : memref<392x8xf32, #tpu.memory_space<vmem_shared>>) target_semaphore(%run_scoped3A_203 : memref<!tpu.dma_semaphore, #tpu.memory_space<semaphore_mem>>)
      %dma_wait3A = arith.constant 0 : i32
      %dma_wait3A_207 = tpu.memref_slice %arg12[%add3A_122, %dma_wait3A] : memref<50176x8xf32, #tpu.memory_space<vmem_shared>> -> memref<392x8xf32, #tpu.memory_space<vmem_shared>>
      %dma_wait3A_208 = arith.constant 0 : i32
      %dma_wait3A_209 = tpu.memref_slice %arg12[%add3A_122, %dma_wait3A_208] : memref<50176x8xf32, #tpu.memory_space<vmem_shared>> -> memref<392x8xf32, #tpu.memory_space<vmem_shared>>
      tpu.wait_dma2 semaphore(%run_scoped3A_203 : memref<!tpu.dma_semaphore, #tpu.memory_space<semaphore_mem>>) src(%arg10 : memref<392x8xf32, #tpu.memory_space<vmem>>) dst(%dma_wait3A_209 : memref<392x8xf32, #tpu.memory_space<vmem_shared>>)
      tpu.yield
    }) : () -> ()
    %mul3A_123 = arith.constant 3136 : i32
    %mul3A_124 = arith.muli %arg1, %mul3A_123 : i32
    %add3A_125 = arith.constant 2352 : i32
    %add3A_126 = arith.addi %mul3A_124, %add3A_125 : i32
    "tpu.region"() ({
      %run_scoped3A_203 = tpu.sem_alloc : memref<!tpu.dma_semaphore, #tpu.memory_space<semaphore_mem>>
      %dma_start3A = arith.constant 0 : i32
      %dma_start3A_204 = tpu.memref_slice %arg12[%add3A_126, %dma_start3A] : memref<50176x8xf32, #tpu.memory_space<vmem_shared>> -> memref<392x8xf32, #tpu.memory_space<vmem_shared>>
      %dma_start3A_205 = arith.constant 0 : i32
      %dma_start3A_206 = tpu.memref_slice %arg12[%add3A_126, %dma_start3A_205] : memref<50176x8xf32, #tpu.memory_space<vmem_shared>> -> memref<392x8xf32, #tpu.memory_space<vmem_shared>>
      tpu.enqueue_dma source(%arg10 : memref<392x8xf32, #tpu.memory_space<vmem>>) target(%dma_start3A_206 : memref<392x8xf32, #tpu.memory_space<vmem_shared>>) target_semaphore(%run_scoped3A_203 : memref<!tpu.dma_semaphore, #tpu.memory_space<semaphore_mem>>)
      %dma_wait3A = arith.constant 0 : i32
      %dma_wait3A_207 = tpu.memref_slice %arg12[%add3A_126, %dma_wait3A] : memref<50176x8xf32, #tpu.memory_space<vmem_shared>> -> memref<392x8xf32, #tpu.memory_space<vmem_shared>>
      %dma_wait3A_208 = arith.constant 0 : i32
      %dma_wait3A_209 = tpu.memref_slice %arg12[%add3A_126, %dma_wait3A_208] : memref<50176x8xf32, #tpu.memory_space<vmem_shared>> -> memref<392x8xf32, #tpu.memory_space<vmem_shared>>
      tpu.wait_dma2 semaphore(%run_scoped3A_203 : memref<!tpu.dma_semaphore, #tpu.memory_space<semaphore_mem>>) src(%arg10 : memref<392x8xf32, #tpu.memory_space<vmem>>) dst(%dma_wait3A_209 : memref<392x8xf32, #tpu.memory_space<vmem_shared>>)
      tpu.yield
    }) : () -> ()
    %mul3A_127 = arith.constant 3136 : i32
    %mul3A_128 = arith.muli %arg1, %mul3A_127 : i32
    %add3A_129 = arith.constant 2744 : i32
    %add3A_130 = arith.addi %mul3A_128, %add3A_129 : i32
    "tpu.region"() ({
      %run_scoped3A_203 = tpu.sem_alloc : memref<!tpu.dma_semaphore, #tpu.memory_space<semaphore_mem>>
      %dma_start3A = arith.constant 0 : i32
      %dma_start3A_204 = tpu.memref_slice %arg12[%add3A_130, %dma_start3A] : memref<50176x8xf32, #tpu.memory_space<vmem_shared>> -> memref<392x8xf32, #tpu.memory_space<vmem_shared>>
      %dma_start3A_205 = arith.constant 0 : i32
      %dma_start3A_206 = tpu.memref_slice %arg12[%add3A_130, %dma_start3A_205] : memref<50176x8xf32, #tpu.memory_space<vmem_shared>> -> memref<392x8xf32, #tpu.memory_space<vmem_shared>>
      tpu.enqueue_dma source(%arg10 : memref<392x8xf32, #tpu.memory_space<vmem>>) target(%dma_start3A_206 : memref<392x8xf32, #tpu.memory_space<vmem_shared>>) target_semaphore(%run_scoped3A_203 : memref<!tpu.dma_semaphore, #tpu.memory_space<semaphore_mem>>)
      %dma_wait3A = arith.constant 0 : i32
      %dma_wait3A_207 = tpu.memref_slice %arg12[%add3A_130, %dma_wait3A] : memref<50176x8xf32, #tpu.memory_space<vmem_shared>> -> memref<392x8xf32, #tpu.memory_space<vmem_shared>>
      %dma_wait3A_208 = arith.constant 0 : i32
      %dma_wait3A_209 = tpu.memref_slice %arg12[%add3A_130, %dma_wait3A_208] : memref<50176x8xf32, #tpu.memory_space<vmem_shared>> -> memref<392x8xf32, #tpu.memory_space<vmem_shared>>
      tpu.wait_dma2 semaphore(%run_scoped3A_203 : memref<!tpu.dma_semaphore, #tpu.memory_space<semaphore_mem>>) src(%arg10 : memref<392x8xf32, #tpu.memory_space<vmem>>) dst(%dma_wait3A_209 : memref<392x8xf32, #tpu.memory_space<vmem_shared>>)
      tpu.yield
    }) : () -> ()
    %run_scoped3A_131 = arith.constant 2 : i32
    "tpu.region"() ({
      %run_scoped3A_203 = tpu.sem_alloc : memref<!tpu.dma_semaphore, #tpu.memory_space<semaphore_mem>>
      %dma_start3A = arith.constant 0 : i32
      %dma_start3A_204 = arith.constant 0 : i32
      %dma_start3A_205 = tpu.memref_slice %arg3[%arg0, %run_scoped3A_131, %arg1, %dma_start3A, %dma_start3A_204] : memref<2x4x16x196x256xi32, #tpu.memory_space<hbm>> -> memref<1x1x1x196x256xi32, #tpu.memory_space<hbm>>
      %dma_start3A_206 = tpu.memref_squeeze %dma_start3A_205 : memref<1x1x1x196x256xi32, #tpu.memory_space<hbm>> -> memref<196x256xi32, #tpu.memory_space<hbm>>
      %dma_start3A_207 = arith.constant 0 : i32
      %dma_start3A_208 = arith.constant 0 : i32
      %dma_start3A_209 = tpu.memref_slice %arg3[%arg0, %run_scoped3A_131, %arg1, %dma_start3A_207, %dma_start3A_208] : memref<2x4x16x196x256xi32, #tpu.memory_space<hbm>> -> memref<1x1x1x196x256xi32, #tpu.memory_space<hbm>>
      %dma_start3A_210 = tpu.memref_squeeze %dma_start3A_209 : memref<1x1x1x196x256xi32, #tpu.memory_space<hbm>> -> memref<196x256xi32, #tpu.memory_space<hbm>>
      tpu.enqueue_dma source(%dma_start3A_210 : memref<196x256xi32, #tpu.memory_space<hbm>>) target(%arg7 : memref<196x256xi32, #tpu.memory_space<vmem>>) target_semaphore(%run_scoped3A_203 : memref<!tpu.dma_semaphore, #tpu.memory_space<semaphore_mem>>)
      %dma_wait3A = arith.constant 0 : i32
      %dma_wait3A_211 = arith.constant 0 : i32
      %dma_wait3A_212 = tpu.memref_slice %arg3[%arg0, %run_scoped3A_131, %arg1, %dma_wait3A, %dma_wait3A_211] : memref<2x4x16x196x256xi32, #tpu.memory_space<hbm>> -> memref<1x1x1x196x256xi32, #tpu.memory_space<hbm>>
      %dma_wait3A_213 = tpu.memref_squeeze %dma_wait3A_212 : memref<1x1x1x196x256xi32, #tpu.memory_space<hbm>> -> memref<196x256xi32, #tpu.memory_space<hbm>>
      %dma_wait3A_214 = arith.constant 0 : i32
      %dma_wait3A_215 = arith.constant 0 : i32
      %dma_wait3A_216 = tpu.memref_slice %arg3[%arg0, %run_scoped3A_131, %arg1, %dma_wait3A_214, %dma_wait3A_215] : memref<2x4x16x196x256xi32, #tpu.memory_space<hbm>> -> memref<1x1x1x196x256xi32, #tpu.memory_space<hbm>>
      %dma_wait3A_217 = tpu.memref_squeeze %dma_wait3A_216 : memref<1x1x1x196x256xi32, #tpu.memory_space<hbm>> -> memref<196x256xi32, #tpu.memory_space<hbm>>
      tpu.wait_dma2 semaphore(%run_scoped3A_203 : memref<!tpu.dma_semaphore, #tpu.memory_space<semaphore_mem>>) src(%dma_wait3A_217 : memref<196x256xi32, #tpu.memory_space<hbm>>) dst(%arg7 : memref<196x256xi32, #tpu.memory_space<vmem>>)
      tpu.yield
    }) : () -> ()
    %barrier3A_132 = arith.constant 0 : index
    tpu.barrier barrier_id(%barrier3A_132)
    %scan3A_133 = arith.constant 0 : i32
    %scan3A_134 = arith.constant 0 : i32
    %scan3A_135 = arith.constant 196 : i32
    %scan3A_136 = arith.addi %scan3A_134, %scan3A_135 : i32
    %scan3A_137 = arith.constant 1 : i32
    scf.for %scan3A_203 = %scan3A_134 to %scan3A_136 step %scan3A_137  : i32 {
      %dma_start3A = arith.constant 0 : i32
      %dma_start3A_204 = tpu.memref_slice %arg7[%scan3A_203, %dma_start3A] : memref<196x256xi32, #tpu.memory_space<vmem>> -> memref<1x256xi32, #tpu.memory_space<vmem>>
      %dma_start3A_205 = tpu.memref_squeeze %dma_start3A_204 : memref<1x256xi32, #tpu.memory_space<vmem>> -> memref<256xi32, #tpu.memory_space<vmem>>
      %dma_start3A_206 = arith.constant 0 : i32
      %dma_start3A_207 = arith.constant 0 : i32
      %dma_start3A_208 = tpu.memref_slice %arg2[%dma_start3A_206, %dma_start3A_207] : memref<401408x8xf32, #tpu.memory_space<hbm>> -> memref<401408x8xf32, #tpu.memory_space<hbm>>
      tpu.enqueue_indirect_dma source(%dma_start3A_208 : memref<401408x8xf32, #tpu.memory_space<hbm>>) target(%arg9 : memref<256x8xf32, #tpu.memory_space<vmem>>) offsets(%dma_start3A_205 : memref<256xi32, #tpu.memory_space<vmem>>) semaphore(%arg11 : memref<!tpu.dma_semaphore, #tpu.memory_space<semaphore_mem>>)
      %dma_wait3A = arith.constant 0 : i32
      %dma_wait3A_209 = tpu.memref_slice %arg7[%scan3A_203, %dma_wait3A] : memref<196x256xi32, #tpu.memory_space<vmem>> -> memref<1x256xi32, #tpu.memory_space<vmem>>
      %dma_wait3A_210 = tpu.memref_squeeze %dma_wait3A_209 : memref<1x256xi32, #tpu.memory_space<vmem>> -> memref<256xi32, #tpu.memory_space<vmem>>
      %dma_wait3A_211 = arith.constant 0 : i32
      %dma_wait3A_212 = arith.constant 0 : i32
      %dma_wait3A_213 = tpu.memref_slice %arg2[%dma_wait3A_211, %dma_wait3A_212] : memref<401408x8xf32, #tpu.memory_space<hbm>> -> memref<401408x8xf32, #tpu.memory_space<hbm>>
      tpu.wait_indirect_dma semaphore(%arg11 : memref<!tpu.dma_semaphore, #tpu.memory_space<semaphore_mem>>) src(%dma_wait3A_213 : memref<401408x8xf32, #tpu.memory_space<hbm>>) dst(%arg9 : memref<256x8xf32, #tpu.memory_space<vmem>>)
      "tpu.region"() ({
        %run_scoped3A_214 = tpu.sem_alloc : memref<!tpu.dma_semaphore, #tpu.memory_space<semaphore_mem>>
        %dma_start3A_215 = arith.constant 0 : i32
        %dma_start3A_216 = tpu.memref_slice %arg8[%scan3A_203, %dma_start3A_215] : memref<196x256xi32, #tpu.memory_space<vmem>> -> memref<1x256xi32, #tpu.memory_space<vmem>>
        %dma_start3A_217 = tpu.memref_squeeze %dma_start3A_216 : memref<1x256xi32, #tpu.memory_space<vmem>> -> memref<256xi32, #tpu.memory_space<vmem>>
        %dma_start3A_218 = arith.constant 0 : i32
        %dma_start3A_219 = arith.constant 0 : i32
        %dma_start3A_220 = tpu.memref_slice %arg12[%dma_start3A_218, %dma_start3A_219] : memref<50176x8xf32, #tpu.memory_space<vmem_shared>> -> memref<50176x8xf32, #tpu.memory_space<vmem_shared>>
        tpu.enqueue_indirect_dma source(%arg9 : memref<256x8xf32, #tpu.memory_space<vmem>>) target(%dma_start3A_220 : memref<50176x8xf32, #tpu.memory_space<vmem_shared>>) offsets(%dma_start3A_217 : memref<256xi32, #tpu.memory_space<vmem>>) semaphore(%run_scoped3A_214 : memref<!tpu.dma_semaphore, #tpu.memory_space<semaphore_mem>>) {add = true}
        %dma_wait3A_221 = arith.constant 0 : i32
        %dma_wait3A_222 = tpu.memref_slice %arg8[%scan3A_203, %dma_wait3A_221] : memref<196x256xi32, #tpu.memory_space<vmem>> -> memref<1x256xi32, #tpu.memory_space<vmem>>
        %dma_wait3A_223 = tpu.memref_squeeze %dma_wait3A_222 : memref<1x256xi32, #tpu.memory_space<vmem>> -> memref<256xi32, #tpu.memory_space<vmem>>
        %dma_wait3A_224 = arith.constant 0 : i32
        %dma_wait3A_225 = arith.constant 0 : i32
        %dma_wait3A_226 = tpu.memref_slice %arg12[%dma_wait3A_224, %dma_wait3A_225] : memref<50176x8xf32, #tpu.memory_space<vmem_shared>> -> memref<50176x8xf32, #tpu.memory_space<vmem_shared>>
        tpu.wait_indirect_dma semaphore(%run_scoped3A_214 : memref<!tpu.dma_semaphore, #tpu.memory_space<semaphore_mem>>) src(%arg9 : memref<256x8xf32, #tpu.memory_space<vmem>>) dst(%dma_wait3A_226 : memref<50176x8xf32, #tpu.memory_space<vmem_shared>>)
        tpu.yield
      }) : () -> ()
    }
    %scan3A_138 = arith.constant 196 : i32
    %barrier3A_139 = arith.constant 0 : index
    tpu.barrier barrier_id(%barrier3A_139)
    %mul3A_140 = arith.constant 3136 : i32
    %mul3A_141 = arith.muli %arg1, %mul3A_140 : i32
    %mul3A_142 = arith.constant 4 : i32
    %mul3A_143 = arith.muli %mul3A_142, %arg0 : i32
    %add3A_144 = arith.constant 2 : i32
    %add3A_145 = arith.addi %mul3A_143, %add3A_144 : i32
    %mul3A_146 = arith.constant 50176 : i32
    %mul3A_147 = arith.muli %add3A_145, %mul3A_146 : i32
    %mul3A_148 = arith.constant 3136 : i32
    %mul3A_149 = arith.muli %arg1, %mul3A_148 : i32
    %add3A_150 = arith.addi %mul3A_147, %mul3A_149 : i32
    "tpu.region"() ({
      %run_scoped3A_203 = tpu.sem_alloc : memref<!tpu.dma_semaphore, #tpu.memory_space<semaphore_mem>>
      %dma_start3A = arith.constant 0 : i32
      %dma_start3A_204 = tpu.memref_slice %arg6[%add3A_150, %dma_start3A] : memref<401408x8xf32, #tpu.memory_space<hbm>> -> memref<3136x8xf32, #tpu.memory_space<hbm>>
      %dma_start3A_205 = arith.constant 0 : i32
      %dma_start3A_206 = tpu.memref_slice %arg12[%mul3A_141, %dma_start3A_205] : memref<50176x8xf32, #tpu.memory_space<vmem_shared>> -> memref<3136x8xf32, #tpu.memory_space<vmem_shared>>
      tpu.enqueue_dma source(%dma_start3A_206 : memref<3136x8xf32, #tpu.memory_space<vmem_shared>>) target(%dma_start3A_204 : memref<3136x8xf32, #tpu.memory_space<hbm>>) target_semaphore(%run_scoped3A_203 : memref<!tpu.dma_semaphore, #tpu.memory_space<semaphore_mem>>)
      %dma_wait3A = arith.constant 0 : i32
      %dma_wait3A_207 = tpu.memref_slice %arg6[%add3A_150, %dma_wait3A] : memref<401408x8xf32, #tpu.memory_space<hbm>> -> memref<3136x8xf32, #tpu.memory_space<hbm>>
      %dma_wait3A_208 = arith.constant 0 : i32
      %dma_wait3A_209 = tpu.memref_slice %arg12[%mul3A_141, %dma_wait3A_208] : memref<50176x8xf32, #tpu.memory_space<vmem_shared>> -> memref<3136x8xf32, #tpu.memory_space<vmem_shared>>
      tpu.wait_dma2 semaphore(%run_scoped3A_203 : memref<!tpu.dma_semaphore, #tpu.memory_space<semaphore_mem>>) src(%dma_wait3A_209 : memref<3136x8xf32, #tpu.memory_space<vmem_shared>>) dst(%dma_wait3A_207 : memref<3136x8xf32, #tpu.memory_space<hbm>>)
      tpu.yield
    }) : () -> ()
    %mul3A_151 = arith.constant 3136 : i32
    %mul3A_152 = arith.muli %arg1, %mul3A_151 : i32
    %add3A_153 = arith.constant 0 : i32
    %add3A_154 = arith.addi %mul3A_152, %add3A_153 : i32
    "tpu.region"() ({
      %run_scoped3A_203 = tpu.sem_alloc : memref<!tpu.dma_semaphore, #tpu.memory_space<semaphore_mem>>
      %dma_start3A = arith.constant 0 : i32
      %dma_start3A_204 = tpu.memref_slice %arg12[%add3A_154, %dma_start3A] : memref<50176x8xf32, #tpu.memory_space<vmem_shared>> -> memref<392x8xf32, #tpu.memory_space<vmem_shared>>
      %dma_start3A_205 = arith.constant 0 : i32
      %dma_start3A_206 = tpu.memref_slice %arg12[%add3A_154, %dma_start3A_205] : memref<50176x8xf32, #tpu.memory_space<vmem_shared>> -> memref<392x8xf32, #tpu.memory_space<vmem_shared>>
      tpu.enqueue_dma source(%arg10 : memref<392x8xf32, #tpu.memory_space<vmem>>) target(%dma_start3A_206 : memref<392x8xf32, #tpu.memory_space<vmem_shared>>) target_semaphore(%run_scoped3A_203 : memref<!tpu.dma_semaphore, #tpu.memory_space<semaphore_mem>>)
      %dma_wait3A = arith.constant 0 : i32
      %dma_wait3A_207 = tpu.memref_slice %arg12[%add3A_154, %dma_wait3A] : memref<50176x8xf32, #tpu.memory_space<vmem_shared>> -> memref<392x8xf32, #tpu.memory_space<vmem_shared>>
      %dma_wait3A_208 = arith.constant 0 : i32
      %dma_wait3A_209 = tpu.memref_slice %arg12[%add3A_154, %dma_wait3A_208] : memref<50176x8xf32, #tpu.memory_space<vmem_shared>> -> memref<392x8xf32, #tpu.memory_space<vmem_shared>>
      tpu.wait_dma2 semaphore(%run_scoped3A_203 : memref<!tpu.dma_semaphore, #tpu.memory_space<semaphore_mem>>) src(%arg10 : memref<392x8xf32, #tpu.memory_space<vmem>>) dst(%dma_wait3A_209 : memref<392x8xf32, #tpu.memory_space<vmem_shared>>)
      tpu.yield
    }) : () -> ()
    %mul3A_155 = arith.constant 3136 : i32
    %mul3A_156 = arith.muli %arg1, %mul3A_155 : i32
    %add3A_157 = arith.constant 392 : i32
    %add3A_158 = arith.addi %mul3A_156, %add3A_157 : i32
    "tpu.region"() ({
      %run_scoped3A_203 = tpu.sem_alloc : memref<!tpu.dma_semaphore, #tpu.memory_space<semaphore_mem>>
      %dma_start3A = arith.constant 0 : i32
      %dma_start3A_204 = tpu.memref_slice %arg12[%add3A_158, %dma_start3A] : memref<50176x8xf32, #tpu.memory_space<vmem_shared>> -> memref<392x8xf32, #tpu.memory_space<vmem_shared>>
      %dma_start3A_205 = arith.constant 0 : i32
      %dma_start3A_206 = tpu.memref_slice %arg12[%add3A_158, %dma_start3A_205] : memref<50176x8xf32, #tpu.memory_space<vmem_shared>> -> memref<392x8xf32, #tpu.memory_space<vmem_shared>>
      tpu.enqueue_dma source(%arg10 : memref<392x8xf32, #tpu.memory_space<vmem>>) target(%dma_start3A_206 : memref<392x8xf32, #tpu.memory_space<vmem_shared>>) target_semaphore(%run_scoped3A_203 : memref<!tpu.dma_semaphore, #tpu.memory_space<semaphore_mem>>)
      %dma_wait3A = arith.constant 0 : i32
      %dma_wait3A_207 = tpu.memref_slice %arg12[%add3A_158, %dma_wait3A] : memref<50176x8xf32, #tpu.memory_space<vmem_shared>> -> memref<392x8xf32, #tpu.memory_space<vmem_shared>>
      %dma_wait3A_208 = arith.constant 0 : i32
      %dma_wait3A_209 = tpu.memref_slice %arg12[%add3A_158, %dma_wait3A_208] : memref<50176x8xf32, #tpu.memory_space<vmem_shared>> -> memref<392x8xf32, #tpu.memory_space<vmem_shared>>
      tpu.wait_dma2 semaphore(%run_scoped3A_203 : memref<!tpu.dma_semaphore, #tpu.memory_space<semaphore_mem>>) src(%arg10 : memref<392x8xf32, #tpu.memory_space<vmem>>) dst(%dma_wait3A_209 : memref<392x8xf32, #tpu.memory_space<vmem_shared>>)
      tpu.yield
    }) : () -> ()
    %mul3A_159 = arith.constant 3136 : i32
    %mul3A_160 = arith.muli %arg1, %mul3A_159 : i32
    %add3A_161 = arith.constant 784 : i32
    %add3A_162 = arith.addi %mul3A_160, %add3A_161 : i32
    "tpu.region"() ({
      %run_scoped3A_203 = tpu.sem_alloc : memref<!tpu.dma_semaphore, #tpu.memory_space<semaphore_mem>>
      %dma_start3A = arith.constant 0 : i32
      %dma_start3A_204 = tpu.memref_slice %arg12[%add3A_162, %dma_start3A] : memref<50176x8xf32, #tpu.memory_space<vmem_shared>> -> memref<392x8xf32, #tpu.memory_space<vmem_shared>>
      %dma_start3A_205 = arith.constant 0 : i32
      %dma_start3A_206 = tpu.memref_slice %arg12[%add3A_162, %dma_start3A_205] : memref<50176x8xf32, #tpu.memory_space<vmem_shared>> -> memref<392x8xf32, #tpu.memory_space<vmem_shared>>
      tpu.enqueue_dma source(%arg10 : memref<392x8xf32, #tpu.memory_space<vmem>>) target(%dma_start3A_206 : memref<392x8xf32, #tpu.memory_space<vmem_shared>>) target_semaphore(%run_scoped3A_203 : memref<!tpu.dma_semaphore, #tpu.memory_space<semaphore_mem>>)
      %dma_wait3A = arith.constant 0 : i32
      %dma_wait3A_207 = tpu.memref_slice %arg12[%add3A_162, %dma_wait3A] : memref<50176x8xf32, #tpu.memory_space<vmem_shared>> -> memref<392x8xf32, #tpu.memory_space<vmem_shared>>
      %dma_wait3A_208 = arith.constant 0 : i32
      %dma_wait3A_209 = tpu.memref_slice %arg12[%add3A_162, %dma_wait3A_208] : memref<50176x8xf32, #tpu.memory_space<vmem_shared>> -> memref<392x8xf32, #tpu.memory_space<vmem_shared>>
      tpu.wait_dma2 semaphore(%run_scoped3A_203 : memref<!tpu.dma_semaphore, #tpu.memory_space<semaphore_mem>>) src(%arg10 : memref<392x8xf32, #tpu.memory_space<vmem>>) dst(%dma_wait3A_209 : memref<392x8xf32, #tpu.memory_space<vmem_shared>>)
      tpu.yield
    }) : () -> ()
    %mul3A_163 = arith.constant 3136 : i32
    %mul3A_164 = arith.muli %arg1, %mul3A_163 : i32
    %add3A_165 = arith.constant 1176 : i32
    %add3A_166 = arith.addi %mul3A_164, %add3A_165 : i32
    "tpu.region"() ({
      %run_scoped3A_203 = tpu.sem_alloc : memref<!tpu.dma_semaphore, #tpu.memory_space<semaphore_mem>>
      %dma_start3A = arith.constant 0 : i32
      %dma_start3A_204 = tpu.memref_slice %arg12[%add3A_166, %dma_start3A] : memref<50176x8xf32, #tpu.memory_space<vmem_shared>> -> memref<392x8xf32, #tpu.memory_space<vmem_shared>>
      %dma_start3A_205 = arith.constant 0 : i32
      %dma_start3A_206 = tpu.memref_slice %arg12[%add3A_166, %dma_start3A_205] : memref<50176x8xf32, #tpu.memory_space<vmem_shared>> -> memref<392x8xf32, #tpu.memory_space<vmem_shared>>
      tpu.enqueue_dma source(%arg10 : memref<392x8xf32, #tpu.memory_space<vmem>>) target(%dma_start3A_206 : memref<392x8xf32, #tpu.memory_space<vmem_shared>>) target_semaphore(%run_scoped3A_203 : memref<!tpu.dma_semaphore, #tpu.memory_space<semaphore_mem>>)
      %dma_wait3A = arith.constant 0 : i32
      %dma_wait3A_207 = tpu.memref_slice %arg12[%add3A_166, %dma_wait3A] : memref<50176x8xf32, #tpu.memory_space<vmem_shared>> -> memref<392x8xf32, #tpu.memory_space<vmem_shared>>
      %dma_wait3A_208 = arith.constant 0 : i32
      %dma_wait3A_209 = tpu.memref_slice %arg12[%add3A_166, %dma_wait3A_208] : memref<50176x8xf32, #tpu.memory_space<vmem_shared>> -> memref<392x8xf32, #tpu.memory_space<vmem_shared>>
      tpu.wait_dma2 semaphore(%run_scoped3A_203 : memref<!tpu.dma_semaphore, #tpu.memory_space<semaphore_mem>>) src(%arg10 : memref<392x8xf32, #tpu.memory_space<vmem>>) dst(%dma_wait3A_209 : memref<392x8xf32, #tpu.memory_space<vmem_shared>>)
      tpu.yield
    }) : () -> ()
    %mul3A_167 = arith.constant 3136 : i32
    %mul3A_168 = arith.muli %arg1, %mul3A_167 : i32
    %add3A_169 = arith.constant 1568 : i32
    %add3A_170 = arith.addi %mul3A_168, %add3A_169 : i32
    "tpu.region"() ({
      %run_scoped3A_203 = tpu.sem_alloc : memref<!tpu.dma_semaphore, #tpu.memory_space<semaphore_mem>>
      %dma_start3A = arith.constant 0 : i32
      %dma_start3A_204 = tpu.memref_slice %arg12[%add3A_170, %dma_start3A] : memref<50176x8xf32, #tpu.memory_space<vmem_shared>> -> memref<392x8xf32, #tpu.memory_space<vmem_shared>>
      %dma_start3A_205 = arith.constant 0 : i32
      %dma_start3A_206 = tpu.memref_slice %arg12[%add3A_170, %dma_start3A_205] : memref<50176x8xf32, #tpu.memory_space<vmem_shared>> -> memref<392x8xf32, #tpu.memory_space<vmem_shared>>
      tpu.enqueue_dma source(%arg10 : memref<392x8xf32, #tpu.memory_space<vmem>>) target(%dma_start3A_206 : memref<392x8xf32, #tpu.memory_space<vmem_shared>>) target_semaphore(%run_scoped3A_203 : memref<!tpu.dma_semaphore, #tpu.memory_space<semaphore_mem>>)
      %dma_wait3A = arith.constant 0 : i32
      %dma_wait3A_207 = tpu.memref_slice %arg12[%add3A_170, %dma_wait3A] : memref<50176x8xf32, #tpu.memory_space<vmem_shared>> -> memref<392x8xf32, #tpu.memory_space<vmem_shared>>
      %dma_wait3A_208 = arith.constant 0 : i32
      %dma_wait3A_209 = tpu.memref_slice %arg12[%add3A_170, %dma_wait3A_208] : memref<50176x8xf32, #tpu.memory_space<vmem_shared>> -> memref<392x8xf32, #tpu.memory_space<vmem_shared>>
      tpu.wait_dma2 semaphore(%run_scoped3A_203 : memref<!tpu.dma_semaphore, #tpu.memory_space<semaphore_mem>>) src(%arg10 : memref<392x8xf32, #tpu.memory_space<vmem>>) dst(%dma_wait3A_209 : memref<392x8xf32, #tpu.memory_space<vmem_shared>>)
      tpu.yield
    }) : () -> ()
    %mul3A_171 = arith.constant 3136 : i32
    %mul3A_172 = arith.muli %arg1, %mul3A_171 : i32
    %add3A_173 = arith.constant 1960 : i32
    %add3A_174 = arith.addi %mul3A_172, %add3A_173 : i32
    "tpu.region"() ({
      %run_scoped3A_203 = tpu.sem_alloc : memref<!tpu.dma_semaphore, #tpu.memory_space<semaphore_mem>>
      %dma_start3A = arith.constant 0 : i32
      %dma_start3A_204 = tpu.memref_slice %arg12[%add3A_174, %dma_start3A] : memref<50176x8xf32, #tpu.memory_space<vmem_shared>> -> memref<392x8xf32, #tpu.memory_space<vmem_shared>>
      %dma_start3A_205 = arith.constant 0 : i32
      %dma_start3A_206 = tpu.memref_slice %arg12[%add3A_174, %dma_start3A_205] : memref<50176x8xf32, #tpu.memory_space<vmem_shared>> -> memref<392x8xf32, #tpu.memory_space<vmem_shared>>
      tpu.enqueue_dma source(%arg10 : memref<392x8xf32, #tpu.memory_space<vmem>>) target(%dma_start3A_206 : memref<392x8xf32, #tpu.memory_space<vmem_shared>>) target_semaphore(%run_scoped3A_203 : memref<!tpu.dma_semaphore, #tpu.memory_space<semaphore_mem>>)
      %dma_wait3A = arith.constant 0 : i32
      %dma_wait3A_207 = tpu.memref_slice %arg12[%add3A_174, %dma_wait3A] : memref<50176x8xf32, #tpu.memory_space<vmem_shared>> -> memref<392x8xf32, #tpu.memory_space<vmem_shared>>
      %dma_wait3A_208 = arith.constant 0 : i32
      %dma_wait3A_209 = tpu.memref_slice %arg12[%add3A_174, %dma_wait3A_208] : memref<50176x8xf32, #tpu.memory_space<vmem_shared>> -> memref<392x8xf32, #tpu.memory_space<vmem_shared>>
      tpu.wait_dma2 semaphore(%run_scoped3A_203 : memref<!tpu.dma_semaphore, #tpu.memory_space<semaphore_mem>>) src(%arg10 : memref<392x8xf32, #tpu.memory_space<vmem>>) dst(%dma_wait3A_209 : memref<392x8xf32, #tpu.memory_space<vmem_shared>>)
      tpu.yield
    }) : () -> ()
    %mul3A_175 = arith.constant 3136 : i32
    %mul3A_176 = arith.muli %arg1, %mul3A_175 : i32
    %add3A_177 = arith.constant 2352 : i32
    %add3A_178 = arith.addi %mul3A_176, %add3A_177 : i32
    "tpu.region"() ({
      %run_scoped3A_203 = tpu.sem_alloc : memref<!tpu.dma_semaphore, #tpu.memory_space<semaphore_mem>>
      %dma_start3A = arith.constant 0 : i32
      %dma_start3A_204 = tpu.memref_slice %arg12[%add3A_178, %dma_start3A] : memref<50176x8xf32, #tpu.memory_space<vmem_shared>> -> memref<392x8xf32, #tpu.memory_space<vmem_shared>>
      %dma_start3A_205 = arith.constant 0 : i32
      %dma_start3A_206 = tpu.memref_slice %arg12[%add3A_178, %dma_start3A_205] : memref<50176x8xf32, #tpu.memory_space<vmem_shared>> -> memref<392x8xf32, #tpu.memory_space<vmem_shared>>
      tpu.enqueue_dma source(%arg10 : memref<392x8xf32, #tpu.memory_space<vmem>>) target(%dma_start3A_206 : memref<392x8xf32, #tpu.memory_space<vmem_shared>>) target_semaphore(%run_scoped3A_203 : memref<!tpu.dma_semaphore, #tpu.memory_space<semaphore_mem>>)
      %dma_wait3A = arith.constant 0 : i32
      %dma_wait3A_207 = tpu.memref_slice %arg12[%add3A_178, %dma_wait3A] : memref<50176x8xf32, #tpu.memory_space<vmem_shared>> -> memref<392x8xf32, #tpu.memory_space<vmem_shared>>
      %dma_wait3A_208 = arith.constant 0 : i32
      %dma_wait3A_209 = tpu.memref_slice %arg12[%add3A_178, %dma_wait3A_208] : memref<50176x8xf32, #tpu.memory_space<vmem_shared>> -> memref<392x8xf32, #tpu.memory_space<vmem_shared>>
      tpu.wait_dma2 semaphore(%run_scoped3A_203 : memref<!tpu.dma_semaphore, #tpu.memory_space<semaphore_mem>>) src(%arg10 : memref<392x8xf32, #tpu.memory_space<vmem>>) dst(%dma_wait3A_209 : memref<392x8xf32, #tpu.memory_space<vmem_shared>>)
      tpu.yield
    }) : () -> ()
    %mul3A_179 = arith.constant 3136 : i32
    %mul3A_180 = arith.muli %arg1, %mul3A_179 : i32
    %add3A_181 = arith.constant 2744 : i32
    %add3A_182 = arith.addi %mul3A_180, %add3A_181 : i32
    "tpu.region"() ({
      %run_scoped3A_203 = tpu.sem_alloc : memref<!tpu.dma_semaphore, #tpu.memory_space<semaphore_mem>>
      %dma_start3A = arith.constant 0 : i32
      %dma_start3A_204 = tpu.memref_slice %arg12[%add3A_182, %dma_start3A] : memref<50176x8xf32, #tpu.memory_space<vmem_shared>> -> memref<392x8xf32, #tpu.memory_space<vmem_shared>>
      %dma_start3A_205 = arith.constant 0 : i32
      %dma_start3A_206 = tpu.memref_slice %arg12[%add3A_182, %dma_start3A_205] : memref<50176x8xf32, #tpu.memory_space<vmem_shared>> -> memref<392x8xf32, #tpu.memory_space<vmem_shared>>
      tpu.enqueue_dma source(%arg10 : memref<392x8xf32, #tpu.memory_space<vmem>>) target(%dma_start3A_206 : memref<392x8xf32, #tpu.memory_space<vmem_shared>>) target_semaphore(%run_scoped3A_203 : memref<!tpu.dma_semaphore, #tpu.memory_space<semaphore_mem>>)
      %dma_wait3A = arith.constant 0 : i32
      %dma_wait3A_207 = tpu.memref_slice %arg12[%add3A_182, %dma_wait3A] : memref<50176x8xf32, #tpu.memory_space<vmem_shared>> -> memref<392x8xf32, #tpu.memory_space<vmem_shared>>
      %dma_wait3A_208 = arith.constant 0 : i32
      %dma_wait3A_209 = tpu.memref_slice %arg12[%add3A_182, %dma_wait3A_208] : memref<50176x8xf32, #tpu.memory_space<vmem_shared>> -> memref<392x8xf32, #tpu.memory_space<vmem_shared>>
      tpu.wait_dma2 semaphore(%run_scoped3A_203 : memref<!tpu.dma_semaphore, #tpu.memory_space<semaphore_mem>>) src(%arg10 : memref<392x8xf32, #tpu.memory_space<vmem>>) dst(%dma_wait3A_209 : memref<392x8xf32, #tpu.memory_space<vmem_shared>>)
      tpu.yield
    }) : () -> ()
    %run_scoped3A_183 = arith.constant 3 : i32
    "tpu.region"() ({
      %run_scoped3A_203 = tpu.sem_alloc : memref<!tpu.dma_semaphore, #tpu.memory_space<semaphore_mem>>
      %dma_start3A = arith.constant 0 : i32
      %dma_start3A_204 = arith.constant 0 : i32
      %dma_start3A_205 = tpu.memref_slice %arg3[%arg0, %run_scoped3A_183, %arg1, %dma_start3A, %dma_start3A_204] : memref<2x4x16x196x256xi32, #tpu.memory_space<hbm>> -> memref<1x1x1x196x256xi32, #tpu.memory_space<hbm>>
      %dma_start3A_206 = tpu.memref_squeeze %dma_start3A_205 : memref<1x1x1x196x256xi32, #tpu.memory_space<hbm>> -> memref<196x256xi32, #tpu.memory_space<hbm>>
      %dma_start3A_207 = arith.constant 0 : i32
      %dma_start3A_208 = arith.constant 0 : i32
      %dma_start3A_209 = tpu.memref_slice %arg3[%arg0, %run_scoped3A_183, %arg1, %dma_start3A_207, %dma_start3A_208] : memref<2x4x16x196x256xi32, #tpu.memory_space<hbm>> -> memref<1x1x1x196x256xi32, #tpu.memory_space<hbm>>
      %dma_start3A_210 = tpu.memref_squeeze %dma_start3A_209 : memref<1x1x1x196x256xi32, #tpu.memory_space<hbm>> -> memref<196x256xi32, #tpu.memory_space<hbm>>
      tpu.enqueue_dma source(%dma_start3A_210 : memref<196x256xi32, #tpu.memory_space<hbm>>) target(%arg7 : memref<196x256xi32, #tpu.memory_space<vmem>>) target_semaphore(%run_scoped3A_203 : memref<!tpu.dma_semaphore, #tpu.memory_space<semaphore_mem>>)
      %dma_wait3A = arith.constant 0 : i32
      %dma_wait3A_211 = arith.constant 0 : i32
      %dma_wait3A_212 = tpu.memref_slice %arg3[%arg0, %run_scoped3A_183, %arg1, %dma_wait3A, %dma_wait3A_211] : memref<2x4x16x196x256xi32, #tpu.memory_space<hbm>> -> memref<1x1x1x196x256xi32, #tpu.memory_space<hbm>>
      %dma_wait3A_213 = tpu.memref_squeeze %dma_wait3A_212 : memref<1x1x1x196x256xi32, #tpu.memory_space<hbm>> -> memref<196x256xi32, #tpu.memory_space<hbm>>
      %dma_wait3A_214 = arith.constant 0 : i32
      %dma_wait3A_215 = arith.constant 0 : i32
      %dma_wait3A_216 = tpu.memref_slice %arg3[%arg0, %run_scoped3A_183, %arg1, %dma_wait3A_214, %dma_wait3A_215] : memref<2x4x16x196x256xi32, #tpu.memory_space<hbm>> -> memref<1x1x1x196x256xi32, #tpu.memory_space<hbm>>
      %dma_wait3A_217 = tpu.memref_squeeze %dma_wait3A_216 : memref<1x1x1x196x256xi32, #tpu.memory_space<hbm>> -> memref<196x256xi32, #tpu.memory_space<hbm>>
      tpu.wait_dma2 semaphore(%run_scoped3A_203 : memref<!tpu.dma_semaphore, #tpu.memory_space<semaphore_mem>>) src(%dma_wait3A_217 : memref<196x256xi32, #tpu.memory_space<hbm>>) dst(%arg7 : memref<196x256xi32, #tpu.memory_space<vmem>>)
      tpu.yield
    }) : () -> ()
    %barrier3A_184 = arith.constant 0 : index
    tpu.barrier barrier_id(%barrier3A_184)
    %scan3A_185 = arith.constant 0 : i32
    %scan3A_186 = arith.constant 0 : i32
    %scan3A_187 = arith.constant 196 : i32
    %scan3A_188 = arith.addi %scan3A_186, %scan3A_187 : i32
    %scan3A_189 = arith.constant 1 : i32
    scf.for %scan3A_203 = %scan3A_186 to %scan3A_188 step %scan3A_189  : i32 {
      %dma_start3A = arith.constant 0 : i32
      %dma_start3A_204 = tpu.memref_slice %arg7[%scan3A_203, %dma_start3A] : memref<196x256xi32, #tpu.memory_space<vmem>> -> memref<1x256xi32, #tpu.memory_space<vmem>>
      %dma_start3A_205 = tpu.memref_squeeze %dma_start3A_204 : memref<1x256xi32, #tpu.memory_space<vmem>> -> memref<256xi32, #tpu.memory_space<vmem>>
      %dma_start3A_206 = arith.constant 0 : i32
      %dma_start3A_207 = arith.constant 0 : i32
      %dma_start3A_208 = tpu.memref_slice %arg2[%dma_start3A_206, %dma_start3A_207] : memref<401408x8xf32, #tpu.memory_space<hbm>> -> memref<401408x8xf32, #tpu.memory_space<hbm>>
      tpu.enqueue_indirect_dma source(%dma_start3A_208 : memref<401408x8xf32, #tpu.memory_space<hbm>>) target(%arg9 : memref<256x8xf32, #tpu.memory_space<vmem>>) offsets(%dma_start3A_205 : memref<256xi32, #tpu.memory_space<vmem>>) semaphore(%arg11 : memref<!tpu.dma_semaphore, #tpu.memory_space<semaphore_mem>>)
      %dma_wait3A = arith.constant 0 : i32
      %dma_wait3A_209 = tpu.memref_slice %arg7[%scan3A_203, %dma_wait3A] : memref<196x256xi32, #tpu.memory_space<vmem>> -> memref<1x256xi32, #tpu.memory_space<vmem>>
      %dma_wait3A_210 = tpu.memref_squeeze %dma_wait3A_209 : memref<1x256xi32, #tpu.memory_space<vmem>> -> memref<256xi32, #tpu.memory_space<vmem>>
      %dma_wait3A_211 = arith.constant 0 : i32
      %dma_wait3A_212 = arith.constant 0 : i32
      %dma_wait3A_213 = tpu.memref_slice %arg2[%dma_wait3A_211, %dma_wait3A_212] : memref<401408x8xf32, #tpu.memory_space<hbm>> -> memref<401408x8xf32, #tpu.memory_space<hbm>>
      tpu.wait_indirect_dma semaphore(%arg11 : memref<!tpu.dma_semaphore, #tpu.memory_space<semaphore_mem>>) src(%dma_wait3A_213 : memref<401408x8xf32, #tpu.memory_space<hbm>>) dst(%arg9 : memref<256x8xf32, #tpu.memory_space<vmem>>)
      "tpu.region"() ({
        %run_scoped3A_214 = tpu.sem_alloc : memref<!tpu.dma_semaphore, #tpu.memory_space<semaphore_mem>>
        %dma_start3A_215 = arith.constant 0 : i32
        %dma_start3A_216 = tpu.memref_slice %arg8[%scan3A_203, %dma_start3A_215] : memref<196x256xi32, #tpu.memory_space<vmem>> -> memref<1x256xi32, #tpu.memory_space<vmem>>
        %dma_start3A_217 = tpu.memref_squeeze %dma_start3A_216 : memref<1x256xi32, #tpu.memory_space<vmem>> -> memref<256xi32, #tpu.memory_space<vmem>>
        %dma_start3A_218 = arith.constant 0 : i32
        %dma_start3A_219 = arith.constant 0 : i32
        %dma_start3A_220 = tpu.memref_slice %arg12[%dma_start3A_218, %dma_start3A_219] : memref<50176x8xf32, #tpu.memory_space<vmem_shared>> -> memref<50176x8xf32, #tpu.memory_space<vmem_shared>>
        tpu.enqueue_indirect_dma source(%arg9 : memref<256x8xf32, #tpu.memory_space<vmem>>) target(%dma_start3A_220 : memref<50176x8xf32, #tpu.memory_space<vmem_shared>>) offsets(%dma_start3A_217 : memref<256xi32, #tpu.memory_space<vmem>>) semaphore(%run_scoped3A_214 : memref<!tpu.dma_semaphore, #tpu.memory_space<semaphore_mem>>) {add = true}
        %dma_wait3A_221 = arith.constant 0 : i32
        %dma_wait3A_222 = tpu.memref_slice %arg8[%scan3A_203, %dma_wait3A_221] : memref<196x256xi32, #tpu.memory_space<vmem>> -> memref<1x256xi32, #tpu.memory_space<vmem>>
        %dma_wait3A_223 = tpu.memref_squeeze %dma_wait3A_222 : memref<1x256xi32, #tpu.memory_space<vmem>> -> memref<256xi32, #tpu.memory_space<vmem>>
        %dma_wait3A_224 = arith.constant 0 : i32
        %dma_wait3A_225 = arith.constant 0 : i32
        %dma_wait3A_226 = tpu.memref_slice %arg12[%dma_wait3A_224, %dma_wait3A_225] : memref<50176x8xf32, #tpu.memory_space<vmem_shared>> -> memref<50176x8xf32, #tpu.memory_space<vmem_shared>>
        tpu.wait_indirect_dma semaphore(%run_scoped3A_214 : memref<!tpu.dma_semaphore, #tpu.memory_space<semaphore_mem>>) src(%arg9 : memref<256x8xf32, #tpu.memory_space<vmem>>) dst(%dma_wait3A_226 : memref<50176x8xf32, #tpu.memory_space<vmem_shared>>)
        tpu.yield
      }) : () -> ()
    }
    %scan3A_190 = arith.constant 196 : i32
    %barrier3A_191 = arith.constant 0 : index
    tpu.barrier barrier_id(%barrier3A_191)
    %mul3A_192 = arith.constant 3136 : i32
    %mul3A_193 = arith.muli %arg1, %mul3A_192 : i32
    %mul3A_194 = arith.constant 4 : i32
    %mul3A_195 = arith.muli %mul3A_194, %arg0 : i32
    %add3A_196 = arith.constant 3 : i32
    %add3A_197 = arith.addi %mul3A_195, %add3A_196 : i32
    %mul3A_198 = arith.constant 50176 : i32
    %mul3A_199 = arith.muli %add3A_197, %mul3A_198 : i32
    %mul3A_200 = arith.constant 3136 : i32
    %mul3A_201 = arith.muli %arg1, %mul3A_200 : i32
    %add3A_202 = arith.addi %mul3A_199, %mul3A_201 : i32
    "tpu.region"() ({
      %run_scoped3A_203 = tpu.sem_alloc : memref<!tpu.dma_semaphore, #tpu.memory_space<semaphore_mem>>
      %dma_start3A = arith.constant 0 : i32
      %dma_start3A_204 = tpu.memref_slice %arg6[%add3A_202, %dma_start3A] : memref<401408x8xf32, #tpu.memory_space<hbm>> -> memref<3136x8xf32, #tpu.memory_space<hbm>>
      %dma_start3A_205 = arith.constant 0 : i32
      %dma_start3A_206 = tpu.memref_slice %arg12[%mul3A_193, %dma_start3A_205] : memref<50176x8xf32, #tpu.memory_space<vmem_shared>> -> memref<3136x8xf32, #tpu.memory_space<vmem_shared>>
      tpu.enqueue_dma source(%dma_start3A_206 : memref<3136x8xf32, #tpu.memory_space<vmem_shared>>) target(%dma_start3A_204 : memref<3136x8xf32, #tpu.memory_space<hbm>>) target_semaphore(%run_scoped3A_203 : memref<!tpu.dma_semaphore, #tpu.memory_space<semaphore_mem>>)
      %dma_wait3A = arith.constant 0 : i32
      %dma_wait3A_207 = tpu.memref_slice %arg6[%add3A_202, %dma_wait3A] : memref<401408x8xf32, #tpu.memory_space<hbm>> -> memref<3136x8xf32, #tpu.memory_space<hbm>>
      %dma_wait3A_208 = arith.constant 0 : i32
      %dma_wait3A_209 = tpu.memref_slice %arg12[%mul3A_193, %dma_wait3A_208] : memref<50176x8xf32, #tpu.memory_space<vmem_shared>> -> memref<3136x8xf32, #tpu.memory_space<vmem_shared>>
      tpu.wait_dma2 semaphore(%run_scoped3A_203 : memref<!tpu.dma_semaphore, #tpu.memory_space<semaphore_mem>>) src(%dma_wait3A_209 : memref<3136x8xf32, #tpu.memory_space<vmem_shared>>) dst(%dma_wait3A_207 : memref<3136x8xf32, #tpu.memory_space<hbm>>)
      tpu.yield
    }) : () -> ()
    return
  }
}

module attributes {stable_mosaic.version = 14 : i64} {
  func.func @_k_in_body(%arg0: i32, %arg1: memref<1024x1xf32, #tpu.memory_space<vmem>>, %arg2: memref<1x64xf32, #tpu.memory_space<vmem>>, %arg3: memref<1x64xf32, #tpu.memory_space<vmem>>, %arg4: memref<1024x64xf32, #tpu.memory_space<vmem>>) attributes {dimension_semantics = [#tpu.dimension_semantics<arbitrary>], iteration_bounds = array<i64: 49>, scalar_prefetch = 0 : i64, scratch_operands = 0 : i64, tpu.core_type = #tpu.core_type<tc>, window_params = [{transform_indices = @transform_0, window_bounds = array<i64: 1024, 1>}, {pipeline_mode = #tpu.pipeline_mode<synchronous>, transform_indices = @transform_1, window_bounds = array<i64: 1, 64>}, {pipeline_mode = #tpu.pipeline_mode<synchronous>, transform_indices = @transform_2, window_bounds = array<i64: 1, 64>}, {transform_indices = @transform_3, window_bounds = array<i64: 1024, 64>}]} {
    %get3A = arith.constant 0 : index
    %get3A_0 = arith.constant 0 : index
    %get3A_1 = vector.load %arg1[%get3A, %get3A_0] : memref<1024x1xf32, #tpu.memory_space<vmem>>, vector<1024x1xf32>
    %get3A_2 = arith.constant 0 : index
    %get3A_3 = arith.constant 0 : index
    %get3A_4 = vector.load %arg2[%get3A_2, %get3A_3] : memref<1x64xf32, #tpu.memory_space<vmem>>, vector<1x64xf32>
    %mul3A = vector.broadcast %get3A_1 : vector<1024x1xf32> to vector<1024x64xf32>
    %mul3A_5 = vector.broadcast %get3A_4 : vector<1x64xf32> to vector<1024x64xf32>
    %mul3A_6 = arith.mulf %mul3A, %mul3A_5 : vector<1024x64xf32>
    %get3A_7 = arith.constant 0 : index
    %get3A_8 = arith.constant 0 : index
    %get3A_9 = vector.load %arg3[%get3A_7, %get3A_8] : memref<1x64xf32, #tpu.memory_space<vmem>>, vector<1x64xf32>
    %add3A = vector.broadcast %get3A_9 : vector<1x64xf32> to vector<1024x64xf32>
    %add3A_10 = arith.addf %mul3A_6, %add3A : vector<1024x64xf32>
    %max3A = arith.constant 0.000000e+00 : f32
    %max3A_11 = vector.broadcast %max3A : f32 to vector<1024x64xf32>
    %max3A_12 = arith.maximumf %add3A_10, %max3A_11 : vector<1024x64xf32>
    %swap3A = arith.constant 0 : index
    %swap3A_13 = arith.constant 0 : index
    %swap3A_14 = vector.load %arg4[%swap3A, %swap3A_13] : memref<1024x64xf32, #tpu.memory_space<vmem>>, vector<1024x64xf32>
    tpu.vector_store %arg4[%swap3A, %swap3A_13], %max3A_12 {strides = array<i32>} : memref<1024x64xf32, #tpu.memory_space<vmem>>, vector<1024x64xf32>,
    return
  }
  func.func @transform_0(%arg0: i32) -> (i32, i32) {
    %c0_i32 = arith.constant 0 : i32
    %c0_i32_0 = arith.constant 0 : i32
    return %arg0, %c0_i32 : i32, i32
  }
  func.func @transform_1(%arg0: i32) -> (i32, i32) {
    %c0_i32 = arith.constant 0 : i32
    %c0_i32_0 = arith.constant 0 : i32
    %c0_i32_1 = arith.constant 0 : i32
    return %c0_i32, %c0_i32_0 : i32, i32
  }
  func.func @transform_2(%arg0: i32) -> (i32, i32) {
    %c0_i32 = arith.constant 0 : i32
    %c0_i32_0 = arith.constant 0 : i32
    %c0_i32_1 = arith.constant 0 : i32
    return %c0_i32, %c0_i32_0 : i32, i32
  }
  func.func @transform_3(%arg0: i32) -> (i32, i32) {
    %c0_i32 = arith.constant 0 : i32
    %c0_i32_0 = arith.constant 0 : i32
    return %arg0, %c0_i32 : i32, i32
  }
}

module attributes {stable_mosaic.version = 14 : i64} {
  func.func @_k_y_body(%arg0: i32, %arg1: memref<1024x64xf32, #tpu.memory_space<vmem>>, %arg2: memref<1024x1xf32, #tpu.memory_space<vmem>>, %arg3: memref<64x64xf32, #tpu.memory_space<vmem>>, %arg4: memref<1024x64xf32, #tpu.memory_space<vmem>>) attributes {dimension_semantics = [#tpu.dimension_semantics<arbitrary>], iteration_bounds = array<i64: 49>, scalar_prefetch = 0 : i64, scratch_operands = 0 : i64, tpu.core_type = #tpu.core_type<tc>, window_params = [{transform_indices = @transform_0, window_bounds = array<i64: 1024, 64>}, {transform_indices = @transform_1, window_bounds = array<i64: 1024, 1>}, {pipeline_mode = #tpu.pipeline_mode<synchronous>, transform_indices = @transform_2, window_bounds = array<i64: 64, 64>}, {transform_indices = @transform_3, window_bounds = array<i64: 1024, 64>}]} {
    %get3A = arith.constant 0 : index
    %get3A_0 = arith.constant 0 : index
    %get3A_1 = vector.load %arg2[%get3A, %get3A_0] : memref<1024x1xf32, #tpu.memory_space<vmem>>, vector<1024x1xf32>
    %add3A = arith.constant 1.000000e+00 : f32
    %add3A_2 = vector.broadcast %add3A : f32 to vector<1024x1xf32>
    %add3A_3 = arith.addf %get3A_1, %add3A_2 : vector<1024x1xf32>
    %rsqrt3A = math.rsqrt %add3A_3 : vector<1024x1xf32>
    %get3A_4 = arith.constant 0 : index
    %get3A_5 = arith.constant 0 : index
    %get3A_6 = vector.load %arg1[%get3A_4, %get3A_5] : memref<1024x64xf32, #tpu.memory_space<vmem>>, vector<1024x64xf32>
    %get3A_7 = arith.constant 0 : index
    %get3A_8 = arith.constant 0 : index
    %get3A_9 = vector.load %arg3[%get3A_7, %get3A_8] : memref<64x64xf32, #tpu.memory_space<vmem>>, vector<64x64xf32>
    %dot_general3A = arith.constant dense<0.000000e+00> : vector<1024x64xf32>
    %dot_general3A_10 = tpu.matmul %get3A_6, %get3A_9, %dot_general3A {dimension_numbers = #tpu.dot_dimension_numbers<[1], [0], [0], [1], [0, 0, 1, 1], [], []>, transpose_lhs_hint = false} : vector<1024x64xf32>, vector<64x64xf32>, vector<1024x64xf32> -> vector<1024x64xf32>
    %mul3A = vector.broadcast %rsqrt3A : vector<1024x1xf32> to vector<1024x64xf32>
    %mul3A_11 = arith.mulf %mul3A, %dot_general3A_10 : vector<1024x64xf32>
    %mul3A_12 = arith.constant 1024 : i32
    %mul3A_13 = arith.muli %arg0, %mul3A_12 : i32
    %iota3A = tpu.iota {dimensions = array<i32: 0>} : vector<1024x1xi32>
    %add3A_14 = vector.broadcast %mul3A_13 : i32 to vector<1024x1xi32>
    %add3A_15 = arith.addi %add3A_14, %iota3A : vector<1024x1xi32>
    %lt3A = arith.constant 50000 : i32
    %lt3A_16 = vector.broadcast %lt3A : i32 to vector<1024x1xi32>
    %lt3A_17 = arith.cmpi slt, %add3A_15, %lt3A_16 : vector<1024x1xi32>
    %jit3A = arith.constant 0.000000e+00 : f32
    %broadcast_in_dim3A = vector.shape_cast %lt3A_17 : vector<1024x1xi1> to vector<1024x1xi1>
    %broadcast_in_dim3A_18 = vector.broadcast %broadcast_in_dim3A : vector<1024x1xi1> to vector<1024x64xi1>
    %broadcast_in_dim3A_19 = vector.broadcast %jit3A : f32 to vector<1024x64xf32>
    %select_n3A = arith.select %broadcast_in_dim3A_18, %mul3A_11, %broadcast_in_dim3A_19 : vector<1024x64xi1>, vector<1024x64xf32>
    %swap3A = arith.constant 0 : index
    %swap3A_20 = arith.constant 0 : index
    %swap3A_21 = vector.load %arg4[%swap3A, %swap3A_20] : memref<1024x64xf32, #tpu.memory_space<vmem>>, vector<1024x64xf32>
    tpu.vector_store %arg4[%swap3A, %swap3A_20], %select_n3A {strides = array<i32>} : memref<1024x64xf32, #tpu.memory_space<vmem>>, vector<1024x64xf32>,
    return
  }
  func.func @transform_0(%arg0: i32) -> (i32, i32) {
    %c0_i32 = arith.constant 0 : i32
    %c0_i32_0 = arith.constant 0 : i32
    return %arg0, %c0_i32 : i32, i32
  }
  func.func @transform_1(%arg0: i32) -> (i32, i32) {
    %c0_i32 = arith.constant 0 : i32
    %c0_i32_0 = arith.constant 0 : i32
    return %arg0, %c0_i32 : i32, i32
  }
  func.func @transform_2(%arg0: i32) -> (i32, i32) {
    %c0_i32 = arith.constant 0 : i32
    %c0_i32_0 = arith.constant 0 : i32
    %c0_i32_1 = arith.constant 0 : i32
    return %c0_i32, %c0_i32_0 : i32, i32
  }
  func.func @transform_3(%arg0: i32) -> (i32, i32) {
    %c0_i32 = arith.constant 0 : i32
    %c0_i32_0 = arith.constant 0 : i32
    return %arg0, %c0_i32 : i32, i32
  }
}

module attributes {stable_mosaic.version = 14 : i64} {
  func.func @_k_mid_body(%arg0: i32, %arg1: memref<1024x8xf32, #tpu.memory_space<vmem>>, %arg2: memref<1024x8xf32, #tpu.memory_space<vmem>>, %arg3: memref<1024x8xf32, #tpu.memory_space<vmem>>, %arg4: memref<1024x8xf32, #tpu.memory_space<vmem>>, %arg5: memref<1024x8xf32, #tpu.memory_space<vmem>>, %arg6: memref<1024x8xf32, #tpu.memory_space<vmem>>, %arg7: memref<1024x8xf32, #tpu.memory_space<vmem>>, %arg8: memref<1024x8xf32, #tpu.memory_space<vmem>>, %arg9: memref<1024x64xf32, #tpu.memory_space<vmem>>, %arg10: memref<1024x1xf32, #tpu.memory_space<vmem>>, %arg11: memref<64x64xf32, #tpu.memory_space<vmem>>, %arg12: memref<1x64xf32, #tpu.memory_space<vmem>>, %arg13: memref<1024x64xf32, #tpu.memory_space<vmem>>) attributes {dimension_semantics = [#tpu.dimension_semantics<arbitrary>], iteration_bounds = array<i64: 49>, scalar_prefetch = 0 : i64, scratch_operands = 0 : i64, tpu.core_type = #tpu.core_type<tc>, window_params = [{transform_indices = @transform_0, window_bounds = array<i64: 1024, 8>}, {transform_indices = @transform_1, window_bounds = array<i64: 1024, 8>}, {transform_indices = @transform_2, window_bounds = array<i64: 1024, 8>}, {transform_indices = @transform_3, window_bounds = array<i64: 1024, 8>}, {transform_indices = @transform_4, window_bounds = array<i64: 1024, 8>}, {transform_indices = @transform_5, window_bounds = array<i64: 1024, 8>}, {transform_indices = @transform_6, window_bounds = array<i64: 1024, 8>}, {transform_indices = @transform_7, window_bounds = array<i64: 1024, 8>}, {transform_indices = @transform_8, window_bounds = array<i64: 1024, 64>}, {transform_indices = @transform_9, window_bounds = array<i64: 1024, 1>}, {pipeline_mode = #tpu.pipeline_mode<synchronous>, transform_indices = @transform_10, window_bounds = array<i64: 64, 64>}, {pipeline_mode = #tpu.pipeline_mode<synchronous>, transform_indices = @transform_11, window_bounds = array<i64: 1, 64>}, {transform_indices = @transform_12, window_bounds = array<i64: 1024, 64>}]} {
    %get3A = arith.constant 0 : index
    %get3A_0 = arith.constant 0 : index
    %get3A_1 = vector.load %arg10[%get3A, %get3A_0] : memref<1024x1xf32, #tpu.memory_space<vmem>>, vector<1024x1xf32>
    %add3A = arith.constant 1.000000e+00 : f32
    %add3A_2 = vector.broadcast %add3A : f32 to vector<1024x1xf32>
    %add3A_3 = arith.addf %get3A_1, %add3A_2 : vector<1024x1xf32>
    %rsqrt3A = math.rsqrt %add3A_3 : vector<1024x1xf32>
    %get3A_4 = arith.constant 0 : index
    %get3A_5 = arith.constant 0 : index
    %get3A_6 = vector.load %arg1[%get3A_4, %get3A_5] : memref<1024x8xf32, #tpu.memory_space<vmem>>, vector<1024x8xf32>
    %get3A_7 = arith.constant 0 : index
    %get3A_8 = arith.constant 0 : index
    %get3A_9 = vector.load %arg2[%get3A_7, %get3A_8] : memref<1024x8xf32, #tpu.memory_space<vmem>>, vector<1024x8xf32>
    %get3A_10 = arith.constant 0 : index
    %get3A_11 = arith.constant 0 : index
    %get3A_12 = vector.load %arg3[%get3A_10, %get3A_11] : memref<1024x8xf32, #tpu.memory_space<vmem>>, vector<1024x8xf32>
    %get3A_13 = arith.constant 0 : index
    %get3A_14 = arith.constant 0 : index
    %get3A_15 = vector.load %arg4[%get3A_13, %get3A_14] : memref<1024x8xf32, #tpu.memory_space<vmem>>, vector<1024x8xf32>
    %get3A_16 = arith.constant 0 : index
    %get3A_17 = arith.constant 0 : index
    %get3A_18 = vector.load %arg5[%get3A_16, %get3A_17] : memref<1024x8xf32, #tpu.memory_space<vmem>>, vector<1024x8xf32>
    %get3A_19 = arith.constant 0 : index
    %get3A_20 = arith.constant 0 : index
    %get3A_21 = vector.load %arg6[%get3A_19, %get3A_20] : memref<1024x8xf32, #tpu.memory_space<vmem>>, vector<1024x8xf32>
    %get3A_22 = arith.constant 0 : index
    %get3A_23 = arith.constant 0 : index
    %get3A_24 = vector.load %arg7[%get3A_22, %get3A_23] : memref<1024x8xf32, #tpu.memory_space<vmem>>, vector<1024x8xf32>
    %get3A_25 = arith.constant 0 : index
    %get3A_26 = arith.constant 0 : index
    %get3A_27 = vector.load %arg8[%get3A_25, %get3A_26] : memref<1024x8xf32, #tpu.memory_space<vmem>>, vector<1024x8xf32>
    %concatenate3A = tpu.concatenate %get3A_6, %get3A_9, %get3A_12, %get3A_15, %get3A_18, %get3A_21, %get3A_24, %get3A_27 in 1 : vector<1024x8xf32>, vector<1024x8xf32>, vector<1024x8xf32>, vector<1024x8xf32>, vector<1024x8xf32>, vector<1024x8xf32>, vector<1024x8xf32>, vector<1024x8xf32> -> vector<1024x64xf32>
    %get3A_28 = arith.constant 0 : index
    %get3A_29 = arith.constant 0 : index
    %get3A_30 = vector.load %arg9[%get3A_28, %get3A_29] : memref<1024x64xf32, #tpu.memory_space<vmem>>, vector<1024x64xf32>
    %add3A_31 = arith.addf %concatenate3A, %get3A_30 : vector<1024x64xf32>
    %mul3A = vector.broadcast %rsqrt3A : vector<1024x1xf32> to vector<1024x64xf32>
    %mul3A_32 = arith.mulf %mul3A, %add3A_31 : vector<1024x64xf32>
    %get3A_33 = arith.constant 0 : index
    %get3A_34 = arith.constant 0 : index
    %get3A_35 = vector.load %arg12[%get3A_33, %get3A_34] : memref<1x64xf32, #tpu.memory_space<vmem>>, vector<1x64xf32>
    %add3A_36 = vector.broadcast %get3A_35 : vector<1x64xf32> to vector<1024x64xf32>
    %add3A_37 = arith.addf %mul3A_32, %add3A_36 : vector<1024x64xf32>
    %max3A = arith.constant 0.000000e+00 : f32
    %max3A_38 = vector.broadcast %max3A : f32 to vector<1024x64xf32>
    %max3A_39 = arith.maximumf %add3A_37, %max3A_38 : vector<1024x64xf32>
    %get3A_40 = arith.constant 0 : index
    %get3A_41 = arith.constant 0 : index
    %get3A_42 = vector.load %arg11[%get3A_40, %get3A_41] : memref<64x64xf32, #tpu.memory_space<vmem>>, vector<64x64xf32>
    %dot_general3A = arith.constant dense<0.000000e+00> : vector<1024x64xf32>
    %dot_general3A_43 = tpu.matmul %max3A_39, %get3A_42, %dot_general3A {dimension_numbers = #tpu.dot_dimension_numbers<[1], [0], [0], [1], [0, 0, 1, 1], [], []>, transpose_lhs_hint = false} : vector<1024x64xf32>, vector<64x64xf32>, vector<1024x64xf32> -> vector<1024x64xf32>
    %mul3A_44 = vector.broadcast %rsqrt3A : vector<1024x1xf32> to vector<1024x64xf32>
    %mul3A_45 = arith.mulf %mul3A_44, %dot_general3A_43 : vector<1024x64xf32>
    %mul3A_46 = arith.constant 1024 : i32
    %mul3A_47 = arith.muli %arg0, %mul3A_46 : i32
    %iota3A = tpu.iota {dimensions = array<i32: 0>} : vector<1024x1xi32>
    %add3A_48 = vector.broadcast %mul3A_47 : i32 to vector<1024x1xi32>
    %add3A_49 = arith.addi %add3A_48, %iota3A : vector<1024x1xi32>
    %lt3A = arith.constant 50000 : i32
    %lt3A_50 = vector.broadcast %lt3A : i32 to vector<1024x1xi32>
    %lt3A_51 = arith.cmpi slt, %add3A_49, %lt3A_50 : vector<1024x1xi32>
    %jit3A = arith.constant 0.000000e+00 : f32
    %broadcast_in_dim3A = vector.shape_cast %lt3A_51 : vector<1024x1xi1> to vector<1024x1xi1>
    %broadcast_in_dim3A_52 = vector.broadcast %broadcast_in_dim3A : vector<1024x1xi1> to vector<1024x64xi1>
    %broadcast_in_dim3A_53 = vector.broadcast %jit3A : f32 to vector<1024x64xf32>
    %select_n3A = arith.select %broadcast_in_dim3A_52, %mul3A_45, %broadcast_in_dim3A_53 : vector<1024x64xi1>, vector<1024x64xf32>
    %swap3A = arith.constant 0 : index
    %swap3A_54 = arith.constant 0 : index
    %swap3A_55 = vector.load %arg13[%swap3A, %swap3A_54] : memref<1024x64xf32, #tpu.memory_space<vmem>>, vector<1024x64xf32>
    tpu.vector_store %arg13[%swap3A, %swap3A_54], %select_n3A {strides = array<i32>} : memref<1024x64xf32, #tpu.memory_space<vmem>>, vector<1024x64xf32>,
    return
  }
  func.func @transform_0(%arg0: i32) -> (i32, i32) {
    %add3A = arith.constant 0 : i32
    %add3A_0 = arith.addi %arg0, %add3A : i32
    %c0_i32 = arith.constant 0 : i32
    %c0_i32_1 = arith.constant 0 : i32
    return %add3A_0, %c0_i32 : i32, i32
  }
  func.func @transform_1(%arg0: i32) -> (i32, i32) {
    %add3A = arith.constant 49 : i32
    %add3A_0 = arith.addi %arg0, %add3A : i32
    %c0_i32 = arith.constant 0 : i32
    %c0_i32_1 = arith.constant 0 : i32
    return %add3A_0, %c0_i32 : i32, i32
  }
  func.func @transform_2(%arg0: i32) -> (i32, i32) {
    %add3A = arith.constant 98 : i32
    %add3A_0 = arith.addi %arg0, %add3A : i32
    %c0_i32 = arith.constant 0 : i32
    %c0_i32_1 = arith.constant 0 : i32
    return %add3A_0, %c0_i32 : i32, i32
  }
  func.func @transform_3(%arg0: i32) -> (i32, i32) {
    %add3A = arith.constant 147 : i32
    %add3A_0 = arith.addi %arg0, %add3A : i32
    %c0_i32 = arith.constant 0 : i32
    %c0_i32_1 = arith.constant 0 : i32
    return %add3A_0, %c0_i32 : i32, i32
  }
  func.func @transform_4(%arg0: i32) -> (i32, i32) {
    %add3A = arith.constant 196 : i32
    %add3A_0 = arith.addi %arg0, %add3A : i32
    %c0_i32 = arith.constant 0 : i32
    %c0_i32_1 = arith.constant 0 : i32
    return %add3A_0, %c0_i32 : i32, i32
  }
  func.func @transform_5(%arg0: i32) -> (i32, i32) {
    %add3A = arith.constant 245 : i32
    %add3A_0 = arith.addi %arg0, %add3A : i32
    %c0_i32 = arith.constant 0 : i32
    %c0_i32_1 = arith.constant 0 : i32
    return %add3A_0, %c0_i32 : i32, i32
  }
  func.func @transform_6(%arg0: i32) -> (i32, i32) {
    %add3A = arith.constant 294 : i32
    %add3A_0 = arith.addi %arg0, %add3A : i32
    %c0_i32 = arith.constant 0 : i32
    %c0_i32_1 = arith.constant 0 : i32
    return %add3A_0, %c0_i32 : i32, i32
  }
  func.func @transform_7(%arg0: i32) -> (i32, i32) {
    %add3A = arith.constant 343 : i32
    %add3A_0 = arith.addi %arg0, %add3A : i32
    %c0_i32 = arith.constant 0 : i32
    %c0_i32_1 = arith.constant 0 : i32
    return %add3A_0, %c0_i32 : i32, i32
  }
  func.func @transform_8(%arg0: i32) -> (i32, i32) {
    %c0_i32 = arith.constant 0 : i32
    %c0_i32_0 = arith.constant 0 : i32
    return %arg0, %c0_i32 : i32, i32
  }
  func.func @transform_9(%arg0: i32) -> (i32, i32) {
    %c0_i32 = arith.constant 0 : i32
    %c0_i32_0 = arith.constant 0 : i32
    return %arg0, %c0_i32 : i32, i32
  }
  func.func @transform_10(%arg0: i32) -> (i32, i32) {
    %c0_i32 = arith.constant 0 : i32
    %c0_i32_0 = arith.constant 0 : i32
    %c0_i32_1 = arith.constant 0 : i32
    return %c0_i32, %c0_i32_0 : i32, i32
  }
  func.func @transform_11(%arg0: i32) -> (i32, i32) {
    %c0_i32 = arith.constant 0 : i32
    %c0_i32_0 = arith.constant 0 : i32
    %c0_i32_1 = arith.constant 0 : i32
    return %c0_i32, %c0_i32_0 : i32, i32
  }
  func.func @transform_12(%arg0: i32) -> (i32, i32) {
    %c0_i32 = arith.constant 0 : i32
    %c0_i32_0 = arith.constant 0 : i32
    return %arg0, %c0_i32 : i32, i32
  }
}

module attributes {stable_mosaic.version = 14 : i64} {
  func.func @_k_out_body(%arg0: i32, %arg1: memref<1024x8xf32, #tpu.memory_space<vmem>>, %arg2: memref<1024x8xf32, #tpu.memory_space<vmem>>, %arg3: memref<1024x8xf32, #tpu.memory_space<vmem>>, %arg4: memref<1024x8xf32, #tpu.memory_space<vmem>>, %arg5: memref<1024x8xf32, #tpu.memory_space<vmem>>, %arg6: memref<1024x8xf32, #tpu.memory_space<vmem>>, %arg7: memref<1024x8xf32, #tpu.memory_space<vmem>>, %arg8: memref<1024x8xf32, #tpu.memory_space<vmem>>, %arg9: memref<1024x64xf32, #tpu.memory_space<vmem>>, %arg10: memref<1024x1xf32, #tpu.memory_space<vmem>>, %arg11: memref<1x64xf32, #tpu.memory_space<vmem>>, %arg12: memref<1024x1xi32, #tpu.memory_space<vmem>>, %arg13: memref<128x64xf32, #tpu.memory_space<vmem>>, %arg14: memref<128x64xf32, #tpu.memory_space<vmem>>, %arg15: memref<128x1xf32, #tpu.memory_space<vmem>>) attributes {dimension_semantics = [#tpu.dimension_semantics<arbitrary>], iteration_bounds = array<i64: 49>, scalar_prefetch = 0 : i64, scratch_operands = 2 : i64, tpu.core_type = #tpu.core_type<tc>, window_params = [{transform_indices = @transform_0, window_bounds = array<i64: 1024, 8>}, {transform_indices = @transform_1, window_bounds = array<i64: 1024, 8>}, {transform_indices = @transform_2, window_bounds = array<i64: 1024, 8>}, {transform_indices = @transform_3, window_bounds = array<i64: 1024, 8>}, {transform_indices = @transform_4, window_bounds = array<i64: 1024, 8>}, {transform_indices = @transform_5, window_bounds = array<i64: 1024, 8>}, {transform_indices = @transform_6, window_bounds = array<i64: 1024, 8>}, {transform_indices = @transform_7, window_bounds = array<i64: 1024, 8>}, {transform_indices = @transform_8, window_bounds = array<i64: 1024, 64>}, {transform_indices = @transform_9, window_bounds = array<i64: 1024, 1>}, {pipeline_mode = #tpu.pipeline_mode<synchronous>, transform_indices = @transform_10, window_bounds = array<i64: 1, 64>}, {transform_indices = @transform_11, window_bounds = array<i64: 1024, 1>}, {pipeline_mode = #tpu.pipeline_mode<synchronous>, transform_indices = @transform_12, window_bounds = array<i64: 128, 64>}]} {
    %get3A = arith.constant 0 : index
    %get3A_0 = arith.constant 0 : index
    %get3A_1 = vector.load %arg10[%get3A, %get3A_0] : memref<1024x1xf32, #tpu.memory_space<vmem>>, vector<1024x1xf32>
    %add3A = arith.constant 1.000000e+00 : f32
    %add3A_2 = vector.broadcast %add3A : f32 to vector<1024x1xf32>
    %add3A_3 = arith.addf %get3A_1, %add3A_2 : vector<1024x1xf32>
    %rsqrt3A = math.rsqrt %add3A_3 : vector<1024x1xf32>
    %get3A_4 = arith.constant 0 : index
    %get3A_5 = arith.constant 0 : index
    %get3A_6 = vector.load %arg1[%get3A_4, %get3A_5] : memref<1024x8xf32, #tpu.memory_space<vmem>>, vector<1024x8xf32>
    %get3A_7 = arith.constant 0 : index
    %get3A_8 = arith.constant 0 : index
    %get3A_9 = vector.load %arg2[%get3A_7, %get3A_8] : memref<1024x8xf32, #tpu.memory_space<vmem>>, vector<1024x8xf32>
    %get3A_10 = arith.constant 0 : index
    %get3A_11 = arith.constant 0 : index
    %get3A_12 = vector.load %arg3[%get3A_10, %get3A_11] : memref<1024x8xf32, #tpu.memory_space<vmem>>, vector<1024x8xf32>
    %get3A_13 = arith.constant 0 : index
    %get3A_14 = arith.constant 0 : index
    %get3A_15 = vector.load %arg4[%get3A_13, %get3A_14] : memref<1024x8xf32, #tpu.memory_space<vmem>>, vector<1024x8xf32>
    %get3A_16 = arith.constant 0 : index
    %get3A_17 = arith.constant 0 : index
    %get3A_18 = vector.load %arg5[%get3A_16, %get3A_17] : memref<1024x8xf32, #tpu.memory_space<vmem>>, vector<1024x8xf32>
    %get3A_19 = arith.constant 0 : index
    %get3A_20 = arith.constant 0 : index
    %get3A_21 = vector.load %arg6[%get3A_19, %get3A_20] : memref<1024x8xf32, #tpu.memory_space<vmem>>, vector<1024x8xf32>
    %get3A_22 = arith.constant 0 : index
    %get3A_23 = arith.constant 0 : index
    %get3A_24 = vector.load %arg7[%get3A_22, %get3A_23] : memref<1024x8xf32, #tpu.memory_space<vmem>>, vector<1024x8xf32>
    %get3A_25 = arith.constant 0 : index
    %get3A_26 = arith.constant 0 : index
    %get3A_27 = vector.load %arg8[%get3A_25, %get3A_26] : memref<1024x8xf32, #tpu.memory_space<vmem>>, vector<1024x8xf32>
    %concatenate3A = tpu.concatenate %get3A_6, %get3A_9, %get3A_12, %get3A_15, %get3A_18, %get3A_21, %get3A_24, %get3A_27 in 1 : vector<1024x8xf32>, vector<1024x8xf32>, vector<1024x8xf32>, vector<1024x8xf32>, vector<1024x8xf32>, vector<1024x8xf32>, vector<1024x8xf32>, vector<1024x8xf32> -> vector<1024x64xf32>
    %get3A_28 = arith.constant 0 : index
    %get3A_29 = arith.constant 0 : index
    %get3A_30 = vector.load %arg9[%get3A_28, %get3A_29] : memref<1024x64xf32, #tpu.memory_space<vmem>>, vector<1024x64xf32>
    %add3A_31 = arith.addf %concatenate3A, %get3A_30 : vector<1024x64xf32>
    %mul3A = vector.broadcast %rsqrt3A : vector<1024x1xf32> to vector<1024x64xf32>
    %mul3A_32 = arith.mulf %mul3A, %add3A_31 : vector<1024x64xf32>
    %get3A_33 = arith.constant 0 : index
    %get3A_34 = arith.constant 0 : index
    %get3A_35 = vector.load %arg11[%get3A_33, %get3A_34] : memref<1x64xf32, #tpu.memory_space<vmem>>, vector<1x64xf32>
    %add3A_36 = vector.broadcast %get3A_35 : vector<1x64xf32> to vector<1024x64xf32>
    %add3A_37 = arith.addf %mul3A_32, %add3A_36 : vector<1024x64xf32>
    %max3A = arith.constant 0.000000e+00 : f32
    %max3A_38 = vector.broadcast %max3A : f32 to vector<1024x64xf32>
    %max3A_39 = arith.maximumf %add3A_37, %max3A_38 : vector<1024x64xf32>
    %get3A_40 = arith.constant 0 : index
    %get3A_41 = arith.constant 0 : index
    %get3A_42 = vector.load %arg12[%get3A_40, %get3A_41] : memref<1024x1xi32, #tpu.memory_space<vmem>>, vector<1024x1xi32>
    %iota3A = tpu.iota {dimensions = array<i32: 1>} : vector<1x128xi32>
    %eq3A = vector.broadcast %get3A_42 : vector<1024x1xi32> to vector<1024x128xi32>
    %eq3A_43 = vector.broadcast %iota3A : vector<1x128xi32> to vector<1024x128xi32>
    %eq3A_44 = arith.cmpi eq, %eq3A, %eq3A_43 : vector<1024x128xi32>
    %convert_element_type3A = arith.extui %eq3A_44 : vector<1024x128xi1> to vector<1024x128xi32>
    %convert_element_type3A_45 = arith.sitofp %convert_element_type3A : vector<1024x128xi32> to vector<1024x128xf32>
    %eq3A_46 = arith.constant 0 : i32
    %eq3A_47 = arith.cmpi eq, %arg0, %eq3A_46 : i32
    %convert_element_type3A_48 = arith.extui %eq3A_47 : i1 to i32
    %cond3A = arith.constant 0 : i32
    %cond3A_49 = arith.cmpi ne, %convert_element_type3A_48, %cond3A : i32
    scf.if %cond3A_49 {
      %broadcast_in_dim3A_72 = arith.constant 0.000000e+00 : f32
      %broadcast_in_dim3A_73 = vector.broadcast %broadcast_in_dim3A_72 : f32 to vector<128x64xf32>
      %swap3A_74 = arith.constant 0 : index
      %swap3A_75 = arith.constant 0 : index
      %swap3A_76 = vector.load %arg14[%swap3A_74, %swap3A_75] : memref<128x64xf32, #tpu.memory_space<vmem>>, vector<128x64xf32>
      tpu.vector_store %arg14[%swap3A_74, %swap3A_75], %broadcast_in_dim3A_73 {strides = array<i32>} : memref<128x64xf32, #tpu.memory_space<vmem>>, vector<128x64xf32>,
      %broadcast_in_dim3A_77 = arith.constant 0.000000e+00 : f32
      %broadcast_in_dim3A_78 = vector.broadcast %broadcast_in_dim3A_77 : f32 to vector<128x1xf32>
      %swap3A_79 = arith.constant 0 : index
      %swap3A_80 = arith.constant 0 : index
      %swap3A_81 = vector.load %arg15[%swap3A_79, %swap3A_80] : memref<128x1xf32, #tpu.memory_space<vmem>>, vector<128x1xf32>
      tpu.vector_store %arg15[%swap3A_79, %swap3A_80], %broadcast_in_dim3A_78 {strides = array<i32>} : memref<128x1xf32, #tpu.memory_space<vmem>>, vector<128x1xf32>,
    } else {
    }
    %get3A_50 = arith.constant 0 : index
    %get3A_51 = arith.constant 0 : index
    %get3A_52 = vector.load %arg14[%get3A_50, %get3A_51] : memref<128x64xf32, #tpu.memory_space<vmem>>, vector<128x64xf32>
    %dot_general3A = arith.constant dense<0.000000e+00> : vector<128x64xf32>
    %dot_general3A_53 = tpu.matmul %convert_element_type3A_45, %max3A_39, %dot_general3A {dimension_numbers = #tpu.dot_dimension_numbers<[0], [0], [1], [1], [0, 1, 1, 1], [], []>, transpose_lhs_hint = false} : vector<1024x128xf32>, vector<1024x64xf32>, vector<128x64xf32> -> vector<128x64xf32>
    %add3A_54 = arith.addf %get3A_52, %dot_general3A_53 : vector<128x64xf32>
    %swap3A = arith.constant 0 : index
    %swap3A_55 = arith.constant 0 : index
    %swap3A_56 = vector.load %arg14[%swap3A, %swap3A_55] : memref<128x64xf32, #tpu.memory_space<vmem>>, vector<128x64xf32>
    tpu.vector_store %arg14[%swap3A, %swap3A_55], %add3A_54 {strides = array<i32>} : memref<128x64xf32, #tpu.memory_space<vmem>>, vector<128x64xf32>,
    %get3A_57 = arith.constant 0 : index
    %get3A_58 = arith.constant 0 : index
    %get3A_59 = vector.load %arg15[%get3A_57, %get3A_58] : memref<128x1xf32, #tpu.memory_space<vmem>>, vector<128x1xf32>
    %broadcast_in_dim3A = arith.constant 1.000000e+00 : f32
    %broadcast_in_dim3A_60 = vector.broadcast %broadcast_in_dim3A : f32 to vector<1024x1xf32>
    %dot_general3A_61 = arith.constant dense<0.000000e+00> : vector<128x1xf32>
    %dot_general3A_62 = tpu.matmul %convert_element_type3A_45, %broadcast_in_dim3A_60, %dot_general3A_61 {dimension_numbers = #tpu.dot_dimension_numbers<[0], [0], [1], [1], [0, 1, 1, 1], [], []>, transpose_lhs_hint = false} : vector<1024x128xf32>, vector<1024x1xf32>, vector<128x1xf32> -> vector<128x1xf32>
    %add3A_63 = arith.addf %get3A_59, %dot_general3A_62 : vector<128x1xf32>
    %swap3A_64 = arith.constant 0 : index
    %swap3A_65 = arith.constant 0 : index
    %swap3A_66 = vector.load %arg15[%swap3A_64, %swap3A_65] : memref<128x1xf32, #tpu.memory_space<vmem>>, vector<128x1xf32>
    tpu.vector_store %arg15[%swap3A_64, %swap3A_65], %add3A_63 {strides = array<i32>} : memref<128x1xf32, #tpu.memory_space<vmem>>, vector<128x1xf32>,
    %eq3A_67 = arith.constant 48 : i32
    %eq3A_68 = arith.cmpi eq, %arg0, %eq3A_67 : i32
    %convert_element_type3A_69 = arith.extui %eq3A_68 : i1 to i32
    %cond3A_70 = arith.constant 0 : i32
    %cond3A_71 = arith.cmpi ne, %convert_element_type3A_69, %cond3A_70 : i32
    scf.if %cond3A_71 {
      %get3A_72 = arith.constant 0 : index
      %get3A_73 = arith.constant 0 : index
      %get3A_74 = vector.load %arg14[%get3A_72, %get3A_73] : memref<128x64xf32, #tpu.memory_space<vmem>>, vector<128x64xf32>
      %get3A_75 = arith.constant 0 : index
      %get3A_76 = arith.constant 0 : index
      %get3A_77 = vector.load %arg15[%get3A_75, %get3A_76] : memref<128x1xf32, #tpu.memory_space<vmem>>, vector<128x1xf32>
      %max3A_78 = arith.constant 1.000000e+00 : f32
      %max3A_79 = vector.broadcast %max3A_78 : f32 to vector<128x1xf32>
      %max3A_80 = arith.maximumf %get3A_77, %max3A_79 : vector<128x1xf32>
      %div3A = vector.broadcast %max3A_80 : vector<128x1xf32> to vector<128x64xf32>
      %div3A_81 = arith.divf %get3A_74, %div3A : vector<128x64xf32>
      %swap3A_82 = arith.constant 0 : index
      %swap3A_83 = arith.constant 0 : index
      %swap3A_84 = vector.load %arg13[%swap3A_82, %swap3A_83] : memref<128x64xf32, #tpu.memory_space<vmem>>, vector<128x64xf32>
      tpu.vector_store %arg13[%swap3A_82, %swap3A_83], %div3A_81 {strides = array<i32>} : memref<128x64xf32, #tpu.memory_space<vmem>>, vector<128x64xf32>,
    } else {
    }
    return
  }
  func.func @transform_0(%arg0: i32) -> (i32, i32) {
    %add3A = arith.constant 0 : i32
    %add3A_0 = arith.addi %arg0, %add3A : i32
    %c0_i32 = arith.constant 0 : i32
    %c0_i32_1 = arith.constant 0 : i32
    return %add3A_0, %c0_i32 : i32, i32
  }
  func.func @transform_1(%arg0: i32) -> (i32, i32) {
    %add3A = arith.constant 49 : i32
    %add3A_0 = arith.addi %arg0, %add3A : i32
    %c0_i32 = arith.constant 0 : i32
    %c0_i32_1 = arith.constant 0 : i32
    return %add3A_0, %c0_i32 : i32, i32
  }
  func.func @transform_2(%arg0: i32) -> (i32, i32) {
    %add3A = arith.constant 98 : i32
    %add3A_0 = arith.addi %arg0, %add3A : i32
    %c0_i32 = arith.constant 0 : i32
    %c0_i32_1 = arith.constant 0 : i32
    return %add3A_0, %c0_i32 : i32, i32
  }
  func.func @transform_3(%arg0: i32) -> (i32, i32) {
    %add3A = arith.constant 147 : i32
    %add3A_0 = arith.addi %arg0, %add3A : i32
    %c0_i32 = arith.constant 0 : i32
    %c0_i32_1 = arith.constant 0 : i32
    return %add3A_0, %c0_i32 : i32, i32
  }
  func.func @transform_4(%arg0: i32) -> (i32, i32) {
    %add3A = arith.constant 196 : i32
    %add3A_0 = arith.addi %arg0, %add3A : i32
    %c0_i32 = arith.constant 0 : i32
    %c0_i32_1 = arith.constant 0 : i32
    return %add3A_0, %c0_i32 : i32, i32
  }
  func.func @transform_5(%arg0: i32) -> (i32, i32) {
    %add3A = arith.constant 245 : i32
    %add3A_0 = arith.addi %arg0, %add3A : i32
    %c0_i32 = arith.constant 0 : i32
    %c0_i32_1 = arith.constant 0 : i32
    return %add3A_0, %c0_i32 : i32, i32
  }
  func.func @transform_6(%arg0: i32) -> (i32, i32) {
    %add3A = arith.constant 294 : i32
    %add3A_0 = arith.addi %arg0, %add3A : i32
    %c0_i32 = arith.constant 0 : i32
    %c0_i32_1 = arith.constant 0 : i32
    return %add3A_0, %c0_i32 : i32, i32
  }
  func.func @transform_7(%arg0: i32) -> (i32, i32) {
    %add3A = arith.constant 343 : i32
    %add3A_0 = arith.addi %arg0, %add3A : i32
    %c0_i32 = arith.constant 0 : i32
    %c0_i32_1 = arith.constant 0 : i32
    return %add3A_0, %c0_i32 : i32, i32
  }
  func.func @transform_8(%arg0: i32) -> (i32, i32) {
    %c0_i32 = arith.constant 0 : i32
    %c0_i32_0 = arith.constant 0 : i32
    return %arg0, %c0_i32 : i32, i32
  }
  func.func @transform_9(%arg0: i32) -> (i32, i32) {
    %c0_i32 = arith.constant 0 : i32
    %c0_i32_0 = arith.constant 0 : i32
    return %arg0, %c0_i32 : i32, i32
  }
  func.func @transform_10(%arg0: i32) -> (i32, i32) {
    %c0_i32 = arith.constant 0 : i32
    %c0_i32_0 = arith.constant 0 : i32
    %c0_i32_1 = arith.constant 0 : i32
    return %c0_i32, %c0_i32_0 : i32, i32
  }
  func.func @transform_11(%arg0: i32) -> (i32, i32) {
    %c0_i32 = arith.constant 0 : i32
    %c0_i32_0 = arith.constant 0 : i32
    return %arg0, %c0_i32 : i32, i32
  }
  func.func @transform_12(%arg0: i32) -> (i32, i32) {
    %c0_i32 = arith.constant 0 : i32
    %c0_i32_0 = arith.constant 0 : i32
    %c0_i32_1 = arith.constant 0 : i32
    return %c0_i32, %c0_i32_0 : i32, i32
  }
}

</mosaic_0001>

<sc_bundles>
// kernel: kernel.12.cloned.1.call-start
scs
__scs_entry_jumppad:
0x0: {  	(pc) =	sbr.rel $0x88, $3  }
0x1: {  	(tag) =	ssettag $0x0;
	lr =	simm.s32 $0x1  }
0x2: {  	[smem:$0x3F98] =	sst lr;
	_ =	strace $0xD0000000  }
0x3: {  	_ = 	snop  }
0x4: {  	_ = 	snop  }
0x5: {  	_ = 	snop  }
0x6: {  	_ = 	snop  }
0x7: {  	_ = 	snop  }
__scs_overlays_trampoline_lowered:
0x8: {  	[smem:$0x3FA7] =	sst s0  }
0x9: {  	[smem:$0x3FA8] =	sst s1  }
0xa: {  	[smem:$0x3FA9] =	sst s2  }
0xb: {  	[smem:$0x3FAA] =	sst s3  }
0xc: {  	[smem:$0x3FAB] =	sst s4  }
0xd: {  	[smem:$0x3FAC] =	sst s5  }
0xe: {  	[smem:$0x3FAD] =	sst s6  }
0xf: {  	[smem:$0x3FAE] =	sst s7  }
0x10: {  	[smem:$0x3FAF] =	sst s8  }
0x11: {  	[smem:$0x3FB0] =	sst s9;
	s0 =	simm.s32 @!p0 $0x0  }
0x12: {  	s1 =	sld [smem:$0x3F96];
	s0 =	simm.s32 @p0 $0x1  }
0x13: {  	[smem:$0x3FB1] =	sst s0;
	s0 =	simm.s32 @!p1 $0x0  }
0x14: {  	s2 =	sld [smem:$0x3F95];
	s0 =	simm.s32 @p1 $0x1  }
0x15: {  	[smem:$0x3FB2] =	sst s0;
	s0 =	simm.s32 @!p2 $0x0  }
0x16: {  	s3 =	sld [smem:$0x3FDB];
	s0 =	simm.s32 @p2 $0x1  }
0x17: {  	s4 =	simm.s32 $0x1BF5;
	[smem:$0x3FB4] =	sst s0  }
0x18: {  	s0 =	sld [smem:$0x3F97];
	_ =	swait.ge [sflag:s4], $0x0  }
0x19: {  	s7 =	sld [smem:$0x3F98]  }
0x1a: {  	s8 =	sadd.s32 $0xFFFFE003, lr  }
0x1b: {  	s9 =	sadd.s32 $0xFFFFFEF7, lr;
	s5 =	simm.s32 $0xFFFFFFFF;
	p2 =	slt.u32 s8, $0xFFFFF086  }
0x1c: {  	p1 =	slt.u32 s9, $0xF7A;
	s5 =	simm.s32 @!p2 $0x0  }
0x1d: {  	s5 =	simm.s32 @p1 $0x1;
	p0 =	seq.s32 s7, s2  }
0x1e: {  	s7 =	smul.u32 @!p0 $0xF7A, s2;
	p2 =	seq.s32 @!p0 s5, $0x0  }
0x1f: {  	s9 =	smul.u32 $0xF7A, s1;
	s8 =	simm.s32 @!p0 $0x1BF5;
	p2 =	por !p2, p0  }
0x20: {  	[sflag:s8] =	ssyncset.s32 @!p0 $0xFFFFF086;
	s6 =	sadd.s32 @!p0 s3, s7;
	s7 =	simm.s32 @!p0 $0x108  }
0x21: {  	s3 =	sadd.s32 s3, s9;
	s6 =	sadd.s32 @!p0 $0x88, s6;
	s7 =	simm.s32 @p2 $0x1082  }
0x22: {  	[simem:s7], [sflag:s8] =	dma.local @!p0 [hbm:s6], $0xF7A  }
0x23: {  	s9 =	sor.u32 $0xD0000000, s2;
	s6 =	simm.s32 $0x108;
	_ =	swait.ge @!p0 [sflag:s8], $0x0  }
0x24: {  	s3 =	sadd.s32 $0x88, s3;
	s6 =	simm.s32 @!p1 $0x1082;
	[sflag:s4] =	ssyncset.s32 $0xFFFFF086  }
0x25: {  	[simem:s6], [sflag:s4] =	dma.local [hbm:s3], $0xF7A  }
0x26: {  	[smem:$0x3F98] =	sst s1;
	(tag) =	ssettag s2;
	_ =	strace s9  }
0x27: {  	s1 =	sld [smem:$0x3FA8]  }
0x28: {  	s2 =	sld [smem:$0x3FA9]  }
0x29: {  	s4 =	sld [smem:$0x3FAB]  }
0x2a: {  	p0 =	seq.s32 s5, $0x0;
	s5 =	sld [smem:$0x3FAC]  }
0x2b: {  	s6 =	sld [smem:$0x3FAD]  }
0x2c: {  	s7 =	sld [smem:$0x3FAE]  }
0x2d: {  	s3 =	simm.s32 $0x108;
	s8 =	sld [smem:$0x3FAF]  }
0x2e: {  	s3 =	simm.s32 @!p0 $0x1082;
	s9 =	sld [smem:$0x3FB0]  }
0x2f: {  	lr =	sadd.s32 s0, s3;
	s0 =	sld [smem:$0x3FA7]  }
0x30: {  	s3 =	sld [smem:$0x3FAA]  }
0x31: {  	[smem:$0x3FB3] =	sst s10  }
0x32: {  	s10 =	sld [smem:$0x3FB1];
	_ =	sdelay $0x3  }
0x33: {  	p0 =	seq.s32 s10, $0x1;
	s10 =	sld [smem:$0x3FB3];
	_ =	sdelay $0x3  }
0x34: {  	[smem:$0x3FB3] =	sst s10  }
0x35: {  	s10 =	sld [smem:$0x3FB2];
	_ =	sdelay $0x3  }
0x36: {  	p1 =	seq.s32 s10, $0x1;
	s10 =	sld [smem:$0x3FB3];
	_ =	sdelay $0x3  }
0x37: {  	[smem:$0x3FB3] =	sst s10  }
0x38: {  	s10 =	sld [smem:$0x3FB4]  }
0x39: {  	_ = 	snop;
	(pc) =	sbr.ind lr, $3  }
0x3a: {  	_ = 	snop  }
0x3b: {  	_ = 	snop  }
0x3c: {  	p2 =	seq.s32 s10, $0x1;
	s10 =	sld [smem:$0x3FB3]  }
0x3d: {  	_ =	shalt  }
0x3e: {  	_ =	shalt  }
0x3f: {  	_ =	shalt  }
0x40: {  	_ =	shalt  }
0x41: {  	_ =	shalt  }
0x42: {  	_ =	shalt  }
0x43: {  	_ =	shalt  }
0x44: {  	_ =	shalt  }
0x45: {  	_ =	shalt  }
0x46: {  	_ =	shalt  }
0x47: {  	_ =	shalt  }
0x48: {  	_ =	shalt  }
0x49: {  	_ =	shalt  }
0x4a: {  	_ =	shalt  }
0x4b: {  	_ =	shalt  }
0x4c: {  	_ =	shalt  }
0x4d: {  	_ =	shalt  }
0x4e: {  	_ =	shalt  }
0x4f: {  	_ =	shalt  }
0x50: {  	_ =	shalt  }
0x51: {  	_ =	shalt  }
0x52: {  	_ =	shalt  }
0x53: {  	_ =	shalt  }
0x54: {  	_ =	shalt  }
0x55: {  	_ =	shalt  }
0x56: {  	_ =	shalt  }
0x57: {  	_ =	shalt  }
0x58: {  	_ =	shalt  }
0x59: {  	_ =	shalt  }
0x5a: {  	_ =	shalt  }
0x5b: {  	_ =	shalt  }
0x5c: {  	_ =	shalt  }
0x5d: {  	_ =	shalt  }
0x5e: {  	_ =	shalt  }
0x5f: {  	_ =	shalt  }
0x60: {  	_ =	shalt  }
0x61: {  	_ =	shalt  }
0x62: {  	_ =	shalt  }
0x63: {  	_ =	shalt  }
0x64: {  	_ =	shalt  }
0x65: {  	_ =	shalt  }
0x66: {  	_ =	shalt  }
0x67: {  	_ =	shalt  }
0x68: {  	_ =	shalt  }
0x69: {  	_ =	shalt  }
0x6a: {  	_ =	shalt  }
0x6b: {  	_ =	shalt  }
0x6c: {  	_ =	shalt  }
0x6d: {  	_ =	shalt  }
0x6e: {  	_ =	shalt  }
0x6f: {  	_ =	shalt  }
0x70: {  	_ =	shalt  }
0x71: {  	_ =	shalt  }
0x72: {  	_ =	shalt  }
0x73: {  	_ =	shalt  }
0x74: {  	_ =	shalt  }
0x75: {  	_ =	shalt  }
0x76: {  	_ =	shalt  }
0x77: {  	_ =	shalt  }
0x78: {  	_ =	shalt  }
0x79: {  	_ =	shalt  }
0x7a: {  	_ =	shalt  }
0x7b: {  	_ =	shalt  }
0x7c: {  	_ =	shalt  }
0x7d: {  	_ =	shalt  }
0x7e: {  	_ =	shalt  }
0x7f: {  	_ =	shalt  }
0x80: {  	_ =	shalt  }
0x81: {  	_ =	shalt  }
0x82: {  	_ =	shalt  }
0x83: {  	_ =	shalt  }
0x84: {  	_ =	shalt  }
0x85: {  	_ =	shalt  }
0x86: {  	_ =	shalt  }
0x87: {  	_ =	shalt  }
.Lfunc_end0:
.L_simem_size_0:
called_computation.1_lowered:
.L_overlay_start_0:
0x88: {  	s2 =	sld [smem:$0x3FD9]  }
0x89: {  	s3 =	sld [smem:$0x3FFE];
	_ =	sdelay $0x1  }
0x8a: {  	s1 =	srdreg.scid  }
0x8b: {  	s0 =	sand.u32 $0x1, s1  }
0x8c: {  	s17 =	sshll.u32 s0, $0xA;
	s2 =	sadd.s32 s3, s2  }
0x8d: {  	s2 =	sadd.s32 s2, s17  }
0x8e: {  	[smem:$0x3FBF] =	sst s2  }
0x8f: {  	_ = 	snop  }
0x90: {  	s2 =	sld [smem:$0x3FD0];
	(tm) =	ssettm $0x1  }
0x91: {  	s18 =	sld [smem:$0x3FFB];
	_ =	sdelay $0x3  }
0x92: {  	_ =	strace s18  }
0x93: {  	s3 =	sld [smem:$0x3FFC];
	_ =	sdelay $0x3  }
0x94: {  	_ =	strace s3  }
0x95: {  	s3 =	sld [smem:$0x3FFD];
	_ =	sdelay $0x3  }
0x96: {  	_ =	strace s3  }
0x97: {  	_ =	strace $0x8FFFFFFF  }
0x98: {  	s19 =	sld [smem:$0x3FDB];
	_ =	sdelay $0x1  }
0x99: {  	s4 =	simm.s32 $_scs_section_size  }
0x9a: {  	s5 =	simm.s32 $_size__tile_overlayer_lowered;
	s6 =	simm.s32 $_tile_overlayer_lowered  }
0x9b: {  	s22 =	simm.s32 $0x1BFF;
	s21 =	sshll.u32 s6, $0x1;
	s3 =	sadd.s32 s4, s19  }
0x9c: {  	s7 =	simm.s32 $0x0;
	s20 =	sshll.u32 s5, $0x1;
	s5 =	sadd.s32 s21, s3  }
0x9d: {  	[timem:s7], [sflag:s22] =	dma.local [hbm:s5], s20  }
0x9e: {  	_ =	swait.ge [sflag:s22], s20  }
0x9f: {  	s4 =	ssub.s32 $0x0, s20;
	[sflag:s22] =	ssyncset.done $0x0  }
0xa0: {  	[sflag:s22] =	ssyncadd.s32 s4;
	_ =	sdelay $0x1  }
0xa1: {  	s23 =	simm.s32 $0x1B8B  }
0xa2: {  	_ =	swait.ge [sflag:s23], $0x1  }
0xa3: {  	[sflag:s23] =	ssyncset.done $0x0  }
0xa4: {  	s25 =	simm.s32 $0x1B8E;
	s24 =	sld [smem:$0x3FFE];
	[sflag:s23] =	ssyncadd.s32 $0xFFFFFFFF  }
0xa5: {  	s26 =	simm.s32 $execute0_lowered;
	[smem:$0x3FD2] =	sst s25  }
0xa6: {  	s5 =	sshll.u32 s26, $0x1;
	_ =	strace $0x80000049;
	[dreg:$0x1] =	wrdreg $0xFFFFFFFF  }
0xa7: {  	s28 =	simm.s32 $_size_execute0_lowered;
	s3 =	sadd.s32 s3, s5;
	[dreg:$0x0] =	wrdreg $0x0  }
0xa8: {  	s5 =	sshll.u32 s28, $0x1;
	[dreg:$0x2] =	wrdreg s3  }
0xa9: {  	[dreg:$0x3] =	wrdreg s5  }
0xaa: {  	[dreg:$0x4] =	wrdreg $0xC0  }
0xab: {  	_ =	task [dreg:s7], $0x5FFFF  }
0xac: {  	[dreg:$0x1] =	wrdreg $0xFFFFFFFF  }
0xad: {  	[dreg:$0x0] =	wrdreg $0x60  }
0xae: {  	[dreg:$0x2] =	wrdreg s24  }
0xaf: {  	[dreg:$0x3] =	wrdreg s2  }
0xb0: {  	[dreg:$0x4] =	wrdreg $0x19C400  }
0xb1: {  	[dreg:$0x5] =	wrdreg $0x9  }
0xb2: {  	_ =	task.clear_ibuf [dreg:s7], $0x6FFFF;
	_ =	strace $0x90000049  }
0xb3: {  	s29 =	simm.s32 $0x9;
	_ =	strace $0x8000004B  }
0xb4: {  	_ =	swait.ge [sflag:s29], $0x1  }
0xb5: {  	[sflag:s29] =	ssyncadd.s32 $0xFFFFFFFF  }
0xb6: {  	_ =	strace $0x9000004B  }
0xb7: {  	_ =	sfence  }
0xb8: {  	s30 =	sld [smem:$0x0];
	_ =	sdelay $0x2  }
0xb9: {  	s31 =	sshll.u32 s1, $0xD;
	s1 =	sshrl.u32 s1, $0x2  }
0xba: {  	s3 =	sand.u32 $0x4000, s31;
	s1 =	sadd.s32 s1, s30  }
0xbb: {  	s0 =	sor.u32 s3, s0;
	s1 =	sshll.u32 s1, $0x11  }
0xbc: {  	s0 =	sor.u32 s1, s0  }
0xbd: {  	s0 =	sadd.s32 $0x8F2B, s0  }
0xbe: {  	[sflag:s0] =	ssyncadd.remote.s32 $0x1  }
0xbf: {  	_ =	sfence.sel $0xFFFF  }
0xc0: {  	[dreg:$0x0] =	wrdreg $0xFFFFFFFF;
	(pc) =	sbr.abs _section_cstart, $3  }
0xc1: {  	[dreg:$0x1] =	wrdreg $0xFFFFFFFF  }
0xc2: {  	_ =	task.clear_ibuf [dreg:s7], $0x2FFFF;
	_ =	strace $0x9FFFFFFF  }
0xc3: {  	(tm) =	ssettm $0x7FFFFFFF  }
tec
execute0_lowered:
.L_overlay_start_1:
0x0: {  	(tag) =	ssettag $0x1  }
0x1: {  	s0 =	rddreg [dreg:$0x0];
	s1 =	srdreg.scid  }
0x2: {  	s9 =	stileid.u32;
	s3 =	rddreg [dreg:$0x2];
	s4 =	simm.s32 $0x0  }
0x3: {  	s28 =	simm.s32 $0x100;
	s29 =	simm.s32 $0x18800;
	s2 =	smul.u32 $0xC400, s9  }
0x4: {  	s30 =	simm.s32 $0x1;
	s31 =	simm.s32 $0x0;
	s8 =	smul.u32 $0x18800, s9  }
0x5: {  	s1 =	sand.u32 $0x1, s1;
	[smem:$0x7FF] =	sst s4;
	s25 =	smul.u32 $0xC40, s9  }
0x6: {  	s5 =	smul.u32 $0x310000, s1;
	_ =	strace $0x8000004A;
	s7 =	ssub.s32 $0x2, s1  }
0x7: {  	s1 =	smul.u32 $0x31000, s1;
	s23 =	sshrl.u32 s7, $0x1;
	s24 =	sshrl.u32 s8, $0x2  }
0x8: {  	s6 =	sadd.s32 s2, s5;
	s5 =	sadd.s32 $0x1D4E00, s0;
	s2 =	sshrl.u32 s2, $0x3  }
0x9: {  	s23 =	ssub.s32 s7, s23;
	s7 =	sadd.s32 s24, s3;
	s24 =	simm.s32 $0x19000  }
0xa: {  	s6 =	sshrl.u32 s6, $0x3;
	s2 =	sadd.s32 s2, s0;
	s8 =	sadd.s32 $0xC40, s7  }
0xb: {  	s9 =	sadd.s32 $0x1880, s7;
	s10 =	sadd.s32 $0x24C0, s7;
	s11 =	sadd.s32 $0x3100, s7  }
0xc: {  	s12 =	sadd.s32 $0x3D40, s7;
	s13 =	sadd.s32 $0x4980, s7;
	s14 =	sadd.s32 $0x55C0, s7  }
0xd: {  	s21 =	sadd.s32 s6, s0;
	s0 =	sadd.s32 $0x236E00, s0;
	s2 =	sadd.s32 $0x1A00, s2  }
0xe: {  	s23 =	smax.u32 s23, $0x1;
	[dreg:$0x4] =	wrdreg s2;
	s16 =	sadd.s32 s1, s0  }
0xf: {  	s26 =	sadd.s32 $0x4CE00, s21;
	s0 =	sadd.s32 s0, s25;
	s17 =	sadd.s32 $0x65600, s21  }
0x10: {  	s19 =	sadd.s32 $0x7DE00, s21;
	s21 =	sadd.s32 $0x96600, s21;
	[dreg:$0x5] =	wrdreg s26  }
0x11: {  	s2 =	sadd.s32 s25, s16;
	s16 =	sadd.s32 s1, s0;
	s25 =	simm.s32 $0x2  }
0x12: {  	s18 =	sadd.s32 $0xC400, s2;
	s20 =	sadd.s32 $0x18800, s2;
	s22 =	sadd.s32 $0x24C00, s2  }
.LBB2_1:
0x13: {  	s0 =	rddreg [dreg:$0x1]  }
0x14: {  	[tilespmem:s24], [sflag:$0x2] =	stream.linear.gather [hbm4b:s0+s4], $0xC40, $0x38;
	[tilespmem:$0x1FE40] =	vst v63  }
0x15: {  	_ =	swait.ge [sflag:s25], $0xC40  }
0x16: {  	[sflag:s25] =	ssyncset.done $0x0  }
0x17: {  	s1 =	simm.s32 $0xC400;
	s2 =	rddreg [dreg:$0x4];
	[sflag:s25] =	ssyncadd.s32 $0xFFFFF3C0  }
0x18: {  	[tilespmem:s1], [sflag:$0x2] =	stream.linear.gather [hbm4b:s2+s4], $0xC400, $0x38;
	[tilespmem:$0x1FE40] =	vst v63  }
0x19: {  	_ =	swait.ge [sflag:s25], $0xC400  }
0x1a: {  	[sflag:s25] =	ssyncset.done $0x0  }
0x1b: {  	[sflag:s25] =	ssyncadd.s32 $0xFFFF3C00  }
0x1c: {  	[spmem:s7] =	stream.linear.scatter [tilespmem:s24], [sflag:$0x2], $0xC40, $0x38;
	[tilespmem:$0x1FE40] =	vst v63  }
0x1d: {  	_ =	swait.ge [sflag:s25], $0xC40  }
0x1e: {  	[sflag:s25] =	ssyncset.done $0x0  }
0x1f: {  	[sflag:s25] =	ssyncadd.s32 $0xFFFFF3C0  }
0x20: {  	[spmem:s8] =	stream.linear.scatter [tilespmem:s24], [sflag:$0x2], $0xC40, $0x38;
	[tilespmem:$0x1FE40] =	vst v63  }
0x21: {  	_ =	swait.ge [sflag:s25], $0xC40  }
0x22: {  	[sflag:s25] =	ssyncset.done $0x0  }
0x23: {  	[sflag:s25] =	ssyncadd.s32 $0xFFFFF3C0  }
0x24: {  	[spmem:s9] =	stream.linear.scatter [tilespmem:s24], [sflag:$0x2], $0xC40, $0x38;
	[tilespmem:$0x1FE40] =	vst v63  }
0x25: {  	_ =	swait.ge [sflag:s25], $0xC40  }
0x26: {  	[sflag:s25] =	ssyncset.done $0x0  }
0x27: {  	[sflag:s25] =	ssyncadd.s32 $0xFFFFF3C0  }
0x28: {  	[spmem:s10] =	stream.linear.scatter [tilespmem:s24], [sflag:$0x2], $0xC40, $0x38;
	[tilespmem:$0x1FE40] =	vst v63  }
0x29: {  	_ =	swait.ge [sflag:s25], $0xC40  }
0x2a: {  	[sflag:s25] =	ssyncset.done $0x0  }
0x2b: {  	[sflag:s25] =	ssyncadd.s32 $0xFFFFF3C0  }
0x2c: {  	[spmem:s11] =	stream.linear.scatter [tilespmem:s24], [sflag:$0x2], $0xC40, $0x38;
	[tilespmem:$0x1FE40] =	vst v63  }
0x2d: {  	_ =	swait.ge [sflag:s25], $0xC40  }
0x2e: {  	[sflag:s25] =	ssyncset.done $0x0  }
0x2f: {  	[sflag:s25] =	ssyncadd.s32 $0xFFFFF3C0  }
0x30: {  	[spmem:s12] =	stream.linear.scatter [tilespmem:s24], [sflag:$0x2], $0xC40, $0x38;
	[tilespmem:$0x1FE40] =	vst v63  }
0x31: {  	_ =	swait.ge [sflag:s25], $0xC40  }
0x32: {  	[sflag:s25] =	ssyncset.done $0x0  }
0x33: {  	[sflag:s25] =	ssyncadd.s32 $0xFFFFF3C0  }
0x34: {  	[spmem:s13] =	stream.linear.scatter [tilespmem:s24], [sflag:$0x2], $0xC40, $0x38;
	[tilespmem:$0x1FE40] =	vst v63  }
0x35: {  	_ =	swait.ge [sflag:s25], $0xC40  }
0x36: {  	[sflag:s25] =	ssyncset.done $0x0  }
0x37: {  	[sflag:s25] =	ssyncadd.s32 $0xFFFFF3C0  }
0x38: {  	[spmem:s14] =	stream.linear.scatter [tilespmem:s24], [sflag:$0x2], $0xC40, $0x38;
	[tilespmem:$0x1FE40] =	vst v63  }
0x39: {  	_ =	swait.ge [sflag:s25], $0xC40  }
0x3a: {  	[sflag:s25] =	ssyncset.done $0x0  }
0x3b: {  	s6 =	rddreg [dreg:$0x5];
	[sflag:s25] =	ssyncadd.s32 $0xFFFFF3C0  }
0x3c: {  	[tilespmem:s4], [sflag:$0x2] =	stream.linear.gather [hbm4b:s6+s4], $0xC400, $0x38;
	[tilespmem:$0x1FE40] =	vst v63  }
0x3d: {  	_ =	swait.ge [sflag:s25], $0xC400  }
0x3e: {  	[sflag:s25] =	ssyncset.done $0x0  }
0x3f: {  	[sflag:s25] =	ssyncadd.s32 $0xFFFF3C00  }
0x40: {  	s15 =	simm.s32 $0x0;
	[bflag:$0x0] =	sbarrier.arrive $0xFFFF  }
0x41: {  	[tilespmem:s29], [sflag:$0x1] =	stream.indirect.gather [hbm4b:s5+s28], $0x8, s15, s28, $0xb8;
	[tilespmem:$0x1FE40] =	vst v63  }
0x42: {  	_ =	swait.ge [sflag:s30], $0x800  }
0x43: {  	[sflag:s30] =	ssyncset.done $0x0  }
0x44: {  	s26 =	simm.s32 $0xC400;
	[sflag:s30] =	ssyncadd.s32 $0xFFFFF800  }
0x45: {  	[spmem:s3] =	stream.indirect.scatter.add.f32 [tilespmem:s29], [sflag:$0x2], $0x8, s26, s28, $0xb8;
	[tilespmem:$0x1FE40] =	vst v63  }
0x46: {  	_ =	swait.ge [sflag:s25], $0x800  }
0x47: {  	s0 =	simm.s32 $0x800;
	s1 =	simm.s32 $0x400;
	[sflag:s25] =	ssyncset.done $0x0  }
.LBB2_2:
0x48: {  	s2 =	sshra.s32 s1, $0x2  }
0x49: {  	[sflag:s25] =	ssyncadd.s32 $0xFFFFF800;
	s1 =	smov.u32 s0;
	s26 =	sadd.s32 $0x400, s0  }
0x4a: {  	[tilespmem:s29], [sflag:$0x1] =	stream.indirect.gather [hbm4b:s5+s28], $0x8, s2, s28, $0xb8;
	[tilespmem:$0x1FE40] =	vst v63  }
0x4b: {  	p0 =	sne.s32 s0, $0x30C00;
	_ =	swait.ge [sflag:s30], $0x800  }
.Ltmp0:
0x4c: {  	[sflag:s30] =	ssyncset.done $0x0;
	(pc) =	sbr.rel @p0 .LBB2_2-.Ltmp0, $4  }
0x4d: {  	s0 =	sadd.s32 $0xC400, s2;
	[sflag:s30] =	ssyncadd.s32 $0xFFFFF800  }
0x4e: {  	[spmem:s3] =	stream.indirect.scatter.add.f32 [tilespmem:s29], [sflag:$0x2], $0x8, s0, s28, $0xb8;
	[tilespmem:$0x1FE40] =	vst v63  }
0x4f: {  	_ =	swait.ge [sflag:s25], $0x800  }
0x50: {  	s0 =	smov.u32 s26;
	[sflag:s25] =	ssyncset.done $0x0  }
0x51: {  	s0 =	sshra.s32 s1, $0x2;
	[sflag:s25] =	ssyncadd.s32 $0xFFFFF800  }
0x52: {  	[tilespmem:s29], [sflag:$0x1] =	stream.indirect.gather [hbm4b:s5+s28], $0x8, s0, s28, $0xb8;
	[tilespmem:$0x1FE40] =	vst v63  }
0x53: {  	_ =	swait.ge [sflag:s30], $0x800  }
0x54: {  	[sflag:s30] =	ssyncset.done $0x0  }
0x55: {  	s0 =	sadd.s32 $0xC400, s0;
	[sflag:s30] =	ssyncadd.s32 $0xFFFFF800  }
0x56: {  	[spmem:s3] =	stream.indirect.scatter.add.f32 [tilespmem:s29], [sflag:$0x2], $0x8, s0, s28, $0xb8;
	[tilespmem:$0x1FE40] =	vst v63  }
0x57: {  	_ =	swait.ge [sflag:s25], $0x800  }
0x58: {  	s2 =	stileid.u32;
	[sflag:s25] =	ssyncset.done $0x0  }
0x59: {  	s0 =	sshll.u32 s2, $0x6;
	[sflag:s25] =	ssyncadd.s32 $0xFFFFF800  }
0x5a: {  	s2 =	sshrl.u32 s7, $0x3;
	s1 =	sor.u32 $0x1C02, s0;
	[bflag:$0x0] =	sbarrier.arrive $0xFFFF  }
0x5b: {  	[hbm:s16], [sflag:s1] =	dma.local [spmem:s2], $0xC40  }
0x5c: {  	_ =	swait.ge [sflag:s25], $0xC40  }
0x5d: {  	[sflag:s25] =	ssyncset.done $0x0  }
0x5e: {  	[sflag:s25] =	ssyncadd.s32 $0xFFFFF3C0  }
0x5f: {  	[spmem:s7] =	stream.linear.scatter [tilespmem:s24], [sflag:$0x2], $0xC40, $0x38;
	[tilespmem:$0x1FE40] =	vst v63  }
0x60: {  	_ =	swait.ge [sflag:s25], $0xC40  }
0x61: {  	[sflag:s25] =	ssyncset.done $0x0  }
0x62: {  	[sflag:s25] =	ssyncadd.s32 $0xFFFFF3C0  }
0x63: {  	[spmem:s8] =	stream.linear.scatter [tilespmem:s24], [sflag:$0x2], $0xC40, $0x38;
	[tilespmem:$0x1FE40] =	vst v63  }
0x64: {  	_ =	swait.ge [sflag:s25], $0xC40  }
0x65: {  	[sflag:s25] =	ssyncset.done $0x0  }
0x66: {  	[sflag:s25] =	ssyncadd.s32 $0xFFFFF3C0  }
0x67: {  	[spmem:s9] =	stream.linear.scatter [tilespmem:s24], [sflag:$0x2], $0xC40, $0x38;
	[tilespmem:$0x1FE40] =	vst v63  }
0x68: {  	_ =	swait.ge [sflag:s25], $0xC40  }
0x69: {  	[sflag:s25] =	ssyncset.done $0x0  }
0x6a: {  	[sflag:s25] =	ssyncadd.s32 $0xFFFFF3C0  }
0x6b: {  	[spmem:s10] =	stream.linear.scatter [tilespmem:s24], [sflag:$0x2], $0xC40, $0x38;
	[tilespmem:$0x1FE40] =	vst v63  }
0x6c: {  	_ =	swait.ge [sflag:s25], $0xC40  }
0x6d: {  	[sflag:s25] =	ssyncset.done $0x0  }
0x6e: {  	[sflag:s25] =	ssyncadd.s32 $0xFFFFF3C0  }
0x6f: {  	[spmem:s11] =	stream.linear.scatter [tilespmem:s24], [sflag:$0x2], $0xC40, $0x38;
	[tilespmem:$0x1FE40] =	vst v63  }
0x70: {  	_ =	swait.ge [sflag:s25], $0xC40  }
0x71: {  	[sflag:s25] =	ssyncset.done $0x0  }
0x72: {  	[sflag:s25] =	ssyncadd.s32 $0xFFFFF3C0  }
0x73: {  	[spmem:s12] =	stream.linear.scatter [tilespmem:s24], [sflag:$0x2], $0xC40, $0x38;
	[tilespmem:$0x1FE40] =	vst v63  }
0x74: {  	_ =	swait.ge [sflag:s25], $0xC40  }
0x75: {  	[sflag:s25] =	ssyncset.done $0x0  }
0x76: {  	[sflag:s25] =	ssyncadd.s32 $0xFFFFF3C0  }
0x77: {  	[spmem:s13] =	stream.linear.scatter [tilespmem:s24], [sflag:$0x2], $0xC40, $0x38;
	[tilespmem:$0x1FE40] =	vst v63  }
0x78: {  	_ =	swait.ge [sflag:s25], $0xC40  }
0x79: {  	[sflag:s25] =	ssyncset.done $0x0  }
0x7a: {  	[sflag:s25] =	ssyncadd.s32 $0xFFFFF3C0  }
0x7b: {  	[spmem:s14] =	stream.linear.scatter [tilespmem:s24], [sflag:$0x2], $0xC40, $0x38;
	[tilespmem:$0x1FE40] =	vst v63  }
0x7c: {  	_ =	swait.ge [sflag:s25], $0xC40  }
0x7d: {  	[sflag:s25] =	ssyncset.done $0x0  }
0x7e: {  	s6 =	simm.s32 $0x0;
	[sflag:s25] =	ssyncadd.s32 $0xFFFFF3C0  }
0x7f: {  	[tilespmem:s6], [sflag:$0x2] =	stream.linear.gather [hbm4b:s17+s6], $0xC400, $0x38;
	[tilespmem:$0x1FE40] =	vst v63  }
0x80: {  	_ =	swait.ge [sflag:s25], $0xC400  }
0x81: {  	[sflag:s25] =	ssyncset.done $0x0  }
0x82: {  	[sflag:s25] =	ssyncadd.s32 $0xFFFF3C00  }
0x83: {  	s15 =	simm.s32 $0x0;
	[bflag:$0x0] =	sbarrier.arrive $0xFFFF  }
0x84: {  	[tilespmem:s29], [sflag:$0x1] =	stream.indirect.gather [hbm4b:s5+s28], $0x8, s15, s28, $0xb8;
	[tilespmem:$0x1FE40] =	vst v63  }
0x85: {  	_ =	swait.ge [sflag:s30], $0x800  }
0x86: {  	[sflag:s30] =	ssyncset.done $0x0  }
0x87: {  	s26 =	simm.s32 $0xC400;
	[sflag:s30] =	ssyncadd.s32 $0xFFFFF800  }
0x88: {  	[spmem:s3] =	stream.indirect.scatter.add.f32 [tilespmem:s29], [sflag:$0x2], $0x8, s26, s28, $0xb8;
	[tilespmem:$0x1FE40] =	vst v63  }
0x89: {  	_ =	swait.ge [sflag:s25], $0x800  }
0x8a: {  	s0 =	simm.s32 $0x400;
	s26 =	simm.s32 $0x800;
	[sflag:s25] =	ssyncset.done $0x0  }
.LBB2_4:
0x8b: {  	s6 =	sshra.s32 s0, $0x2  }
0x8c: {  	[sflag:s25] =	ssyncadd.s32 $0xFFFFF800;
	s0 =	smov.u32 s26;
	s15 =	sadd.s32 $0x400, s26  }
0x8d: {  	[tilespmem:s29], [sflag:$0x1] =	stream.indirect.gather [hbm4b:s5+s28], $0x8, s6, s28, $0xb8;
	[tilespmem:$0x1FE40] =	vst v63  }
0x8e: {  	p0 =	sne.s32 s26, $0x30C00;
	_ =	swait.ge [sflag:s30], $0x800  }
.Ltmp1:
0x8f: {  	[sflag:s30] =	ssyncset.done $0x0;
	(pc) =	sbr.rel @p0 .LBB2_4-.Ltmp1, $4  }
0x90: {  	s6 =	sadd.s32 $0xC400, s6;
	[sflag:s30] =	ssyncadd.s32 $0xFFFFF800  }
0x91: {  	[spmem:s3] =	stream.indirect.scatter.add.f32 [tilespmem:s29], [sflag:$0x2], $0x8, s6, s28, $0xb8;
	[tilespmem:$0x1FE40] =	vst v63  }
0x92: {  	_ =	swait.ge [sflag:s25], $0x800  }
0x93: {  	s26 =	smov.u32 s15;
	[sflag:s25] =	ssyncset.done $0x0  }
0x94: {  	s0 =	sshra.s32 s0, $0x2;
	[sflag:s25] =	ssyncadd.s32 $0xFFFFF800  }
0x95: {  	[tilespmem:s29], [sflag:$0x1] =	stream.indirect.gather [hbm4b:s5+s28], $0x8, s0, s28, $0xb8;
	[tilespmem:$0x1FE40] =	vst v63  }
0x96: {  	_ =	swait.ge [sflag:s30], $0x800  }
0x97: {  	[sflag:s30] =	ssyncset.done $0x0  }
0x98: {  	s0 =	sadd.s32 $0xC400, s0;
	[sflag:s30] =	ssyncadd.s32 $0xFFFFF800  }
0x99: {  	[spmem:s3] =	stream.indirect.scatter.add.f32 [tilespmem:s29], [sflag:$0x2], $0x8, s0, s28, $0xb8;
	[tilespmem:$0x1FE40] =	vst v63  }
0x9a: {  	_ =	swait.ge [sflag:s25], $0x800  }
0x9b: {  	[sflag:s25] =	ssyncset.done $0x0  }
0x9c: {  	[sflag:s25] =	ssyncadd.s32 $0xFFFFF800  }
0x9d: {  	[bflag:$0x0] =	sbarrier.arrive $0xFFFF  }
0x9e: {  	[hbm:s18], [sflag:s1] =	dma.local [spmem:s2], $0xC40  }
0x9f: {  	_ =	swait.ge [sflag:s25], $0xC40  }
0xa0: {  	[sflag:s25] =	ssyncset.done $0x0  }
0xa1: {  	[sflag:s25] =	ssyncadd.s32 $0xFFFFF3C0  }
0xa2: {  	[spmem:s7] =	stream.linear.scatter [tilespmem:s24], [sflag:$0x2], $0xC40, $0x38;
	[tilespmem:$0x1FE40] =	vst v63  }
0xa3: {  	_ =	swait.ge [sflag:s25], $0xC40  }
0xa4: {  	[sflag:s25] =	ssyncset.done $0x0  }
0xa5: {  	[sflag:s25] =	ssyncadd.s32 $0xFFFFF3C0  }
0xa6: {  	[spmem:s8] =	stream.linear.scatter [tilespmem:s24], [sflag:$0x2], $0xC40, $0x38;
	[tilespmem:$0x1FE40] =	vst v63  }
0xa7: {  	_ =	swait.ge [sflag:s25], $0xC40  }
0xa8: {  	[sflag:s25] =	ssyncset.done $0x0  }
0xa9: {  	[sflag:s25] =	ssyncadd.s32 $0xFFFFF3C0  }
0xaa: {  	[spmem:s9] =	stream.linear.scatter [tilespmem:s24], [sflag:$0x2], $0xC40, $0x38;
	[tilespmem:$0x1FE40] =	vst v63  }
0xab: {  	_ =	swait.ge [sflag:s25], $0xC40  }
0xac: {  	[sflag:s25] =	ssyncset.done $0x0  }
0xad: {  	[sflag:s25] =	ssyncadd.s32 $0xFFFFF3C0  }
0xae: {  	[spmem:s10] =	stream.linear.scatter [tilespmem:s24], [sflag:$0x2], $0xC40, $0x38;
	[tilespmem:$0x1FE40] =	vst v63  }
0xaf: {  	_ =	swait.ge [sflag:s25], $0xC40  }
0xb0: {  	[sflag:s25] =	ssyncset.done $0x0  }
0xb1: {  	[sflag:s25] =	ssyncadd.s32 $0xFFFFF3C0  }
0xb2: {  	[spmem:s11] =	stream.linear.scatter [tilespmem:s24], [sflag:$0x2], $0xC40, $0x38;
	[tilespmem:$0x1FE40] =	vst v63  }
0xb3: {  	_ =	swait.ge [sflag:s25], $0xC40  }
0xb4: {  	[sflag:s25] =	ssyncset.done $0x0  }
0xb5: {  	[sflag:s25] =	ssyncadd.s32 $0xFFFFF3C0  }
0xb6: {  	[spmem:s12] =	stream.linear.scatter [tilespmem:s24], [sflag:$0x2], $0xC40, $0x38;
	[tilespmem:$0x1FE40] =	vst v63  }
0xb7: {  	_ =	swait.ge [sflag:s25], $0xC40  }
0xb8: {  	[sflag:s25] =	ssyncset.done $0x0  }
0xb9: {  	[sflag:s25] =	ssyncadd.s32 $0xFFFFF3C0  }
0xba: {  	[spmem:s13] =	stream.linear.scatter [tilespmem:s24], [sflag:$0x2], $0xC40, $0x38;
	[tilespmem:$0x1FE40] =	vst v63  }
0xbb: {  	_ =	swait.ge [sflag:s25], $0xC40  }
0xbc: {  	[sflag:s25] =	ssyncset.done $0x0  }
0xbd: {  	[sflag:s25] =	ssyncadd.s32 $0xFFFFF3C0  }
0xbe: {  	[spmem:s14] =	stream.linear.scatter [tilespmem:s24], [sflag:$0x2], $0xC40, $0x38;
	[tilespmem:$0x1FE40] =	vst v63  }
0xbf: {  	_ =	swait.ge [sflag:s25], $0xC40  }
0xc0: {  	[sflag:s25] =	ssyncset.done $0x0  }
0xc1: {  	s6 =	simm.s32 $0x0;
	[sflag:s25] =	ssyncadd.s32 $0xFFFFF3C0  }
0xc2: {  	[tilespmem:s6], [sflag:$0x2] =	stream.linear.gather [hbm4b:s19+s6], $0xC400, $0x38;
	[tilespmem:$0x1FE40] =	vst v63  }
0xc3: {  	_ =	swait.ge [sflag:s25], $0xC400  }
0xc4: {  	[sflag:s25] =	ssyncset.done $0x0  }
0xc5: {  	[sflag:s25] =	ssyncadd.s32 $0xFFFF3C00  }
0xc6: {  	s15 =	simm.s32 $0x0;
	[bflag:$0x0] =	sbarrier.arrive $0xFFFF  }
0xc7: {  	[tilespmem:s29], [sflag:$0x1] =	stream.indirect.gather [hbm4b:s5+s28], $0x8, s15, s28, $0xb8;
	[tilespmem:$0x1FE40] =	vst v63  }
0xc8: {  	_ =	swait.ge [sflag:s30], $0x800  }
0xc9: {  	[sflag:s30] =	ssyncset.done $0x0  }
0xca: {  	s26 =	simm.s32 $0xC400;
	[sflag:s30] =	ssyncadd.s32 $0xFFFFF800  }
0xcb: {  	[spmem:s3] =	stream.indirect.scatter.add.f32 [tilespmem:s29], [sflag:$0x2], $0x8, s26, s28, $0xb8;
	[tilespmem:$0x1FE40] =	vst v63  }
0xcc: {  	_ =	swait.ge [sflag:s25], $0x800  }
0xcd: {  	s0 =	simm.s32 $0x400;
	s26 =	simm.s32 $0x800;
	[sflag:s25] =	ssyncset.done $0x0  }
.LBB2_6:
0xce: {  	s6 =	sshra.s32 s0, $0x2  }
0xcf: {  	[sflag:s25] =	ssyncadd.s32 $0xFFFFF800;
	s0 =	smov.u32 s26;
	s15 =	sadd.s32 $0x400, s26  }
0xd0: {  	[tilespmem:s29], [sflag:$0x1] =	stream.indirect.gather [hbm4b:s5+s28], $0x8, s6, s28, $0xb8;
	[tilespmem:$0x1FE40] =	vst v63  }
0xd1: {  	p0 =	sne.s32 s26, $0x30C00;
	_ =	swait.ge [sflag:s30], $0x800  }
.Ltmp2:
0xd2: {  	[sflag:s30] =	ssyncset.done $0x0;
	(pc) =	sbr.rel @p0 .LBB2_6-.Ltmp2, $4  }
0xd3: {  	s6 =	sadd.s32 $0xC400, s6;
	[sflag:s30] =	ssyncadd.s32 $0xFFFFF800  }
0xd4: {  	[spmem:s3] =	stream.indirect.scatter.add.f32 [tilespmem:s29], [sflag:$0x2], $0x8, s6, s28, $0xb8;
	[tilespmem:$0x1FE40] =	vst v63  }
0xd5: {  	_ =	swait.ge [sflag:s25], $0x800  }
0xd6: {  	s26 =	smov.u32 s15;
	[sflag:s25] =	ssyncset.done $0x0  }
0xd7: {  	s0 =	sshra.s32 s0, $0x2;
	[sflag:s25] =	ssyncadd.s32 $0xFFFFF800  }
0xd8: {  	[tilespmem:s29], [sflag:$0x1] =	stream.indirect.gather [hbm4b:s5+s28], $0x8, s0, s28, $0xb8;
	[tilespmem:$0x1FE40] =	vst v63  }
0xd9: {  	_ =	swait.ge [sflag:s30], $0x800  }
0xda: {  	[sflag:s30] =	ssyncset.done $0x0  }
0xdb: {  	s0 =	sadd.s32 $0xC400, s0;
	[sflag:s30] =	ssyncadd.s32 $0xFFFFF800  }
0xdc: {  	[spmem:s3] =	stream.indirect.scatter.add.f32 [tilespmem:s29], [sflag:$0x2], $0x8, s0, s28, $0xb8;
	[tilespmem:$0x1FE40] =	vst v63  }
0xdd: {  	_ =	swait.ge [sflag:s25], $0x800  }
0xde: {  	[sflag:s25] =	ssyncset.done $0x0  }
0xdf: {  	[sflag:s25] =	ssyncadd.s32 $0xFFFFF800  }
0xe0: {  	[bflag:$0x0] =	sbarrier.arrive $0xFFFF  }
0xe1: {  	[hbm:s20], [sflag:s1] =	dma.local [spmem:s2], $0xC40  }
0xe2: {  	_ =	swait.ge [sflag:s25], $0xC40  }
0xe3: {  	[sflag:s25] =	ssyncset.done $0x0  }
0xe4: {  	[sflag:s25] =	ssyncadd.s32 $0xFFFFF3C0  }
0xe5: {  	[spmem:s7] =	stream.linear.scatter [tilespmem:s24], [sflag:$0x2], $0xC40, $0x38;
	[tilespmem:$0x1FE40] =	vst v63  }
0xe6: {  	_ =	swait.ge [sflag:s25], $0xC40  }
0xe7: {  	[sflag:s25] =	ssyncset.done $0x0  }
0xe8: {  	[sflag:s25] =	ssyncadd.s32 $0xFFFFF3C0  }
0xe9: {  	[spmem:s8] =	stream.linear.scatter [tilespmem:s24], [sflag:$0x2], $0xC40, $0x38;
	[tilespmem:$0x1FE40] =	vst v63  }
0xea: {  	_ =	swait.ge [sflag:s25], $0xC40  }
0xeb: {  	[sflag:s25] =	ssyncset.done $0x0  }
0xec: {  	[sflag:s25] =	ssyncadd.s32 $0xFFFFF3C0  }
0xed: {  	[spmem:s9] =	stream.linear.scatter [tilespmem:s24], [sflag:$0x2], $0xC40, $0x38;
	[tilespmem:$0x1FE40] =	vst v63  }
0xee: {  	_ =	swait.ge [sflag:s25], $0xC40  }
0xef: {  	[sflag:s25] =	ssyncset.done $0x0  }
0xf0: {  	[sflag:s25] =	ssyncadd.s32 $0xFFFFF3C0  }
0xf1: {  	[spmem:s10] =	stream.linear.scatter [tilespmem:s24], [sflag:$0x2], $0xC40, $0x38;
	[tilespmem:$0x1FE40] =	vst v63  }
0xf2: {  	_ =	swait.ge [sflag:s25], $0xC40  }
0xf3: {  	[sflag:s25] =	ssyncset.done $0x0  }
0xf4: {  	[sflag:s25] =	ssyncadd.s32 $0xFFFFF3C0  }
0xf5: {  	[spmem:s11] =	stream.linear.scatter [tilespmem:s24], [sflag:$0x2], $0xC40, $0x38;
	[tilespmem:$0x1FE40] =	vst v63  }
0xf6: {  	_ =	swait.ge [sflag:s25], $0xC40  }
0xf7: {  	[sflag:s25] =	ssyncset.done $0x0  }
0xf8: {  	[sflag:s25] =	ssyncadd.s32 $0xFFFFF3C0  }
0xf9: {  	[spmem:s12] =	stream.linear.scatter [tilespmem:s24], [sflag:$0x2], $0xC40, $0x38;
	[tilespmem:$0x1FE40] =	vst v63  }
0xfa: {  	_ =	swait.ge [sflag:s25], $0xC40  }
0xfb: {  	[sflag:s25] =	ssyncset.done $0x0  }
0xfc: {  	[sflag:s25] =	ssyncadd.s32 $0xFFFFF3C0  }
0xfd: {  	[spmem:s13] =	stream.linear.scatter [tilespmem:s24], [sflag:$0x2], $0xC40, $0x38;
	[tilespmem:$0x1FE40] =	vst v63  }
0xfe: {  	_ =	swait.ge [sflag:s25], $0xC40  }
0xff: {  	[sflag:s25] =	ssyncset.done $0x0  }
0x100: {  	[sflag:s25] =	ssyncadd.s32 $0xFFFFF3C0  }
0x101: {  	[spmem:s14] =	stream.linear.scatter [tilespmem:s24], [sflag:$0x2], $0xC40, $0x38;
	[tilespmem:$0x1FE40] =	vst v63  }
0x102: {  	_ =	swait.ge [sflag:s25], $0xC40  }
0x103: {  	[sflag:s25] =	ssyncset.done $0x0  }
0x104: {  	s6 =	simm.s32 $0x0;
	[sflag:s25] =	ssyncadd.s32 $0xFFFFF3C0  }
0x105: {  	[tilespmem:s6], [sflag:$0x2] =	stream.linear.gather [hbm4b:s21+s6], $0xC400, $0x38;
	[tilespmem:$0x1FE40] =	vst v63  }
0x106: {  	_ =	swait.ge [sflag:s25], $0xC400  }
0x107: {  	[sflag:s25] =	ssyncset.done $0x0  }
0x108: {  	[sflag:s25] =	ssyncadd.s32 $0xFFFF3C00  }
0x109: {  	s15 =	simm.s32 $0x0;
	[bflag:$0x0] =	sbarrier.arrive $0xFFFF  }
0x10a: {  	[tilespmem:s29], [sflag:$0x1] =	stream.indirect.gather [hbm4b:s5+s28], $0x8, s15, s28, $0xb8;
	[tilespmem:$0x1FE40] =	vst v63  }
0x10b: {  	_ =	swait.ge [sflag:s30], $0x800  }
0x10c: {  	[sflag:s30] =	ssyncset.done $0x0  }
0x10d: {  	s26 =	simm.s32 $0xC400;
	[sflag:s30] =	ssyncadd.s32 $0xFFFFF800  }
0x10e: {  	[spmem:s3] =	stream.indirect.scatter.add.f32 [tilespmem:s29], [sflag:$0x2], $0x8, s26, s28, $0xb8;
	[tilespmem:$0x1FE40] =	vst v63  }
0x10f: {  	_ =	swait.ge [sflag:s25], $0x800  }
0x110: {  	s0 =	simm.s32 $0x400;
	s26 =	simm.s32 $0x800;
	[sflag:s25] =	ssyncset.done $0x0  }
.LBB2_8:
0x111: {  	s6 =	sshra.s32 s0, $0x2  }
0x112: {  	[sflag:s25] =	ssyncadd.s32 $0xFFFFF800;
	s0 =	smov.u32 s26;
	s15 =	sadd.s32 $0x400, s26  }
0x113: {  	[tilespmem:s29], [sflag:$0x1] =	stream.indirect.gather [hbm4b:s5+s28], $0x8, s6, s28, $0xb8;
	[tilespmem:$0x1FE40] =	vst v63  }
0x114: {  	p0 =	sne.s32 s26, $0x30C00;
	_ =	swait.ge [sflag:s30], $0x800  }
.Ltmp3:
0x115: {  	[sflag:s30] =	ssyncset.done $0x0;
	(pc) =	sbr.rel @p0 .LBB2_8-.Ltmp3, $4  }
0x116: {  	s6 =	sadd.s32 $0xC400, s6;
	[sflag:s30] =	ssyncadd.s32 $0xFFFFF800  }
0x117: {  	[spmem:s3] =	stream.indirect.scatter.add.f32 [tilespmem:s29], [sflag:$0x2], $0x8, s6, s28, $0xb8;
	[tilespmem:$0x1FE40] =	vst v63  }
0x118: {  	_ =	swait.ge [sflag:s25], $0x800  }
0x119: {  	s26 =	smov.u32 s15;
	[sflag:s25] =	ssyncset.done $0x0  }
0x11a: {  	s0 =	sshra.s32 s0, $0x2;
	[sflag:s25] =	ssyncadd.s32 $0xFFFFF800  }
0x11b: {  	[tilespmem:s29], [sflag:$0x1] =	stream.indirect.gather [hbm4b:s5+s28], $0x8, s0, s28, $0xb8;
	[tilespmem:$0x1FE40] =	vst v63  }
0x11c: {  	_ =	swait.ge [sflag:s30], $0x800  }
0x11d: {  	[sflag:s30] =	ssyncset.done $0x0  }
0x11e: {  	s0 =	sadd.s32 $0xC400, s0;
	[sflag:s30] =	ssyncadd.s32 $0xFFFFF800  }
0x11f: {  	[spmem:s3] =	stream.indirect.scatter.add.f32 [tilespmem:s29], [sflag:$0x2], $0x8, s0, s28, $0xb8;
	[tilespmem:$0x1FE40] =	vst v63  }
0x120: {  	_ =	swait.ge [sflag:s25], $0x800  }
0x121: {  	s31 =	sadd.s32 $0x1, s31;
	[sflag:s25] =	ssyncset.done $0x0  }
0x122: {  	p0 =	sne.s32 s31, s23;
	[sflag:s25] =	ssyncadd.s32 $0xFFFFF800  }
.Ltmp4:
0x123: {  	[bflag:$0x0] =	sbarrier.arrive $0xFFFF;
	(pc) =	sbr.rel @p0 .LBB2_1-.Ltmp4, $4  }
0x124: {  	[hbm:s22], [sflag:s1] =	dma.local [spmem:s2], $0xC40  }
0x125: {  	_ =	swait.ge [sflag:s25], $0xC40  }
0x126: {  	[sflag:s25] =	ssyncset.done $0x0  }
0x127: {  	[sflag:s25] =	ssyncadd.s32 $0xFFFFF3C0  }
0x128: {  	_ =	sfence.sel $0x180000  }
0x129: {  	[bflag:$0x0] =	sbarrier.arrive $0xFFFF  }
0x12a: {  	_ =	strace $0x9000004A  }
0x12b: {  	s0 =	stileid.u32;
	[bflag:$0x2] =	sbarrier.arrive $0xFFFF  }
0x12c: {  	p0 =	sne.s32 s0, $0x0;
	s0 =	rddreg [dreg:$0x3]  }
0x12d: {  	s0 =	sadd.s32 @!p0 $0x100000, s0  }
0x12e: {  	[sflag:s0] =	ssyncadd.tile.s32 @!p0 $0x1;
	_ =	shalt  }
.Lfunc_end2:
_tile_overlayer_lowered:
.L_overlay_start_2:
0x12f: {  	(tag) =	ssettag $0x2  }
0x130: {  	s0 =	rddreg [dreg:$0x0];
	s2 =	stileid.u32  }
0x131: {  	s1 =	rddreg [dreg:$0x1];
	p0 =	sne.s32 s2, $0x0  }
0x132: {  	s3 =	rddreg [dreg:$0x2];
	[bflag:$0x3] =	sbarrier.arrive $0xFFFF;
	s2 =	simm.s32 @!p0 $0x1C02  }
0x133: {  	[timem:s3], [sflag:s2] =	dma.local @!p0 [hbm:s0], s1  }
0x134: {  	s0 =	simm.s32 @!p0 $0x2  }
0x135: {  	_ =	swait.ge @!p0 [sflag:s0], s1  }
0x136: {  	s1 =	ssub.s32 @!p0 $0x0, s1;
	[sflag:s0] =	ssyncset.done @!p0 $0x0  }
0x137: {  	[sflag:s0] =	ssyncadd.s32 @!p0 s1  }
0x138: {  	[bflag:$0x3] =	sbarrier.arrive $0xFFFF  }
0x139: {  	_ =	shalt  }

// kernel: kernel.15.cloned.1.call-start
scs
__scs_entry_jumppad:
0x0: {  	(pc) =	sbr.rel $0x88, $3  }
0x1: {  	(tag) =	ssettag $0x0;
	lr =	simm.s32 $0x1  }
0x2: {  	[smem:$0x3F98] =	sst lr;
	_ =	strace $0xD0000000  }
0x3: {  	_ = 	snop  }
0x4: {  	_ = 	snop  }
0x5: {  	_ = 	snop  }
0x6: {  	_ = 	snop  }
0x7: {  	_ = 	snop  }
__scs_overlays_trampoline_lowered:
0x8: {  	[smem:$0x3FA7] =	sst s0  }
0x9: {  	[smem:$0x3FA8] =	sst s1  }
0xa: {  	[smem:$0x3FA9] =	sst s2  }
0xb: {  	[smem:$0x3FAA] =	sst s3  }
0xc: {  	[smem:$0x3FAB] =	sst s4  }
0xd: {  	[smem:$0x3FAC] =	sst s5  }
0xe: {  	[smem:$0x3FAD] =	sst s6  }
0xf: {  	[smem:$0x3FAE] =	sst s7  }
0x10: {  	[smem:$0x3FAF] =	sst s8  }
0x11: {  	[smem:$0x3FB0] =	sst s9;
	s0 =	simm.s32 @!p0 $0x0  }
0x12: {  	s1 =	sld [smem:$0x3F96];
	s0 =	simm.s32 @p0 $0x1  }
0x13: {  	[smem:$0x3FB1] =	sst s0;
	s0 =	simm.s32 @!p1 $0x0  }
0x14: {  	s2 =	sld [smem:$0x3F95];
	s0 =	simm.s32 @p1 $0x1  }
0x15: {  	[smem:$0x3FB2] =	sst s0;
	s0 =	simm.s32 @!p2 $0x0  }
0x16: {  	s3 =	sld [smem:$0x3FDB];
	s0 =	simm.s32 @p2 $0x1  }
0x17: {  	s4 =	simm.s32 $0x1BF5;
	[smem:$0x3FB4] =	sst s0  }
0x18: {  	s0 =	sld [smem:$0x3F97];
	_ =	swait.ge [sflag:s4], $0x0  }
0x19: {  	s7 =	sld [smem:$0x3F98]  }
0x1a: {  	s8 =	sadd.s32 $0xFFFFE003, lr  }
0x1b: {  	s9 =	sadd.s32 $0xFFFFFEF7, lr;
	s5 =	simm.s32 $0xFFFFFFFF;
	p2 =	slt.u32 s8, $0xFFFFF086  }
0x1c: {  	p1 =	slt.u32 s9, $0xF7A;
	s5 =	simm.s32 @!p2 $0x0  }
0x1d: {  	s5 =	simm.s32 @p1 $0x1;
	p0 =	seq.s32 s7, s2  }
0x1e: {  	s7 =	smul.u32 @!p0 $0xF7A, s2;
	p2 =	seq.s32 @!p0 s5, $0x0  }
0x1f: {  	s9 =	smul.u32 $0xF7A, s1;
	s8 =	simm.s32 @!p0 $0x1BF5;
	p2 =	por !p2, p0  }
0x20: {  	[sflag:s8] =	ssyncset.s32 @!p0 $0xFFFFF086;
	s6 =	sadd.s32 @!p0 s3, s7;
	s7 =	simm.s32 @!p0 $0x108  }
0x21: {  	s3 =	sadd.s32 s3, s9;
	s6 =	sadd.s32 @!p0 $0x88, s6;
	s7 =	simm.s32 @p2 $0x1082  }
0x22: {  	[simem:s7], [sflag:s8] =	dma.local @!p0 [hbm:s6], $0xF7A  }
0x23: {  	s9 =	sor.u32 $0xD0000000, s2;
	s6 =	simm.s32 $0x108;
	_ =	swait.ge @!p0 [sflag:s8], $0x0  }
0x24: {  	s3 =	sadd.s32 $0x88, s3;
	s6 =	simm.s32 @!p1 $0x1082;
	[sflag:s4] =	ssyncset.s32 $0xFFFFF086  }
0x25: {  	[simem:s6], [sflag:s4] =	dma.local [hbm:s3], $0xF7A  }
0x26: {  	[smem:$0x3F98] =	sst s1;
	(tag) =	ssettag s2;
	_ =	strace s9  }
0x27: {  	s1 =	sld [smem:$0x3FA8]  }
0x28: {  	s2 =	sld [smem:$0x3FA9]  }
0x29: {  	s4 =	sld [smem:$0x3FAB]  }
0x2a: {  	p0 =	seq.s32 s5, $0x0;
	s5 =	sld [smem:$0x3FAC]  }
0x2b: {  	s6 =	sld [smem:$0x3FAD]  }
0x2c: {  	s7 =	sld [smem:$0x3FAE]  }
0x2d: {  	s3 =	simm.s32 $0x108;
	s8 =	sld [smem:$0x3FAF]  }
0x2e: {  	s3 =	simm.s32 @!p0 $0x1082;
	s9 =	sld [smem:$0x3FB0]  }
0x2f: {  	lr =	sadd.s32 s0, s3;
	s0 =	sld [smem:$0x3FA7]  }
0x30: {  	s3 =	sld [smem:$0x3FAA]  }
0x31: {  	[smem:$0x3FB3] =	sst s10  }
0x32: {  	s10 =	sld [smem:$0x3FB1];
	_ =	sdelay $0x3  }
0x33: {  	p0 =	seq.s32 s10, $0x1;
	s10 =	sld [smem:$0x3FB3];
	_ =	sdelay $0x3  }
0x34: {  	[smem:$0x3FB3] =	sst s10  }
0x35: {  	s10 =	sld [smem:$0x3FB2];
	_ =	sdelay $0x3  }
0x36: {  	p1 =	seq.s32 s10, $0x1;
	s10 =	sld [smem:$0x3FB3];
	_ =	sdelay $0x3  }
0x37: {  	[smem:$0x3FB3] =	sst s10  }
0x38: {  	s10 =	sld [smem:$0x3FB4]  }
0x39: {  	_ = 	snop;
	(pc) =	sbr.ind lr, $3  }
0x3a: {  	_ = 	snop  }
0x3b: {  	_ = 	snop  }
0x3c: {  	p2 =	seq.s32 s10, $0x1;
	s10 =	sld [smem:$0x3FB3]  }
0x3d: {  	_ =	shalt  }
0x3e: {  	_ =	shalt  }
0x3f: {  	_ =	shalt  }
0x40: {  	_ =	shalt  }
0x41: {  	_ =	shalt  }
0x42: {  	_ =	shalt  }
0x43: {  	_ =	shalt  }
0x44: {  	_ =	shalt  }
0x45: {  	_ =	shalt  }
0x46: {  	_ =	shalt  }
0x47: {  	_ =	shalt  }
0x48: {  	_ =	shalt  }
0x49: {  	_ =	shalt  }
0x4a: {  	_ =	shalt  }
0x4b: {  	_ =	shalt  }
0x4c: {  	_ =	shalt  }
0x4d: {  	_ =	shalt  }
0x4e: {  	_ =	shalt  }
0x4f: {  	_ =	shalt  }
0x50: {  	_ =	shalt  }
0x51: {  	_ =	shalt  }
0x52: {  	_ =	shalt  }
0x53: {  	_ =	shalt  }
0x54: {  	_ =	shalt  }
0x55: {  	_ =	shalt  }
0x56: {  	_ =	shalt  }
0x57: {  	_ =	shalt  }
0x58: {  	_ =	shalt  }
0x59: {  	_ =	shalt  }
0x5a: {  	_ =	shalt  }
0x5b: {  	_ =	shalt  }
0x5c: {  	_ =	shalt  }
0x5d: {  	_ =	shalt  }
0x5e: {  	_ =	shalt  }
0x5f: {  	_ =	shalt  }
0x60: {  	_ =	shalt  }
0x61: {  	_ =	shalt  }
0x62: {  	_ =	shalt  }
0x63: {  	_ =	shalt  }
0x64: {  	_ =	shalt  }
0x65: {  	_ =	shalt  }
0x66: {  	_ =	shalt  }
0x67: {  	_ =	shalt  }
0x68: {  	_ =	shalt  }
0x69: {  	_ =	shalt  }
0x6a: {  	_ =	shalt  }
0x6b: {  	_ =	shalt  }
0x6c: {  	_ =	shalt  }
0x6d: {  	_ =	shalt  }
0x6e: {  	_ =	shalt  }
0x6f: {  	_ =	shalt  }
0x70: {  	_ =	shalt  }
0x71: {  	_ =	shalt  }
0x72: {  	_ =	shalt  }
0x73: {  	_ =	shalt  }
0x74: {  	_ =	shalt  }
0x75: {  	_ =	shalt  }
0x76: {  	_ =	shalt  }
0x77: {  	_ =	shalt  }
0x78: {  	_ =	shalt  }
0x79: {  	_ =	shalt  }
0x7a: {  	_ =	shalt  }
0x7b: {  	_ =	shalt  }
0x7c: {  	_ =	shalt  }
0x7d: {  	_ =	shalt  }
0x7e: {  	_ =	shalt  }
0x7f: {  	_ =	shalt  }
0x80: {  	_ =	shalt  }
0x81: {  	_ =	shalt  }
0x82: {  	_ =	shalt  }
0x83: {  	_ =	shalt  }
0x84: {  	_ =	shalt  }
0x85: {  	_ =	shalt  }
0x86: {  	_ =	shalt  }
0x87: {  	_ =	shalt  }
.Lfunc_end0:
.L_simem_size_0:
called_computation.2_lowered:
.L_overlay_start_0:
0x88: {  	s2 =	sld [smem:$0x3FD9]  }
0x89: {  	s3 =	sld [smem:$0x3FFE];
	_ =	sdelay $0x1  }
0x8a: {  	s1 =	srdreg.scid  }
0x8b: {  	s0 =	sand.u32 $0x1, s1  }
0x8c: {  	s17 =	sshll.u32 s0, $0xA;
	s2 =	sadd.s32 s3, s2  }
0x8d: {  	s2 =	sadd.s32 s2, s17  }
0x8e: {  	[smem:$0x3FBF] =	sst s2  }
0x8f: {  	_ = 	snop  }
0x90: {  	s2 =	sld [smem:$0x3FD0];
	(tm) =	ssettm $0x1  }
0x91: {  	s18 =	sld [smem:$0x3FFB];
	_ =	sdelay $0x3  }
0x92: {  	_ =	strace s18  }
0x93: {  	s3 =	sld [smem:$0x3FFC];
	_ =	sdelay $0x3  }
0x94: {  	_ =	strace s3  }
0x95: {  	s3 =	sld [smem:$0x3FFD];
	_ =	sdelay $0x3  }
0x96: {  	_ =	strace s3  }
0x97: {  	_ =	strace $0x8FFFFFFF  }
0x98: {  	s19 =	sld [smem:$0x3FDB];
	_ =	sdelay $0x1  }
0x99: {  	s4 =	simm.s32 $_scs_section_size  }
0x9a: {  	s5 =	simm.s32 $_size__tile_overlayer_lowered;
	s6 =	simm.s32 $_tile_overlayer_lowered  }
0x9b: {  	s22 =	simm.s32 $0x1BFF;
	s21 =	sshll.u32 s6, $0x1;
	s3 =	sadd.s32 s4, s19  }
0x9c: {  	s7 =	simm.s32 $0x0;
	s20 =	sshll.u32 s5, $0x1;
	s5 =	sadd.s32 s21, s3  }
0x9d: {  	[timem:s7], [sflag:s22] =	dma.local [hbm:s5], s20  }
0x9e: {  	_ =	swait.ge [sflag:s22], s20  }
0x9f: {  	s4 =	ssub.s32 $0x0, s20;
	[sflag:s22] =	ssyncset.done $0x0  }
0xa0: {  	[sflag:s22] =	ssyncadd.s32 s4;
	_ =	sdelay $0x1  }
0xa1: {  	s23 =	simm.s32 $0x1B8B  }
0xa2: {  	_ =	swait.ge [sflag:s23], $0x1  }
0xa3: {  	[sflag:s23] =	ssyncset.done $0x0  }
0xa4: {  	s25 =	simm.s32 $0x1B8E;
	s24 =	sld [smem:$0x3FFE];
	[sflag:s23] =	ssyncadd.s32 $0xFFFFFFFF  }
0xa5: {  	s26 =	simm.s32 $execute0_lowered;
	[smem:$0x3FD2] =	sst s25  }
0xa6: {  	s5 =	sshll.u32 s26, $0x1;
	_ =	strace $0x8000004C;
	[dreg:$0x1] =	wrdreg $0xFFFFFFFF  }
0xa7: {  	s28 =	simm.s32 $_size_execute0_lowered;
	s3 =	sadd.s32 s3, s5;
	[dreg:$0x0] =	wrdreg $0x0  }
0xa8: {  	s5 =	sshll.u32 s28, $0x1;
	[dreg:$0x2] =	wrdreg s3  }
0xa9: {  	[dreg:$0x3] =	wrdreg s5  }
0xaa: {  	[dreg:$0x4] =	wrdreg $0xC0  }
0xab: {  	_ =	task [dreg:s7], $0x5FFFF  }
0xac: {  	[dreg:$0x1] =	wrdreg $0xFFFFFFFF  }
0xad: {  	[dreg:$0x0] =	wrdreg $0x60  }
0xae: {  	[dreg:$0x2] =	wrdreg s24  }
0xaf: {  	[dreg:$0x3] =	wrdreg s2  }
0xb0: {  	[dreg:$0x4] =	wrdreg $0x19C400  }
0xb1: {  	[dreg:$0x5] =	wrdreg $0x9  }
0xb2: {  	_ =	task.clear_ibuf [dreg:s7], $0x6FFFF;
	_ =	strace $0x9000004C  }
0xb3: {  	s29 =	simm.s32 $0x9;
	_ =	strace $0x8000004E  }
0xb4: {  	_ =	swait.ge [sflag:s29], $0x1  }
0xb5: {  	[sflag:s29] =	ssyncadd.s32 $0xFFFFFFFF  }
0xb6: {  	_ =	strace $0x9000004E  }
0xb7: {  	_ =	sfence  }
0xb8: {  	s30 =	sld [smem:$0x0];
	_ =	sdelay $0x2  }
0xb9: {  	s31 =	sshll.u32 s1, $0xD;
	s1 =	sshrl.u32 s1, $0x2  }
0xba: {  	s3 =	sand.u32 $0x4000, s31;
	s1 =	sadd.s32 s1, s30  }
0xbb: {  	s0 =	sor.u32 s3, s0;
	s1 =	sshll.u32 s1, $0x11  }
0xbc: {  	s0 =	sor.u32 s1, s0  }
0xbd: {  	s0 =	sadd.s32 $0x8F2B, s0  }
0xbe: {  	[sflag:s0] =	ssyncadd.remote.s32 $0x1  }
0xbf: {  	_ =	sfence.sel $0xFFFF  }
0xc0: {  	[dreg:$0x0] =	wrdreg $0xFFFFFFFF;
	(pc) =	sbr.abs _section_cstart, $3  }
0xc1: {  	[dreg:$0x1] =	wrdreg $0xFFFFFFFF  }
0xc2: {  	_ =	task.clear_ibuf [dreg:s7], $0x2FFFF;
	_ =	strace $0x9FFFFFFF  }
0xc3: {  	(tm) =	ssettm $0x7FFFFFFF  }
tec
execute0_lowered:
.L_overlay_start_1:
0x0: {  	(tag) =	ssettag $0x1  }
0x1: {  	s0 =	rddreg [dreg:$0x0];
	s1 =	srdreg.scid  }
0x2: {  	s9 =	stileid.u32;
	s3 =	rddreg [dreg:$0x2];
	s4 =	simm.s32 $0x0  }
0x3: {  	s28 =	simm.s32 $0x100;
	s29 =	simm.s32 $0x18800;
	s2 =	smul.u32 $0xC400, s9  }
0x4: {  	s30 =	simm.s32 $0x1;
	s31 =	simm.s32 $0x0;
	s8 =	smul.u32 $0x18800, s9  }
0x5: {  	s1 =	sand.u32 $0x1, s1;
	[smem:$0x7FF] =	sst s4;
	s25 =	smul.u32 $0xC40, s9  }
0x6: {  	s5 =	smul.u32 $0x310000, s1;
	_ =	strace $0x8000004D;
	s7 =	ssub.s32 $0x2, s1  }
0x7: {  	s1 =	smul.u32 $0x31000, s1;
	s23 =	sshrl.u32 s7, $0x1;
	s24 =	sshrl.u32 s8, $0x2  }
0x8: {  	s6 =	sadd.s32 s2, s5;
	s5 =	sadd.s32 $0x298E00, s0;
	s2 =	sshrl.u32 s2, $0x3  }
0x9: {  	s23 =	ssub.s32 s7, s23;
	s7 =	sadd.s32 s24, s3;
	s24 =	simm.s32 $0x19000  }
0xa: {  	s6 =	sshrl.u32 s6, $0x3;
	s2 =	sadd.s32 s2, s0;
	s8 =	sadd.s32 $0xC40, s7  }
0xb: {  	s9 =	sadd.s32 $0x1880, s7;
	s10 =	sadd.s32 $0x24C0, s7;
	s11 =	sadd.s32 $0x3100, s7  }
0xc: {  	s12 =	sadd.s32 $0x3D40, s7;
	s13 =	sadd.s32 $0x4980, s7;
	s14 =	sadd.s32 $0x55C0, s7  }
0xd: {  	s21 =	sadd.s32 s6, s0;
	s0 =	sadd.s32 $0x2FAE00, s0;
	s2 =	sadd.s32 $0x1A00, s2  }
0xe: {  	s23 =	smax.u32 s23, $0x1;
	[dreg:$0x4] =	wrdreg s2;
	s16 =	sadd.s32 s1, s0  }
0xf: {  	s26 =	sadd.s32 $0x4CE00, s21;
	s0 =	sadd.s32 s0, s25;
	s17 =	sadd.s32 $0x65600, s21  }
0x10: {  	s19 =	sadd.s32 $0x7DE00, s21;
	s21 =	sadd.s32 $0x96600, s21;
	[dreg:$0x5] =	wrdreg s26  }
0x11: {  	s2 =	sadd.s32 s25, s16;
	s16 =	sadd.s32 s1, s0;
	s25 =	simm.s32 $0x2  }
0x12: {  	s18 =	sadd.s32 $0xC400, s2;
	s20 =	sadd.s32 $0x18800, s2;
	s22 =	sadd.s32 $0x24C00, s2  }
.LBB2_1:
0x13: {  	s0 =	rddreg [dreg:$0x1]  }
0x14: {  	[tilespmem:s24], [sflag:$0x2] =	stream.linear.gather [hbm4b:s0+s4], $0xC40, $0x38;
	[tilespmem:$0x1FE40] =	vst v63  }
0x15: {  	_ =	swait.ge [sflag:s25], $0xC40  }
0x16: {  	[sflag:s25] =	ssyncset.done $0x0  }
0x17: {  	s1 =	simm.s32 $0xC400;
	s2 =	rddreg [dreg:$0x4];
	[sflag:s25] =	ssyncadd.s32 $0xFFFFF3C0  }
0x18: {  	[tilespmem:s1], [sflag:$0x2] =	stream.linear.gather [hbm4b:s2+s4], $0xC400, $0x38;
	[tilespmem:$0x1FE40] =	vst v63  }
0x19: {  	_ =	swait.ge [sflag:s25], $0xC400  }
0x1a: {  	[sflag:s25] =	ssyncset.done $0x0  }
0x1b: {  	[sflag:s25] =	ssyncadd.s32 $0xFFFF3C00  }
0x1c: {  	[spmem:s7] =	stream.linear.scatter [tilespmem:s24], [sflag:$0x2], $0xC40, $0x38;
	[tilespmem:$0x1FE40] =	vst v63  }
0x1d: {  	_ =	swait.ge [sflag:s25], $0xC40  }
0x1e: {  	[sflag:s25] =	ssyncset.done $0x0  }
0x1f: {  	[sflag:s25] =	ssyncadd.s32 $0xFFFFF3C0  }
0x20: {  	[spmem:s8] =	stream.linear.scatter [tilespmem:s24], [sflag:$0x2], $0xC40, $0x38;
	[tilespmem:$0x1FE40] =	vst v63  }
0x21: {  	_ =	swait.ge [sflag:s25], $0xC40  }
0x22: {  	[sflag:s25] =	ssyncset.done $0x0  }
0x23: {  	[sflag:s25] =	ssyncadd.s32 $0xFFFFF3C0  }
0x24: {  	[spmem:s9] =	stream.linear.scatter [tilespmem:s24], [sflag:$0x2], $0xC40, $0x38;
	[tilespmem:$0x1FE40] =	vst v63  }
0x25: {  	_ =	swait.ge [sflag:s25], $0xC40  }
0x26: {  	[sflag:s25] =	ssyncset.done $0x0  }
0x27: {  	[sflag:s25] =	ssyncadd.s32 $0xFFFFF3C0  }
0x28: {  	[spmem:s10] =	stream.linear.scatter [tilespmem:s24], [sflag:$0x2], $0xC40, $0x38;
	[tilespmem:$0x1FE40] =	vst v63  }
0x29: {  	_ =	swait.ge [sflag:s25], $0xC40  }
0x2a: {  	[sflag:s25] =	ssyncset.done $0x0  }
0x2b: {  	[sflag:s25] =	ssyncadd.s32 $0xFFFFF3C0  }
0x2c: {  	[spmem:s11] =	stream.linear.scatter [tilespmem:s24], [sflag:$0x2], $0xC40, $0x38;
	[tilespmem:$0x1FE40] =	vst v63  }
0x2d: {  	_ =	swait.ge [sflag:s25], $0xC40  }
0x2e: {  	[sflag:s25] =	ssyncset.done $0x0  }
0x2f: {  	[sflag:s25] =	ssyncadd.s32 $0xFFFFF3C0  }
0x30: {  	[spmem:s12] =	stream.linear.scatter [tilespmem:s24], [sflag:$0x2], $0xC40, $0x38;
	[tilespmem:$0x1FE40] =	vst v63  }
0x31: {  	_ =	swait.ge [sflag:s25], $0xC40  }
0x32: {  	[sflag:s25] =	ssyncset.done $0x0  }
0x33: {  	[sflag:s25] =	ssyncadd.s32 $0xFFFFF3C0  }
0x34: {  	[spmem:s13] =	stream.linear.scatter [tilespmem:s24], [sflag:$0x2], $0xC40, $0x38;
	[tilespmem:$0x1FE40] =	vst v63  }
0x35: {  	_ =	swait.ge [sflag:s25], $0xC40  }
0x36: {  	[sflag:s25] =	ssyncset.done $0x0  }
0x37: {  	[sflag:s25] =	ssyncadd.s32 $0xFFFFF3C0  }
0x38: {  	[spmem:s14] =	stream.linear.scatter [tilespmem:s24], [sflag:$0x2], $0xC40, $0x38;
	[tilespmem:$0x1FE40] =	vst v63  }
0x39: {  	_ =	swait.ge [sflag:s25], $0xC40  }
0x3a: {  	[sflag:s25] =	ssyncset.done $0x0  }
0x3b: {  	s6 =	rddreg [dreg:$0x5];
	[sflag:s25] =	ssyncadd.s32 $0xFFFFF3C0  }
0x3c: {  	[tilespmem:s4], [sflag:$0x2] =	stream.linear.gather [hbm4b:s6+s4], $0xC400, $0x38;
	[tilespmem:$0x1FE40] =	vst v63  }
0x3d: {  	_ =	swait.ge [sflag:s25], $0xC400  }
0x3e: {  	[sflag:s25] =	ssyncset.done $0x0  }
0x3f: {  	[sflag:s25] =	ssyncadd.s32 $0xFFFF3C00  }
0x40: {  	s15 =	simm.s32 $0x0;
	[bflag:$0x0] =	sbarrier.arrive $0xFFFF  }
0x41: {  	[tilespmem:s29], [sflag:$0x1] =	stream.indirect.gather [hbm4b:s5+s28], $0x8, s15, s28, $0xb8;
	[tilespmem:$0x1FE40] =	vst v63  }
0x42: {  	_ =	swait.ge [sflag:s30], $0x800  }
0x43: {  	[sflag:s30] =	ssyncset.done $0x0  }
0x44: {  	s26 =	simm.s32 $0xC400;
	[sflag:s30] =	ssyncadd.s32 $0xFFFFF800  }
0x45: {  	[spmem:s3] =	stream.indirect.scatter.add.f32 [tilespmem:s29], [sflag:$0x2], $0x8, s26, s28, $0xb8;
	[tilespmem:$0x1FE40] =	vst v63  }
0x46: {  	_ =	swait.ge [sflag:s25], $0x800  }
0x47: {  	s0 =	simm.s32 $0x800;
	s1 =	simm.s32 $0x400;
	[sflag:s25] =	ssyncset.done $0x0  }
.LBB2_2:
0x48: {  	s2 =	sshra.s32 s1, $0x2  }
0x49: {  	[sflag:s25] =	ssyncadd.s32 $0xFFFFF800;
	s1 =	smov.u32 s0;
	s26 =	sadd.s32 $0x400, s0  }
0x4a: {  	[tilespmem:s29], [sflag:$0x1] =	stream.indirect.gather [hbm4b:s5+s28], $0x8, s2, s28, $0xb8;
	[tilespmem:$0x1FE40] =	vst v63  }
0x4b: {  	p0 =	sne.s32 s0, $0x30C00;
	_ =	swait.ge [sflag:s30], $0x800  }
.Ltmp0:
0x4c: {  	[sflag:s30] =	ssyncset.done $0x0;
	(pc) =	sbr.rel @p0 .LBB2_2-.Ltmp0, $4  }
0x4d: {  	s0 =	sadd.s32 $0xC400, s2;
	[sflag:s30] =	ssyncadd.s32 $0xFFFFF800  }
0x4e: {  	[spmem:s3] =	stream.indirect.scatter.add.f32 [tilespmem:s29], [sflag:$0x2], $0x8, s0, s28, $0xb8;
	[tilespmem:$0x1FE40] =	vst v63  }
0x4f: {  	_ =	swait.ge [sflag:s25], $0x800  }
0x50: {  	s0 =	smov.u32 s26;
	[sflag:s25] =	ssyncset.done $0x0  }
0x51: {  	s0 =	sshra.s32 s1, $0x2;
	[sflag:s25] =	ssyncadd.s32 $0xFFFFF800  }
0x52: {  	[tilespmem:s29], [sflag:$0x1] =	stream.indirect.gather [hbm4b:s5+s28], $0x8, s0, s28, $0xb8;
	[tilespmem:$0x1FE40] =	vst v63  }
0x53: {  	_ =	swait.ge [sflag:s30], $0x800  }
0x54: {  	[sflag:s30] =	ssyncset.done $0x0  }
0x55: {  	s0 =	sadd.s32 $0xC400, s0;
	[sflag:s30] =	ssyncadd.s32 $0xFFFFF800  }
0x56: {  	[spmem:s3] =	stream.indirect.scatter.add.f32 [tilespmem:s29], [sflag:$0x2], $0x8, s0, s28, $0xb8;
	[tilespmem:$0x1FE40] =	vst v63  }
0x57: {  	_ =	swait.ge [sflag:s25], $0x800  }
0x58: {  	s2 =	stileid.u32;
	[sflag:s25] =	ssyncset.done $0x0  }
0x59: {  	s0 =	sshll.u32 s2, $0x6;
	[sflag:s25] =	ssyncadd.s32 $0xFFFFF800  }
0x5a: {  	s2 =	sshrl.u32 s7, $0x3;
	s1 =	sor.u32 $0x1C02, s0;
	[bflag:$0x0] =	sbarrier.arrive $0xFFFF  }
0x5b: {  	[hbm:s16], [sflag:s1] =	dma.local [spmem:s2], $0xC40  }
0x5c: {  	_ =	swait.ge [sflag:s25], $0xC40  }
0x5d: {  	[sflag:s25] =	ssyncset.done $0x0  }
0x5e: {  	[sflag:s25] =	ssyncadd.s32 $0xFFFFF3C0  }
0x5f: {  	[spmem:s7] =	stream.linear.scatter [tilespmem:s24], [sflag:$0x2], $0xC40, $0x38;
	[tilespmem:$0x1FE40] =	vst v63  }
0x60: {  	_ =	swait.ge [sflag:s25], $0xC40  }
0x61: {  	[sflag:s25] =	ssyncset.done $0x0  }
0x62: {  	[sflag:s25] =	ssyncadd.s32 $0xFFFFF3C0  }
0x63: {  	[spmem:s8] =	stream.linear.scatter [tilespmem:s24], [sflag:$0x2], $0xC40, $0x38;
	[tilespmem:$0x1FE40] =	vst v63  }
0x64: {  	_ =	swait.ge [sflag:s25], $0xC40  }
0x65: {  	[sflag:s25] =	ssyncset.done $0x0  }
0x66: {  	[sflag:s25] =	ssyncadd.s32 $0xFFFFF3C0  }
0x67: {  	[spmem:s9] =	stream.linear.scatter [tilespmem:s24], [sflag:$0x2], $0xC40, $0x38;
	[tilespmem:$0x1FE40] =	vst v63  }
0x68: {  	_ =	swait.ge [sflag:s25], $0xC40  }
0x69: {  	[sflag:s25] =	ssyncset.done $0x0  }
0x6a: {  	[sflag:s25] =	ssyncadd.s32 $0xFFFFF3C0  }
0x6b: {  	[spmem:s10] =	stream.linear.scatter [tilespmem:s24], [sflag:$0x2], $0xC40, $0x38;
	[tilespmem:$0x1FE40] =	vst v63  }
0x6c: {  	_ =	swait.ge [sflag:s25], $0xC40  }
0x6d: {  	[sflag:s25] =	ssyncset.done $0x0  }
0x6e: {  	[sflag:s25] =	ssyncadd.s32 $0xFFFFF3C0  }
0x6f: {  	[spmem:s11] =	stream.linear.scatter [tilespmem:s24], [sflag:$0x2], $0xC40, $0x38;
	[tilespmem:$0x1FE40] =	vst v63  }
0x70: {  	_ =	swait.ge [sflag:s25], $0xC40  }
0x71: {  	[sflag:s25] =	ssyncset.done $0x0  }
0x72: {  	[sflag:s25] =	ssyncadd.s32 $0xFFFFF3C0  }
0x73: {  	[spmem:s12] =	stream.linear.scatter [tilespmem:s24], [sflag:$0x2], $0xC40, $0x38;
	[tilespmem:$0x1FE40] =	vst v63  }
0x74: {  	_ =	swait.ge [sflag:s25], $0xC40  }
0x75: {  	[sflag:s25] =	ssyncset.done $0x0  }
0x76: {  	[sflag:s25] =	ssyncadd.s32 $0xFFFFF3C0  }
0x77: {  	[spmem:s13] =	stream.linear.scatter [tilespmem:s24], [sflag:$0x2], $0xC40, $0x38;
	[tilespmem:$0x1FE40] =	vst v63  }
0x78: {  	_ =	swait.ge [sflag:s25], $0xC40  }
0x79: {  	[sflag:s25] =	ssyncset.done $0x0  }
0x7a: {  	[sflag:s25] =	ssyncadd.s32 $0xFFFFF3C0  }
0x7b: {  	[spmem:s14] =	stream.linear.scatter [tilespmem:s24], [sflag:$0x2], $0xC40, $0x38;
	[tilespmem:$0x1FE40] =	vst v63  }
0x7c: {  	_ =	swait.ge [sflag:s25], $0xC40  }
0x7d: {  	[sflag:s25] =	ssyncset.done $0x0  }
0x7e: {  	s6 =	simm.s32 $0x0;
	[sflag:s25] =	ssyncadd.s32 $0xFFFFF3C0  }
0x7f: {  	[tilespmem:s6], [sflag:$0x2] =	stream.linear.gather [hbm4b:s17+s6], $0xC400, $0x38;
	[tilespmem:$0x1FE40] =	vst v63  }
0x80: {  	_ =	swait.ge [sflag:s25], $0xC400  }
0x81: {  	[sflag:s25] =	ssyncset.done $0x0  }
0x82: {  	[sflag:s25] =	ssyncadd.s32 $0xFFFF3C00  }
0x83: {  	s15 =	simm.s32 $0x0;
	[bflag:$0x0] =	sbarrier.arrive $0xFFFF  }
0x84: {  	[tilespmem:s29], [sflag:$0x1] =	stream.indirect.gather [hbm4b:s5+s28], $0x8, s15, s28, $0xb8;
	[tilespmem:$0x1FE40] =	vst v63  }
0x85: {  	_ =	swait.ge [sflag:s30], $0x800  }
0x86: {  	[sflag:s30] =	ssyncset.done $0x0  }
0x87: {  	s26 =	simm.s32 $0xC400;
	[sflag:s30] =	ssyncadd.s32 $0xFFFFF800  }
0x88: {  	[spmem:s3] =	stream.indirect.scatter.add.f32 [tilespmem:s29], [sflag:$0x2], $0x8, s26, s28, $0xb8;
	[tilespmem:$0x1FE40] =	vst v63  }
0x89: {  	_ =	swait.ge [sflag:s25], $0x800  }
0x8a: {  	s0 =	simm.s32 $0x400;
	s26 =	simm.s32 $0x800;
	[sflag:s25] =	ssyncset.done $0x0  }
.LBB2_4:
0x8b: {  	s6 =	sshra.s32 s0, $0x2  }
0x8c: {  	[sflag:s25] =	ssyncadd.s32 $0xFFFFF800;
	s0 =	smov.u32 s26;
	s15 =	sadd.s32 $0x400, s26  }
0x8d: {  	[tilespmem:s29], [sflag:$0x1] =	stream.indirect.gather [hbm4b:s5+s28], $0x8, s6, s28, $0xb8;
	[tilespmem:$0x1FE40] =	vst v63  }
0x8e: {  	p0 =	sne.s32 s26, $0x30C00;
	_ =	swait.ge [sflag:s30], $0x800  }
.Ltmp1:
0x8f: {  	[sflag:s30] =	ssyncset.done $0x0;
	(pc) =	sbr.rel @p0 .LBB2_4-.Ltmp1, $4  }
0x90: {  	s6 =	sadd.s32 $0xC400, s6;
	[sflag:s30] =	ssyncadd.s32 $0xFFFFF800  }
0x91: {  	[spmem:s3] =	stream.indirect.scatter.add.f32 [tilespmem:s29], [sflag:$0x2], $0x8, s6, s28, $0xb8;
	[tilespmem:$0x1FE40] =	vst v63  }
0x92: {  	_ =	swait.ge [sflag:s25], $0x800  }
0x93: {  	s26 =	smov.u32 s15;
	[sflag:s25] =	ssyncset.done $0x0  }
0x94: {  	s0 =	sshra.s32 s0, $0x2;
	[sflag:s25] =	ssyncadd.s32 $0xFFFFF800  }
0x95: {  	[tilespmem:s29], [sflag:$0x1] =	stream.indirect.gather [hbm4b:s5+s28], $0x8, s0, s28, $0xb8;
	[tilespmem:$0x1FE40] =	vst v63  }
0x96: {  	_ =	swait.ge [sflag:s30], $0x800  }
0x97: {  	[sflag:s30] =	ssyncset.done $0x0  }
0x98: {  	s0 =	sadd.s32 $0xC400, s0;
	[sflag:s30] =	ssyncadd.s32 $0xFFFFF800  }
0x99: {  	[spmem:s3] =	stream.indirect.scatter.add.f32 [tilespmem:s29], [sflag:$0x2], $0x8, s0, s28, $0xb8;
	[tilespmem:$0x1FE40] =	vst v63  }
0x9a: {  	_ =	swait.ge [sflag:s25], $0x800  }
0x9b: {  	[sflag:s25] =	ssyncset.done $0x0  }
0x9c: {  	[sflag:s25] =	ssyncadd.s32 $0xFFFFF800  }
0x9d: {  	[bflag:$0x0] =	sbarrier.arrive $0xFFFF  }
0x9e: {  	[hbm:s18], [sflag:s1] =	dma.local [spmem:s2], $0xC40  }
0x9f: {  	_ =	swait.ge [sflag:s25], $0xC40  }
0xa0: {  	[sflag:s25] =	ssyncset.done $0x0  }
0xa1: {  	[sflag:s25] =	ssyncadd.s32 $0xFFFFF3C0  }
0xa2: {  	[spmem:s7] =	stream.linear.scatter [tilespmem:s24], [sflag:$0x2], $0xC40, $0x38;
	[tilespmem:$0x1FE40] =	vst v63  }
0xa3: {  	_ =	swait.ge [sflag:s25], $0xC40  }
0xa4: {  	[sflag:s25] =	ssyncset.done $0x0  }
0xa5: {  	[sflag:s25] =	ssyncadd.s32 $0xFFFFF3C0  }
0xa6: {  	[spmem:s8] =	stream.linear.scatter [tilespmem:s24], [sflag:$0x2], $0xC40, $0x38;
	[tilespmem:$0x1FE40] =	vst v63  }
0xa7: {  	_ =	swait.ge [sflag:s25], $0xC40  }
0xa8: {  	[sflag:s25] =	ssyncset.done $0x0  }
0xa9: {  	[sflag:s25] =	ssyncadd.s32 $0xFFFFF3C0  }
0xaa: {  	[spmem:s9] =	stream.linear.scatter [tilespmem:s24], [sflag:$0x2], $0xC40, $0x38;
	[tilespmem:$0x1FE40] =	vst v63  }
0xab: {  	_ =	swait.ge [sflag:s25], $0xC40  }
0xac: {  	[sflag:s25] =	ssyncset.done $0x0  }
0xad: {  	[sflag:s25] =	ssyncadd.s32 $0xFFFFF3C0  }
0xae: {  	[spmem:s10] =	stream.linear.scatter [tilespmem:s24], [sflag:$0x2], $0xC40, $0x38;
	[tilespmem:$0x1FE40] =	vst v63  }
0xaf: {  	_ =	swait.ge [sflag:s25], $0xC40  }
0xb0: {  	[sflag:s25] =	ssyncset.done $0x0  }
0xb1: {  	[sflag:s25] =	ssyncadd.s32 $0xFFFFF3C0  }
0xb2: {  	[spmem:s11] =	stream.linear.scatter [tilespmem:s24], [sflag:$0x2], $0xC40, $0x38;
	[tilespmem:$0x1FE40] =	vst v63  }
0xb3: {  	_ =	swait.ge [sflag:s25], $0xC40  }
0xb4: {  	[sflag:s25] =	ssyncset.done $0x0  }
0xb5: {  	[sflag:s25] =	ssyncadd.s32 $0xFFFFF3C0  }
0xb6: {  	[spmem:s12] =	stream.linear.scatter [tilespmem:s24], [sflag:$0x2], $0xC40, $0x38;
	[tilespmem:$0x1FE40] =	vst v63  }
0xb7: {  	_ =	swait.ge [sflag:s25], $0xC40  }
0xb8: {  	[sflag:s25] =	ssyncset.done $0x0  }
0xb9: {  	[sflag:s25] =	ssyncadd.s32 $0xFFFFF3C0  }
0xba: {  	[spmem:s13] =	stream.linear.scatter [tilespmem:s24], [sflag:$0x2], $0xC40, $0x38;
	[tilespmem:$0x1FE40] =	vst v63  }
0xbb: {  	_ =	swait.ge [sflag:s25], $0xC40  }
0xbc: {  	[sflag:s25] =	ssyncset.done $0x0  }
0xbd: {  	[sflag:s25] =	ssyncadd.s32 $0xFFFFF3C0  }
0xbe: {  	[spmem:s14] =	stream.linear.scatter [tilespmem:s24], [sflag:$0x2], $0xC40, $0x38;
	[tilespmem:$0x1FE40] =	vst v63  }
0xbf: {  	_ =	swait.ge [sflag:s25], $0xC40  }
0xc0: {  	[sflag:s25] =	ssyncset.done $0x0  }
0xc1: {  	s6 =	simm.s32 $0x0;
	[sflag:s25] =	ssyncadd.s32 $0xFFFFF3C0  }
0xc2: {  	[tilespmem:s6], [sflag:$0x2] =	stream.linear.gather [hbm4b:s19+s6], $0xC400, $0x38;
	[tilespmem:$0x1FE40] =	vst v63  }
0xc3: {  	_ =	swait.ge [sflag:s25], $0xC400  }
0xc4: {  	[sflag:s25] =	ssyncset.done $0x0  }
0xc5: {  	[sflag:s25] =	ssyncadd.s32 $0xFFFF3C00  }
0xc6: {  	s15 =	simm.s32 $0x0;
	[bflag:$0x0] =	sbarrier.arrive $0xFFFF  }
0xc7: {  	[tilespmem:s29], [sflag:$0x1] =	stream.indirect.gather [hbm4b:s5+s28], $0x8, s15, s28, $0xb8;
	[tilespmem:$0x1FE40] =	vst v63  }
0xc8: {  	_ =	swait.ge [sflag:s30], $0x800  }
0xc9: {  	[sflag:s30] =	ssyncset.done $0x0  }
0xca: {  	s26 =	simm.s32 $0xC400;
	[sflag:s30] =	ssyncadd.s32 $0xFFFFF800  }
0xcb: {  	[spmem:s3] =	stream.indirect.scatter.add.f32 [tilespmem:s29], [sflag:$0x2], $0x8, s26, s28, $0xb8;
	[tilespmem:$0x1FE40] =	vst v63  }
0xcc: {  	_ =	swait.ge [sflag:s25], $0x800  }
0xcd: {  	s0 =	simm.s32 $0x400;
	s26 =	simm.s32 $0x800;
	[sflag:s25] =	ssyncset.done $0x0  }
.LBB2_6:
0xce: {  	s6 =	sshra.s32 s0, $0x2  }
0xcf: {  	[sflag:s25] =	ssyncadd.s32 $0xFFFFF800;
	s0 =	smov.u32 s26;
	s15 =	sadd.s32 $0x400, s26  }
0xd0: {  	[tilespmem:s29], [sflag:$0x1] =	stream.indirect.gather [hbm4b:s5+s28], $0x8, s6, s28, $0xb8;
	[tilespmem:$0x1FE40] =	vst v63  }
0xd1: {  	p0 =	sne.s32 s26, $0x30C00;
	_ =	swait.ge [sflag:s30], $0x800  }
.Ltmp2:
0xd2: {  	[sflag:s30] =	ssyncset.done $0x0;
	(pc) =	sbr.rel @p0 .LBB2_6-.Ltmp2, $4  }
0xd3: {  	s6 =	sadd.s32 $0xC400, s6;
	[sflag:s30] =	ssyncadd.s32 $0xFFFFF800  }
0xd4: {  	[spmem:s3] =	stream.indirect.scatter.add.f32 [tilespmem:s29], [sflag:$0x2], $0x8, s6, s28, $0xb8;
	[tilespmem:$0x1FE40] =	vst v63  }
0xd5: {  	_ =	swait.ge [sflag:s25], $0x800  }
0xd6: {  	s26 =	smov.u32 s15;
	[sflag:s25] =	ssyncset.done $0x0  }
0xd7: {  	s0 =	sshra.s32 s0, $0x2;
	[sflag:s25] =	ssyncadd.s32 $0xFFFFF800  }
0xd8: {  	[tilespmem:s29], [sflag:$0x1] =	stream.indirect.gather [hbm4b:s5+s28], $0x8, s0, s28, $0xb8;
	[tilespmem:$0x1FE40] =	vst v63  }
0xd9: {  	_ =	swait.ge [sflag:s30], $0x800  }
0xda: {  	[sflag:s30] =	ssyncset.done $0x0  }
0xdb: {  	s0 =	sadd.s32 $0xC400, s0;
	[sflag:s30] =	ssyncadd.s32 $0xFFFFF800  }
0xdc: {  	[spmem:s3] =	stream.indirect.scatter.add.f32 [tilespmem:s29], [sflag:$0x2], $0x8, s0, s28, $0xb8;
	[tilespmem:$0x1FE40] =	vst v63  }
0xdd: {  	_ =	swait.ge [sflag:s25], $0x800  }
0xde: {  	[sflag:s25] =	ssyncset.done $0x0  }
0xdf: {  	[sflag:s25] =	ssyncadd.s32 $0xFFFFF800  }
0xe0: {  	[bflag:$0x0] =	sbarrier.arrive $0xFFFF  }
0xe1: {  	[hbm:s20], [sflag:s1] =	dma.local [spmem:s2], $0xC40  }
0xe2: {  	_ =	swait.ge [sflag:s25], $0xC40  }
0xe3: {  	[sflag:s25] =	ssyncset.done $0x0  }
0xe4: {  	[sflag:s25] =	ssyncadd.s32 $0xFFFFF3C0  }
0xe5: {  	[spmem:s7] =	stream.linear.scatter [tilespmem:s24], [sflag:$0x2], $0xC40, $0x38;
	[tilespmem:$0x1FE40] =	vst v63  }
0xe6: {  	_ =	swait.ge [sflag:s25], $0xC40  }
0xe7: {  	[sflag:s25] =	ssyncset.done $0x0  }
0xe8: {  	[sflag:s25] =	ssyncadd.s32 $0xFFFFF3C0  }
0xe9: {  	[spmem:s8] =	stream.linear.scatter [tilespmem:s24], [sflag:$0x2], $0xC40, $0x38;
	[tilespmem:$0x1FE40] =	vst v63  }
0xea: {  	_ =	swait.ge [sflag:s25], $0xC40  }
0xeb: {  	[sflag:s25] =	ssyncset.done $0x0  }
0xec: {  	[sflag:s25] =	ssyncadd.s32 $0xFFFFF3C0  }
0xed: {  	[spmem:s9] =	stream.linear.scatter [tilespmem:s24], [sflag:$0x2], $0xC40, $0x38;
	[tilespmem:$0x1FE40] =	vst v63  }
0xee: {  	_ =	swait.ge [sflag:s25], $0xC40  }
0xef: {  	[sflag:s25] =	ssyncset.done $0x0  }
0xf0: {  	[sflag:s25] =	ssyncadd.s32 $0xFFFFF3C0  }
0xf1: {  	[spmem:s10] =	stream.linear.scatter [tilespmem:s24], [sflag:$0x2], $0xC40, $0x38;
	[tilespmem:$0x1FE40] =	vst v63  }
0xf2: {  	_ =	swait.ge [sflag:s25], $0xC40  }
0xf3: {  	[sflag:s25] =	ssyncset.done $0x0  }
0xf4: {  	[sflag:s25] =	ssyncadd.s32 $0xFFFFF3C0  }
0xf5: {  	[spmem:s11] =	stream.linear.scatter [tilespmem:s24], [sflag:$0x2], $0xC40, $0x38;
	[tilespmem:$0x1FE40] =	vst v63  }
0xf6: {  	_ =	swait.ge [sflag:s25], $0xC40  }
0xf7: {  	[sflag:s25] =	ssyncset.done $0x0  }
0xf8: {  	[sflag:s25] =	ssyncadd.s32 $0xFFFFF3C0  }
0xf9: {  	[spmem:s12] =	stream.linear.scatter [tilespmem:s24], [sflag:$0x2], $0xC40, $0x38;
	[tilespmem:$0x1FE40] =	vst v63  }
0xfa: {  	_ =	swait.ge [sflag:s25], $0xC40  }
0xfb: {  	[sflag:s25] =	ssyncset.done $0x0  }
0xfc: {  	[sflag:s25] =	ssyncadd.s32 $0xFFFFF3C0  }
0xfd: {  	[spmem:s13] =	stream.linear.scatter [tilespmem:s24], [sflag:$0x2], $0xC40, $0x38;
	[tilespmem:$0x1FE40] =	vst v63  }
0xfe: {  	_ =	swait.ge [sflag:s25], $0xC40  }
0xff: {  	[sflag:s25] =	ssyncset.done $0x0  }
0x100: {  	[sflag:s25] =	ssyncadd.s32 $0xFFFFF3C0  }
0x101: {  	[spmem:s14] =	stream.linear.scatter [tilespmem:s24], [sflag:$0x2], $0xC40, $0x38;
	[tilespmem:$0x1FE40] =	vst v63  }
0x102: {  	_ =	swait.ge [sflag:s25], $0xC40  }
0x103: {  	[sflag:s25] =	ssyncset.done $0x0  }
0x104: {  	s6 =	simm.s32 $0x0;
	[sflag:s25] =	ssyncadd.s32 $0xFFFFF3C0  }
0x105: {  	[tilespmem:s6], [sflag:$0x2] =	stream.linear.gather [hbm4b:s21+s6], $0xC400, $0x38;
	[tilespmem:$0x1FE40] =	vst v63  }
0x106: {  	_ =	swait.ge [sflag:s25], $0xC400  }
0x107: {  	[sflag:s25] =	ssyncset.done $0x0  }
0x108: {  	[sflag:s25] =	ssyncadd.s32 $0xFFFF3C00  }
0x109: {  	s15 =	simm.s32 $0x0;
	[bflag:$0x0] =	sbarrier.arrive $0xFFFF  }
0x10a: {  	[tilespmem:s29], [sflag:$0x1] =	stream.indirect.gather [hbm4b:s5+s28], $0x8, s15, s28, $0xb8;
	[tilespmem:$0x1FE40] =	vst v63  }
0x10b: {  	_ =	swait.ge [sflag:s30], $0x800  }
0x10c: {  	[sflag:s30] =	ssyncset.done $0x0  }
0x10d: {  	s26 =	simm.s32 $0xC400;
	[sflag:s30] =	ssyncadd.s32 $0xFFFFF800  }
0x10e: {  	[spmem:s3] =	stream.indirect.scatter.add.f32 [tilespmem:s29], [sflag:$0x2], $0x8, s26, s28, $0xb8;
	[tilespmem:$0x1FE40] =	vst v63  }
0x10f: {  	_ =	swait.ge [sflag:s25], $0x800  }
0x110: {  	s0 =	simm.s32 $0x400;
	s26 =	simm.s32 $0x800;
	[sflag:s25] =	ssyncset.done $0x0  }
.LBB2_8:
0x111: {  	s6 =	sshra.s32 s0, $0x2  }
0x112: {  	[sflag:s25] =	ssyncadd.s32 $0xFFFFF800;
	s0 =	smov.u32 s26;
	s15 =	sadd.s32 $0x400, s26  }
0x113: {  	[tilespmem:s29], [sflag:$0x1] =	stream.indirect.gather [hbm4b:s5+s28], $0x8, s6, s28, $0xb8;
	[tilespmem:$0x1FE40] =	vst v63  }
0x114: {  	p0 =	sne.s32 s26, $0x30C00;
	_ =	swait.ge [sflag:s30], $0x800  }
.Ltmp3:
0x115: {  	[sflag:s30] =	ssyncset.done $0x0;
	(pc) =	sbr.rel @p0 .LBB2_8-.Ltmp3, $4  }
0x116: {  	s6 =	sadd.s32 $0xC400, s6;
	[sflag:s30] =	ssyncadd.s32 $0xFFFFF800  }
0x117: {  	[spmem:s3] =	stream.indirect.scatter.add.f32 [tilespmem:s29], [sflag:$0x2], $0x8, s6, s28, $0xb8;
	[tilespmem:$0x1FE40] =	vst v63  }
0x118: {  	_ =	swait.ge [sflag:s25], $0x800  }
0x119: {  	s26 =	smov.u32 s15;
	[sflag:s25] =	ssyncset.done $0x0  }
0x11a: {  	s0 =	sshra.s32 s0, $0x2;
	[sflag:s25] =	ssyncadd.s32 $0xFFFFF800  }
0x11b: {  	[tilespmem:s29], [sflag:$0x1] =	stream.indirect.gather [hbm4b:s5+s28], $0x8, s0, s28, $0xb8;
	[tilespmem:$0x1FE40] =	vst v63  }
0x11c: {  	_ =	swait.ge [sflag:s30], $0x800  }
0x11d: {  	[sflag:s30] =	ssyncset.done $0x0  }
0x11e: {  	s0 =	sadd.s32 $0xC400, s0;
	[sflag:s30] =	ssyncadd.s32 $0xFFFFF800  }
0x11f: {  	[spmem:s3] =	stream.indirect.scatter.add.f32 [tilespmem:s29], [sflag:$0x2], $0x8, s0, s28, $0xb8;
	[tilespmem:$0x1FE40] =	vst v63  }
0x120: {  	_ =	swait.ge [sflag:s25], $0x800  }
0x121: {  	s31 =	sadd.s32 $0x1, s31;
	[sflag:s25] =	ssyncset.done $0x0  }
0x122: {  	p0 =	sne.s32 s31, s23;
	[sflag:s25] =	ssyncadd.s32 $0xFFFFF800  }
.Ltmp4:
0x123: {  	[bflag:$0x0] =	sbarrier.arrive $0xFFFF;
	(pc) =	sbr.rel @p0 .LBB2_1-.Ltmp4, $4  }
0x124: {  	[hbm:s22], [sflag:s1] =	dma.local [spmem:s2], $0xC40  }
0x125: {  	_ =	swait.ge [sflag:s25], $0xC40  }
0x126: {  	[sflag:s25] =	ssyncset.done $0x0  }
0x127: {  	[sflag:s25] =	ssyncadd.s32 $0xFFFFF3C0  }
0x128: {  	_ =	sfence.sel $0x180000  }
0x129: {  	[bflag:$0x0] =	sbarrier.arrive $0xFFFF  }
0x12a: {  	_ =	strace $0x9000004D  }
0x12b: {  	s0 =	stileid.u32;
	[bflag:$0x2] =	sbarrier.arrive $0xFFFF  }
0x12c: {  	p0 =	sne.s32 s0, $0x0;
	s0 =	rddreg [dreg:$0x3]  }
0x12d: {  	s0 =	sadd.s32 @!p0 $0x100000, s0  }
0x12e: {  	[sflag:s0] =	ssyncadd.tile.s32 @!p0 $0x1;
	_ =	shalt  }
.Lfunc_end2:
_tile_overlayer_lowered:
.L_overlay_start_2:
0x12f: {  	(tag) =	ssettag $0x2  }
0x130: {  	s0 =	rddreg [dreg:$0x0];
	s2 =	stileid.u32  }
0x131: {  	s1 =	rddreg [dreg:$0x1];
	p0 =	sne.s32 s2, $0x0  }
0x132: {  	s3 =	rddreg [dreg:$0x2];
	[bflag:$0x3] =	sbarrier.arrive $0xFFFF;
	s2 =	simm.s32 @!p0 $0x1C02  }
0x133: {  	[timem:s3], [sflag:s2] =	dma.local @!p0 [hbm:s0], s1  }
0x134: {  	s0 =	simm.s32 @!p0 $0x2  }
0x135: {  	_ =	swait.ge @!p0 [sflag:s0], s1  }
0x136: {  	s1 =	ssub.s32 @!p0 $0x0, s1;
	[sflag:s0] =	ssyncset.done @!p0 $0x0  }
0x137: {  	[sflag:s0] =	ssyncadd.s32 @!p0 s1  }
0x138: {  	[bflag:$0x3] =	sbarrier.arrive $0xFFFF  }
0x139: {  	_ =	shalt  }

// kernel: kernel.9.cloned.1.call-start
scs
__scs_entry_jumppad:
0x0: {  	(pc) =	sbr.rel $0x88, $3  }
0x1: {  	(tag) =	ssettag $0x0;
	lr =	simm.s32 $0x1  }
0x2: {  	[smem:$0x3F98] =	sst lr;
	_ =	strace $0xD0000000  }
0x3: {  	_ = 	snop  }
0x4: {  	_ = 	snop  }
0x5: {  	_ = 	snop  }
0x6: {  	_ = 	snop  }
0x7: {  	_ = 	snop  }
__scs_overlays_trampoline_lowered:
0x8: {  	[smem:$0x3FA7] =	sst s0  }
0x9: {  	[smem:$0x3FA8] =	sst s1  }
0xa: {  	[smem:$0x3FA9] =	sst s2  }
0xb: {  	[smem:$0x3FAA] =	sst s3  }
0xc: {  	[smem:$0x3FAB] =	sst s4  }
0xd: {  	[smem:$0x3FAC] =	sst s5  }
0xe: {  	[smem:$0x3FAD] =	sst s6  }
0xf: {  	[smem:$0x3FAE] =	sst s7  }
0x10: {  	[smem:$0x3FAF] =	sst s8  }
0x11: {  	[smem:$0x3FB0] =	sst s9;
	s0 =	simm.s32 @!p0 $0x0  }
0x12: {  	s1 =	sld [smem:$0x3F96];
	s0 =	simm.s32 @p0 $0x1  }
0x13: {  	[smem:$0x3FB1] =	sst s0;
	s0 =	simm.s32 @!p1 $0x0  }
0x14: {  	s2 =	sld [smem:$0x3F95];
	s0 =	simm.s32 @p1 $0x1  }
0x15: {  	[smem:$0x3FB2] =	sst s0;
	s0 =	simm.s32 @!p2 $0x0  }
0x16: {  	s3 =	sld [smem:$0x3FDB];
	s0 =	simm.s32 @p2 $0x1  }
0x17: {  	s4 =	simm.s32 $0x1BF5;
	[smem:$0x3FB4] =	sst s0  }
0x18: {  	s0 =	sld [smem:$0x3F97];
	_ =	swait.ge [sflag:s4], $0x0  }
0x19: {  	s7 =	sld [smem:$0x3F98]  }
0x1a: {  	s8 =	sadd.s32 $0xFFFFE003, lr  }
0x1b: {  	s9 =	sadd.s32 $0xFFFFFEF7, lr;
	s5 =	simm.s32 $0xFFFFFFFF;
	p2 =	slt.u32 s8, $0xFFFFF086  }
0x1c: {  	p1 =	slt.u32 s9, $0xF7A;
	s5 =	simm.s32 @!p2 $0x0  }
0x1d: {  	s5 =	simm.s32 @p1 $0x1;
	p0 =	seq.s32 s7, s2  }
0x1e: {  	s7 =	smul.u32 @!p0 $0xF7A, s2;
	p2 =	seq.s32 @!p0 s5, $0x0  }
0x1f: {  	s9 =	smul.u32 $0xF7A, s1;
	s8 =	simm.s32 @!p0 $0x1BF5;
	p2 =	por !p2, p0  }
0x20: {  	[sflag:s8] =	ssyncset.s32 @!p0 $0xFFFFF086;
	s6 =	sadd.s32 @!p0 s3, s7;
	s7 =	simm.s32 @!p0 $0x108  }
0x21: {  	s3 =	sadd.s32 s3, s9;
	s6 =	sadd.s32 @!p0 $0x88, s6;
	s7 =	simm.s32 @p2 $0x1082  }
0x22: {  	[simem:s7], [sflag:s8] =	dma.local @!p0 [hbm:s6], $0xF7A  }
0x23: {  	s9 =	sor.u32 $0xD0000000, s2;
	s6 =	simm.s32 $0x108;
	_ =	swait.ge @!p0 [sflag:s8], $0x0  }
0x24: {  	s3 =	sadd.s32 $0x88, s3;
	s6 =	simm.s32 @!p1 $0x1082;
	[sflag:s4] =	ssyncset.s32 $0xFFFFF086  }
0x25: {  	[simem:s6], [sflag:s4] =	dma.local [hbm:s3], $0xF7A  }
0x26: {  	[smem:$0x3F98] =	sst s1;
	(tag) =	ssettag s2;
	_ =	strace s9  }
0x27: {  	s1 =	sld [smem:$0x3FA8]  }
0x28: {  	s2 =	sld [smem:$0x3FA9]  }
0x29: {  	s4 =	sld [smem:$0x3FAB]  }
0x2a: {  	p0 =	seq.s32 s5, $0x0;
	s5 =	sld [smem:$0x3FAC]  }
0x2b: {  	s6 =	sld [smem:$0x3FAD]  }
0x2c: {  	s7 =	sld [smem:$0x3FAE]  }
0x2d: {  	s3 =	simm.s32 $0x108;
	s8 =	sld [smem:$0x3FAF]  }
0x2e: {  	s3 =	simm.s32 @!p0 $0x1082;
	s9 =	sld [smem:$0x3FB0]  }
0x2f: {  	lr =	sadd.s32 s0, s3;
	s0 =	sld [smem:$0x3FA7]  }
0x30: {  	s3 =	sld [smem:$0x3FAA]  }
0x31: {  	[smem:$0x3FB3] =	sst s10  }
0x32: {  	s10 =	sld [smem:$0x3FB1];
	_ =	sdelay $0x3  }
0x33: {  	p0 =	seq.s32 s10, $0x1;
	s10 =	sld [smem:$0x3FB3];
	_ =	sdelay $0x3  }
0x34: {  	[smem:$0x3FB3] =	sst s10  }
0x35: {  	s10 =	sld [smem:$0x3FB2];
	_ =	sdelay $0x3  }
0x36: {  	p1 =	seq.s32 s10, $0x1;
	s10 =	sld [smem:$0x3FB3];
	_ =	sdelay $0x3  }
0x37: {  	[smem:$0x3FB3] =	sst s10  }
0x38: {  	s10 =	sld [smem:$0x3FB4]  }
0x39: {  	_ = 	snop;
	(pc) =	sbr.ind lr, $3  }
0x3a: {  	_ = 	snop  }
0x3b: {  	_ = 	snop  }
0x3c: {  	p2 =	seq.s32 s10, $0x1;
	s10 =	sld [smem:$0x3FB3]  }
0x3d: {  	_ =	shalt  }
0x3e: {  	_ =	shalt  }
0x3f: {  	_ =	shalt  }
0x40: {  	_ =	shalt  }
0x41: {  	_ =	shalt  }
0x42: {  	_ =	shalt  }
0x43: {  	_ =	shalt  }
0x44: {  	_ =	shalt  }
0x45: {  	_ =	shalt  }
0x46: {  	_ =	shalt  }
0x47: {  	_ =	shalt  }
0x48: {  	_ =	shalt  }
0x49: {  	_ =	shalt  }
0x4a: {  	_ =	shalt  }
0x4b: {  	_ =	shalt  }
0x4c: {  	_ =	shalt  }
0x4d: {  	_ =	shalt  }
0x4e: {  	_ =	shalt  }
0x4f: {  	_ =	shalt  }
0x50: {  	_ =	shalt  }
0x51: {  	_ =	shalt  }
0x52: {  	_ =	shalt  }
0x53: {  	_ =	shalt  }
0x54: {  	_ =	shalt  }
0x55: {  	_ =	shalt  }
0x56: {  	_ =	shalt  }
0x57: {  	_ =	shalt  }
0x58: {  	_ =	shalt  }
0x59: {  	_ =	shalt  }
0x5a: {  	_ =	shalt  }
0x5b: {  	_ =	shalt  }
0x5c: {  	_ =	shalt  }
0x5d: {  	_ =	shalt  }
0x5e: {  	_ =	shalt  }
0x5f: {  	_ =	shalt  }
0x60: {  	_ =	shalt  }
0x61: {  	_ =	shalt  }
0x62: {  	_ =	shalt  }
0x63: {  	_ =	shalt  }
0x64: {  	_ =	shalt  }
0x65: {  	_ =	shalt  }
0x66: {  	_ =	shalt  }
0x67: {  	_ =	shalt  }
0x68: {  	_ =	shalt  }
0x69: {  	_ =	shalt  }
0x6a: {  	_ =	shalt  }
0x6b: {  	_ =	shalt  }
0x6c: {  	_ =	shalt  }
0x6d: {  	_ =	shalt  }
0x6e: {  	_ =	shalt  }
0x6f: {  	_ =	shalt  }
0x70: {  	_ =	shalt  }
0x71: {  	_ =	shalt  }
0x72: {  	_ =	shalt  }
0x73: {  	_ =	shalt  }
0x74: {  	_ =	shalt  }
0x75: {  	_ =	shalt  }
0x76: {  	_ =	shalt  }
0x77: {  	_ =	shalt  }
0x78: {  	_ =	shalt  }
0x79: {  	_ =	shalt  }
0x7a: {  	_ =	shalt  }
0x7b: {  	_ =	shalt  }
0x7c: {  	_ =	shalt  }
0x7d: {  	_ =	shalt  }
0x7e: {  	_ =	shalt  }
0x7f: {  	_ =	shalt  }
0x80: {  	_ =	shalt  }
0x81: {  	_ =	shalt  }
0x82: {  	_ =	shalt  }
0x83: {  	_ =	shalt  }
0x84: {  	_ =	shalt  }
0x85: {  	_ =	shalt  }
0x86: {  	_ =	shalt  }
0x87: {  	_ =	shalt  }
.Lfunc_end0:
.L_simem_size_0:
called_computation_lowered:
.L_overlay_start_0:
0x88: {  	s2 =	sld [smem:$0x3FD9]  }
0x89: {  	s3 =	sld [smem:$0x3FFE];
	_ =	sdelay $0x1  }
0x8a: {  	s1 =	srdreg.scid  }
0x8b: {  	s0 =	sand.u32 $0x1, s1  }
0x8c: {  	s17 =	sshll.u32 s0, $0xA;
	s2 =	sadd.s32 s3, s2  }
0x8d: {  	s2 =	sadd.s32 s2, s17  }
0x8e: {  	[smem:$0x3FBF] =	sst s2  }
0x8f: {  	_ = 	snop  }
0x90: {  	s2 =	sld [smem:$0x3FD0];
	(tm) =	ssettm $0x1  }
0x91: {  	s18 =	sld [smem:$0x3FFB];
	_ =	sdelay $0x3  }
0x92: {  	_ =	strace s18  }
0x93: {  	s3 =	sld [smem:$0x3FFC];
	_ =	sdelay $0x3  }
0x94: {  	_ =	strace s3  }
0x95: {  	s3 =	sld [smem:$0x3FFD];
	_ =	sdelay $0x3  }
0x96: {  	_ =	strace s3  }
0x97: {  	_ =	strace $0x8FFFFFFF  }
0x98: {  	s19 =	sld [smem:$0x3FDB];
	_ =	sdelay $0x1  }
0x99: {  	s4 =	simm.s32 $_scs_section_size  }
0x9a: {  	s5 =	simm.s32 $_size__tile_overlayer_lowered;
	s6 =	simm.s32 $_tile_overlayer_lowered  }
0x9b: {  	s22 =	simm.s32 $0x1BFF;
	s21 =	sshll.u32 s6, $0x1;
	s3 =	sadd.s32 s4, s19  }
0x9c: {  	s7 =	simm.s32 $0x0;
	s20 =	sshll.u32 s5, $0x1;
	s5 =	sadd.s32 s21, s3  }
0x9d: {  	[timem:s7], [sflag:s22] =	dma.local [hbm:s5], s20  }
0x9e: {  	_ =	swait.ge [sflag:s22], s20  }
0x9f: {  	s4 =	ssub.s32 $0x0, s20;
	[sflag:s22] =	ssyncset.done $0x0  }
0xa0: {  	[sflag:s22] =	ssyncadd.s32 s4;
	_ =	sdelay $0x1  }
0xa1: {  	s23 =	simm.s32 $0x1B8B  }
0xa2: {  	_ =	swait.ge [sflag:s23], $0x1  }
0xa3: {  	[sflag:s23] =	ssyncset.done $0x0  }
0xa4: {  	s25 =	simm.s32 $0x1B8E;
	s24 =	sld [smem:$0x3FFE];
	[sflag:s23] =	ssyncadd.s32 $0xFFFFFFFF  }
0xa5: {  	s26 =	simm.s32 $execute0_lowered;
	[smem:$0x3FD2] =	sst s25  }
0xa6: {  	s5 =	sshll.u32 s26, $0x1;
	_ =	strace $0x80000046;
	[dreg:$0x1] =	wrdreg $0xFFFFFFFF  }
0xa7: {  	s28 =	simm.s32 $_size_execute0_lowered;
	s3 =	sadd.s32 s3, s5;
	[dreg:$0x0] =	wrdreg $0x0  }
0xa8: {  	s5 =	sshll.u32 s28, $0x1;
	[dreg:$0x2] =	wrdreg s3  }
0xa9: {  	[dreg:$0x3] =	wrdreg s5  }
0xaa: {  	[dreg:$0x4] =	wrdreg $0xC0  }
0xab: {  	_ =	task [dreg:s7], $0x5FFFF  }
0xac: {  	[dreg:$0x1] =	wrdreg $0xFFFFFFFF  }
0xad: {  	[dreg:$0x0] =	wrdreg $0x60  }
0xae: {  	[dreg:$0x2] =	wrdreg s24  }
0xaf: {  	[dreg:$0x3] =	wrdreg s2  }
0xb0: {  	[dreg:$0x4] =	wrdreg $0xC4800  }
0xb1: {  	[dreg:$0x5] =	wrdreg $0x9  }
0xb2: {  	_ =	task.clear_ibuf [dreg:s7], $0x6FFFF;
	_ =	strace $0x90000046  }
0xb3: {  	s29 =	simm.s32 $0x9;
	_ =	strace $0x80000048  }
0xb4: {  	_ =	swait.ge [sflag:s29], $0x1  }
0xb5: {  	[sflag:s29] =	ssyncadd.s32 $0xFFFFFFFF  }
0xb6: {  	_ =	strace $0x90000048  }
0xb7: {  	_ =	sfence  }
0xb8: {  	s30 =	sld [smem:$0x0];
	_ =	sdelay $0x2  }
0xb9: {  	s31 =	sshll.u32 s1, $0xD;
	s1 =	sshrl.u32 s1, $0x2  }
0xba: {  	s3 =	sand.u32 $0x4000, s31;
	s1 =	sadd.s32 s1, s30  }
0xbb: {  	s0 =	sor.u32 s3, s0;
	s1 =	sshll.u32 s1, $0x11  }
0xbc: {  	s0 =	sor.u32 s1, s0  }
0xbd: {  	s0 =	sadd.s32 $0x8F2B, s0  }
0xbe: {  	[sflag:s0] =	ssyncadd.remote.s32 $0x1  }
0xbf: {  	_ =	sfence.sel $0xFFFF  }
0xc0: {  	[dreg:$0x0] =	wrdreg $0xFFFFFFFF;
	(pc) =	sbr.abs _section_cstart, $3  }
0xc1: {  	[dreg:$0x1] =	wrdreg $0xFFFFFFFF  }
0xc2: {  	_ =	task.clear_ibuf [dreg:s7], $0x2FFFF;
	_ =	strace $0x9FFFFFFF  }
0xc3: {  	(tm) =	ssettm $0x7FFFFFFF  }
tec
execute0_lowered:
.L_overlay_start_1:
0x0: {  	(tag) =	ssettag $0x1  }
0x1: {  	s6 =	rddreg [dreg:$0x0]  }
0x2: {  	s2 =	rddreg [dreg:$0x1]  }
0x3: {  	s0 =	srdreg.scid;
	s3 =	rddreg [dreg:$0x2]  }
0x4: {  	s1 =	rddreg [dreg:$0x3];
	s5 =	sand.u32 $0x1, s0  }
0x5: {  	s0 =	stileid.u32;
	s7 =	smul.u32 $0xC4000, s5  }
0x6: {  	s4 =	simm.s32 $0x0;
	s12 =	simm.s32 $0xC400;
	s8 =	smul.u32 $0xC400, s0  }
0x7: {  	s13 =	simm.s32 $0x80;
	[smem:$0x7FF] =	sst s4;
	s9 =	smul.u32 $0x628, s0  }
0x8: {  	s14 =	simm.s32 $0x0;
	s10 =	smul.u32 $0x6280, s5;
	_ =	strace $0x80000047  }
0x9: {  	s29 =	ssub.s32 $0x2, s5;
	s5 =	sadd.s32 $0x4B200, s6;
	s31 =	sshll.u32 s0, $0x6  }
0xa: {  	s30 =	sshrl.u32 s29, $0x1;
	s7 =	sadd.s32 s8, s7;
	s28 =	sadd.s32 s9, s10  }
0xb: {  	s10 =	ssub.s32 s29, s30;
	s11 =	sadd.s32 s9, s3;
	s7 =	sshrl.u32 s7, $0x3  }
0xc: {  	s8 =	sshrl.u32 s28, $0x3;
	s9 =	smax.u32 s10, $0x1;
	s10 =	sshrl.u32 s11, $0x3  }
0xd: {  	s11 =	simm.s32 $0x1;
	s7 =	sadd.s32 s7, s6;
	s8 =	sadd.s32 s8, s6  }
0xe: {  	s6 =	sor.u32 $0x1C01, s31;
	s7 =	sadd.s32 $0x1A200, s7;
	s8 =	sadd.s32 $0x4B400, s8  }
.LBB2_1:
0xf: {  	[spmem:s10], [sflag:s6] =	dma.local [hbm:s2], $0xC5  }
0x10: {  	_ =	swait.ge [sflag:s11], $0xC5  }
0x11: {  	[sflag:s11] =	ssyncset.done $0x0  }
0x12: {  	[sflag:s11] =	ssyncadd.s32 $0xFFFFFF3B  }
0x13: {  	[tilespmem:s12], [sflag:$0x1] =	stream.linear.gather [hbm4b:s5+s4], $0x80, $0x38;
	[tilespmem:$0xCAA8] =	vst v63  }
0x14: {  	_ =	swait.ge [sflag:s11], $0x80  }
0x15: {  	[sflag:s11] =	ssyncset.done $0x0  }
0x16: {  	[sflag:s11] =	ssyncadd.s32 $0xFFFFFF80  }
0x17: {  	[tilespmem:s4], [sflag:$0x1] =	stream.linear.gather [hbm4b:s7+s4], $0xC400, $0x38;
	[tilespmem:$0xCAA8] =	vst v63  }
0x18: {  	_ =	swait.ge [sflag:s11], $0xC400  }
0x19: {  	[sflag:s11] =	ssyncset.done $0x0  }
0x1a: {  	[sflag:s11] =	ssyncadd.s32 $0xFFFF3C00  }
0x1b: {  	s15 =	simm.s32 $0x0;
	[bflag:$0x0] =	sbarrier.arrive $0xFFFF  }
0x1c: {  	[spmem:s3] =	stream.indirect.scatter.add.f32 [tilespmem:s12], [sflag:$0x1], $0x1, s15, s13, $0xb8;
	[tilespmem:$0xCAA8] =	vst v63  }
0x1d: {  	_ =	swait.ge [sflag:s11], $0x80  }
0x1e: {  	s15 =	simm.s32 $0x200;
	[sflag:s11] =	ssyncset.done $0x0  }
.LBB2_2:
0x1f: {  	s16 =	sshra.s32 s15, $0x2;
	[sflag:s11] =	ssyncadd.s32 $0xFFFFFF80;
	p0 =	sne.s32 s15, $0x30E00  }
0x20: {  	[spmem:s3] =	stream.indirect.scatter.add.f32 [tilespmem:s12], [sflag:$0x1], $0x1, s16, s13, $0xb8;
	[tilespmem:$0xCAA8] =	vst v63  }
.Ltmp0:
0x21: {  	_ = 	snop;
	(pc) =	sbr.rel @p0 .LBB2_2-.Ltmp0, $4  }
0x22: {  	_ = 	snop  }
0x23: {  	s15 =	sadd.s32 $0x200, s15  }
0x24: {  	_ =	swait.ge [sflag:s11], $0x80  }
0x25: {  	[sflag:s11] =	ssyncset.done $0x0  }
0x26: {  	s14 =	sadd.s32 $0x1, s14  }
0x27: {  	[sflag:s11] =	ssyncadd.s32 $0xFFFFFF80;
	p0 =	sne.s32 s14, s9  }
.Ltmp1:
0x28: {  	[bflag:$0x0] =	sbarrier.arrive $0xFFFF;
	(pc) =	sbr.rel @p0 .LBB2_1-.Ltmp1, $4  }
0x29: {  	[hbm:s8], [sflag:s6] =	dma.local [spmem:s10], $0xC5  }
0x2a: {  	_ =	swait.ge [sflag:s11], $0xC5  }
0x2b: {  	[sflag:s11] =	ssyncset.done $0x0  }
0x2c: {  	[sflag:s11] =	ssyncadd.s32 $0xFFFFFF3B  }
0x2d: {  	_ =	sfence.sel $0x180000  }
0x2e: {  	[bflag:$0x0] =	sbarrier.arrive $0xFFFF  }
0x2f: {  	p0 =	sne.s32 s0, $0x0;
	_ =	strace $0x90000047  }
0x30: {  	s0 =	sadd.s32 @!p0 $0x100000, s1;
	[bflag:$0x2] =	sbarrier.arrive $0xFFFF  }
0x31: {  	[sflag:s0] =	ssyncadd.tile.s32 @!p0 $0x1;
	_ =	shalt  }
.Lfunc_end2:
_tile_overlayer_lowered:
.L_overlay_start_2:
0x32: {  	(tag) =	ssettag $0x2  }
0x33: {  	s0 =	rddreg [dreg:$0x0];
	s2 =	stileid.u32  }
0x34: {  	s1 =	rddreg [dreg:$0x1];
	p0 =	sne.s32 s2, $0x0  }
0x35: {  	s3 =	rddreg [dreg:$0x2];
	[bflag:$0x3] =	sbarrier.arrive $0xFFFF;
	s2 =	simm.s32 @!p0 $0x1C01  }
0x36: {  	[timem:s3], [sflag:s2] =	dma.local @!p0 [hbm:s0], s1  }
0x37: {  	s0 =	simm.s32 @!p0 $0x1  }
0x38: {  	_ =	swait.ge @!p0 [sflag:s0], s1  }
0x39: {  	s1 =	ssub.s32 @!p0 $0x0, s1;
	[sflag:s0] =	ssyncset.done @!p0 $0x0  }
0x3a: {  	[sflag:s0] =	ssyncadd.s32 @!p0 s1  }
0x3b: {  	[bflag:$0x3] =	sbarrier.arrive $0xFFFF  }
0x3c: {  	_ =	shalt  }

</sc_bundles>
